<compile_context>
chip_gen: v7x
topology: tpu7x:2x2x1
jax: 0.10.2.dev20260603
libtpu: 0.0.44.dev20260713+nightly
codegen_flags: <defaults>
</compile_context>

<pallas_src>
import functools

import jax
import jax.numpy as jnp
from jax import lax
from jax.experimental import pallas as pl
from jax.experimental.pallas import tpu as pltpu
from jax.experimental.pallas import tpu_sc as plsc

_N = 10000
_D = 128
_HID = 128
_NB = 16
_K = 32
_R = 1.0
_NL = 2

_RB = 256
_CC = 1024
_N_PAD = 10240
_NBLK = _N_PAD // _RB
_RBE = 256
_NBLKE = _N_PAD // _RBE

_pallas_call = pl.pallas_call


def _silu(v):
    return v * jax.nn.sigmoid(v)



_LOWBITS = _CC - 1
_MAXKEY = 2 ** 31 - 1


def _rg_body(scal_ref, xr_ref, cols_ref, nbr_ref, d2_ref, msk_ref, buf):
    b = pl.program_id(0)
    lo = scal_ref[b, 0]
    nch = scal_ref[b, 1]
    rx = xr_ref[:, 0:1]
    ry = xr_ref[:, 1:2]
    rz = xr_ref[:, 2:3]
    rbv = xr_ref[:, 3:4]
    ridx = b * _RB + lax.broadcasted_iota(jnp.int32, (_RB, 1), 0)
    r2 = jnp.float32(_R * _R)

    maxf = jnp.float32(3.4028235e38)

    def fill(i, carry):
        c = pl.multiple_of(lo + i * _CC, _CC)
        cx = cols_ref[0:1, pl.ds(c, _CC)]
        cy = cols_ref[1:2, pl.ds(c, _CC)]
        cz = cols_ref[2:3, pl.ds(c, _CC)]
        cb = cols_ref[3:4, pl.ds(c, _CC)]
        cidx = c + lax.broadcasted_iota(jnp.int32, (1, _CC), 1)
        d2 = (rx - cx) ** 2 + (ry - cy) ** 2 + (rz - cz) ** 2
        valid = (cb == rbv) & (cidx != ridx) & (d2 <= r2)
        rel = lax.broadcasted_iota(jnp.int32, (_RB, _CC), 1)
        key = lax.bitcast_convert_type(
            (lax.bitcast_convert_type(d2, jnp.int32)
             & jnp.int32(~_LOWBITS)) | rel, jnp.float32)
        buf[:, pl.ds(pl.multiple_of(i * _CC, _CC), _CC)] = jnp.where(
            valid, key, maxf)
        return carry

    lax.fori_loop(0, nch, fill, 0)

    pk = jnp.full((_RB, 1), -1.0, jnp.float32)
    for k in range(_K):
        def step(i, carry, pk=pk):
            mv, mc = carry
            vals = buf[:, pl.ds(pl.multiple_of(i * _CC, _CC), _CC)]
            cm = jnp.min(jnp.where(vals > pk, vals, maxf), axis=1,
                         keepdims=True)
            upd = cm < mv
            return jnp.minimum(cm, mv), jnp.where(upd, i, mc)

        bound = jnp.where(jnp.all(pk == maxf), 0, nch)
        mv, mc = lax.fori_loop(
            0, bound, step,
            (jnp.full((_RB, 1), maxf, jnp.float32),
             jnp.zeros((_RB, 1), jnp.int32)))
        okk = mv < maxf
        mvb = lax.bitcast_convert_type(mv, jnp.int32)
        col = lo + mc * _CC + (mvb & jnp.int32(_LOWBITS))
        d2v = lax.bitcast_convert_type(mvb & jnp.int32(~_LOWBITS),
                                       jnp.float32)
        nbr_ref[:, k:k + 1] = jnp.where(okk, col, ridx)
        d2_ref[:, k:k + 1] = jnp.where(okk, d2v, 0.0)
        msk_ref[:, k:k + 1] = okk.astype(jnp.float32)
        pk = mv


def _radius_graph_pallas(xrows, cols, scal):
    return _pallas_call(
        _rg_body,
        grid=(_NBLK,),
        in_specs=[
            pl.BlockSpec(memory_space=pltpu.SMEM),
            pl.BlockSpec((_RB, 4), lambda b: (b, 0)),
            pl.BlockSpec((8, _N_PAD), lambda b: (0, 0)),
        ],
        out_specs=[
            pl.BlockSpec((_RB, _K), lambda b: (b, 0)),
            pl.BlockSpec((_RB, _K), lambda b: (b, 0)),
            pl.BlockSpec((_RB, _K), lambda b: (b, 0)),
        ],
        out_shape=[
            jax.ShapeDtypeStruct((_N_PAD, _K), jnp.int32),
            jax.ShapeDtypeStruct((_N_PAD, _K), jnp.float32),
            jax.ShapeDtypeStruct((_N_PAD, _K), jnp.float32),
        ],
        scratch_shapes=[pltpu.VMEM((_RB, _N_PAD), jnp.float32)],
    )(scal, xrows, cols)



def _lin_body(h_ref, w_ref, b_ref, o_ref):
    o_ref[...] = (
        jnp.dot(h_ref[...], w_ref[...], preferred_element_type=jnp.float32)
        + b_ref[...])


def _linear(h, w, b):
    n = h.shape[0]
    blk = 512
    return _pallas_call(
        _lin_body,
        grid=(n // blk,),
        in_specs=[
            pl.BlockSpec((blk, h.shape[1]), lambda i: (i, 0)),
            pl.BlockSpec((w.shape[0], w.shape[1]), lambda i: (0, 0)),
            pl.BlockSpec((1, w.shape[1]), lambda i: (0, 0)),
        ],
        out_specs=pl.BlockSpec((blk, w.shape[1]), lambda i: (i, 0)),
        out_shape=jax.ShapeDtypeStruct((n, w.shape[1]), jnp.float32),
    )(h, w, b.reshape(1, -1))


def _ab_body(h_ref, wa_ref, wb_ref, b_ref, a_ref, bb_ref):
    hv = h_ref[...]
    a_ref[...] = jnp.dot(hv, wa_ref[...], preferred_element_type=jnp.float32)
    bb_ref[...] = (
        jnp.dot(hv, wb_ref[...], preferred_element_type=jnp.float32)
        + b_ref[...])


def _ab_project(h, wa, wb, b):
    n = h.shape[0]
    blk = 512
    return _pallas_call(
        _ab_body,
        grid=(n // blk,),
        in_specs=[
            pl.BlockSpec((blk, _HID), lambda i: (i, 0)),
            pl.BlockSpec((_HID, _HID), lambda i: (0, 0)),
            pl.BlockSpec((_HID, _HID), lambda i: (0, 0)),
            pl.BlockSpec((1, _HID), lambda i: (0, 0)),
        ],
        out_specs=[
            pl.BlockSpec((blk, _HID), lambda i: (i, 0)),
            pl.BlockSpec((blk, _HID), lambda i: (i, 0)),
        ],
        out_shape=[
            jax.ShapeDtypeStruct((n, _HID), jnp.float32),
            jax.ShapeDtypeStruct((n, _HID), jnp.float32),
        ],
    )(h, wa, wb, b.reshape(1, -1))



def _sc_gather(table, idx):
    e_tot = idx.shape[0]
    wtab = table.shape[1]
    info = plsc.get_sparse_core_info()
    nc, ns = info.num_cores, info.num_subcores
    nw = nc * ns
    per_w = e_tot // nw
    cg = 128
    nchunk = per_w // cg
    nbuf = 4
    ngrp = nchunk // nbuf
    assert nchunk % nbuf == 0
    idx2d = idx.reshape(e_tot // cg, cg)
    mesh = plsc.VectorSubcoreMesh(core_axis_name="c", subcore_axis_name="s")

    n_tab = table.shape[0]
    rows_per_sub = n_tab // ns

    @functools.partial(
        pl.kernel,
        out_type=jax.ShapeDtypeStruct((e_tot, wtab), table.dtype),
        mesh=mesh,
        scratch_types=[
            pltpu.VMEM((nchunk, cg), jnp.int32),
            pltpu.VMEM((nbuf, cg, wtab), table.dtype),
            pltpu.SemaphoreType.DMA,
        ],
    )
    def gk(idx_hbm, tab_hbm, out_hbm, idx_v, rows_v, gsem):
        sid = lax.axis_index("s")
        wid = sid * nc + lax.axis_index("c")
        c0 = wid * nchunk
        pltpu.sync_copy(idx_hbm.at[pl.ds(c0, nchunk)], idx_v)

        def grp(g, carry):
            bc = g * nbuf
            handles = []
            for b in range(nbuf):
                handles.append(pltpu.async_copy(
                    tab_hbm.at[idx_v.at[bc + b]], rows_v.at[b], gsem))
            for b in range(nbuf):
                handles[b].wait()
                off = (c0 + bc + b) * cg
                pltpu.sync_copy(rows_v.at[b], out_hbm.at[pl.ds(off, cg)])
            return carry

        lax.fori_loop(0, ngrp, grp, 0)

    return gk(idx2d, table)



def _edge_body(g_ref, h_ref, bb_ref, d2_ref, mk_ref, wd2_ref, ew2_ref,
               eb2_ref, nw1h_ref, nw1a_ref, nb1_ref, nw2_ref, nb2_ref,
               out_ref):
    bv = bb_ref[...]
    wd2 = wd2_ref[...].reshape(1, 1, _HID)
    pre = g_ref[...] + bv[None] + d2_ref[...][:, :, None] * wd2
    m1 = _silu(pre).reshape(_K * _RBE, _HID)
    m2 = _silu(
        jnp.dot(m1, ew2_ref[...], preferred_element_type=jnp.float32)
        + eb2_ref[...])
    m2 = m2.reshape(_K, _RBE, _HID) * mk_ref[...][:, :, None]
    acc = jnp.sum(m2, axis=0)
    hv = h_ref[...]
    u = _silu(
        jnp.dot(hv, nw1h_ref[...], preferred_element_type=jnp.float32)
        + jnp.dot(acc, nw1a_ref[...], preferred_element_type=jnp.float32)
        + nb1_ref[...])
    u = (jnp.dot(u, nw2_ref[...], preferred_element_type=jnp.float32)
         + nb2_ref[...])
    out_ref[...] = hv + u


def _edge_layer(g, h, bb, d2e, mskf, wd2, ew2, eb2, nw1h, nw1a, nb1, nw2,
                nb2):
    full = lambda a: pl.BlockSpec(a.shape, lambda i: tuple(0 for _ in a.shape))
    return _pallas_call(
        _edge_body,
        grid=(_NBLKE,),
        in_specs=[
            pl.BlockSpec((_K, _RBE, _HID), lambda i: (0, i, 0)),
            pl.BlockSpec((_RBE, _HID), lambda i: (i, 0)),
            pl.BlockSpec((_RBE, _HID), lambda i: (i, 0)),
            pl.BlockSpec((_K, _RBE), lambda i: (0, i)),
            pl.BlockSpec((_K, _RBE), lambda i: (0, i)),
            full(wd2), full(ew2), full(eb2), full(nw1h), full(nw1a),
            full(nb1), full(nw2), full(nb2),
        ],
        out_specs=pl.BlockSpec((_RBE, _HID), lambda i: (i, 0)),
        out_shape=jax.ShapeDtypeStruct((_N_PAD, _HID), jnp.float32),
    )(g, h, bb, d2e, mskf, wd2, ew2, eb2, nw1h, nw1a, nb1, nw2, nb2)



def _head_body(h_ref, bt_ref, wo_ref, bo_ref, we1_ref, be1_ref, we2_ref,
               be2_ref, out_ref):
    i = pl.program_id(0)

    @pl.when(i == 0)
    def _():
        out_ref[...] = jnp.zeros_like(out_ref)

    hv = h_ref[...]
    h2 = (jnp.dot(hv, wo_ref[...], preferred_element_type=jnp.float32)
          + bo_ref[...])
    e1 = _silu(
        jnp.dot(h2, we1_ref[...], preferred_element_type=jnp.float32)
        + be1_ref[...])
    ev = (jnp.dot(e1, we2_ref[...], preferred_element_type=jnp.float32)
          + be2_ref[...])
    g = lax.broadcasted_iota(jnp.int32, (1, _NB), 1)
    onehot = (bt_ref[...] == g).astype(jnp.float32)
    out_ref[...] += jnp.sum(onehot * ev, axis=0, keepdims=True)


def _head(h, bt, wo, bo, we1, be1, we2, be2):
    full = lambda a: pl.BlockSpec(a.shape, lambda i: tuple(0 for _ in a.shape))
    return _pallas_call(
        _head_body,
        grid=(_NBLKE,),
        in_specs=[
            pl.BlockSpec((_RBE, _HID), lambda i: (i, 0)),
            pl.BlockSpec((_RBE, 1), lambda i: (i, 0)),
            full(wo), full(bo), full(we1), full(be1), full(we2), full(be2),
        ],
        out_specs=pl.BlockSpec((1, _NB), lambda i: (0, 0)),
        out_shape=jax.ShapeDtypeStruct((1, _NB), jnp.float32),
    )(h, bt, wo, bo, we1, be1, we2, be2)



def kernel(h, x, params, batch):
    n, d = h.shape
    batchf = batch.astype(jnp.float32)

    xrows = jnp.full((_N_PAD, 4), -1.0, jnp.float32)
    xrows = xrows.at[:n, :3].set(x).at[:n, 3].set(batchf)
    cols = jnp.full((8, _N_PAD), -1.0, jnp.float32)
    cols = cols.at[:3, :n].set(x.T).at[3, :n].set(batchf)

    r0 = jnp.arange(_NBLK) * _RB
    r1 = jnp.minimum(r0 + _RB - 1, n - 1)
    lo = jnp.searchsorted(batch, batch[jnp.minimum(r0, n - 1)], side="left")
    hi = jnp.searchsorted(batch, batch[r1], side="right")
    lo_c = lo // _CC
    nch = (hi + _CC - 1) // _CC - lo_c
    scal = jnp.stack([lo_c * _CC, nch], axis=1).astype(jnp.int32)

    nbr, d2e, mskf = _radius_graph_pallas(xrows, cols, scal)
    idx_flat = nbr.T.reshape(-1)
    d2e = d2e.T
    mskf = mskf.T

    h_pad = jnp.zeros((_N_PAD, d), jnp.float32).at[:n].set(h)
    bt_pad = jnp.full((_N_PAD, 1), -1, jnp.int32).at[:n, 0].set(batch)

    p = params
    hcur = _linear(h_pad, p["W_in"], p["b_in"])
    for l in range(_NL):
        wa = p["eW1"][l][:_HID]
        wb = p["eW1"][l][_HID:2 * _HID]
        wd2 = p["eW1"][l][2 * _HID:2 * _HID + 1]
        a_proj, bb_proj = _ab_project(hcur, wa, wb, p["eb1"][l])
        g_flat = _sc_gather(a_proj, idx_flat)
        g = g_flat.reshape(_K, _N_PAD, _HID)
        hcur = _edge_layer(
            g, hcur, bb_proj, d2e, mskf, wd2, p["eW2"][l],
            p["eb2"][l].reshape(1, -1),
            p["nW1"][l][:_HID], p["nW1"][l][_HID:],
            p["nb1"][l].reshape(1, -1), p["nW2"][l],
            p["nb2"][l].reshape(1, -1))

    out = _head(hcur, bt_pad, p["W_out"], p["b_out"].reshape(1, -1),
                p["W_e1"], p["b_e1"].reshape(1, -1),
                p["W_e2"], p["b_e2"].reshape(1, -1))
    return out.reshape(_NB)

# --- scband reference (transcript-rebuilt; emitter-appended) ---
"""Pipeline reference for scband-sake-modular-50818053046786 (READ-ONLY COPY).

The authoritative reference and input builder live on the scoring server;
editing this copy changes nothing except your own understanding.
"""

import jax, jax.numpy as jnp
import numpy as np

N = 10000
D = 128
HID = 128
NB = 16
K = 32
R = 1.0
NL = 2
CHUNK = 1000


def _lin(key, din, dout):
    k1, k2 = jax.random.split(key)
    s = 1.0 / np.sqrt(din)
    W = jax.random.uniform(k1, (din, dout), jnp.float32, -s, s)
    b = jax.random.uniform(k2, (dout,), jnp.float32, -s, s)
    return W, b


def setup_inputs(seed: int = 0):
    key = jax.random.key(seed)
    keys = jax.random.split(key, 16)
    h = jax.random.normal(keys[0], (N, D), dtype=jnp.float32)
    x = jax.random.uniform(keys[1], (N, 3), dtype=jnp.float32) * 5.0
    batch = jnp.sort(jax.random.randint(keys[2], (N,), 0, NB, dtype=jnp.int32))
    p = {}
    p['W_in'], p['b_in'] = _lin(keys[3], D, HID)
    eW1 = []; eb1 = []; eW2 = []; eb2 = []; nW1 = []; nb1 = []; nW2 = []; nb2 = []
    for l in range(NL):
        ks = keys[4 + 4 * l: 4 + 4 * l + 4]
        w, b = _lin(ks[0], 2 * HID + 1, HID); eW1.append(w); eb1.append(b)
        w, b = _lin(ks[1], HID, HID); eW2.append(w); eb2.append(b)
        w, b = _lin(ks[2], 2 * HID, HID); nW1.append(w); nb1.append(b)
        w, b = _lin(ks[3], HID, HID); nW2.append(w); nb2.append(b)
    p['eW1'] = jnp.stack(eW1); p['eb1'] = jnp.stack(eb1)
    p['eW2'] = jnp.stack(eW2); p['eb2'] = jnp.stack(eb2)
    p['nW1'] = jnp.stack(nW1); p['nb1'] = jnp.stack(nb1)
    p['nW2'] = jnp.stack(nW2); p['nb2'] = jnp.stack(nb2)
    p['W_out'], p['b_out'] = _lin(keys[12], HID, HID)
    p['W_e1'], p['b_e1'] = _lin(keys[13], HID, 64)
    p['W_e2'], p['b_e2'] = _lin(keys[14], 64, 1)
    return {'h': h, 'x': x, 'params': p, 'batch': batch}


def _radius_graph(x, batch):
    # torch_cluster.radius_graph equivalent: edges (j -> i) within cutoff R,
    # same-graph only, no self loops, capped at K nearest neighbors per node.
    idx_all = jnp.arange(N)
    srcs = []; dsts = []; msks = []
    for s0 in range(0, N, CHUNK):
        rows = s0 + jnp.arange(CHUNK)
        xi = x[s0:s0 + CHUNK]
        d2 = jnp.sum((xi[:, None, :] - x[None, :, :]) ** 2, axis=-1)
        valid = (batch[s0:s0 + CHUNK, None] == batch[None, :]) \
                & (idx_all[None, :] != rows[:, None]) \
                & (d2 <= R * R)
        score = jnp.where(valid, -d2, -jnp.inf)
        vals, nbr = jax.lax.top_k(score, K)
        srcs.append(nbr.reshape(-1))
        dsts.append(jnp.broadcast_to(rows[:, None], (CHUNK, K)).reshape(-1))
        msks.append((vals > -jnp.inf).reshape(-1))
    return jnp.concatenate(srcs), jnp.concatenate(dsts), jnp.concatenate(msks)


def _forward(h, x, params, batch):
    # radius_graph is non-differentiable in the torch original (torch_cluster)
    src, dst, mask = _radius_graph(jax.lax.stop_gradient(x), batch)
    h = h @ params['W_in'] + params['b_in']
    for l in range(NL):
        d2 = jnp.sum((x[dst] - x[src]) ** 2, axis=-1, keepdims=True)
        m = jnp.concatenate([h[src], h[dst], d2], axis=-1)
        m = jax.nn.silu(m @ params['eW1'][l] + params['eb1'][l])
        m = jax.nn.silu(m @ params['eW2'][l] + params['eb2'][l])
        m = m * mask[:, None].astype(m.dtype)
        agg = jax.ops.segment_sum(m, dst, num_segments=N)
        u = jnp.concatenate([h, agg], axis=-1)
        u = jax.nn.silu(u @ params['nW1'][l] + params['nb1'][l])
        u = u @ params['nW2'][l] + params['nb2'][l]
        h = h + u
    h = h @ params['W_out'] + params['b_out']
    e = jax.nn.silu(h @ params['W_e1'] + params['b_e1'])
    e = e @ params['W_e2'] + params['b_e2']
    out = jax.ops.segment_sum(e, batch, num_segments=NB)
    return out.squeeze()


def reference(h, x, params, batch):
    return _forward(h, x, params, batch)

if __name__ == "__main__":
    import jax
    _d = setup_inputs()
    print(jax.jit(kernel)(*tuple(_d.values())))

</pallas_src>

<mosaic_0001>
#map = affine_map<(d0, d1) -> (0, 0)>
module attributes {stable_mosaic.version = 14 : i64} {
  func.func @gk(%arg0: i32, %arg1: i32, %arg2: memref<2560x128xi32, #tpu.memory_space<hbm>>, %arg3: memref<10240x128xf32, #tpu.memory_space<hbm>>, %arg4: memref<327680x128xf32, #tpu.memory_space<hbm>>, %arg5: memref<80x128xi32, #tpu.memory_space<vmem>>, %arg6: memref<4x128x128xf32, #tpu.memory_space<vmem>>, %arg7: memref<!tpu.dma_semaphore, #tpu.memory_space<semaphore_mem>>) attributes {dimension_semantics = [#tpu.dimension_semantics<core_parallel>, #tpu.dimension_semantics<subcore_parallel>], iteration_bounds = array<i64: 2, 16>, scalar_prefetch = 0 : i64, scratch_operands = 3 : i64, tpu.core_type = #tpu.core_type<sc_vector_subcore>, window_params = [{transform_indices = #map}, {transform_indices = #map}, {transform_indices = #map}]} {
    %mul3A = arith.constant 2 : i32
    %mul3A_0 = arith.muli %arg1, %mul3A : i32
    %add3A = arith.addi %mul3A_0, %arg0 : i32
    %mul3A_1 = arith.constant 80 : i32
    %mul3A_2 = arith.muli %add3A, %mul3A_1 : i32
    "tpu.region"() ({
      %run_scoped3A = tpu.sem_alloc : memref<!tpu.dma_semaphore, #tpu.memory_space<semaphore_mem>>
      %dma_start3A = arith.constant 0 : i32
      %dma_start3A_8 = tpu.memref_slice %arg2[%mul3A_2, %dma_start3A] : memref<2560x128xi32, #tpu.memory_space<hbm>> -> memref<80x128xi32, #tpu.memory_space<hbm>>
      %dma_start3A_9 = arith.constant 0 : i32
      %dma_start3A_10 = tpu.memref_slice %arg2[%mul3A_2, %dma_start3A_9] : memref<2560x128xi32, #tpu.memory_space<hbm>> -> memref<80x128xi32, #tpu.memory_space<hbm>>
      tpu.enqueue_dma source(%dma_start3A_10 : memref<80x128xi32, #tpu.memory_space<hbm>>) target(%arg5 : memref<80x128xi32, #tpu.memory_space<vmem>>) target_semaphore(%run_scoped3A : memref<!tpu.dma_semaphore, #tpu.memory_space<semaphore_mem>>)
      %dma_wait3A = arith.constant 0 : i32
      %dma_wait3A_11 = tpu.memref_slice %arg2[%mul3A_2, %dma_wait3A] : memref<2560x128xi32, #tpu.memory_space<hbm>> -> memref<80x128xi32, #tpu.memory_space<hbm>>
      %dma_wait3A_12 = arith.constant 0 : i32
      %dma_wait3A_13 = tpu.memref_slice %arg2[%mul3A_2, %dma_wait3A_12] : memref<2560x128xi32, #tpu.memory_space<hbm>> -> memref<80x128xi32, #tpu.memory_space<hbm>>
      tpu.wait_dma2 semaphore(%run_scoped3A : memref<!tpu.dma_semaphore, #tpu.memory_space<semaphore_mem>>) src(%dma_wait3A_13 : memref<80x128xi32, #tpu.memory_space<hbm>>) dst(%arg5 : memref<80x128xi32, #tpu.memory_space<vmem>>)
      tpu.yield
    }) : () -> ()
    %scan3A = arith.constant 0 : i32
    %scan3A_3 = arith.constant 0 : i32
    %scan3A_4 = arith.constant 20 : i32
    %scan3A_5 = arith.addi %scan3A_3, %scan3A_4 : i32
    %scan3A_6 = arith.constant 1 : i32
    scf.for %scan3A_8 = %scan3A_3 to %scan3A_5 step %scan3A_6  : i32 {
      %mul3A_9 = arith.constant 4 : i32
      %mul3A_10 = arith.muli %scan3A_8, %mul3A_9 : i32
      %add3A_11 = arith.constant 0 : i32
      %add3A_12 = arith.addi %mul3A_10, %add3A_11 : i32
      %dma_start3A = arith.constant 0 : i32
      %dma_start3A_13 = arith.constant 0 : i32
      %dma_start3A_14 = arith.constant 0 : i32
      %dma_start3A_15 = tpu.memref_slice %arg6[%dma_start3A, %dma_start3A_13, %dma_start3A_14] : memref<4x128x128xf32, #tpu.memory_space<vmem>> -> memref<1x128x128xf32, #tpu.memory_space<vmem>>
      %dma_start3A_16 = tpu.memref_squeeze %dma_start3A_15 : memref<1x128x128xf32, #tpu.memory_space<vmem>> -> memref<128x128xf32, #tpu.memory_space<vmem>>
      %dma_start3A_17 = arith.constant 0 : i32
      %dma_start3A_18 = tpu.memref_slice %arg5[%add3A_12, %dma_start3A_17] : memref<80x128xi32, #tpu.memory_space<vmem>> -> memref<1x128xi32, #tpu.memory_space<vmem>>
      %dma_start3A_19 = tpu.memref_squeeze %dma_start3A_18 : memref<1x128xi32, #tpu.memory_space<vmem>> -> memref<128xi32, #tpu.memory_space<vmem>>
      %dma_start3A_20 = arith.constant 0 : i32
      %dma_start3A_21 = arith.constant 0 : i32
      %dma_start3A_22 = tpu.memref_slice %arg3[%dma_start3A_20, %dma_start3A_21] : memref<10240x128xf32, #tpu.memory_space<hbm>> -> memref<10240x128xf32, #tpu.memory_space<hbm>>
      tpu.enqueue_indirect_dma source(%dma_start3A_22 : memref<10240x128xf32, #tpu.memory_space<hbm>>) target(%dma_start3A_16 : memref<128x128xf32, #tpu.memory_space<vmem>>) offsets(%dma_start3A_19 : memref<128xi32, #tpu.memory_space<vmem>>) semaphore(%arg7 : memref<!tpu.dma_semaphore, #tpu.memory_space<semaphore_mem>>)
      %add3A_23 = arith.constant 1 : i32
      %add3A_24 = arith.addi %mul3A_10, %add3A_23 : i32
      %dma_start3A_25 = arith.constant 1 : i32
      %dma_start3A_26 = arith.constant 0 : i32
      %dma_start3A_27 = arith.constant 0 : i32
      %dma_start3A_28 = tpu.memref_slice %arg6[%dma_start3A_25, %dma_start3A_26, %dma_start3A_27] : memref<4x128x128xf32, #tpu.memory_space<vmem>> -> memref<1x128x128xf32, #tpu.memory_space<vmem>>
      %dma_start3A_29 = tpu.memref_squeeze %dma_start3A_28 : memref<1x128x128xf32, #tpu.memory_space<vmem>> -> memref<128x128xf32, #tpu.memory_space<vmem>>
      %dma_start3A_30 = arith.constant 0 : i32
      %dma_start3A_31 = tpu.memref_slice %arg5[%add3A_24, %dma_start3A_30] : memref<80x128xi32, #tpu.memory_space<vmem>> -> memref<1x128xi32, #tpu.memory_space<vmem>>
      %dma_start3A_32 = tpu.memref_squeeze %dma_start3A_31 : memref<1x128xi32, #tpu.memory_space<vmem>> -> memref<128xi32, #tpu.memory_space<vmem>>
      %dma_start3A_33 = arith.constant 0 : i32
      %dma_start3A_34 = arith.constant 0 : i32
      %dma_start3A_35 = tpu.memref_slice %arg3[%dma_start3A_33, %dma_start3A_34] : memref<10240x128xf32, #tpu.memory_space<hbm>> -> memref<10240x128xf32, #tpu.memory_space<hbm>>
      tpu.enqueue_indirect_dma source(%dma_start3A_35 : memref<10240x128xf32, #tpu.memory_space<hbm>>) target(%dma_start3A_29 : memref<128x128xf32, #tpu.memory_space<vmem>>) offsets(%dma_start3A_32 : memref<128xi32, #tpu.memory_space<vmem>>) semaphore(%arg7 : memref<!tpu.dma_semaphore, #tpu.memory_space<semaphore_mem>>)
      %add3A_36 = arith.constant 2 : i32
      %add3A_37 = arith.addi %mul3A_10, %add3A_36 : i32
      %dma_start3A_38 = arith.constant 2 : i32
      %dma_start3A_39 = arith.constant 0 : i32
      %dma_start3A_40 = arith.constant 0 : i32
      %dma_start3A_41 = tpu.memref_slice %arg6[%dma_start3A_38, %dma_start3A_39, %dma_start3A_40] : memref<4x128x128xf32, #tpu.memory_space<vmem>> -> memref<1x128x128xf32, #tpu.memory_space<vmem>>
      %dma_start3A_42 = tpu.memref_squeeze %dma_start3A_41 : memref<1x128x128xf32, #tpu.memory_space<vmem>> -> memref<128x128xf32, #tpu.memory_space<vmem>>
      %dma_start3A_43 = arith.constant 0 : i32
      %dma_start3A_44 = tpu.memref_slice %arg5[%add3A_37, %dma_start3A_43] : memref<80x128xi32, #tpu.memory_space<vmem>> -> memref<1x128xi32, #tpu.memory_space<vmem>>
      %dma_start3A_45 = tpu.memref_squeeze %dma_start3A_44 : memref<1x128xi32, #tpu.memory_space<vmem>> -> memref<128xi32, #tpu.memory_space<vmem>>
      %dma_start3A_46 = arith.constant 0 : i32
      %dma_start3A_47 = arith.constant 0 : i32
      %dma_start3A_48 = tpu.memref_slice %arg3[%dma_start3A_46, %dma_start3A_47] : memref<10240x128xf32, #tpu.memory_space<hbm>> -> memref<10240x128xf32, #tpu.memory_space<hbm>>
      tpu.enqueue_indirect_dma source(%dma_start3A_48 : memref<10240x128xf32, #tpu.memory_space<hbm>>) target(%dma_start3A_42 : memref<128x128xf32, #tpu.memory_space<vmem>>) offsets(%dma_start3A_45 : memref<128xi32, #tpu.memory_space<vmem>>) semaphore(%arg7 : memref<!tpu.dma_semaphore, #tpu.memory_space<semaphore_mem>>)
      %add3A_49 = arith.constant 3 : i32
      %add3A_50 = arith.addi %mul3A_10, %add3A_49 : i32
      %dma_start3A_51 = arith.constant 3 : i32
      %dma_start3A_52 = arith.constant 0 : i32
      %dma_start3A_53 = arith.constant 0 : i32
      %dma_start3A_54 = tpu.memref_slice %arg6[%dma_start3A_51, %dma_start3A_52, %dma_start3A_53] : memref<4x128x128xf32, #tpu.memory_space<vmem>> -> memref<1x128x128xf32, #tpu.memory_space<vmem>>
      %dma_start3A_55 = tpu.memref_squeeze %dma_start3A_54 : memref<1x128x128xf32, #tpu.memory_space<vmem>> -> memref<128x128xf32, #tpu.memory_space<vmem>>
      %dma_start3A_56 = arith.constant 0 : i32
      %dma_start3A_57 = tpu.memref_slice %arg5[%add3A_50, %dma_start3A_56] : memref<80x128xi32, #tpu.memory_space<vmem>> -> memref<1x128xi32, #tpu.memory_space<vmem>>
      %dma_start3A_58 = tpu.memref_squeeze %dma_start3A_57 : memref<1x128xi32, #tpu.memory_space<vmem>> -> memref<128xi32, #tpu.memory_space<vmem>>
      %dma_start3A_59 = arith.constant 0 : i32
      %dma_start3A_60 = arith.constant 0 : i32
      %dma_start3A_61 = tpu.memref_slice %arg3[%dma_start3A_59, %dma_start3A_60] : memref<10240x128xf32, #tpu.memory_space<hbm>> -> memref<10240x128xf32, #tpu.memory_space<hbm>>
      tpu.enqueue_indirect_dma source(%dma_start3A_61 : memref<10240x128xf32, #tpu.memory_space<hbm>>) target(%dma_start3A_55 : memref<128x128xf32, #tpu.memory_space<vmem>>) offsets(%dma_start3A_58 : memref<128xi32, #tpu.memory_space<vmem>>) semaphore(%arg7 : memref<!tpu.dma_semaphore, #tpu.memory_space<semaphore_mem>>)
      %dma_wait3A = arith.constant 0 : i32
      %dma_wait3A_62 = arith.constant 0 : i32
      %dma_wait3A_63 = arith.constant 0 : i32
      %dma_wait3A_64 = tpu.memref_slice %arg6[%dma_wait3A, %dma_wait3A_62, %dma_wait3A_63] : memref<4x128x128xf32, #tpu.memory_space<vmem>> -> memref<1x128x128xf32, #tpu.memory_space<vmem>>
      %dma_wait3A_65 = tpu.memref_squeeze %dma_wait3A_64 : memref<1x128x128xf32, #tpu.memory_space<vmem>> -> memref<128x128xf32, #tpu.memory_space<vmem>>
      %dma_wait3A_66 = arith.constant 0 : i32
      %dma_wait3A_67 = tpu.memref_slice %arg5[%add3A_12, %dma_wait3A_66] : memref<80x128xi32, #tpu.memory_space<vmem>> -> memref<1x128xi32, #tpu.memory_space<vmem>>
      %dma_wait3A_68 = tpu.memref_squeeze %dma_wait3A_67 : memref<1x128xi32, #tpu.memory_space<vmem>> -> memref<128xi32, #tpu.memory_space<vmem>>
      %dma_wait3A_69 = arith.constant 0 : i32
      %dma_wait3A_70 = arith.constant 0 : i32
      %dma_wait3A_71 = tpu.memref_slice %arg3[%dma_wait3A_69, %dma_wait3A_70] : memref<10240x128xf32, #tpu.memory_space<hbm>> -> memref<10240x128xf32, #tpu.memory_space<hbm>>
      tpu.wait_indirect_dma semaphore(%arg7 : memref<!tpu.dma_semaphore, #tpu.memory_space<semaphore_mem>>) src(%dma_wait3A_71 : memref<10240x128xf32, #tpu.memory_space<hbm>>) dst(%dma_wait3A_65 : memref<128x128xf32, #tpu.memory_space<vmem>>)
      %add3A_72 = arith.addi %mul3A_2, %mul3A_10 : i32
      %add3A_73 = arith.constant 0 : i32
      %add3A_74 = arith.addi %add3A_72, %add3A_73 : i32
      %mul3A_75 = arith.constant 128 : i32
      %mul3A_76 = arith.muli %add3A_74, %mul3A_75 : i32
      %run_scoped3A = arith.constant 0 : i32
      "tpu.region"() ({
        %run_scoped3A_128 = tpu.sem_alloc : memref<!tpu.dma_semaphore, #tpu.memory_space<semaphore_mem>>
        %dma_start3A_129 = arith.constant 0 : i32
        %dma_start3A_130 = arith.constant 0 : i32
        %dma_start3A_131 = tpu.memref_slice %arg6[%run_scoped3A, %dma_start3A_129, %dma_start3A_130] : memref<4x128x128xf32, #tpu.memory_space<vmem>> -> memref<1x128x128xf32, #tpu.memory_space<vmem>>
        %dma_start3A_132 = tpu.memref_squeeze %dma_start3A_131 : memref<1x128x128xf32, #tpu.memory_space<vmem>> -> memref<128x128xf32, #tpu.memory_space<vmem>>
        %dma_start3A_133 = arith.constant 0 : i32
        %dma_start3A_134 = tpu.memref_slice %arg4[%mul3A_76, %dma_start3A_133] : memref<327680x128xf32, #tpu.memory_space<hbm>> -> memref<128x128xf32, #tpu.memory_space<hbm>>
        %dma_start3A_135 = arith.constant 0 : i32
        %dma_start3A_136 = tpu.memref_slice %arg4[%mul3A_76, %dma_start3A_135] : memref<327680x128xf32, #tpu.memory_space<hbm>> -> memref<128x128xf32, #tpu.memory_space<hbm>>
        %dma_start3A_137 = arith.constant 0 : i32
        %dma_start3A_138 = arith.constant 0 : i32
        %dma_start3A_139 = tpu.memref_slice %arg6[%run_scoped3A, %dma_start3A_137, %dma_start3A_138] : memref<4x128x128xf32, #tpu.memory_space<vmem>> -> memref<1x128x128xf32, #tpu.memory_space<vmem>>
        %dma_start3A_140 = tpu.memref_squeeze %dma_start3A_139 : memref<1x128x128xf32, #tpu.memory_space<vmem>> -> memref<128x128xf32, #tpu.memory_space<vmem>>
        tpu.enqueue_dma source(%dma_start3A_140 : memref<128x128xf32, #tpu.memory_space<vmem>>) target(%dma_start3A_136 : memref<128x128xf32, #tpu.memory_space<hbm>>) target_semaphore(%run_scoped3A_128 : memref<!tpu.dma_semaphore, #tpu.memory_space<semaphore_mem>>)
        %dma_wait3A_141 = arith.constant 0 : i32
        %dma_wait3A_142 = arith.constant 0 : i32
        %dma_wait3A_143 = tpu.memref_slice %arg6[%run_scoped3A, %dma_wait3A_141, %dma_wait3A_142] : memref<4x128x128xf32, #tpu.memory_space<vmem>> -> memref<1x128x128xf32, #tpu.memory_space<vmem>>
        %dma_wait3A_144 = tpu.memref_squeeze %dma_wait3A_143 : memref<1x128x128xf32, #tpu.memory_space<vmem>> -> memref<128x128xf32, #tpu.memory_space<vmem>>
        %dma_wait3A_145 = arith.constant 0 : i32
        %dma_wait3A_146 = tpu.memref_slice %arg4[%mul3A_76, %dma_wait3A_145] : memref<327680x128xf32, #tpu.memory_space<hbm>> -> memref<128x128xf32, #tpu.memory_space<hbm>>
        %dma_wait3A_147 = arith.constant 0 : i32
        %dma_wait3A_148 = tpu.memref_slice %arg4[%mul3A_76, %dma_wait3A_147] : memref<327680x128xf32, #tpu.memory_space<hbm>> -> memref<128x128xf32, #tpu.memory_space<hbm>>
        %dma_wait3A_149 = arith.constant 0 : i32
        %dma_wait3A_150 = arith.constant 0 : i32
        %dma_wait3A_151 = tpu.memref_slice %arg6[%run_scoped3A, %dma_wait3A_149, %dma_wait3A_150] : memref<4x128x128xf32, #tpu.memory_space<vmem>> -> memref<1x128x128xf32, #tpu.memory_space<vmem>>
        %dma_wait3A_152 = tpu.memref_squeeze %dma_wait3A_151 : memref<1x128x128xf32, #tpu.memory_space<vmem>> -> memref<128x128xf32, #tpu.memory_space<vmem>>
        tpu.wait_dma2 semaphore(%run_scoped3A_128 : memref<!tpu.dma_semaphore, #tpu.memory_space<semaphore_mem>>) src(%dma_wait3A_152 : memref<128x128xf32, #tpu.memory_space<vmem>>) dst(%dma_wait3A_148 : memref<128x128xf32, #tpu.memory_space<hbm>>)
        tpu.yield
      }) : () -> ()
      %dma_wait3A_77 = arith.constant 1 : i32
      %dma_wait3A_78 = arith.constant 0 : i32
      %dma_wait3A_79 = arith.constant 0 : i32
      %dma_wait3A_80 = tpu.memref_slice %arg6[%dma_wait3A_77, %dma_wait3A_78, %dma_wait3A_79] : memref<4x128x128xf32, #tpu.memory_space<vmem>> -> memref<1x128x128xf32, #tpu.memory_space<vmem>>
      %dma_wait3A_81 = tpu.memref_squeeze %dma_wait3A_80 : memref<1x128x128xf32, #tpu.memory_space<vmem>> -> memref<128x128xf32, #tpu.memory_space<vmem>>
      %dma_wait3A_82 = arith.constant 0 : i32
      %dma_wait3A_83 = tpu.memref_slice %arg5[%add3A_24, %dma_wait3A_82] : memref<80x128xi32, #tpu.memory_space<vmem>> -> memref<1x128xi32, #tpu.memory_space<vmem>>
      %dma_wait3A_84 = tpu.memref_squeeze %dma_wait3A_83 : memref<1x128xi32, #tpu.memory_space<vmem>> -> memref<128xi32, #tpu.memory_space<vmem>>
      %dma_wait3A_85 = arith.constant 0 : i32
      %dma_wait3A_86 = arith.constant 0 : i32
      %dma_wait3A_87 = tpu.memref_slice %arg3[%dma_wait3A_85, %dma_wait3A_86] : memref<10240x128xf32, #tpu.memory_space<hbm>> -> memref<10240x128xf32, #tpu.memory_space<hbm>>
      tpu.wait_indirect_dma semaphore(%arg7 : memref<!tpu.dma_semaphore, #tpu.memory_space<semaphore_mem>>) src(%dma_wait3A_87 : memref<10240x128xf32, #tpu.memory_space<hbm>>) dst(%dma_wait3A_81 : memref<128x128xf32, #tpu.memory_space<vmem>>)
      %add3A_88 = arith.addi %mul3A_2, %mul3A_10 : i32
      %add3A_89 = arith.constant 1 : i32
      %add3A_90 = arith.addi %add3A_88, %add3A_89 : i32
      %mul3A_91 = arith.constant 128 : i32
      %mul3A_92 = arith.muli %add3A_90, %mul3A_91 : i32
      %run_scoped3A_93 = arith.constant 1 : i32
      "tpu.region"() ({
        %run_scoped3A_128 = tpu.sem_alloc : memref<!tpu.dma_semaphore, #tpu.memory_space<semaphore_mem>>
        %dma_start3A_129 = arith.constant 0 : i32
        %dma_start3A_130 = arith.constant 0 : i32
        %dma_start3A_131 = tpu.memref_slice %arg6[%run_scoped3A_93, %dma_start3A_129, %dma_start3A_130] : memref<4x128x128xf32, #tpu.memory_space<vmem>> -> memref<1x128x128xf32, #tpu.memory_space<vmem>>
        %dma_start3A_132 = tpu.memref_squeeze %dma_start3A_131 : memref<1x128x128xf32, #tpu.memory_space<vmem>> -> memref<128x128xf32, #tpu.memory_space<vmem>>
        %dma_start3A_133 = arith.constant 0 : i32
        %dma_start3A_134 = tpu.memref_slice %arg4[%mul3A_92, %dma_start3A_133] : memref<327680x128xf32, #tpu.memory_space<hbm>> -> memref<128x128xf32, #tpu.memory_space<hbm>>
        %dma_start3A_135 = arith.constant 0 : i32
        %dma_start3A_136 = tpu.memref_slice %arg4[%mul3A_92, %dma_start3A_135] : memref<327680x128xf32, #tpu.memory_space<hbm>> -> memref<128x128xf32, #tpu.memory_space<hbm>>
        %dma_start3A_137 = arith.constant 0 : i32
        %dma_start3A_138 = arith.constant 0 : i32
        %dma_start3A_139 = tpu.memref_slice %arg6[%run_scoped3A_93, %dma_start3A_137, %dma_start3A_138] : memref<4x128x128xf32, #tpu.memory_space<vmem>> -> memref<1x128x128xf32, #tpu.memory_space<vmem>>
        %dma_start3A_140 = tpu.memref_squeeze %dma_start3A_139 : memref<1x128x128xf32, #tpu.memory_space<vmem>> -> memref<128x128xf32, #tpu.memory_space<vmem>>
        tpu.enqueue_dma source(%dma_start3A_140 : memref<128x128xf32, #tpu.memory_space<vmem>>) target(%dma_start3A_136 : memref<128x128xf32, #tpu.memory_space<hbm>>) target_semaphore(%run_scoped3A_128 : memref<!tpu.dma_semaphore, #tpu.memory_space<semaphore_mem>>)
        %dma_wait3A_141 = arith.constant 0 : i32
        %dma_wait3A_142 = arith.constant 0 : i32
        %dma_wait3A_143 = tpu.memref_slice %arg6[%run_scoped3A_93, %dma_wait3A_141, %dma_wait3A_142] : memref<4x128x128xf32, #tpu.memory_space<vmem>> -> memref<1x128x128xf32, #tpu.memory_space<vmem>>
        %dma_wait3A_144 = tpu.memref_squeeze %dma_wait3A_143 : memref<1x128x128xf32, #tpu.memory_space<vmem>> -> memref<128x128xf32, #tpu.memory_space<vmem>>
        %dma_wait3A_145 = arith.constant 0 : i32
        %dma_wait3A_146 = tpu.memref_slice %arg4[%mul3A_92, %dma_wait3A_145] : memref<327680x128xf32, #tpu.memory_space<hbm>> -> memref<128x128xf32, #tpu.memory_space<hbm>>
        %dma_wait3A_147 = arith.constant 0 : i32
        %dma_wait3A_148 = tpu.memref_slice %arg4[%mul3A_92, %dma_wait3A_147] : memref<327680x128xf32, #tpu.memory_space<hbm>> -> memref<128x128xf32, #tpu.memory_space<hbm>>
        %dma_wait3A_149 = arith.constant 0 : i32
        %dma_wait3A_150 = arith.constant 0 : i32
        %dma_wait3A_151 = tpu.memref_slice %arg6[%run_scoped3A_93, %dma_wait3A_149, %dma_wait3A_150] : memref<4x128x128xf32, #tpu.memory_space<vmem>> -> memref<1x128x128xf32, #tpu.memory_space<vmem>>
        %dma_wait3A_152 = tpu.memref_squeeze %dma_wait3A_151 : memref<1x128x128xf32, #tpu.memory_space<vmem>> -> memref<128x128xf32, #tpu.memory_space<vmem>>
        tpu.wait_dma2 semaphore(%run_scoped3A_128 : memref<!tpu.dma_semaphore, #tpu.memory_space<semaphore_mem>>) src(%dma_wait3A_152 : memref<128x128xf32, #tpu.memory_space<vmem>>) dst(%dma_wait3A_148 : memref<128x128xf32, #tpu.memory_space<hbm>>)
        tpu.yield
      }) : () -> ()
      %dma_wait3A_94 = arith.constant 2 : i32
      %dma_wait3A_95 = arith.constant 0 : i32
      %dma_wait3A_96 = arith.constant 0 : i32
      %dma_wait3A_97 = tpu.memref_slice %arg6[%dma_wait3A_94, %dma_wait3A_95, %dma_wait3A_96] : memref<4x128x128xf32, #tpu.memory_space<vmem>> -> memref<1x128x128xf32, #tpu.memory_space<vmem>>
      %dma_wait3A_98 = tpu.memref_squeeze %dma_wait3A_97 : memref<1x128x128xf32, #tpu.memory_space<vmem>> -> memref<128x128xf32, #tpu.memory_space<vmem>>
      %dma_wait3A_99 = arith.constant 0 : i32
      %dma_wait3A_100 = tpu.memref_slice %arg5[%add3A_37, %dma_wait3A_99] : memref<80x128xi32, #tpu.memory_space<vmem>> -> memref<1x128xi32, #tpu.memory_space<vmem>>
      %dma_wait3A_101 = tpu.memref_squeeze %dma_wait3A_100 : memref<1x128xi32, #tpu.memory_space<vmem>> -> memref<128xi32, #tpu.memory_space<vmem>>
      %dma_wait3A_102 = arith.constant 0 : i32
      %dma_wait3A_103 = arith.constant 0 : i32
      %dma_wait3A_104 = tpu.memref_slice %arg3[%dma_wait3A_102, %dma_wait3A_103] : memref<10240x128xf32, #tpu.memory_space<hbm>> -> memref<10240x128xf32, #tpu.memory_space<hbm>>
      tpu.wait_indirect_dma semaphore(%arg7 : memref<!tpu.dma_semaphore, #tpu.memory_space<semaphore_mem>>) src(%dma_wait3A_104 : memref<10240x128xf32, #tpu.memory_space<hbm>>) dst(%dma_wait3A_98 : memref<128x128xf32, #tpu.memory_space<vmem>>)
      %add3A_105 = arith.addi %mul3A_2, %mul3A_10 : i32
      %add3A_106 = arith.constant 2 : i32
      %add3A_107 = arith.addi %add3A_105, %add3A_106 : i32
      %mul3A_108 = arith.constant 128 : i32
      %mul3A_109 = arith.muli %add3A_107, %mul3A_108 : i32
      %run_scoped3A_110 = arith.constant 2 : i32
      "tpu.region"() ({
        %run_scoped3A_128 = tpu.sem_alloc : memref<!tpu.dma_semaphore, #tpu.memory_space<semaphore_mem>>
        %dma_start3A_129 = arith.constant 0 : i32
        %dma_start3A_130 = arith.constant 0 : i32
        %dma_start3A_131 = tpu.memref_slice %arg6[%run_scoped3A_110, %dma_start3A_129, %dma_start3A_130] : memref<4x128x128xf32, #tpu.memory_space<vmem>> -> memref<1x128x128xf32, #tpu.memory_space<vmem>>
        %dma_start3A_132 = tpu.memref_squeeze %dma_start3A_131 : memref<1x128x128xf32, #tpu.memory_space<vmem>> -> memref<128x128xf32, #tpu.memory_space<vmem>>
        %dma_start3A_133 = arith.constant 0 : i32
        %dma_start3A_134 = tpu.memref_slice %arg4[%mul3A_109, %dma_start3A_133] : memref<327680x128xf32, #tpu.memory_space<hbm>> -> memref<128x128xf32, #tpu.memory_space<hbm>>
        %dma_start3A_135 = arith.constant 0 : i32
        %dma_start3A_136 = tpu.memref_slice %arg4[%mul3A_109, %dma_start3A_135] : memref<327680x128xf32, #tpu.memory_space<hbm>> -> memref<128x128xf32, #tpu.memory_space<hbm>>
        %dma_start3A_137 = arith.constant 0 : i32
        %dma_start3A_138 = arith.constant 0 : i32
        %dma_start3A_139 = tpu.memref_slice %arg6[%run_scoped3A_110, %dma_start3A_137, %dma_start3A_138] : memref<4x128x128xf32, #tpu.memory_space<vmem>> -> memref<1x128x128xf32, #tpu.memory_space<vmem>>
        %dma_start3A_140 = tpu.memref_squeeze %dma_start3A_139 : memref<1x128x128xf32, #tpu.memory_space<vmem>> -> memref<128x128xf32, #tpu.memory_space<vmem>>
        tpu.enqueue_dma source(%dma_start3A_140 : memref<128x128xf32, #tpu.memory_space<vmem>>) target(%dma_start3A_136 : memref<128x128xf32, #tpu.memory_space<hbm>>) target_semaphore(%run_scoped3A_128 : memref<!tpu.dma_semaphore, #tpu.memory_space<semaphore_mem>>)
        %dma_wait3A_141 = arith.constant 0 : i32
        %dma_wait3A_142 = arith.constant 0 : i32
        %dma_wait3A_143 = tpu.memref_slice %arg6[%run_scoped3A_110, %dma_wait3A_141, %dma_wait3A_142] : memref<4x128x128xf32, #tpu.memory_space<vmem>> -> memref<1x128x128xf32, #tpu.memory_space<vmem>>
        %dma_wait3A_144 = tpu.memref_squeeze %dma_wait3A_143 : memref<1x128x128xf32, #tpu.memory_space<vmem>> -> memref<128x128xf32, #tpu.memory_space<vmem>>
        %dma_wait3A_145 = arith.constant 0 : i32
        %dma_wait3A_146 = tpu.memref_slice %arg4[%mul3A_109, %dma_wait3A_145] : memref<327680x128xf32, #tpu.memory_space<hbm>> -> memref<128x128xf32, #tpu.memory_space<hbm>>
        %dma_wait3A_147 = arith.constant 0 : i32
        %dma_wait3A_148 = tpu.memref_slice %arg4[%mul3A_109, %dma_wait3A_147] : memref<327680x128xf32, #tpu.memory_space<hbm>> -> memref<128x128xf32, #tpu.memory_space<hbm>>
        %dma_wait3A_149 = arith.constant 0 : i32
        %dma_wait3A_150 = arith.constant 0 : i32
        %dma_wait3A_151 = tpu.memref_slice %arg6[%run_scoped3A_110, %dma_wait3A_149, %dma_wait3A_150] : memref<4x128x128xf32, #tpu.memory_space<vmem>> -> memref<1x128x128xf32, #tpu.memory_space<vmem>>
        %dma_wait3A_152 = tpu.memref_squeeze %dma_wait3A_151 : memref<1x128x128xf32, #tpu.memory_space<vmem>> -> memref<128x128xf32, #tpu.memory_space<vmem>>
        tpu.wait_dma2 semaphore(%run_scoped3A_128 : memref<!tpu.dma_semaphore, #tpu.memory_space<semaphore_mem>>) src(%dma_wait3A_152 : memref<128x128xf32, #tpu.memory_space<vmem>>) dst(%dma_wait3A_148 : memref<128x128xf32, #tpu.memory_space<hbm>>)
        tpu.yield
      }) : () -> ()
      %dma_wait3A_111 = arith.constant 3 : i32
      %dma_wait3A_112 = arith.constant 0 : i32
      %dma_wait3A_113 = arith.constant 0 : i32
      %dma_wait3A_114 = tpu.memref_slice %arg6[%dma_wait3A_111, %dma_wait3A_112, %dma_wait3A_113] : memref<4x128x128xf32, #tpu.memory_space<vmem>> -> memref<1x128x128xf32, #tpu.memory_space<vmem>>
      %dma_wait3A_115 = tpu.memref_squeeze %dma_wait3A_114 : memref<1x128x128xf32, #tpu.memory_space<vmem>> -> memref<128x128xf32, #tpu.memory_space<vmem>>
      %dma_wait3A_116 = arith.constant 0 : i32
      %dma_wait3A_117 = tpu.memref_slice %arg5[%add3A_50, %dma_wait3A_116] : memref<80x128xi32, #tpu.memory_space<vmem>> -> memref<1x128xi32, #tpu.memory_space<vmem>>
      %dma_wait3A_118 = tpu.memref_squeeze %dma_wait3A_117 : memref<1x128xi32, #tpu.memory_space<vmem>> -> memref<128xi32, #tpu.memory_space<vmem>>
      %dma_wait3A_119 = arith.constant 0 : i32
      %dma_wait3A_120 = arith.constant 0 : i32
      %dma_wait3A_121 = tpu.memref_slice %arg3[%dma_wait3A_119, %dma_wait3A_120] : memref<10240x128xf32, #tpu.memory_space<hbm>> -> memref<10240x128xf32, #tpu.memory_space<hbm>>
      tpu.wait_indirect_dma semaphore(%arg7 : memref<!tpu.dma_semaphore, #tpu.memory_space<semaphore_mem>>) src(%dma_wait3A_121 : memref<10240x128xf32, #tpu.memory_space<hbm>>) dst(%dma_wait3A_115 : memref<128x128xf32, #tpu.memory_space<vmem>>)
      %add3A_122 = arith.addi %mul3A_2, %mul3A_10 : i32
      %add3A_123 = arith.constant 3 : i32
      %add3A_124 = arith.addi %add3A_122, %add3A_123 : i32
      %mul3A_125 = arith.constant 128 : i32
      %mul3A_126 = arith.muli %add3A_124, %mul3A_125 : i32
      %run_scoped3A_127 = arith.constant 3 : i32
      "tpu.region"() ({
        %run_scoped3A_128 = tpu.sem_alloc : memref<!tpu.dma_semaphore, #tpu.memory_space<semaphore_mem>>
        %dma_start3A_129 = arith.constant 0 : i32
        %dma_start3A_130 = arith.constant 0 : i32
        %dma_start3A_131 = tpu.memref_slice %arg6[%run_scoped3A_127, %dma_start3A_129, %dma_start3A_130] : memref<4x128x128xf32, #tpu.memory_space<vmem>> -> memref<1x128x128xf32, #tpu.memory_space<vmem>>
        %dma_start3A_132 = tpu.memref_squeeze %dma_start3A_131 : memref<1x128x128xf32, #tpu.memory_space<vmem>> -> memref<128x128xf32, #tpu.memory_space<vmem>>
        %dma_start3A_133 = arith.constant 0 : i32
        %dma_start3A_134 = tpu.memref_slice %arg4[%mul3A_126, %dma_start3A_133] : memref<327680x128xf32, #tpu.memory_space<hbm>> -> memref<128x128xf32, #tpu.memory_space<hbm>>
        %dma_start3A_135 = arith.constant 0 : i32
        %dma_start3A_136 = tpu.memref_slice %arg4[%mul3A_126, %dma_start3A_135] : memref<327680x128xf32, #tpu.memory_space<hbm>> -> memref<128x128xf32, #tpu.memory_space<hbm>>
        %dma_start3A_137 = arith.constant 0 : i32
        %dma_start3A_138 = arith.constant 0 : i32
        %dma_start3A_139 = tpu.memref_slice %arg6[%run_scoped3A_127, %dma_start3A_137, %dma_start3A_138] : memref<4x128x128xf32, #tpu.memory_space<vmem>> -> memref<1x128x128xf32, #tpu.memory_space<vmem>>
        %dma_start3A_140 = tpu.memref_squeeze %dma_start3A_139 : memref<1x128x128xf32, #tpu.memory_space<vmem>> -> memref<128x128xf32, #tpu.memory_space<vmem>>
        tpu.enqueue_dma source(%dma_start3A_140 : memref<128x128xf32, #tpu.memory_space<vmem>>) target(%dma_start3A_136 : memref<128x128xf32, #tpu.memory_space<hbm>>) target_semaphore(%run_scoped3A_128 : memref<!tpu.dma_semaphore, #tpu.memory_space<semaphore_mem>>)
        %dma_wait3A_141 = arith.constant 0 : i32
        %dma_wait3A_142 = arith.constant 0 : i32
        %dma_wait3A_143 = tpu.memref_slice %arg6[%run_scoped3A_127, %dma_wait3A_141, %dma_wait3A_142] : memref<4x128x128xf32, #tpu.memory_space<vmem>> -> memref<1x128x128xf32, #tpu.memory_space<vmem>>
        %dma_wait3A_144 = tpu.memref_squeeze %dma_wait3A_143 : memref<1x128x128xf32, #tpu.memory_space<vmem>> -> memref<128x128xf32, #tpu.memory_space<vmem>>
        %dma_wait3A_145 = arith.constant 0 : i32
        %dma_wait3A_146 = tpu.memref_slice %arg4[%mul3A_126, %dma_wait3A_145] : memref<327680x128xf32, #tpu.memory_space<hbm>> -> memref<128x128xf32, #tpu.memory_space<hbm>>
        %dma_wait3A_147 = arith.constant 0 : i32
        %dma_wait3A_148 = tpu.memref_slice %arg4[%mul3A_126, %dma_wait3A_147] : memref<327680x128xf32, #tpu.memory_space<hbm>> -> memref<128x128xf32, #tpu.memory_space<hbm>>
        %dma_wait3A_149 = arith.constant 0 : i32
        %dma_wait3A_150 = arith.constant 0 : i32
        %dma_wait3A_151 = tpu.memref_slice %arg6[%run_scoped3A_127, %dma_wait3A_149, %dma_wait3A_150] : memref<4x128x128xf32, #tpu.memory_space<vmem>> -> memref<1x128x128xf32, #tpu.memory_space<vmem>>
        %dma_wait3A_152 = tpu.memref_squeeze %dma_wait3A_151 : memref<1x128x128xf32, #tpu.memory_space<vmem>> -> memref<128x128xf32, #tpu.memory_space<vmem>>
        tpu.wait_dma2 semaphore(%run_scoped3A_128 : memref<!tpu.dma_semaphore, #tpu.memory_space<semaphore_mem>>) src(%dma_wait3A_152 : memref<128x128xf32, #tpu.memory_space<vmem>>) dst(%dma_wait3A_148 : memref<128x128xf32, #tpu.memory_space<hbm>>)
        tpu.yield
      }) : () -> ()
    }
    %scan3A_7 = arith.constant 20 : i32
    return
  }
}

#map = affine_map<(d0, d1) -> (0, 0)>
module attributes {stable_mosaic.version = 14 : i64} {
  func.func @gk(%arg0: i32, %arg1: i32, %arg2: memref<2560x128xi32, #tpu.memory_space<hbm>>, %arg3: memref<10240x128xf32, #tpu.memory_space<hbm>>, %arg4: memref<327680x128xf32, #tpu.memory_space<hbm>>, %arg5: memref<80x128xi32, #tpu.memory_space<vmem>>, %arg6: memref<4x128x128xf32, #tpu.memory_space<vmem>>, %arg7: memref<!tpu.dma_semaphore, #tpu.memory_space<semaphore_mem>>) attributes {dimension_semantics = [#tpu.dimension_semantics<core_parallel>, #tpu.dimension_semantics<subcore_parallel>], iteration_bounds = array<i64: 2, 16>, scalar_prefetch = 0 : i64, scratch_operands = 3 : i64, tpu.core_type = #tpu.core_type<sc_vector_subcore>, window_params = [{transform_indices = #map}, {transform_indices = #map}, {transform_indices = #map}]} {
    %mul3A = arith.constant 2 : i32
    %mul3A_0 = arith.muli %arg1, %mul3A : i32
    %add3A = arith.addi %mul3A_0, %arg0 : i32
    %mul3A_1 = arith.constant 80 : i32
    %mul3A_2 = arith.muli %add3A, %mul3A_1 : i32
    "tpu.region"() ({
      %run_scoped3A = tpu.sem_alloc : memref<!tpu.dma_semaphore, #tpu.memory_space<semaphore_mem>>
      %dma_start3A = arith.constant 0 : i32
      %dma_start3A_8 = tpu.memref_slice %arg2[%mul3A_2, %dma_start3A] : memref<2560x128xi32, #tpu.memory_space<hbm>> -> memref<80x128xi32, #tpu.memory_space<hbm>>
      %dma_start3A_9 = arith.constant 0 : i32
      %dma_start3A_10 = tpu.memref_slice %arg2[%mul3A_2, %dma_start3A_9] : memref<2560x128xi32, #tpu.memory_space<hbm>> -> memref<80x128xi32, #tpu.memory_space<hbm>>
      tpu.enqueue_dma source(%dma_start3A_10 : memref<80x128xi32, #tpu.memory_space<hbm>>) target(%arg5 : memref<80x128xi32, #tpu.memory_space<vmem>>) target_semaphore(%run_scoped3A : memref<!tpu.dma_semaphore, #tpu.memory_space<semaphore_mem>>)
      %dma_wait3A = arith.constant 0 : i32
      %dma_wait3A_11 = tpu.memref_slice %arg2[%mul3A_2, %dma_wait3A] : memref<2560x128xi32, #tpu.memory_space<hbm>> -> memref<80x128xi32, #tpu.memory_space<hbm>>
      %dma_wait3A_12 = arith.constant 0 : i32
      %dma_wait3A_13 = tpu.memref_slice %arg2[%mul3A_2, %dma_wait3A_12] : memref<2560x128xi32, #tpu.memory_space<hbm>> -> memref<80x128xi32, #tpu.memory_space<hbm>>
      tpu.wait_dma2 semaphore(%run_scoped3A : memref<!tpu.dma_semaphore, #tpu.memory_space<semaphore_mem>>) src(%dma_wait3A_13 : memref<80x128xi32, #tpu.memory_space<hbm>>) dst(%arg5 : memref<80x128xi32, #tpu.memory_space<vmem>>)
      tpu.yield
    }) : () -> ()
    %scan3A = arith.constant 0 : i32
    %scan3A_3 = arith.constant 0 : i32
    %scan3A_4 = arith.constant 20 : i32
    %scan3A_5 = arith.addi %scan3A_3, %scan3A_4 : i32
    %scan3A_6 = arith.constant 1 : i32
    scf.for %scan3A_8 = %scan3A_3 to %scan3A_5 step %scan3A_6  : i32 {
      %mul3A_9 = arith.constant 4 : i32
      %mul3A_10 = arith.muli %scan3A_8, %mul3A_9 : i32
      %add3A_11 = arith.constant 0 : i32
      %add3A_12 = arith.addi %mul3A_10, %add3A_11 : i32
      %dma_start3A = arith.constant 0 : i32
      %dma_start3A_13 = arith.constant 0 : i32
      %dma_start3A_14 = arith.constant 0 : i32
      %dma_start3A_15 = tpu.memref_slice %arg6[%dma_start3A, %dma_start3A_13, %dma_start3A_14] : memref<4x128x128xf32, #tpu.memory_space<vmem>> -> memref<1x128x128xf32, #tpu.memory_space<vmem>>
      %dma_start3A_16 = tpu.memref_squeeze %dma_start3A_15 : memref<1x128x128xf32, #tpu.memory_space<vmem>> -> memref<128x128xf32, #tpu.memory_space<vmem>>
      %dma_start3A_17 = arith.constant 0 : i32
      %dma_start3A_18 = tpu.memref_slice %arg5[%add3A_12, %dma_start3A_17] : memref<80x128xi32, #tpu.memory_space<vmem>> -> memref<1x128xi32, #tpu.memory_space<vmem>>
      %dma_start3A_19 = tpu.memref_squeeze %dma_start3A_18 : memref<1x128xi32, #tpu.memory_space<vmem>> -> memref<128xi32, #tpu.memory_space<vmem>>
      %dma_start3A_20 = arith.constant 0 : i32
      %dma_start3A_21 = arith.constant 0 : i32
      %dma_start3A_22 = tpu.memref_slice %arg3[%dma_start3A_20, %dma_start3A_21] : memref<10240x128xf32, #tpu.memory_space<hbm>> -> memref<10240x128xf32, #tpu.memory_space<hbm>>
      tpu.enqueue_indirect_dma source(%dma_start3A_22 : memref<10240x128xf32, #tpu.memory_space<hbm>>) target(%dma_start3A_16 : memref<128x128xf32, #tpu.memory_space<vmem>>) offsets(%dma_start3A_19 : memref<128xi32, #tpu.memory_space<vmem>>) semaphore(%arg7 : memref<!tpu.dma_semaphore, #tpu.memory_space<semaphore_mem>>)
      %add3A_23 = arith.constant 1 : i32
      %add3A_24 = arith.addi %mul3A_10, %add3A_23 : i32
      %dma_start3A_25 = arith.constant 1 : i32
      %dma_start3A_26 = arith.constant 0 : i32
      %dma_start3A_27 = arith.constant 0 : i32
      %dma_start3A_28 = tpu.memref_slice %arg6[%dma_start3A_25, %dma_start3A_26, %dma_start3A_27] : memref<4x128x128xf32, #tpu.memory_space<vmem>> -> memref<1x128x128xf32, #tpu.memory_space<vmem>>
      %dma_start3A_29 = tpu.memref_squeeze %dma_start3A_28 : memref<1x128x128xf32, #tpu.memory_space<vmem>> -> memref<128x128xf32, #tpu.memory_space<vmem>>
      %dma_start3A_30 = arith.constant 0 : i32
      %dma_start3A_31 = tpu.memref_slice %arg5[%add3A_24, %dma_start3A_30] : memref<80x128xi32, #tpu.memory_space<vmem>> -> memref<1x128xi32, #tpu.memory_space<vmem>>
      %dma_start3A_32 = tpu.memref_squeeze %dma_start3A_31 : memref<1x128xi32, #tpu.memory_space<vmem>> -> memref<128xi32, #tpu.memory_space<vmem>>
      %dma_start3A_33 = arith.constant 0 : i32
      %dma_start3A_34 = arith.constant 0 : i32
      %dma_start3A_35 = tpu.memref_slice %arg3[%dma_start3A_33, %dma_start3A_34] : memref<10240x128xf32, #tpu.memory_space<hbm>> -> memref<10240x128xf32, #tpu.memory_space<hbm>>
      tpu.enqueue_indirect_dma source(%dma_start3A_35 : memref<10240x128xf32, #tpu.memory_space<hbm>>) target(%dma_start3A_29 : memref<128x128xf32, #tpu.memory_space<vmem>>) offsets(%dma_start3A_32 : memref<128xi32, #tpu.memory_space<vmem>>) semaphore(%arg7 : memref<!tpu.dma_semaphore, #tpu.memory_space<semaphore_mem>>)
      %add3A_36 = arith.constant 2 : i32
      %add3A_37 = arith.addi %mul3A_10, %add3A_36 : i32
      %dma_start3A_38 = arith.constant 2 : i32
      %dma_start3A_39 = arith.constant 0 : i32
      %dma_start3A_40 = arith.constant 0 : i32
      %dma_start3A_41 = tpu.memref_slice %arg6[%dma_start3A_38, %dma_start3A_39, %dma_start3A_40] : memref<4x128x128xf32, #tpu.memory_space<vmem>> -> memref<1x128x128xf32, #tpu.memory_space<vmem>>
      %dma_start3A_42 = tpu.memref_squeeze %dma_start3A_41 : memref<1x128x128xf32, #tpu.memory_space<vmem>> -> memref<128x128xf32, #tpu.memory_space<vmem>>
      %dma_start3A_43 = arith.constant 0 : i32
      %dma_start3A_44 = tpu.memref_slice %arg5[%add3A_37, %dma_start3A_43] : memref<80x128xi32, #tpu.memory_space<vmem>> -> memref<1x128xi32, #tpu.memory_space<vmem>>
      %dma_start3A_45 = tpu.memref_squeeze %dma_start3A_44 : memref<1x128xi32, #tpu.memory_space<vmem>> -> memref<128xi32, #tpu.memory_space<vmem>>
      %dma_start3A_46 = arith.constant 0 : i32
      %dma_start3A_47 = arith.constant 0 : i32
      %dma_start3A_48 = tpu.memref_slice %arg3[%dma_start3A_46, %dma_start3A_47] : memref<10240x128xf32, #tpu.memory_space<hbm>> -> memref<10240x128xf32, #tpu.memory_space<hbm>>
      tpu.enqueue_indirect_dma source(%dma_start3A_48 : memref<10240x128xf32, #tpu.memory_space<hbm>>) target(%dma_start3A_42 : memref<128x128xf32, #tpu.memory_space<vmem>>) offsets(%dma_start3A_45 : memref<128xi32, #tpu.memory_space<vmem>>) semaphore(%arg7 : memref<!tpu.dma_semaphore, #tpu.memory_space<semaphore_mem>>)
      %add3A_49 = arith.constant 3 : i32
      %add3A_50 = arith.addi %mul3A_10, %add3A_49 : i32
      %dma_start3A_51 = arith.constant 3 : i32
      %dma_start3A_52 = arith.constant 0 : i32
      %dma_start3A_53 = arith.constant 0 : i32
      %dma_start3A_54 = tpu.memref_slice %arg6[%dma_start3A_51, %dma_start3A_52, %dma_start3A_53] : memref<4x128x128xf32, #tpu.memory_space<vmem>> -> memref<1x128x128xf32, #tpu.memory_space<vmem>>
      %dma_start3A_55 = tpu.memref_squeeze %dma_start3A_54 : memref<1x128x128xf32, #tpu.memory_space<vmem>> -> memref<128x128xf32, #tpu.memory_space<vmem>>
      %dma_start3A_56 = arith.constant 0 : i32
      %dma_start3A_57 = tpu.memref_slice %arg5[%add3A_50, %dma_start3A_56] : memref<80x128xi32, #tpu.memory_space<vmem>> -> memref<1x128xi32, #tpu.memory_space<vmem>>
      %dma_start3A_58 = tpu.memref_squeeze %dma_start3A_57 : memref<1x128xi32, #tpu.memory_space<vmem>> -> memref<128xi32, #tpu.memory_space<vmem>>
      %dma_start3A_59 = arith.constant 0 : i32
      %dma_start3A_60 = arith.constant 0 : i32
      %dma_start3A_61 = tpu.memref_slice %arg3[%dma_start3A_59, %dma_start3A_60] : memref<10240x128xf32, #tpu.memory_space<hbm>> -> memref<10240x128xf32, #tpu.memory_space<hbm>>
      tpu.enqueue_indirect_dma source(%dma_start3A_61 : memref<10240x128xf32, #tpu.memory_space<hbm>>) target(%dma_start3A_55 : memref<128x128xf32, #tpu.memory_space<vmem>>) offsets(%dma_start3A_58 : memref<128xi32, #tpu.memory_space<vmem>>) semaphore(%arg7 : memref<!tpu.dma_semaphore, #tpu.memory_space<semaphore_mem>>)
      %dma_wait3A = arith.constant 0 : i32
      %dma_wait3A_62 = arith.constant 0 : i32
      %dma_wait3A_63 = arith.constant 0 : i32
      %dma_wait3A_64 = tpu.memref_slice %arg6[%dma_wait3A, %dma_wait3A_62, %dma_wait3A_63] : memref<4x128x128xf32, #tpu.memory_space<vmem>> -> memref<1x128x128xf32, #tpu.memory_space<vmem>>
      %dma_wait3A_65 = tpu.memref_squeeze %dma_wait3A_64 : memref<1x128x128xf32, #tpu.memory_space<vmem>> -> memref<128x128xf32, #tpu.memory_space<vmem>>
      %dma_wait3A_66 = arith.constant 0 : i32
      %dma_wait3A_67 = tpu.memref_slice %arg5[%add3A_12, %dma_wait3A_66] : memref<80x128xi32, #tpu.memory_space<vmem>> -> memref<1x128xi32, #tpu.memory_space<vmem>>
      %dma_wait3A_68 = tpu.memref_squeeze %dma_wait3A_67 : memref<1x128xi32, #tpu.memory_space<vmem>> -> memref<128xi32, #tpu.memory_space<vmem>>
      %dma_wait3A_69 = arith.constant 0 : i32
      %dma_wait3A_70 = arith.constant 0 : i32
      %dma_wait3A_71 = tpu.memref_slice %arg3[%dma_wait3A_69, %dma_wait3A_70] : memref<10240x128xf32, #tpu.memory_space<hbm>> -> memref<10240x128xf32, #tpu.memory_space<hbm>>
      tpu.wait_indirect_dma semaphore(%arg7 : memref<!tpu.dma_semaphore, #tpu.memory_space<semaphore_mem>>) src(%dma_wait3A_71 : memref<10240x128xf32, #tpu.memory_space<hbm>>) dst(%dma_wait3A_65 : memref<128x128xf32, #tpu.memory_space<vmem>>)
      %add3A_72 = arith.addi %mul3A_2, %mul3A_10 : i32
      %add3A_73 = arith.constant 0 : i32
      %add3A_74 = arith.addi %add3A_72, %add3A_73 : i32
      %mul3A_75 = arith.constant 128 : i32
      %mul3A_76 = arith.muli %add3A_74, %mul3A_75 : i32
      %run_scoped3A = arith.constant 0 : i32
      "tpu.region"() ({
        %run_scoped3A_128 = tpu.sem_alloc : memref<!tpu.dma_semaphore, #tpu.memory_space<semaphore_mem>>
        %dma_start3A_129 = arith.constant 0 : i32
        %dma_start3A_130 = arith.constant 0 : i32
        %dma_start3A_131 = tpu.memref_slice %arg6[%run_scoped3A, %dma_start3A_129, %dma_start3A_130] : memref<4x128x128xf32, #tpu.memory_space<vmem>> -> memref<1x128x128xf32, #tpu.memory_space<vmem>>
        %dma_start3A_132 = tpu.memref_squeeze %dma_start3A_131 : memref<1x128x128xf32, #tpu.memory_space<vmem>> -> memref<128x128xf32, #tpu.memory_space<vmem>>
        %dma_start3A_133 = arith.constant 0 : i32
        %dma_start3A_134 = tpu.memref_slice %arg4[%mul3A_76, %dma_start3A_133] : memref<327680x128xf32, #tpu.memory_space<hbm>> -> memref<128x128xf32, #tpu.memory_space<hbm>>
        %dma_start3A_135 = arith.constant 0 : i32
        %dma_start3A_136 = tpu.memref_slice %arg4[%mul3A_76, %dma_start3A_135] : memref<327680x128xf32, #tpu.memory_space<hbm>> -> memref<128x128xf32, #tpu.memory_space<hbm>>
        %dma_start3A_137 = arith.constant 0 : i32
        %dma_start3A_138 = arith.constant 0 : i32
        %dma_start3A_139 = tpu.memref_slice %arg6[%run_scoped3A, %dma_start3A_137, %dma_start3A_138] : memref<4x128x128xf32, #tpu.memory_space<vmem>> -> memref<1x128x128xf32, #tpu.memory_space<vmem>>
        %dma_start3A_140 = tpu.memref_squeeze %dma_start3A_139 : memref<1x128x128xf32, #tpu.memory_space<vmem>> -> memref<128x128xf32, #tpu.memory_space<vmem>>
        tpu.enqueue_dma source(%dma_start3A_140 : memref<128x128xf32, #tpu.memory_space<vmem>>) target(%dma_start3A_136 : memref<128x128xf32, #tpu.memory_space<hbm>>) target_semaphore(%run_scoped3A_128 : memref<!tpu.dma_semaphore, #tpu.memory_space<semaphore_mem>>)
        %dma_wait3A_141 = arith.constant 0 : i32
        %dma_wait3A_142 = arith.constant 0 : i32
        %dma_wait3A_143 = tpu.memref_slice %arg6[%run_scoped3A, %dma_wait3A_141, %dma_wait3A_142] : memref<4x128x128xf32, #tpu.memory_space<vmem>> -> memref<1x128x128xf32, #tpu.memory_space<vmem>>
        %dma_wait3A_144 = tpu.memref_squeeze %dma_wait3A_143 : memref<1x128x128xf32, #tpu.memory_space<vmem>> -> memref<128x128xf32, #tpu.memory_space<vmem>>
        %dma_wait3A_145 = arith.constant 0 : i32
        %dma_wait3A_146 = tpu.memref_slice %arg4[%mul3A_76, %dma_wait3A_145] : memref<327680x128xf32, #tpu.memory_space<hbm>> -> memref<128x128xf32, #tpu.memory_space<hbm>>
        %dma_wait3A_147 = arith.constant 0 : i32
        %dma_wait3A_148 = tpu.memref_slice %arg4[%mul3A_76, %dma_wait3A_147] : memref<327680x128xf32, #tpu.memory_space<hbm>> -> memref<128x128xf32, #tpu.memory_space<hbm>>
        %dma_wait3A_149 = arith.constant 0 : i32
        %dma_wait3A_150 = arith.constant 0 : i32
        %dma_wait3A_151 = tpu.memref_slice %arg6[%run_scoped3A, %dma_wait3A_149, %dma_wait3A_150] : memref<4x128x128xf32, #tpu.memory_space<vmem>> -> memref<1x128x128xf32, #tpu.memory_space<vmem>>
        %dma_wait3A_152 = tpu.memref_squeeze %dma_wait3A_151 : memref<1x128x128xf32, #tpu.memory_space<vmem>> -> memref<128x128xf32, #tpu.memory_space<vmem>>
        tpu.wait_dma2 semaphore(%run_scoped3A_128 : memref<!tpu.dma_semaphore, #tpu.memory_space<semaphore_mem>>) src(%dma_wait3A_152 : memref<128x128xf32, #tpu.memory_space<vmem>>) dst(%dma_wait3A_148 : memref<128x128xf32, #tpu.memory_space<hbm>>)
        tpu.yield
      }) : () -> ()
      %dma_wait3A_77 = arith.constant 1 : i32
      %dma_wait3A_78 = arith.constant 0 : i32
      %dma_wait3A_79 = arith.constant 0 : i32
      %dma_wait3A_80 = tpu.memref_slice %arg6[%dma_wait3A_77, %dma_wait3A_78, %dma_wait3A_79] : memref<4x128x128xf32, #tpu.memory_space<vmem>> -> memref<1x128x128xf32, #tpu.memory_space<vmem>>
      %dma_wait3A_81 = tpu.memref_squeeze %dma_wait3A_80 : memref<1x128x128xf32, #tpu.memory_space<vmem>> -> memref<128x128xf32, #tpu.memory_space<vmem>>
      %dma_wait3A_82 = arith.constant 0 : i32
      %dma_wait3A_83 = tpu.memref_slice %arg5[%add3A_24, %dma_wait3A_82] : memref<80x128xi32, #tpu.memory_space<vmem>> -> memref<1x128xi32, #tpu.memory_space<vmem>>
      %dma_wait3A_84 = tpu.memref_squeeze %dma_wait3A_83 : memref<1x128xi32, #tpu.memory_space<vmem>> -> memref<128xi32, #tpu.memory_space<vmem>>
      %dma_wait3A_85 = arith.constant 0 : i32
      %dma_wait3A_86 = arith.constant 0 : i32
      %dma_wait3A_87 = tpu.memref_slice %arg3[%dma_wait3A_85, %dma_wait3A_86] : memref<10240x128xf32, #tpu.memory_space<hbm>> -> memref<10240x128xf32, #tpu.memory_space<hbm>>
      tpu.wait_indirect_dma semaphore(%arg7 : memref<!tpu.dma_semaphore, #tpu.memory_space<semaphore_mem>>) src(%dma_wait3A_87 : memref<10240x128xf32, #tpu.memory_space<hbm>>) dst(%dma_wait3A_81 : memref<128x128xf32, #tpu.memory_space<vmem>>)
      %add3A_88 = arith.addi %mul3A_2, %mul3A_10 : i32
      %add3A_89 = arith.constant 1 : i32
      %add3A_90 = arith.addi %add3A_88, %add3A_89 : i32
      %mul3A_91 = arith.constant 128 : i32
      %mul3A_92 = arith.muli %add3A_90, %mul3A_91 : i32
      %run_scoped3A_93 = arith.constant 1 : i32
      "tpu.region"() ({
        %run_scoped3A_128 = tpu.sem_alloc : memref<!tpu.dma_semaphore, #tpu.memory_space<semaphore_mem>>
        %dma_start3A_129 = arith.constant 0 : i32
        %dma_start3A_130 = arith.constant 0 : i32
        %dma_start3A_131 = tpu.memref_slice %arg6[%run_scoped3A_93, %dma_start3A_129, %dma_start3A_130] : memref<4x128x128xf32, #tpu.memory_space<vmem>> -> memref<1x128x128xf32, #tpu.memory_space<vmem>>
        %dma_start3A_132 = tpu.memref_squeeze %dma_start3A_131 : memref<1x128x128xf32, #tpu.memory_space<vmem>> -> memref<128x128xf32, #tpu.memory_space<vmem>>
        %dma_start3A_133 = arith.constant 0 : i32
        %dma_start3A_134 = tpu.memref_slice %arg4[%mul3A_92, %dma_start3A_133] : memref<327680x128xf32, #tpu.memory_space<hbm>> -> memref<128x128xf32, #tpu.memory_space<hbm>>
        %dma_start3A_135 = arith.constant 0 : i32
        %dma_start3A_136 = tpu.memref_slice %arg4[%mul3A_92, %dma_start3A_135] : memref<327680x128xf32, #tpu.memory_space<hbm>> -> memref<128x128xf32, #tpu.memory_space<hbm>>
        %dma_start3A_137 = arith.constant 0 : i32
        %dma_start3A_138 = arith.constant 0 : i32
        %dma_start3A_139 = tpu.memref_slice %arg6[%run_scoped3A_93, %dma_start3A_137, %dma_start3A_138] : memref<4x128x128xf32, #tpu.memory_space<vmem>> -> memref<1x128x128xf32, #tpu.memory_space<vmem>>
        %dma_start3A_140 = tpu.memref_squeeze %dma_start3A_139 : memref<1x128x128xf32, #tpu.memory_space<vmem>> -> memref<128x128xf32, #tpu.memory_space<vmem>>
        tpu.enqueue_dma source(%dma_start3A_140 : memref<128x128xf32, #tpu.memory_space<vmem>>) target(%dma_start3A_136 : memref<128x128xf32, #tpu.memory_space<hbm>>) target_semaphore(%run_scoped3A_128 : memref<!tpu.dma_semaphore, #tpu.memory_space<semaphore_mem>>)
        %dma_wait3A_141 = arith.constant 0 : i32
        %dma_wait3A_142 = arith.constant 0 : i32
        %dma_wait3A_143 = tpu.memref_slice %arg6[%run_scoped3A_93, %dma_wait3A_141, %dma_wait3A_142] : memref<4x128x128xf32, #tpu.memory_space<vmem>> -> memref<1x128x128xf32, #tpu.memory_space<vmem>>
        %dma_wait3A_144 = tpu.memref_squeeze %dma_wait3A_143 : memref<1x128x128xf32, #tpu.memory_space<vmem>> -> memref<128x128xf32, #tpu.memory_space<vmem>>
        %dma_wait3A_145 = arith.constant 0 : i32
        %dma_wait3A_146 = tpu.memref_slice %arg4[%mul3A_92, %dma_wait3A_145] : memref<327680x128xf32, #tpu.memory_space<hbm>> -> memref<128x128xf32, #tpu.memory_space<hbm>>
        %dma_wait3A_147 = arith.constant 0 : i32
        %dma_wait3A_148 = tpu.memref_slice %arg4[%mul3A_92, %dma_wait3A_147] : memref<327680x128xf32, #tpu.memory_space<hbm>> -> memref<128x128xf32, #tpu.memory_space<hbm>>
        %dma_wait3A_149 = arith.constant 0 : i32
        %dma_wait3A_150 = arith.constant 0 : i32
        %dma_wait3A_151 = tpu.memref_slice %arg6[%run_scoped3A_93, %dma_wait3A_149, %dma_wait3A_150] : memref<4x128x128xf32, #tpu.memory_space<vmem>> -> memref<1x128x128xf32, #tpu.memory_space<vmem>>
        %dma_wait3A_152 = tpu.memref_squeeze %dma_wait3A_151 : memref<1x128x128xf32, #tpu.memory_space<vmem>> -> memref<128x128xf32, #tpu.memory_space<vmem>>
        tpu.wait_dma2 semaphore(%run_scoped3A_128 : memref<!tpu.dma_semaphore, #tpu.memory_space<semaphore_mem>>) src(%dma_wait3A_152 : memref<128x128xf32, #tpu.memory_space<vmem>>) dst(%dma_wait3A_148 : memref<128x128xf32, #tpu.memory_space<hbm>>)
        tpu.yield
      }) : () -> ()
      %dma_wait3A_94 = arith.constant 2 : i32
      %dma_wait3A_95 = arith.constant 0 : i32
      %dma_wait3A_96 = arith.constant 0 : i32
      %dma_wait3A_97 = tpu.memref_slice %arg6[%dma_wait3A_94, %dma_wait3A_95, %dma_wait3A_96] : memref<4x128x128xf32, #tpu.memory_space<vmem>> -> memref<1x128x128xf32, #tpu.memory_space<vmem>>
      %dma_wait3A_98 = tpu.memref_squeeze %dma_wait3A_97 : memref<1x128x128xf32, #tpu.memory_space<vmem>> -> memref<128x128xf32, #tpu.memory_space<vmem>>
      %dma_wait3A_99 = arith.constant 0 : i32
      %dma_wait3A_100 = tpu.memref_slice %arg5[%add3A_37, %dma_wait3A_99] : memref<80x128xi32, #tpu.memory_space<vmem>> -> memref<1x128xi32, #tpu.memory_space<vmem>>
      %dma_wait3A_101 = tpu.memref_squeeze %dma_wait3A_100 : memref<1x128xi32, #tpu.memory_space<vmem>> -> memref<128xi32, #tpu.memory_space<vmem>>
      %dma_wait3A_102 = arith.constant 0 : i32
      %dma_wait3A_103 = arith.constant 0 : i32
      %dma_wait3A_104 = tpu.memref_slice %arg3[%dma_wait3A_102, %dma_wait3A_103] : memref<10240x128xf32, #tpu.memory_space<hbm>> -> memref<10240x128xf32, #tpu.memory_space<hbm>>
      tpu.wait_indirect_dma semaphore(%arg7 : memref<!tpu.dma_semaphore, #tpu.memory_space<semaphore_mem>>) src(%dma_wait3A_104 : memref<10240x128xf32, #tpu.memory_space<hbm>>) dst(%dma_wait3A_98 : memref<128x128xf32, #tpu.memory_space<vmem>>)
      %add3A_105 = arith.addi %mul3A_2, %mul3A_10 : i32
      %add3A_106 = arith.constant 2 : i32
      %add3A_107 = arith.addi %add3A_105, %add3A_106 : i32
      %mul3A_108 = arith.constant 128 : i32
      %mul3A_109 = arith.muli %add3A_107, %mul3A_108 : i32
      %run_scoped3A_110 = arith.constant 2 : i32
      "tpu.region"() ({
        %run_scoped3A_128 = tpu.sem_alloc : memref<!tpu.dma_semaphore, #tpu.memory_space<semaphore_mem>>
        %dma_start3A_129 = arith.constant 0 : i32
        %dma_start3A_130 = arith.constant 0 : i32
        %dma_start3A_131 = tpu.memref_slice %arg6[%run_scoped3A_110, %dma_start3A_129, %dma_start3A_130] : memref<4x128x128xf32, #tpu.memory_space<vmem>> -> memref<1x128x128xf32, #tpu.memory_space<vmem>>
        %dma_start3A_132 = tpu.memref_squeeze %dma_start3A_131 : memref<1x128x128xf32, #tpu.memory_space<vmem>> -> memref<128x128xf32, #tpu.memory_space<vmem>>
        %dma_start3A_133 = arith.constant 0 : i32
        %dma_start3A_134 = tpu.memref_slice %arg4[%mul3A_109, %dma_start3A_133] : memref<327680x128xf32, #tpu.memory_space<hbm>> -> memref<128x128xf32, #tpu.memory_space<hbm>>
        %dma_start3A_135 = arith.constant 0 : i32
        %dma_start3A_136 = tpu.memref_slice %arg4[%mul3A_109, %dma_start3A_135] : memref<327680x128xf32, #tpu.memory_space<hbm>> -> memref<128x128xf32, #tpu.memory_space<hbm>>
        %dma_start3A_137 = arith.constant 0 : i32
        %dma_start3A_138 = arith.constant 0 : i32
        %dma_start3A_139 = tpu.memref_slice %arg6[%run_scoped3A_110, %dma_start3A_137, %dma_start3A_138] : memref<4x128x128xf32, #tpu.memory_space<vmem>> -> memref<1x128x128xf32, #tpu.memory_space<vmem>>
        %dma_start3A_140 = tpu.memref_squeeze %dma_start3A_139 : memref<1x128x128xf32, #tpu.memory_space<vmem>> -> memref<128x128xf32, #tpu.memory_space<vmem>>
        tpu.enqueue_dma source(%dma_start3A_140 : memref<128x128xf32, #tpu.memory_space<vmem>>) target(%dma_start3A_136 : memref<128x128xf32, #tpu.memory_space<hbm>>) target_semaphore(%run_scoped3A_128 : memref<!tpu.dma_semaphore, #tpu.memory_space<semaphore_mem>>)
        %dma_wait3A_141 = arith.constant 0 : i32
        %dma_wait3A_142 = arith.constant 0 : i32
        %dma_wait3A_143 = tpu.memref_slice %arg6[%run_scoped3A_110, %dma_wait3A_141, %dma_wait3A_142] : memref<4x128x128xf32, #tpu.memory_space<vmem>> -> memref<1x128x128xf32, #tpu.memory_space<vmem>>
        %dma_wait3A_144 = tpu.memref_squeeze %dma_wait3A_143 : memref<1x128x128xf32, #tpu.memory_space<vmem>> -> memref<128x128xf32, #tpu.memory_space<vmem>>
        %dma_wait3A_145 = arith.constant 0 : i32
        %dma_wait3A_146 = tpu.memref_slice %arg4[%mul3A_109, %dma_wait3A_145] : memref<327680x128xf32, #tpu.memory_space<hbm>> -> memref<128x128xf32, #tpu.memory_space<hbm>>
        %dma_wait3A_147 = arith.constant 0 : i32
        %dma_wait3A_148 = tpu.memref_slice %arg4[%mul3A_109, %dma_wait3A_147] : memref<327680x128xf32, #tpu.memory_space<hbm>> -> memref<128x128xf32, #tpu.memory_space<hbm>>
        %dma_wait3A_149 = arith.constant 0 : i32
        %dma_wait3A_150 = arith.constant 0 : i32
        %dma_wait3A_151 = tpu.memref_slice %arg6[%run_scoped3A_110, %dma_wait3A_149, %dma_wait3A_150] : memref<4x128x128xf32, #tpu.memory_space<vmem>> -> memref<1x128x128xf32, #tpu.memory_space<vmem>>
        %dma_wait3A_152 = tpu.memref_squeeze %dma_wait3A_151 : memref<1x128x128xf32, #tpu.memory_space<vmem>> -> memref<128x128xf32, #tpu.memory_space<vmem>>
        tpu.wait_dma2 semaphore(%run_scoped3A_128 : memref<!tpu.dma_semaphore, #tpu.memory_space<semaphore_mem>>) src(%dma_wait3A_152 : memref<128x128xf32, #tpu.memory_space<vmem>>) dst(%dma_wait3A_148 : memref<128x128xf32, #tpu.memory_space<hbm>>)
        tpu.yield
      }) : () -> ()
      %dma_wait3A_111 = arith.constant 3 : i32
      %dma_wait3A_112 = arith.constant 0 : i32
      %dma_wait3A_113 = arith.constant 0 : i32
      %dma_wait3A_114 = tpu.memref_slice %arg6[%dma_wait3A_111, %dma_wait3A_112, %dma_wait3A_113] : memref<4x128x128xf32, #tpu.memory_space<vmem>> -> memref<1x128x128xf32, #tpu.memory_space<vmem>>
      %dma_wait3A_115 = tpu.memref_squeeze %dma_wait3A_114 : memref<1x128x128xf32, #tpu.memory_space<vmem>> -> memref<128x128xf32, #tpu.memory_space<vmem>>
      %dma_wait3A_116 = arith.constant 0 : i32
      %dma_wait3A_117 = tpu.memref_slice %arg5[%add3A_50, %dma_wait3A_116] : memref<80x128xi32, #tpu.memory_space<vmem>> -> memref<1x128xi32, #tpu.memory_space<vmem>>
      %dma_wait3A_118 = tpu.memref_squeeze %dma_wait3A_117 : memref<1x128xi32, #tpu.memory_space<vmem>> -> memref<128xi32, #tpu.memory_space<vmem>>
      %dma_wait3A_119 = arith.constant 0 : i32
      %dma_wait3A_120 = arith.constant 0 : i32
      %dma_wait3A_121 = tpu.memref_slice %arg3[%dma_wait3A_119, %dma_wait3A_120] : memref<10240x128xf32, #tpu.memory_space<hbm>> -> memref<10240x128xf32, #tpu.memory_space<hbm>>
      tpu.wait_indirect_dma semaphore(%arg7 : memref<!tpu.dma_semaphore, #tpu.memory_space<semaphore_mem>>) src(%dma_wait3A_121 : memref<10240x128xf32, #tpu.memory_space<hbm>>) dst(%dma_wait3A_115 : memref<128x128xf32, #tpu.memory_space<vmem>>)
      %add3A_122 = arith.addi %mul3A_2, %mul3A_10 : i32
      %add3A_123 = arith.constant 3 : i32
      %add3A_124 = arith.addi %add3A_122, %add3A_123 : i32
      %mul3A_125 = arith.constant 128 : i32
      %mul3A_126 = arith.muli %add3A_124, %mul3A_125 : i32
      %run_scoped3A_127 = arith.constant 3 : i32
      "tpu.region"() ({
        %run_scoped3A_128 = tpu.sem_alloc : memref<!tpu.dma_semaphore, #tpu.memory_space<semaphore_mem>>
        %dma_start3A_129 = arith.constant 0 : i32
        %dma_start3A_130 = arith.constant 0 : i32
        %dma_start3A_131 = tpu.memref_slice %arg6[%run_scoped3A_127, %dma_start3A_129, %dma_start3A_130] : memref<4x128x128xf32, #tpu.memory_space<vmem>> -> memref<1x128x128xf32, #tpu.memory_space<vmem>>
        %dma_start3A_132 = tpu.memref_squeeze %dma_start3A_131 : memref<1x128x128xf32, #tpu.memory_space<vmem>> -> memref<128x128xf32, #tpu.memory_space<vmem>>
        %dma_start3A_133 = arith.constant 0 : i32
        %dma_start3A_134 = tpu.memref_slice %arg4[%mul3A_126, %dma_start3A_133] : memref<327680x128xf32, #tpu.memory_space<hbm>> -> memref<128x128xf32, #tpu.memory_space<hbm>>
        %dma_start3A_135 = arith.constant 0 : i32
        %dma_start3A_136 = tpu.memref_slice %arg4[%mul3A_126, %dma_start3A_135] : memref<327680x128xf32, #tpu.memory_space<hbm>> -> memref<128x128xf32, #tpu.memory_space<hbm>>
        %dma_start3A_137 = arith.constant 0 : i32
        %dma_start3A_138 = arith.constant 0 : i32
        %dma_start3A_139 = tpu.memref_slice %arg6[%run_scoped3A_127, %dma_start3A_137, %dma_start3A_138] : memref<4x128x128xf32, #tpu.memory_space<vmem>> -> memref<1x128x128xf32, #tpu.memory_space<vmem>>
        %dma_start3A_140 = tpu.memref_squeeze %dma_start3A_139 : memref<1x128x128xf32, #tpu.memory_space<vmem>> -> memref<128x128xf32, #tpu.memory_space<vmem>>
        tpu.enqueue_dma source(%dma_start3A_140 : memref<128x128xf32, #tpu.memory_space<vmem>>) target(%dma_start3A_136 : memref<128x128xf32, #tpu.memory_space<hbm>>) target_semaphore(%run_scoped3A_128 : memref<!tpu.dma_semaphore, #tpu.memory_space<semaphore_mem>>)
        %dma_wait3A_141 = arith.constant 0 : i32
        %dma_wait3A_142 = arith.constant 0 : i32
        %dma_wait3A_143 = tpu.memref_slice %arg6[%run_scoped3A_127, %dma_wait3A_141, %dma_wait3A_142] : memref<4x128x128xf32, #tpu.memory_space<vmem>> -> memref<1x128x128xf32, #tpu.memory_space<vmem>>
        %dma_wait3A_144 = tpu.memref_squeeze %dma_wait3A_143 : memref<1x128x128xf32, #tpu.memory_space<vmem>> -> memref<128x128xf32, #tpu.memory_space<vmem>>
        %dma_wait3A_145 = arith.constant 0 : i32
        %dma_wait3A_146 = tpu.memref_slice %arg4[%mul3A_126, %dma_wait3A_145] : memref<327680x128xf32, #tpu.memory_space<hbm>> -> memref<128x128xf32, #tpu.memory_space<hbm>>
        %dma_wait3A_147 = arith.constant 0 : i32
        %dma_wait3A_148 = tpu.memref_slice %arg4[%mul3A_126, %dma_wait3A_147] : memref<327680x128xf32, #tpu.memory_space<hbm>> -> memref<128x128xf32, #tpu.memory_space<hbm>>
        %dma_wait3A_149 = arith.constant 0 : i32
        %dma_wait3A_150 = arith.constant 0 : i32
        %dma_wait3A_151 = tpu.memref_slice %arg6[%run_scoped3A_127, %dma_wait3A_149, %dma_wait3A_150] : memref<4x128x128xf32, #tpu.memory_space<vmem>> -> memref<1x128x128xf32, #tpu.memory_space<vmem>>
        %dma_wait3A_152 = tpu.memref_squeeze %dma_wait3A_151 : memref<1x128x128xf32, #tpu.memory_space<vmem>> -> memref<128x128xf32, #tpu.memory_space<vmem>>
        tpu.wait_dma2 semaphore(%run_scoped3A_128 : memref<!tpu.dma_semaphore, #tpu.memory_space<semaphore_mem>>) src(%dma_wait3A_152 : memref<128x128xf32, #tpu.memory_space<vmem>>) dst(%dma_wait3A_148 : memref<128x128xf32, #tpu.memory_space<hbm>>)
        tpu.yield
      }) : () -> ()
    }
    %scan3A_7 = arith.constant 20 : i32
    return
  }
}

module attributes {stable_mosaic.version = 14 : i64} {
  func.func @_rg_body(%arg0: i32, %arg1: memref<40x2xi32, #tpu.memory_space<smem>>, %arg2: memref<256x4xf32, #tpu.memory_space<vmem>>, %arg3: memref<8x10240xf32, #tpu.memory_space<vmem>>, %arg4: memref<256x32xi32, #tpu.memory_space<vmem>>, %arg5: memref<256x32xf32, #tpu.memory_space<vmem>>, %arg6: memref<256x32xf32, #tpu.memory_space<vmem>>, %arg7: memref<256x10240xf32, #tpu.memory_space<vmem>>) attributes {dimension_semantics = [#tpu.dimension_semantics<arbitrary>], iteration_bounds = array<i64: 40>, scalar_prefetch = 0 : i64, scratch_operands = 1 : i64, tpu.core_type = #tpu.core_type<tc>, window_params = [{transform_indices = @transform_0, window_bounds = array<i64: 40, 2>}, {transform_indices = @transform_1, window_bounds = array<i64: 256, 4>}, {pipeline_mode = #tpu.pipeline_mode<synchronous>, transform_indices = @transform_2, window_bounds = array<i64: 8, 10240>}, {transform_indices = @transform_3, window_bounds = array<i64: 256, 32>}, {transform_indices = @transform_4, window_bounds = array<i64: 256, 32>}, {transform_indices = @transform_5, window_bounds = array<i64: 256, 32>}]} {
    %get3A = arith.index_cast %arg0 : i32 to index
    %get3A_0 = arith.constant 0 : index
    %get3A_1 = memref.load %arg1[%get3A, %get3A_0] : memref<40x2xi32, #tpu.memory_space<smem>>
    %get3A_2 = arith.index_cast %arg0 : i32 to index
    %get3A_3 = arith.constant 1 : index
    %get3A_4 = memref.load %arg1[%get3A_2, %get3A_3] : memref<40x2xi32, #tpu.memory_space<smem>>
    %get3A_5 = arith.constant 0 : index
    %get3A_6 = arith.constant 0 : index
    %get3A_7 = vector.load %arg2[%get3A_5, %get3A_6] : memref<256x4xf32, #tpu.memory_space<vmem>>, vector<256x1xf32>
    %get3A_8 = arith.constant 0 : index
    %get3A_9 = arith.constant 1 : index
    %get3A_10 = vector.load %arg2[%get3A_8, %get3A_9] : memref<256x4xf32, #tpu.memory_space<vmem>>, vector<256x1xf32>
    %get3A_11 = arith.constant 0 : index
    %get3A_12 = arith.constant 2 : index
    %get3A_13 = vector.load %arg2[%get3A_11, %get3A_12] : memref<256x4xf32, #tpu.memory_space<vmem>>, vector<256x1xf32>
    %get3A_14 = arith.constant 0 : index
    %get3A_15 = arith.constant 3 : index
    %get3A_16 = vector.load %arg2[%get3A_14, %get3A_15] : memref<256x4xf32, #tpu.memory_space<vmem>>, vector<256x1xf32>
    %mul3A = arith.constant 256 : i32
    %mul3A_17 = arith.muli %arg0, %mul3A : i32
    %iota3A = tpu.iota {dimensions = array<i32: 0>} : vector<256x1xi32>
    %add3A = vector.broadcast %mul3A_17 : i32 to vector<256x1xi32>
    %add3A_18 = arith.addi %add3A, %iota3A : vector<256x1xi32>
    %while3A = arith.constant 0 : i32
    %while3A_19 = arith.constant 1.000000e+00 : f32
    %while3A_20 = arith.constant 3.40282347E+38 : f32
    %while3A_21 = arith.constant 0 : i32
    %while3A_22 = arith.subi %get3A_4, %while3A_21 : i32
    %while3A_23 = arith.addi %while3A_21, %while3A_22 : i32
    %while3A_24 = arith.constant 1 : i32
    %while3A_25 = arith.divsi %while3A_22, %while3A_24 : i32
    %while3A_26 = arith.muli %while3A_25, %while3A_24 : i32
    %while3A_27 = arith.addi %while3A_21, %while3A_26 : i32
    %while3A_28 = arith.constant 1 : i32
    scf.for %while3A_2102 = %while3A_21 to %while3A_27 step %while3A_28  : i32 {
      %mul3A_2103 = arith.constant 1024 : i32
      %mul3A_2104 = arith.muli %while3A_2102, %mul3A_2103 : i32
      %add3A_2105 = arith.addi %get3A_1, %mul3A_2104 : i32
      %multiple_of3A = tpu.assume_multiple %add3A_2105, 1024 : i32
      %get3A_2106 = arith.constant 0 : index
      %get3A_2107 = arith.index_cast %multiple_of3A : i32 to index
      %get3A_2108 = vector.load %arg3[%get3A_2106, %get3A_2107] : memref<8x10240xf32, #tpu.memory_space<vmem>>, vector<1x1024xf32>
      %get3A_2109 = arith.constant 1 : index
      %get3A_2110 = arith.index_cast %multiple_of3A : i32 to index
      %get3A_2111 = vector.load %arg3[%get3A_2109, %get3A_2110] : memref<8x10240xf32, #tpu.memory_space<vmem>>, vector<1x1024xf32>
      %get3A_2112 = arith.constant 2 : index
      %get3A_2113 = arith.index_cast %multiple_of3A : i32 to index
      %get3A_2114 = vector.load %arg3[%get3A_2112, %get3A_2113] : memref<8x10240xf32, #tpu.memory_space<vmem>>, vector<1x1024xf32>
      %get3A_2115 = arith.constant 3 : index
      %get3A_2116 = arith.index_cast %multiple_of3A : i32 to index
      %get3A_2117 = vector.load %arg3[%get3A_2115, %get3A_2116] : memref<8x10240xf32, #tpu.memory_space<vmem>>, vector<1x1024xf32>
      %iota3A_2118 = tpu.iota {dimensions = array<i32: 1>} : vector<1x1024xi32>
      %add3A_2119 = vector.broadcast %multiple_of3A : i32 to vector<1x1024xi32>
      %add3A_2120 = arith.addi %add3A_2119, %iota3A_2118 : vector<1x1024xi32>
      %sub3A = vector.broadcast %get3A_7 : vector<256x1xf32> to vector<256x1024xf32>
      %sub3A_2121 = vector.broadcast %get3A_2108 : vector<1x1024xf32> to vector<256x1024xf32>
      %sub3A_2122 = arith.subf %sub3A, %sub3A_2121 : vector<256x1024xf32>
      %integer_pow3A = arith.mulf %sub3A_2122, %sub3A_2122 : vector<256x1024xf32>
      %sub3A_2123 = vector.broadcast %get3A_10 : vector<256x1xf32> to vector<256x1024xf32>
      %sub3A_2124 = vector.broadcast %get3A_2111 : vector<1x1024xf32> to vector<256x1024xf32>
      %sub3A_2125 = arith.subf %sub3A_2123, %sub3A_2124 : vector<256x1024xf32>
      %integer_pow3A_2126 = arith.mulf %sub3A_2125, %sub3A_2125 : vector<256x1024xf32>
      %add3A_2127 = arith.addf %integer_pow3A, %integer_pow3A_2126 : vector<256x1024xf32>
      %sub3A_2128 = vector.broadcast %get3A_13 : vector<256x1xf32> to vector<256x1024xf32>
      %sub3A_2129 = vector.broadcast %get3A_2114 : vector<1x1024xf32> to vector<256x1024xf32>
      %sub3A_2130 = arith.subf %sub3A_2128, %sub3A_2129 : vector<256x1024xf32>
      %integer_pow3A_2131 = arith.mulf %sub3A_2130, %sub3A_2130 : vector<256x1024xf32>
      %add3A_2132 = arith.addf %add3A_2127, %integer_pow3A_2131 : vector<256x1024xf32>
      %eq3A_2133 = vector.broadcast %get3A_2117 : vector<1x1024xf32> to vector<256x1024xf32>
      %eq3A_2134 = vector.broadcast %get3A_16 : vector<256x1xf32> to vector<256x1024xf32>
      %eq3A_2135 = arith.cmpf oeq, %eq3A_2133, %eq3A_2134 : vector<256x1024xf32>
      %ne3A = vector.broadcast %add3A_2120 : vector<1x1024xi32> to vector<256x1024xi32>
      %ne3A_2136 = vector.broadcast %add3A_18 : vector<256x1xi32> to vector<256x1024xi32>
      %ne3A_2137 = arith.cmpi ne, %ne3A, %ne3A_2136 : vector<256x1024xi32>
      %and3A_2138 = arith.andi %eq3A_2135, %ne3A_2137 : vector<256x1024xi1>
      %le3A = vector.broadcast %while3A_19 : f32 to vector<256x1024xf32>
      %le3A_2139 = arith.cmpf ole, %add3A_2132, %le3A : vector<256x1024xf32>
      %and3A_2140 = arith.andi %and3A_2138, %le3A_2139 : vector<256x1024xi1>
      %iota3A_2141 = tpu.iota {dimensions = array<i32: 1>} : vector<256x1024xi32>
      %bitcast_convert_type3A_2142 = tpu.bitcast %add3A_2132 : vector<256x1024xf32> -> vector<256x1024xi32>
      %and3A_2143 = arith.constant -1024 : i32
      %and3A_2144 = vector.broadcast %and3A_2143 : i32 to vector<256x1024xi32>
      %and3A_2145 = arith.andi %bitcast_convert_type3A_2142, %and3A_2144 : vector<256x1024xi32>
      %or3A = arith.ori %and3A_2145, %iota3A_2141 : vector<256x1024xi32>
      %bitcast_convert_type3A_2146 = tpu.bitcast %or3A : vector<256x1024xi32> -> vector<256x1024xf32>
      %broadcast_in_dim3A_2147 = vector.broadcast %while3A_20 : f32 to vector<256x1024xf32>
      %select_n3A_2148 = arith.select %and3A_2140, %bitcast_convert_type3A_2146, %broadcast_in_dim3A_2147 : vector<256x1024xi1>, vector<256x1024xf32>
      %mul3A_2149 = arith.constant 1024 : i32
      %mul3A_2150 = arith.muli %while3A_2102, %mul3A_2149 : i32
      %multiple_of3A_2151 = tpu.assume_multiple %mul3A_2150, 1024 : i32
      %swap3A_2152 = arith.constant 0 : index
      %swap3A_2153 = arith.index_cast %multiple_of3A_2151 : i32 to index
      %swap3A_2154 = vector.load %arg7[%swap3A_2152, %swap3A_2153] : memref<256x10240xf32, #tpu.memory_space<vmem>>, vector<256x1024xf32>
      tpu.vector_store %arg7[%swap3A_2152, %swap3A_2153], %select_n3A_2148 {strides = array<i32>} : memref<256x10240xf32, #tpu.memory_space<vmem>>, vector<256x1024xf32>,
    }
    %while3A_29 = arith.constant 1 : i32
    scf.for %while3A_2102 = %while3A_27 to %while3A_23 step %while3A_29  : i32 {
      %mul3A_2103 = arith.constant 1024 : i32
      %mul3A_2104 = arith.muli %while3A_2102, %mul3A_2103 : i32
      %add3A_2105 = arith.addi %get3A_1, %mul3A_2104 : i32
      %multiple_of3A = tpu.assume_multiple %add3A_2105, 1024 : i32
      %get3A_2106 = arith.constant 0 : index
      %get3A_2107 = arith.index_cast %multiple_of3A : i32 to index
      %get3A_2108 = vector.load %arg3[%get3A_2106, %get3A_2107] : memref<8x10240xf32, #tpu.memory_space<vmem>>, vector<1x1024xf32>
      %get3A_2109 = arith.constant 1 : index
      %get3A_2110 = arith.index_cast %multiple_of3A : i32 to index
      %get3A_2111 = vector.load %arg3[%get3A_2109, %get3A_2110] : memref<8x10240xf32, #tpu.memory_space<vmem>>, vector<1x1024xf32>
      %get3A_2112 = arith.constant 2 : index
      %get3A_2113 = arith.index_cast %multiple_of3A : i32 to index
      %get3A_2114 = vector.load %arg3[%get3A_2112, %get3A_2113] : memref<8x10240xf32, #tpu.memory_space<vmem>>, vector<1x1024xf32>
      %get3A_2115 = arith.constant 3 : index
      %get3A_2116 = arith.index_cast %multiple_of3A : i32 to index
      %get3A_2117 = vector.load %arg3[%get3A_2115, %get3A_2116] : memref<8x10240xf32, #tpu.memory_space<vmem>>, vector<1x1024xf32>
      %iota3A_2118 = tpu.iota {dimensions = array<i32: 1>} : vector<1x1024xi32>
      %add3A_2119 = vector.broadcast %multiple_of3A : i32 to vector<1x1024xi32>
      %add3A_2120 = arith.addi %add3A_2119, %iota3A_2118 : vector<1x1024xi32>
      %sub3A = vector.broadcast %get3A_7 : vector<256x1xf32> to vector<256x1024xf32>
      %sub3A_2121 = vector.broadcast %get3A_2108 : vector<1x1024xf32> to vector<256x1024xf32>
      %sub3A_2122 = arith.subf %sub3A, %sub3A_2121 : vector<256x1024xf32>
      %integer_pow3A = arith.mulf %sub3A_2122, %sub3A_2122 : vector<256x1024xf32>
      %sub3A_2123 = vector.broadcast %get3A_10 : vector<256x1xf32> to vector<256x1024xf32>
      %sub3A_2124 = vector.broadcast %get3A_2111 : vector<1x1024xf32> to vector<256x1024xf32>
      %sub3A_2125 = arith.subf %sub3A_2123, %sub3A_2124 : vector<256x1024xf32>
      %integer_pow3A_2126 = arith.mulf %sub3A_2125, %sub3A_2125 : vector<256x1024xf32>
      %add3A_2127 = arith.addf %integer_pow3A, %integer_pow3A_2126 : vector<256x1024xf32>
      %sub3A_2128 = vector.broadcast %get3A_13 : vector<256x1xf32> to vector<256x1024xf32>
      %sub3A_2129 = vector.broadcast %get3A_2114 : vector<1x1024xf32> to vector<256x1024xf32>
      %sub3A_2130 = arith.subf %sub3A_2128, %sub3A_2129 : vector<256x1024xf32>
      %integer_pow3A_2131 = arith.mulf %sub3A_2130, %sub3A_2130 : vector<256x1024xf32>
      %add3A_2132 = arith.addf %add3A_2127, %integer_pow3A_2131 : vector<256x1024xf32>
      %eq3A_2133 = vector.broadcast %get3A_2117 : vector<1x1024xf32> to vector<256x1024xf32>
      %eq3A_2134 = vector.broadcast %get3A_16 : vector<256x1xf32> to vector<256x1024xf32>
      %eq3A_2135 = arith.cmpf oeq, %eq3A_2133, %eq3A_2134 : vector<256x1024xf32>
      %ne3A = vector.broadcast %add3A_2120 : vector<1x1024xi32> to vector<256x1024xi32>
      %ne3A_2136 = vector.broadcast %add3A_18 : vector<256x1xi32> to vector<256x1024xi32>
      %ne3A_2137 = arith.cmpi ne, %ne3A, %ne3A_2136 : vector<256x1024xi32>
      %and3A_2138 = arith.andi %eq3A_2135, %ne3A_2137 : vector<256x1024xi1>
      %le3A = vector.broadcast %while3A_19 : f32 to vector<256x1024xf32>
      %le3A_2139 = arith.cmpf ole, %add3A_2132, %le3A : vector<256x1024xf32>
      %and3A_2140 = arith.andi %and3A_2138, %le3A_2139 : vector<256x1024xi1>
      %iota3A_2141 = tpu.iota {dimensions = array<i32: 1>} : vector<256x1024xi32>
      %bitcast_convert_type3A_2142 = tpu.bitcast %add3A_2132 : vector<256x1024xf32> -> vector<256x1024xi32>
      %and3A_2143 = arith.constant -1024 : i32
      %and3A_2144 = vector.broadcast %and3A_2143 : i32 to vector<256x1024xi32>
      %and3A_2145 = arith.andi %bitcast_convert_type3A_2142, %and3A_2144 : vector<256x1024xi32>
      %or3A = arith.ori %and3A_2145, %iota3A_2141 : vector<256x1024xi32>
      %bitcast_convert_type3A_2146 = tpu.bitcast %or3A : vector<256x1024xi32> -> vector<256x1024xf32>
      %broadcast_in_dim3A_2147 = vector.broadcast %while3A_20 : f32 to vector<256x1024xf32>
      %select_n3A_2148 = arith.select %and3A_2140, %bitcast_convert_type3A_2146, %broadcast_in_dim3A_2147 : vector<256x1024xi1>, vector<256x1024xf32>
      %mul3A_2149 = arith.constant 1024 : i32
      %mul3A_2150 = arith.muli %while3A_2102, %mul3A_2149 : i32
      %multiple_of3A_2151 = tpu.assume_multiple %mul3A_2150, 1024 : i32
      %swap3A_2152 = arith.constant 0 : index
      %swap3A_2153 = arith.index_cast %multiple_of3A_2151 : i32 to index
      %swap3A_2154 = vector.load %arg7[%swap3A_2152, %swap3A_2153] : memref<256x10240xf32, #tpu.memory_space<vmem>>, vector<256x1024xf32>
      tpu.vector_store %arg7[%swap3A_2152, %swap3A_2153], %select_n3A_2148 {strides = array<i32>} : memref<256x10240xf32, #tpu.memory_space<vmem>>, vector<256x1024xf32>,
    }
    %broadcast_in_dim3A = arith.constant -1.000000e+00 : f32
    %broadcast_in_dim3A_30 = vector.broadcast %broadcast_in_dim3A : f32 to vector<256x1xf32>
    %eq3A = arith.constant 3.40282347E+38 : f32
    %eq3A_31 = vector.broadcast %eq3A : f32 to vector<256x1xf32>
    %eq3A_32 = arith.cmpf oeq, %broadcast_in_dim3A_30, %eq3A_31 : vector<256x1xf32>
    %reduce_and3A = arith.constant 1.000000e+00 : f32
    %reduce_and3A_33 = arith.constant 0.000000e+00 : f32
    %reduce_and3A_34 = vector.broadcast %reduce_and3A : f32 to vector<256x1xf32>
    %reduce_and3A_35 = vector.broadcast %reduce_and3A_33 : f32 to vector<256x1xf32>
    %reduce_and3A_36 = arith.select %eq3A_32, %reduce_and3A_34, %reduce_and3A_35 : vector<256x1xi1>, vector<256x1xf32>
    %reduce_and3A_37 = vector.shape_cast %reduce_and3A_36 : vector<256x1xf32> to vector<1x256x1xf32>
    %reduce_and3A_38 = arith.constant dense<0x7F800000> : vector<1xf32>
    %reduce_and3A_39 = vector.multi_reduction <minimumf>, %reduce_and3A_37, %reduce_and3A_38 [1, 2] : vector<1x256x1xf32> to vector<1xf32>
    %reduce_and3A_40 = vector.shape_cast %reduce_and3A_39 : vector<1xf32> to vector<1x1x1xf32>
    %reduce_and3A_41 = vector.extract %reduce_and3A_40[0, 0, 0] : f32 from vector<1x1x1xf32>
    %reduce_and3A_42 = arith.constant 0.000000e+00 : f32
    %reduce_and3A_43 = arith.cmpf ogt, %reduce_and3A_41, %reduce_and3A_42 : f32
    %jit3A = arith.constant 0 : i32
    %select_n3A = arith.select %reduce_and3A_43, %jit3A, %get3A_4 : i32
    %broadcast_in_dim3A_44 = arith.constant 3.40282347E+38 : f32
    %broadcast_in_dim3A_45 = vector.broadcast %broadcast_in_dim3A_44 : f32 to vector<256x1xf32>
    %broadcast_in_dim3A_46 = arith.constant 0 : i32
    %broadcast_in_dim3A_47 = vector.broadcast %broadcast_in_dim3A_46 : i32 to vector<256x1xi32>
    %while3A_48 = arith.constant 3.40282347E+38 : f32
    %while3A_49 = arith.constant 0 : i32
    %while3A_50 = arith.subi %select_n3A, %while3A_49 : i32
    %while3A_51 = arith.addi %while3A_49, %while3A_50 : i32
    %while3A_52 = arith.constant 1 : i32
    %while3A_53 = arith.divsi %while3A_50, %while3A_52 : i32
    %while3A_54 = arith.muli %while3A_53, %while3A_52 : i32
    %while3A_55 = arith.addi %while3A_49, %while3A_54 : i32
    %while3A_56 = arith.constant 1 : i32
    %while3A_57:2 = scf.for %while3A_2102 = %while3A_49 to %while3A_55 step %while3A_56 iter_args(%while3A_2103 = %broadcast_in_dim3A_45, %while3A_2104 = %broadcast_in_dim3A_47) -> (vector<256x1xf32>, vector<256x1xi32>)  : i32 {
      %mul3A_2105 = arith.constant 1024 : i32
      %mul3A_2106 = arith.muli %while3A_2102, %mul3A_2105 : i32
      %multiple_of3A = tpu.assume_multiple %mul3A_2106, 1024 : i32
      %get3A_2107 = arith.constant 0 : index
      %get3A_2108 = arith.index_cast %multiple_of3A : i32 to index
      %get3A_2109 = vector.load %arg7[%get3A_2107, %get3A_2108] : memref<256x10240xf32, #tpu.memory_space<vmem>>, vector<256x1024xf32>
      %gt3A = vector.broadcast %broadcast_in_dim3A_30 : vector<256x1xf32> to vector<256x1024xf32>
      %gt3A_2110 = arith.cmpf ogt, %get3A_2109, %gt3A : vector<256x1024xf32>
      %broadcast_in_dim3A_2111 = vector.broadcast %while3A_48 : f32 to vector<256x1024xf32>
      %select_n3A_2112 = arith.select %gt3A_2110, %get3A_2109, %broadcast_in_dim3A_2111 : vector<256x1024xi1>, vector<256x1024xf32>
      %reduce_min3A = arith.constant dense<0x7F800000> : vector<256xf32>
      %reduce_min3A_2113 = vector.multi_reduction <minimumf>, %select_n3A_2112, %reduce_min3A [1] : vector<256x1024xf32> to vector<256xf32>
      %broadcast_in_dim3A_2114 = vector.shape_cast %reduce_min3A_2113 : vector<256xf32> to vector<256x1xf32>
      %lt3A_2115 = arith.cmpf olt, %broadcast_in_dim3A_2114, %while3A_2103 : vector<256x1xf32>
      %min3A = arith.minimumf %broadcast_in_dim3A_2114, %while3A_2103 : vector<256x1xf32>
      %broadcast_in_dim3A_2116 = vector.broadcast %while3A_2102 : i32 to vector<256x1xi32>
      %select_n3A_2117 = arith.select %lt3A_2115, %broadcast_in_dim3A_2116, %while3A_2104 : vector<256x1xi1>, vector<256x1xi32>
      scf.yield %min3A, %select_n3A_2117 : vector<256x1xf32>, vector<256x1xi32>
    }
    %while3A_58 = arith.constant 1 : i32
    %while3A_59:2 = scf.for %while3A_2102 = %while3A_55 to %while3A_51 step %while3A_58 iter_args(%while3A_2103 = %while3A_57#0, %while3A_2104 = %while3A_57#1) -> (vector<256x1xf32>, vector<256x1xi32>)  : i32 {
      %mul3A_2105 = arith.constant 1024 : i32
      %mul3A_2106 = arith.muli %while3A_2102, %mul3A_2105 : i32
      %multiple_of3A = tpu.assume_multiple %mul3A_2106, 1024 : i32
      %get3A_2107 = arith.constant 0 : index
      %get3A_2108 = arith.index_cast %multiple_of3A : i32 to index
      %get3A_2109 = vector.load %arg7[%get3A_2107, %get3A_2108] : memref<256x10240xf32, #tpu.memory_space<vmem>>, vector<256x1024xf32>
      %gt3A = vector.broadcast %broadcast_in_dim3A_30 : vector<256x1xf32> to vector<256x1024xf32>
      %gt3A_2110 = arith.cmpf ogt, %get3A_2109, %gt3A : vector<256x1024xf32>
      %broadcast_in_dim3A_2111 = vector.broadcast %while3A_48 : f32 to vector<256x1024xf32>
      %select_n3A_2112 = arith.select %gt3A_2110, %get3A_2109, %broadcast_in_dim3A_2111 : vector<256x1024xi1>, vector<256x1024xf32>
      %reduce_min3A = arith.constant dense<0x7F800000> : vector<256xf32>
      %reduce_min3A_2113 = vector.multi_reduction <minimumf>, %select_n3A_2112, %reduce_min3A [1] : vector<256x1024xf32> to vector<256xf32>
      %broadcast_in_dim3A_2114 = vector.shape_cast %reduce_min3A_2113 : vector<256xf32> to vector<256x1xf32>
      %lt3A_2115 = arith.cmpf olt, %broadcast_in_dim3A_2114, %while3A_2103 : vector<256x1xf32>
      %min3A = arith.minimumf %broadcast_in_dim3A_2114, %while3A_2103 : vector<256x1xf32>
      %broadcast_in_dim3A_2116 = vector.broadcast %while3A_2102 : i32 to vector<256x1xi32>
      %select_n3A_2117 = arith.select %lt3A_2115, %broadcast_in_dim3A_2116, %while3A_2104 : vector<256x1xi1>, vector<256x1xi32>
      scf.yield %min3A, %select_n3A_2117 : vector<256x1xf32>, vector<256x1xi32>
    }
    %lt3A = arith.constant 3.40282347E+38 : f32
    %lt3A_60 = vector.broadcast %lt3A : f32 to vector<256x1xf32>
    %lt3A_61 = arith.cmpf olt, %while3A_59#0, %lt3A_60 : vector<256x1xf32>
    %bitcast_convert_type3A = tpu.bitcast %while3A_59#0 : vector<256x1xf32> -> vector<256x1xi32>
    %mul3A_62 = arith.constant 1024 : i32
    %mul3A_63 = vector.broadcast %mul3A_62 : i32 to vector<256x1xi32>
    %mul3A_64 = arith.muli %while3A_59#1, %mul3A_63 : vector<256x1xi32>
    %add3A_65 = vector.broadcast %get3A_1 : i32 to vector<256x1xi32>
    %add3A_66 = arith.addi %add3A_65, %mul3A_64 : vector<256x1xi32>
    %and3A = arith.constant 1023 : i32
    %and3A_67 = vector.broadcast %and3A : i32 to vector<256x1xi32>
    %and3A_68 = arith.andi %bitcast_convert_type3A, %and3A_67 : vector<256x1xi32>
    %add3A_69 = arith.addi %add3A_66, %and3A_68 : vector<256x1xi32>
    %and3A_70 = arith.constant -1024 : i32
    %and3A_71 = vector.broadcast %and3A_70 : i32 to vector<256x1xi32>
    %and3A_72 = arith.andi %bitcast_convert_type3A, %and3A_71 : vector<256x1xi32>
    %bitcast_convert_type3A_73 = tpu.bitcast %and3A_72 : vector<256x1xi32> -> vector<256x1xf32>
    %select_n3A_74 = arith.select %lt3A_61, %add3A_69, %add3A_18 : vector<256x1xi1>, vector<256x1xi32>
    %swap3A = arith.constant 0 : index
    %swap3A_75 = arith.constant 0 : index
    %swap3A_76 = vector.load %arg4[%swap3A, %swap3A_75] : memref<256x32xi32, #tpu.memory_space<vmem>>, vector<256x1xi32>
    tpu.vector_store %arg4[%swap3A, %swap3A_75], %select_n3A_74 {strides = array<i32>} : memref<256x32xi32, #tpu.memory_space<vmem>>, vector<256x1xi32>,
    %jit3A_77 = arith.constant 0.000000e+00 : f32
    %broadcast_in_dim3A_78 = vector.broadcast %jit3A_77 : f32 to vector<256x1xf32>
    %select_n3A_79 = arith.select %lt3A_61, %bitcast_convert_type3A_73, %broadcast_in_dim3A_78 : vector<256x1xi1>, vector<256x1xf32>
    %swap3A_80 = arith.constant 0 : index
    %swap3A_81 = arith.constant 0 : index
    %swap3A_82 = vector.load %arg5[%swap3A_80, %swap3A_81] : memref<256x32xf32, #tpu.memory_space<vmem>>, vector<256x1xf32>
    tpu.vector_store %arg5[%swap3A_80, %swap3A_81], %select_n3A_79 {strides = array<i32>} : memref<256x32xf32, #tpu.memory_space<vmem>>, vector<256x1xf32>,
    %convert_element_type3A = arith.extui %lt3A_61 : vector<256x1xi1> to vector<256x1xi32>
    %convert_element_type3A_83 = arith.sitofp %convert_element_type3A : vector<256x1xi32> to vector<256x1xf32>
    %swap3A_84 = arith.constant 0 : index
    %swap3A_85 = arith.constant 0 : index
    %swap3A_86 = vector.load %arg6[%swap3A_84, %swap3A_85] : memref<256x32xf32, #tpu.memory_space<vmem>>, vector<256x1xf32>
    tpu.vector_store %arg6[%swap3A_84, %swap3A_85], %convert_element_type3A_83 {strides = array<i32>} : memref<256x32xf32, #tpu.memory_space<vmem>>, vector<256x1xf32>,
    %eq3A_87 = arith.constant 3.40282347E+38 : f32
    %eq3A_88 = vector.broadcast %eq3A_87 : f32 to vector<256x1xf32>
    %eq3A_89 = arith.cmpf oeq, %while3A_59#0, %eq3A_88 : vector<256x1xf32>
    %reduce_and3A_90 = arith.constant 1.000000e+00 : f32
    %reduce_and3A_91 = arith.constant 0.000000e+00 : f32
    %reduce_and3A_92 = vector.broadcast %reduce_and3A_90 : f32 to vector<256x1xf32>
    %reduce_and3A_93 = vector.broadcast %reduce_and3A_91 : f32 to vector<256x1xf32>
    %reduce_and3A_94 = arith.select %eq3A_89, %reduce_and3A_92, %reduce_and3A_93 : vector<256x1xi1>, vector<256x1xf32>
    %reduce_and3A_95 = vector.shape_cast %reduce_and3A_94 : vector<256x1xf32> to vector<1x256x1xf32>
    %reduce_and3A_96 = arith.constant dense<0x7F800000> : vector<1xf32>
    %reduce_and3A_97 = vector.multi_reduction <minimumf>, %reduce_and3A_95, %reduce_and3A_96 [1, 2] : vector<1x256x1xf32> to vector<1xf32>
    %reduce_and3A_98 = vector.shape_cast %reduce_and3A_97 : vector<1xf32> to vector<1x1x1xf32>
    %reduce_and3A_99 = vector.extract %reduce_and3A_98[0, 0, 0] : f32 from vector<1x1x1xf32>
    %reduce_and3A_100 = arith.constant 0.000000e+00 : f32
    %reduce_and3A_101 = arith.cmpf ogt, %reduce_and3A_99, %reduce_and3A_100 : f32
    %jit3A_102 = arith.constant 0 : i32
    %select_n3A_103 = arith.select %reduce_and3A_101, %jit3A_102, %get3A_4 : i32
    %broadcast_in_dim3A_104 = arith.constant 3.40282347E+38 : f32
    %broadcast_in_dim3A_105 = vector.broadcast %broadcast_in_dim3A_104 : f32 to vector<256x1xf32>
    %broadcast_in_dim3A_106 = arith.constant 0 : i32
    %broadcast_in_dim3A_107 = vector.broadcast %broadcast_in_dim3A_106 : i32 to vector<256x1xi32>
    %while3A_108 = arith.constant 3.40282347E+38 : f32
    %while3A_109 = arith.constant 0 : i32
    %while3A_110 = arith.subi %select_n3A_103, %while3A_109 : i32
    %while3A_111 = arith.addi %while3A_109, %while3A_110 : i32
    %while3A_112 = arith.constant 1 : i32
    %while3A_113 = arith.divsi %while3A_110, %while3A_112 : i32
    %while3A_114 = arith.muli %while3A_113, %while3A_112 : i32
    %while3A_115 = arith.addi %while3A_109, %while3A_114 : i32
    %while3A_116 = arith.constant 1 : i32
    %while3A_117:2 = scf.for %while3A_2102 = %while3A_109 to %while3A_115 step %while3A_116 iter_args(%while3A_2103 = %broadcast_in_dim3A_105, %while3A_2104 = %broadcast_in_dim3A_107) -> (vector<256x1xf32>, vector<256x1xi32>)  : i32 {
      %mul3A_2105 = arith.constant 1024 : i32
      %mul3A_2106 = arith.muli %while3A_2102, %mul3A_2105 : i32
      %multiple_of3A = tpu.assume_multiple %mul3A_2106, 1024 : i32
      %get3A_2107 = arith.constant 0 : index
      %get3A_2108 = arith.index_cast %multiple_of3A : i32 to index
      %get3A_2109 = vector.load %arg7[%get3A_2107, %get3A_2108] : memref<256x10240xf32, #tpu.memory_space<vmem>>, vector<256x1024xf32>
      %gt3A = vector.broadcast %while3A_59#0 : vector<256x1xf32> to vector<256x1024xf32>
      %gt3A_2110 = arith.cmpf ogt, %get3A_2109, %gt3A : vector<256x1024xf32>
      %broadcast_in_dim3A_2111 = vector.broadcast %while3A_108 : f32 to vector<256x1024xf32>
      %select_n3A_2112 = arith.select %gt3A_2110, %get3A_2109, %broadcast_in_dim3A_2111 : vector<256x1024xi1>, vector<256x1024xf32>
      %reduce_min3A = arith.constant dense<0x7F800000> : vector<256xf32>
      %reduce_min3A_2113 = vector.multi_reduction <minimumf>, %select_n3A_2112, %reduce_min3A [1] : vector<256x1024xf32> to vector<256xf32>
      %broadcast_in_dim3A_2114 = vector.shape_cast %reduce_min3A_2113 : vector<256xf32> to vector<256x1xf32>
      %lt3A_2115 = arith.cmpf olt, %broadcast_in_dim3A_2114, %while3A_2103 : vector<256x1xf32>
      %min3A = arith.minimumf %broadcast_in_dim3A_2114, %while3A_2103 : vector<256x1xf32>
      %broadcast_in_dim3A_2116 = vector.broadcast %while3A_2102 : i32 to vector<256x1xi32>
      %select_n3A_2117 = arith.select %lt3A_2115, %broadcast_in_dim3A_2116, %while3A_2104 : vector<256x1xi1>, vector<256x1xi32>
      scf.yield %min3A, %select_n3A_2117 : vector<256x1xf32>, vector<256x1xi32>
    }
    %while3A_118 = arith.constant 1 : i32
    %while3A_119:2 = scf.for %while3A_2102 = %while3A_115 to %while3A_111 step %while3A_118 iter_args(%while3A_2103 = %while3A_117#0, %while3A_2104 = %while3A_117#1) -> (vector<256x1xf32>, vector<256x1xi32>)  : i32 {
      %mul3A_2105 = arith.constant 1024 : i32
      %mul3A_2106 = arith.muli %while3A_2102, %mul3A_2105 : i32
      %multiple_of3A = tpu.assume_multiple %mul3A_2106, 1024 : i32
      %get3A_2107 = arith.constant 0 : index
      %get3A_2108 = arith.index_cast %multiple_of3A : i32 to index
      %get3A_2109 = vector.load %arg7[%get3A_2107, %get3A_2108] : memref<256x10240xf32, #tpu.memory_space<vmem>>, vector<256x1024xf32>
      %gt3A = vector.broadcast %while3A_59#0 : vector<256x1xf32> to vector<256x1024xf32>
      %gt3A_2110 = arith.cmpf ogt, %get3A_2109, %gt3A : vector<256x1024xf32>
      %broadcast_in_dim3A_2111 = vector.broadcast %while3A_108 : f32 to vector<256x1024xf32>
      %select_n3A_2112 = arith.select %gt3A_2110, %get3A_2109, %broadcast_in_dim3A_2111 : vector<256x1024xi1>, vector<256x1024xf32>
      %reduce_min3A = arith.constant dense<0x7F800000> : vector<256xf32>
      %reduce_min3A_2113 = vector.multi_reduction <minimumf>, %select_n3A_2112, %reduce_min3A [1] : vector<256x1024xf32> to vector<256xf32>
      %broadcast_in_dim3A_2114 = vector.shape_cast %reduce_min3A_2113 : vector<256xf32> to vector<256x1xf32>
      %lt3A_2115 = arith.cmpf olt, %broadcast_in_dim3A_2114, %while3A_2103 : vector<256x1xf32>
      %min3A = arith.minimumf %broadcast_in_dim3A_2114, %while3A_2103 : vector<256x1xf32>
      %broadcast_in_dim3A_2116 = vector.broadcast %while3A_2102 : i32 to vector<256x1xi32>
      %select_n3A_2117 = arith.select %lt3A_2115, %broadcast_in_dim3A_2116, %while3A_2104 : vector<256x1xi1>, vector<256x1xi32>
      scf.yield %min3A, %select_n3A_2117 : vector<256x1xf32>, vector<256x1xi32>
    }
    %lt3A_120 = arith.constant 3.40282347E+38 : f32
    %lt3A_121 = vector.broadcast %lt3A_120 : f32 to vector<256x1xf32>
    %lt3A_122 = arith.cmpf olt, %while3A_119#0, %lt3A_121 : vector<256x1xf32>
    %bitcast_convert_type3A_123 = tpu.bitcast %while3A_119#0 : vector<256x1xf32> -> vector<256x1xi32>
    %mul3A_124 = arith.constant 1024 : i32
    %mul3A_125 = vector.broadcast %mul3A_124 : i32 to vector<256x1xi32>
    %mul3A_126 = arith.muli %while3A_119#1, %mul3A_125 : vector<256x1xi32>
    %add3A_127 = vector.broadcast %get3A_1 : i32 to vector<256x1xi32>
    %add3A_128 = arith.addi %add3A_127, %mul3A_126 : vector<256x1xi32>
    %and3A_129 = arith.constant 1023 : i32
    %and3A_130 = vector.broadcast %and3A_129 : i32 to vector<256x1xi32>
    %and3A_131 = arith.andi %bitcast_convert_type3A_123, %and3A_130 : vector<256x1xi32>
    %add3A_132 = arith.addi %add3A_128, %and3A_131 : vector<256x1xi32>
    %and3A_133 = arith.constant -1024 : i32
    %and3A_134 = vector.broadcast %and3A_133 : i32 to vector<256x1xi32>
    %and3A_135 = arith.andi %bitcast_convert_type3A_123, %and3A_134 : vector<256x1xi32>
    %bitcast_convert_type3A_136 = tpu.bitcast %and3A_135 : vector<256x1xi32> -> vector<256x1xf32>
    %select_n3A_137 = arith.select %lt3A_122, %add3A_132, %add3A_18 : vector<256x1xi1>, vector<256x1xi32>
    %swap3A_138 = arith.constant 0 : index
    %swap3A_139 = arith.constant 1 : index
    %swap3A_140 = vector.load %arg4[%swap3A_138, %swap3A_139] : memref<256x32xi32, #tpu.memory_space<vmem>>, vector<256x1xi32>
    tpu.vector_store %arg4[%swap3A_138, %swap3A_139], %select_n3A_137 {strides = array<i32>} : memref<256x32xi32, #tpu.memory_space<vmem>>, vector<256x1xi32>,
    %jit3A_141 = arith.constant 0.000000e+00 : f32
    %broadcast_in_dim3A_142 = vector.broadcast %jit3A_141 : f32 to vector<256x1xf32>
    %select_n3A_143 = arith.select %lt3A_122, %bitcast_convert_type3A_136, %broadcast_in_dim3A_142 : vector<256x1xi1>, vector<256x1xf32>
    %swap3A_144 = arith.constant 0 : index
    %swap3A_145 = arith.constant 1 : index
    %swap3A_146 = vector.load %arg5[%swap3A_144, %swap3A_145] : memref<256x32xf32, #tpu.memory_space<vmem>>, vector<256x1xf32>
    tpu.vector_store %arg5[%swap3A_144, %swap3A_145], %select_n3A_143 {strides = array<i32>} : memref<256x32xf32, #tpu.memory_space<vmem>>, vector<256x1xf32>,
    %convert_element_type3A_147 = arith.extui %lt3A_122 : vector<256x1xi1> to vector<256x1xi32>
    %convert_element_type3A_148 = arith.sitofp %convert_element_type3A_147 : vector<256x1xi32> to vector<256x1xf32>
    %swap3A_149 = arith.constant 0 : index
    %swap3A_150 = arith.constant 1 : index
    %swap3A_151 = vector.load %arg6[%swap3A_149, %swap3A_150] : memref<256x32xf32, #tpu.memory_space<vmem>>, vector<256x1xf32>
    tpu.vector_store %arg6[%swap3A_149, %swap3A_150], %convert_element_type3A_148 {strides = array<i32>} : memref<256x32xf32, #tpu.memory_space<vmem>>, vector<256x1xf32>,
    %eq3A_152 = arith.constant 3.40282347E+38 : f32
    %eq3A_153 = vector.broadcast %eq3A_152 : f32 to vector<256x1xf32>
    %eq3A_154 = arith.cmpf oeq, %while3A_119#0, %eq3A_153 : vector<256x1xf32>
    %reduce_and3A_155 = arith.constant 1.000000e+00 : f32
    %reduce_and3A_156 = arith.constant 0.000000e+00 : f32
    %reduce_and3A_157 = vector.broadcast %reduce_and3A_155 : f32 to vector<256x1xf32>
    %reduce_and3A_158 = vector.broadcast %reduce_and3A_156 : f32 to vector<256x1xf32>
    %reduce_and3A_159 = arith.select %eq3A_154, %reduce_and3A_157, %reduce_and3A_158 : vector<256x1xi1>, vector<256x1xf32>
    %reduce_and3A_160 = vector.shape_cast %reduce_and3A_159 : vector<256x1xf32> to vector<1x256x1xf32>
    %reduce_and3A_161 = arith.constant dense<0x7F800000> : vector<1xf32>
    %reduce_and3A_162 = vector.multi_reduction <minimumf>, %reduce_and3A_160, %reduce_and3A_161 [1, 2] : vector<1x256x1xf32> to vector<1xf32>
    %reduce_and3A_163 = vector.shape_cast %reduce_and3A_162 : vector<1xf32> to vector<1x1x1xf32>
    %reduce_and3A_164 = vector.extract %reduce_and3A_163[0, 0, 0] : f32 from vector<1x1x1xf32>
    %reduce_and3A_165 = arith.constant 0.000000e+00 : f32
    %reduce_and3A_166 = arith.cmpf ogt, %reduce_and3A_164, %reduce_and3A_165 : f32
    %jit3A_167 = arith.constant 0 : i32
    %select_n3A_168 = arith.select %reduce_and3A_166, %jit3A_167, %get3A_4 : i32
    %broadcast_in_dim3A_169 = arith.constant 3.40282347E+38 : f32
    %broadcast_in_dim3A_170 = vector.broadcast %broadcast_in_dim3A_169 : f32 to vector<256x1xf32>
    %broadcast_in_dim3A_171 = arith.constant 0 : i32
    %broadcast_in_dim3A_172 = vector.broadcast %broadcast_in_dim3A_171 : i32 to vector<256x1xi32>
    %while3A_173 = arith.constant 3.40282347E+38 : f32
    %while3A_174 = arith.constant 0 : i32
    %while3A_175 = arith.subi %select_n3A_168, %while3A_174 : i32
    %while3A_176 = arith.addi %while3A_174, %while3A_175 : i32
    %while3A_177 = arith.constant 1 : i32
    %while3A_178 = arith.divsi %while3A_175, %while3A_177 : i32
    %while3A_179 = arith.muli %while3A_178, %while3A_177 : i32
    %while3A_180 = arith.addi %while3A_174, %while3A_179 : i32
    %while3A_181 = arith.constant 1 : i32
    %while3A_182:2 = scf.for %while3A_2102 = %while3A_174 to %while3A_180 step %while3A_181 iter_args(%while3A_2103 = %broadcast_in_dim3A_170, %while3A_2104 = %broadcast_in_dim3A_172) -> (vector<256x1xf32>, vector<256x1xi32>)  : i32 {
      %mul3A_2105 = arith.constant 1024 : i32
      %mul3A_2106 = arith.muli %while3A_2102, %mul3A_2105 : i32
      %multiple_of3A = tpu.assume_multiple %mul3A_2106, 1024 : i32
      %get3A_2107 = arith.constant 0 : index
      %get3A_2108 = arith.index_cast %multiple_of3A : i32 to index
      %get3A_2109 = vector.load %arg7[%get3A_2107, %get3A_2108] : memref<256x10240xf32, #tpu.memory_space<vmem>>, vector<256x1024xf32>
      %gt3A = vector.broadcast %while3A_119#0 : vector<256x1xf32> to vector<256x1024xf32>
      %gt3A_2110 = arith.cmpf ogt, %get3A_2109, %gt3A : vector<256x1024xf32>
      %broadcast_in_dim3A_2111 = vector.broadcast %while3A_173 : f32 to vector<256x1024xf32>
      %select_n3A_2112 = arith.select %gt3A_2110, %get3A_2109, %broadcast_in_dim3A_2111 : vector<256x1024xi1>, vector<256x1024xf32>
      %reduce_min3A = arith.constant dense<0x7F800000> : vector<256xf32>
      %reduce_min3A_2113 = vector.multi_reduction <minimumf>, %select_n3A_2112, %reduce_min3A [1] : vector<256x1024xf32> to vector<256xf32>
      %broadcast_in_dim3A_2114 = vector.shape_cast %reduce_min3A_2113 : vector<256xf32> to vector<256x1xf32>
      %lt3A_2115 = arith.cmpf olt, %broadcast_in_dim3A_2114, %while3A_2103 : vector<256x1xf32>
      %min3A = arith.minimumf %broadcast_in_dim3A_2114, %while3A_2103 : vector<256x1xf32>
      %broadcast_in_dim3A_2116 = vector.broadcast %while3A_2102 : i32 to vector<256x1xi32>
      %select_n3A_2117 = arith.select %lt3A_2115, %broadcast_in_dim3A_2116, %while3A_2104 : vector<256x1xi1>, vector<256x1xi32>
      scf.yield %min3A, %select_n3A_2117 : vector<256x1xf32>, vector<256x1xi32>
    }
    %while3A_183 = arith.constant 1 : i32
    %while3A_184:2 = scf.for %while3A_2102 = %while3A_180 to %while3A_176 step %while3A_183 iter_args(%while3A_2103 = %while3A_182#0, %while3A_2104 = %while3A_182#1) -> (vector<256x1xf32>, vector<256x1xi32>)  : i32 {
      %mul3A_2105 = arith.constant 1024 : i32
      %mul3A_2106 = arith.muli %while3A_2102, %mul3A_2105 : i32
      %multiple_of3A = tpu.assume_multiple %mul3A_2106, 1024 : i32
      %get3A_2107 = arith.constant 0 : index
      %get3A_2108 = arith.index_cast %multiple_of3A : i32 to index
      %get3A_2109 = vector.load %arg7[%get3A_2107, %get3A_2108] : memref<256x10240xf32, #tpu.memory_space<vmem>>, vector<256x1024xf32>
      %gt3A = vector.broadcast %while3A_119#0 : vector<256x1xf32> to vector<256x1024xf32>
      %gt3A_2110 = arith.cmpf ogt, %get3A_2109, %gt3A : vector<256x1024xf32>
      %broadcast_in_dim3A_2111 = vector.broadcast %while3A_173 : f32 to vector<256x1024xf32>
      %select_n3A_2112 = arith.select %gt3A_2110, %get3A_2109, %broadcast_in_dim3A_2111 : vector<256x1024xi1>, vector<256x1024xf32>
      %reduce_min3A = arith.constant dense<0x7F800000> : vector<256xf32>
      %reduce_min3A_2113 = vector.multi_reduction <minimumf>, %select_n3A_2112, %reduce_min3A [1] : vector<256x1024xf32> to vector<256xf32>
      %broadcast_in_dim3A_2114 = vector.shape_cast %reduce_min3A_2113 : vector<256xf32> to vector<256x1xf32>
      %lt3A_2115 = arith.cmpf olt, %broadcast_in_dim3A_2114, %while3A_2103 : vector<256x1xf32>
      %min3A = arith.minimumf %broadcast_in_dim3A_2114, %while3A_2103 : vector<256x1xf32>
      %broadcast_in_dim3A_2116 = vector.broadcast %while3A_2102 : i32 to vector<256x1xi32>
      %select_n3A_2117 = arith.select %lt3A_2115, %broadcast_in_dim3A_2116, %while3A_2104 : vector<256x1xi1>, vector<256x1xi32>
      scf.yield %min3A, %select_n3A_2117 : vector<256x1xf32>, vector<256x1xi32>
    }
    %lt3A_185 = arith.constant 3.40282347E+38 : f32
    %lt3A_186 = vector.broadcast %lt3A_185 : f32 to vector<256x1xf32>
    %lt3A_187 = arith.cmpf olt, %while3A_184#0, %lt3A_186 : vector<256x1xf32>
    %bitcast_convert_type3A_188 = tpu.bitcast %while3A_184#0 : vector<256x1xf32> -> vector<256x1xi32>
    %mul3A_189 = arith.constant 1024 : i32
    %mul3A_190 = vector.broadcast %mul3A_189 : i32 to vector<256x1xi32>
    %mul3A_191 = arith.muli %while3A_184#1, %mul3A_190 : vector<256x1xi32>
    %add3A_192 = vector.broadcast %get3A_1 : i32 to vector<256x1xi32>
    %add3A_193 = arith.addi %add3A_192, %mul3A_191 : vector<256x1xi32>
    %and3A_194 = arith.constant 1023 : i32
    %and3A_195 = vector.broadcast %and3A_194 : i32 to vector<256x1xi32>
    %and3A_196 = arith.andi %bitcast_convert_type3A_188, %and3A_195 : vector<256x1xi32>
    %add3A_197 = arith.addi %add3A_193, %and3A_196 : vector<256x1xi32>
    %and3A_198 = arith.constant -1024 : i32
    %and3A_199 = vector.broadcast %and3A_198 : i32 to vector<256x1xi32>
    %and3A_200 = arith.andi %bitcast_convert_type3A_188, %and3A_199 : vector<256x1xi32>
    %bitcast_convert_type3A_201 = tpu.bitcast %and3A_200 : vector<256x1xi32> -> vector<256x1xf32>
    %select_n3A_202 = arith.select %lt3A_187, %add3A_197, %add3A_18 : vector<256x1xi1>, vector<256x1xi32>
    %swap3A_203 = arith.constant 0 : index
    %swap3A_204 = arith.constant 2 : index
    %swap3A_205 = vector.load %arg4[%swap3A_203, %swap3A_204] : memref<256x32xi32, #tpu.memory_space<vmem>>, vector<256x1xi32>
    tpu.vector_store %arg4[%swap3A_203, %swap3A_204], %select_n3A_202 {strides = array<i32>} : memref<256x32xi32, #tpu.memory_space<vmem>>, vector<256x1xi32>,
    %jit3A_206 = arith.constant 0.000000e+00 : f32
    %broadcast_in_dim3A_207 = vector.broadcast %jit3A_206 : f32 to vector<256x1xf32>
    %select_n3A_208 = arith.select %lt3A_187, %bitcast_convert_type3A_201, %broadcast_in_dim3A_207 : vector<256x1xi1>, vector<256x1xf32>
    %swap3A_209 = arith.constant 0 : index
    %swap3A_210 = arith.constant 2 : index
    %swap3A_211 = vector.load %arg5[%swap3A_209, %swap3A_210] : memref<256x32xf32, #tpu.memory_space<vmem>>, vector<256x1xf32>
    tpu.vector_store %arg5[%swap3A_209, %swap3A_210], %select_n3A_208 {strides = array<i32>} : memref<256x32xf32, #tpu.memory_space<vmem>>, vector<256x1xf32>,
    %convert_element_type3A_212 = arith.extui %lt3A_187 : vector<256x1xi1> to vector<256x1xi32>
    %convert_element_type3A_213 = arith.sitofp %convert_element_type3A_212 : vector<256x1xi32> to vector<256x1xf32>
    %swap3A_214 = arith.constant 0 : index
    %swap3A_215 = arith.constant 2 : index
    %swap3A_216 = vector.load %arg6[%swap3A_214, %swap3A_215] : memref<256x32xf32, #tpu.memory_space<vmem>>, vector<256x1xf32>
    tpu.vector_store %arg6[%swap3A_214, %swap3A_215], %convert_element_type3A_213 {strides = array<i32>} : memref<256x32xf32, #tpu.memory_space<vmem>>, vector<256x1xf32>,
    %eq3A_217 = arith.constant 3.40282347E+38 : f32
    %eq3A_218 = vector.broadcast %eq3A_217 : f32 to vector<256x1xf32>
    %eq3A_219 = arith.cmpf oeq, %while3A_184#0, %eq3A_218 : vector<256x1xf32>
    %reduce_and3A_220 = arith.constant 1.000000e+00 : f32
    %reduce_and3A_221 = arith.constant 0.000000e+00 : f32
    %reduce_and3A_222 = vector.broadcast %reduce_and3A_220 : f32 to vector<256x1xf32>
    %reduce_and3A_223 = vector.broadcast %reduce_and3A_221 : f32 to vector<256x1xf32>
    %reduce_and3A_224 = arith.select %eq3A_219, %reduce_and3A_222, %reduce_and3A_223 : vector<256x1xi1>, vector<256x1xf32>
    %reduce_and3A_225 = vector.shape_cast %reduce_and3A_224 : vector<256x1xf32> to vector<1x256x1xf32>
    %reduce_and3A_226 = arith.constant dense<0x7F800000> : vector<1xf32>
    %reduce_and3A_227 = vector.multi_reduction <minimumf>, %reduce_and3A_225, %reduce_and3A_226 [1, 2] : vector<1x256x1xf32> to vector<1xf32>
    %reduce_and3A_228 = vector.shape_cast %reduce_and3A_227 : vector<1xf32> to vector<1x1x1xf32>
    %reduce_and3A_229 = vector.extract %reduce_and3A_228[0, 0, 0] : f32 from vector<1x1x1xf32>
    %reduce_and3A_230 = arith.constant 0.000000e+00 : f32
    %reduce_and3A_231 = arith.cmpf ogt, %reduce_and3A_229, %reduce_and3A_230 : f32
    %jit3A_232 = arith.constant 0 : i32
    %select_n3A_233 = arith.select %reduce_and3A_231, %jit3A_232, %get3A_4 : i32
    %broadcast_in_dim3A_234 = arith.constant 3.40282347E+38 : f32
    %broadcast_in_dim3A_235 = vector.broadcast %broadcast_in_dim3A_234 : f32 to vector<256x1xf32>
    %broadcast_in_dim3A_236 = arith.constant 0 : i32
    %broadcast_in_dim3A_237 = vector.broadcast %broadcast_in_dim3A_236 : i32 to vector<256x1xi32>
    %while3A_238 = arith.constant 3.40282347E+38 : f32
    %while3A_239 = arith.constant 0 : i32
    %while3A_240 = arith.subi %select_n3A_233, %while3A_239 : i32
    %while3A_241 = arith.addi %while3A_239, %while3A_240 : i32
    %while3A_242 = arith.constant 1 : i32
    %while3A_243 = arith.divsi %while3A_240, %while3A_242 : i32
    %while3A_244 = arith.muli %while3A_243, %while3A_242 : i32
    %while3A_245 = arith.addi %while3A_239, %while3A_244 : i32
    %while3A_246 = arith.constant 1 : i32
    %while3A_247:2 = scf.for %while3A_2102 = %while3A_239 to %while3A_245 step %while3A_246 iter_args(%while3A_2103 = %broadcast_in_dim3A_235, %while3A_2104 = %broadcast_in_dim3A_237) -> (vector<256x1xf32>, vector<256x1xi32>)  : i32 {
      %mul3A_2105 = arith.constant 1024 : i32
      %mul3A_2106 = arith.muli %while3A_2102, %mul3A_2105 : i32
      %multiple_of3A = tpu.assume_multiple %mul3A_2106, 1024 : i32
      %get3A_2107 = arith.constant 0 : index
      %get3A_2108 = arith.index_cast %multiple_of3A : i32 to index
      %get3A_2109 = vector.load %arg7[%get3A_2107, %get3A_2108] : memref<256x10240xf32, #tpu.memory_space<vmem>>, vector<256x1024xf32>
      %gt3A = vector.broadcast %while3A_184#0 : vector<256x1xf32> to vector<256x1024xf32>
      %gt3A_2110 = arith.cmpf ogt, %get3A_2109, %gt3A : vector<256x1024xf32>
      %broadcast_in_dim3A_2111 = vector.broadcast %while3A_238 : f32 to vector<256x1024xf32>
      %select_n3A_2112 = arith.select %gt3A_2110, %get3A_2109, %broadcast_in_dim3A_2111 : vector<256x1024xi1>, vector<256x1024xf32>
      %reduce_min3A = arith.constant dense<0x7F800000> : vector<256xf32>
      %reduce_min3A_2113 = vector.multi_reduction <minimumf>, %select_n3A_2112, %reduce_min3A [1] : vector<256x1024xf32> to vector<256xf32>
      %broadcast_in_dim3A_2114 = vector.shape_cast %reduce_min3A_2113 : vector<256xf32> to vector<256x1xf32>
      %lt3A_2115 = arith.cmpf olt, %broadcast_in_dim3A_2114, %while3A_2103 : vector<256x1xf32>
      %min3A = arith.minimumf %broadcast_in_dim3A_2114, %while3A_2103 : vector<256x1xf32>
      %broadcast_in_dim3A_2116 = vector.broadcast %while3A_2102 : i32 to vector<256x1xi32>
      %select_n3A_2117 = arith.select %lt3A_2115, %broadcast_in_dim3A_2116, %while3A_2104 : vector<256x1xi1>, vector<256x1xi32>
      scf.yield %min3A, %select_n3A_2117 : vector<256x1xf32>, vector<256x1xi32>
    }
    %while3A_248 = arith.constant 1 : i32
    %while3A_249:2 = scf.for %while3A_2102 = %while3A_245 to %while3A_241 step %while3A_248 iter_args(%while3A_2103 = %while3A_247#0, %while3A_2104 = %while3A_247#1) -> (vector<256x1xf32>, vector<256x1xi32>)  : i32 {
      %mul3A_2105 = arith.constant 1024 : i32
      %mul3A_2106 = arith.muli %while3A_2102, %mul3A_2105 : i32
      %multiple_of3A = tpu.assume_multiple %mul3A_2106, 1024 : i32
      %get3A_2107 = arith.constant 0 : index
      %get3A_2108 = arith.index_cast %multiple_of3A : i32 to index
      %get3A_2109 = vector.load %arg7[%get3A_2107, %get3A_2108] : memref<256x10240xf32, #tpu.memory_space<vmem>>, vector<256x1024xf32>
      %gt3A = vector.broadcast %while3A_184#0 : vector<256x1xf32> to vector<256x1024xf32>
      %gt3A_2110 = arith.cmpf ogt, %get3A_2109, %gt3A : vector<256x1024xf32>
      %broadcast_in_dim3A_2111 = vector.broadcast %while3A_238 : f32 to vector<256x1024xf32>
      %select_n3A_2112 = arith.select %gt3A_2110, %get3A_2109, %broadcast_in_dim3A_2111 : vector<256x1024xi1>, vector<256x1024xf32>
      %reduce_min3A = arith.constant dense<0x7F800000> : vector<256xf32>
      %reduce_min3A_2113 = vector.multi_reduction <minimumf>, %select_n3A_2112, %reduce_min3A [1] : vector<256x1024xf32> to vector<256xf32>
      %broadcast_in_dim3A_2114 = vector.shape_cast %reduce_min3A_2113 : vector<256xf32> to vector<256x1xf32>
      %lt3A_2115 = arith.cmpf olt, %broadcast_in_dim3A_2114, %while3A_2103 : vector<256x1xf32>
      %min3A = arith.minimumf %broadcast_in_dim3A_2114, %while3A_2103 : vector<256x1xf32>
      %broadcast_in_dim3A_2116 = vector.broadcast %while3A_2102 : i32 to vector<256x1xi32>
      %select_n3A_2117 = arith.select %lt3A_2115, %broadcast_in_dim3A_2116, %while3A_2104 : vector<256x1xi1>, vector<256x1xi32>
      scf.yield %min3A, %select_n3A_2117 : vector<256x1xf32>, vector<256x1xi32>
    }
    %lt3A_250 = arith.constant 3.40282347E+38 : f32
    %lt3A_251 = vector.broadcast %lt3A_250 : f32 to vector<256x1xf32>
    %lt3A_252 = arith.cmpf olt, %while3A_249#0, %lt3A_251 : vector<256x1xf32>
    %bitcast_convert_type3A_253 = tpu.bitcast %while3A_249#0 : vector<256x1xf32> -> vector<256x1xi32>
    %mul3A_254 = arith.constant 1024 : i32
    %mul3A_255 = vector.broadcast %mul3A_254 : i32 to vector<256x1xi32>
    %mul3A_256 = arith.muli %while3A_249#1, %mul3A_255 : vector<256x1xi32>
    %add3A_257 = vector.broadcast %get3A_1 : i32 to vector<256x1xi32>
    %add3A_258 = arith.addi %add3A_257, %mul3A_256 : vector<256x1xi32>
    %and3A_259 = arith.constant 1023 : i32
    %and3A_260 = vector.broadcast %and3A_259 : i32 to vector<256x1xi32>
    %and3A_261 = arith.andi %bitcast_convert_type3A_253, %and3A_260 : vector<256x1xi32>
    %add3A_262 = arith.addi %add3A_258, %and3A_261 : vector<256x1xi32>
    %and3A_263 = arith.constant -1024 : i32
    %and3A_264 = vector.broadcast %and3A_263 : i32 to vector<256x1xi32>
    %and3A_265 = arith.andi %bitcast_convert_type3A_253, %and3A_264 : vector<256x1xi32>
    %bitcast_convert_type3A_266 = tpu.bitcast %and3A_265 : vector<256x1xi32> -> vector<256x1xf32>
    %select_n3A_267 = arith.select %lt3A_252, %add3A_262, %add3A_18 : vector<256x1xi1>, vector<256x1xi32>
    %swap3A_268 = arith.constant 0 : index
    %swap3A_269 = arith.constant 3 : index
    %swap3A_270 = vector.load %arg4[%swap3A_268, %swap3A_269] : memref<256x32xi32, #tpu.memory_space<vmem>>, vector<256x1xi32>
    tpu.vector_store %arg4[%swap3A_268, %swap3A_269], %select_n3A_267 {strides = array<i32>} : memref<256x32xi32, #tpu.memory_space<vmem>>, vector<256x1xi32>,
    %jit3A_271 = arith.constant 0.000000e+00 : f32
    %broadcast_in_dim3A_272 = vector.broadcast %jit3A_271 : f32 to vector<256x1xf32>
    %select_n3A_273 = arith.select %lt3A_252, %bitcast_convert_type3A_266, %broadcast_in_dim3A_272 : vector<256x1xi1>, vector<256x1xf32>
    %swap3A_274 = arith.constant 0 : index
    %swap3A_275 = arith.constant 3 : index
    %swap3A_276 = vector.load %arg5[%swap3A_274, %swap3A_275] : memref<256x32xf32, #tpu.memory_space<vmem>>, vector<256x1xf32>
    tpu.vector_store %arg5[%swap3A_274, %swap3A_275], %select_n3A_273 {strides = array<i32>} : memref<256x32xf32, #tpu.memory_space<vmem>>, vector<256x1xf32>,
    %convert_element_type3A_277 = arith.extui %lt3A_252 : vector<256x1xi1> to vector<256x1xi32>
    %convert_element_type3A_278 = arith.sitofp %convert_element_type3A_277 : vector<256x1xi32> to vector<256x1xf32>
    %swap3A_279 = arith.constant 0 : index
    %swap3A_280 = arith.constant 3 : index
    %swap3A_281 = vector.load %arg6[%swap3A_279, %swap3A_280] : memref<256x32xf32, #tpu.memory_space<vmem>>, vector<256x1xf32>
    tpu.vector_store %arg6[%swap3A_279, %swap3A_280], %convert_element_type3A_278 {strides = array<i32>} : memref<256x32xf32, #tpu.memory_space<vmem>>, vector<256x1xf32>,
    %eq3A_282 = arith.constant 3.40282347E+38 : f32
    %eq3A_283 = vector.broadcast %eq3A_282 : f32 to vector<256x1xf32>
    %eq3A_284 = arith.cmpf oeq, %while3A_249#0, %eq3A_283 : vector<256x1xf32>
    %reduce_and3A_285 = arith.constant 1.000000e+00 : f32
    %reduce_and3A_286 = arith.constant 0.000000e+00 : f32
    %reduce_and3A_287 = vector.broadcast %reduce_and3A_285 : f32 to vector<256x1xf32>
    %reduce_and3A_288 = vector.broadcast %reduce_and3A_286 : f32 to vector<256x1xf32>
    %reduce_and3A_289 = arith.select %eq3A_284, %reduce_and3A_287, %reduce_and3A_288 : vector<256x1xi1>, vector<256x1xf32>
    %reduce_and3A_290 = vector.shape_cast %reduce_and3A_289 : vector<256x1xf32> to vector<1x256x1xf32>
    %reduce_and3A_291 = arith.constant dense<0x7F800000> : vector<1xf32>
    %reduce_and3A_292 = vector.multi_reduction <minimumf>, %reduce_and3A_290, %reduce_and3A_291 [1, 2] : vector<1x256x1xf32> to vector<1xf32>
    %reduce_and3A_293 = vector.shape_cast %reduce_and3A_292 : vector<1xf32> to vector<1x1x1xf32>
    %reduce_and3A_294 = vector.extract %reduce_and3A_293[0, 0, 0] : f32 from vector<1x1x1xf32>
    %reduce_and3A_295 = arith.constant 0.000000e+00 : f32
    %reduce_and3A_296 = arith.cmpf ogt, %reduce_and3A_294, %reduce_and3A_295 : f32
    %jit3A_297 = arith.constant 0 : i32
    %select_n3A_298 = arith.select %reduce_and3A_296, %jit3A_297, %get3A_4 : i32
    %broadcast_in_dim3A_299 = arith.constant 3.40282347E+38 : f32
    %broadcast_in_dim3A_300 = vector.broadcast %broadcast_in_dim3A_299 : f32 to vector<256x1xf32>
    %broadcast_in_dim3A_301 = arith.constant 0 : i32
    %broadcast_in_dim3A_302 = vector.broadcast %broadcast_in_dim3A_301 : i32 to vector<256x1xi32>
    %while3A_303 = arith.constant 3.40282347E+38 : f32
    %while3A_304 = arith.constant 0 : i32
    %while3A_305 = arith.subi %select_n3A_298, %while3A_304 : i32
    %while3A_306 = arith.addi %while3A_304, %while3A_305 : i32
    %while3A_307 = arith.constant 1 : i32
    %while3A_308 = arith.divsi %while3A_305, %while3A_307 : i32
    %while3A_309 = arith.muli %while3A_308, %while3A_307 : i32
    %while3A_310 = arith.addi %while3A_304, %while3A_309 : i32
    %while3A_311 = arith.constant 1 : i32
    %while3A_312:2 = scf.for %while3A_2102 = %while3A_304 to %while3A_310 step %while3A_311 iter_args(%while3A_2103 = %broadcast_in_dim3A_300, %while3A_2104 = %broadcast_in_dim3A_302) -> (vector<256x1xf32>, vector<256x1xi32>)  : i32 {
      %mul3A_2105 = arith.constant 1024 : i32
      %mul3A_2106 = arith.muli %while3A_2102, %mul3A_2105 : i32
      %multiple_of3A = tpu.assume_multiple %mul3A_2106, 1024 : i32
      %get3A_2107 = arith.constant 0 : index
      %get3A_2108 = arith.index_cast %multiple_of3A : i32 to index
      %get3A_2109 = vector.load %arg7[%get3A_2107, %get3A_2108] : memref<256x10240xf32, #tpu.memory_space<vmem>>, vector<256x1024xf32>
      %gt3A = vector.broadcast %while3A_249#0 : vector<256x1xf32> to vector<256x1024xf32>
      %gt3A_2110 = arith.cmpf ogt, %get3A_2109, %gt3A : vector<256x1024xf32>
      %broadcast_in_dim3A_2111 = vector.broadcast %while3A_303 : f32 to vector<256x1024xf32>
      %select_n3A_2112 = arith.select %gt3A_2110, %get3A_2109, %broadcast_in_dim3A_2111 : vector<256x1024xi1>, vector<256x1024xf32>
      %reduce_min3A = arith.constant dense<0x7F800000> : vector<256xf32>
      %reduce_min3A_2113 = vector.multi_reduction <minimumf>, %select_n3A_2112, %reduce_min3A [1] : vector<256x1024xf32> to vector<256xf32>
      %broadcast_in_dim3A_2114 = vector.shape_cast %reduce_min3A_2113 : vector<256xf32> to vector<256x1xf32>
      %lt3A_2115 = arith.cmpf olt, %broadcast_in_dim3A_2114, %while3A_2103 : vector<256x1xf32>
      %min3A = arith.minimumf %broadcast_in_dim3A_2114, %while3A_2103 : vector<256x1xf32>
      %broadcast_in_dim3A_2116 = vector.broadcast %while3A_2102 : i32 to vector<256x1xi32>
      %select_n3A_2117 = arith.select %lt3A_2115, %broadcast_in_dim3A_2116, %while3A_2104 : vector<256x1xi1>, vector<256x1xi32>
      scf.yield %min3A, %select_n3A_2117 : vector<256x1xf32>, vector<256x1xi32>
    }
    %while3A_313 = arith.constant 1 : i32
    %while3A_314:2 = scf.for %while3A_2102 = %while3A_310 to %while3A_306 step %while3A_313 iter_args(%while3A_2103 = %while3A_312#0, %while3A_2104 = %while3A_312#1) -> (vector<256x1xf32>, vector<256x1xi32>)  : i32 {
      %mul3A_2105 = arith.constant 1024 : i32
      %mul3A_2106 = arith.muli %while3A_2102, %mul3A_2105 : i32
      %multiple_of3A = tpu.assume_multiple %mul3A_2106, 1024 : i32
      %get3A_2107 = arith.constant 0 : index
      %get3A_2108 = arith.index_cast %multiple_of3A : i32 to index
      %get3A_2109 = vector.load %arg7[%get3A_2107, %get3A_2108] : memref<256x10240xf32, #tpu.memory_space<vmem>>, vector<256x1024xf32>
      %gt3A = vector.broadcast %while3A_249#0 : vector<256x1xf32> to vector<256x1024xf32>
      %gt3A_2110 = arith.cmpf ogt, %get3A_2109, %gt3A : vector<256x1024xf32>
      %broadcast_in_dim3A_2111 = vector.broadcast %while3A_303 : f32 to vector<256x1024xf32>
      %select_n3A_2112 = arith.select %gt3A_2110, %get3A_2109, %broadcast_in_dim3A_2111 : vector<256x1024xi1>, vector<256x1024xf32>
      %reduce_min3A = arith.constant dense<0x7F800000> : vector<256xf32>
      %reduce_min3A_2113 = vector.multi_reduction <minimumf>, %select_n3A_2112, %reduce_min3A [1] : vector<256x1024xf32> to vector<256xf32>
      %broadcast_in_dim3A_2114 = vector.shape_cast %reduce_min3A_2113 : vector<256xf32> to vector<256x1xf32>
      %lt3A_2115 = arith.cmpf olt, %broadcast_in_dim3A_2114, %while3A_2103 : vector<256x1xf32>
      %min3A = arith.minimumf %broadcast_in_dim3A_2114, %while3A_2103 : vector<256x1xf32>
      %broadcast_in_dim3A_2116 = vector.broadcast %while3A_2102 : i32 to vector<256x1xi32>
      %select_n3A_2117 = arith.select %lt3A_2115, %broadcast_in_dim3A_2116, %while3A_2104 : vector<256x1xi1>, vector<256x1xi32>
      scf.yield %min3A, %select_n3A_2117 : vector<256x1xf32>, vector<256x1xi32>
    }
    %lt3A_315 = arith.constant 3.40282347E+38 : f32
    %lt3A_316 = vector.broadcast %lt3A_315 : f32 to vector<256x1xf32>
    %lt3A_317 = arith.cmpf olt, %while3A_314#0, %lt3A_316 : vector<256x1xf32>
    %bitcast_convert_type3A_318 = tpu.bitcast %while3A_314#0 : vector<256x1xf32> -> vector<256x1xi32>
    %mul3A_319 = arith.constant 1024 : i32
    %mul3A_320 = vector.broadcast %mul3A_319 : i32 to vector<256x1xi32>
    %mul3A_321 = arith.muli %while3A_314#1, %mul3A_320 : vector<256x1xi32>
    %add3A_322 = vector.broadcast %get3A_1 : i32 to vector<256x1xi32>
    %add3A_323 = arith.addi %add3A_322, %mul3A_321 : vector<256x1xi32>
    %and3A_324 = arith.constant 1023 : i32
    %and3A_325 = vector.broadcast %and3A_324 : i32 to vector<256x1xi32>
    %and3A_326 = arith.andi %bitcast_convert_type3A_318, %and3A_325 : vector<256x1xi32>
    %add3A_327 = arith.addi %add3A_323, %and3A_326 : vector<256x1xi32>
    %and3A_328 = arith.constant -1024 : i32
    %and3A_329 = vector.broadcast %and3A_328 : i32 to vector<256x1xi32>
    %and3A_330 = arith.andi %bitcast_convert_type3A_318, %and3A_329 : vector<256x1xi32>
    %bitcast_convert_type3A_331 = tpu.bitcast %and3A_330 : vector<256x1xi32> -> vector<256x1xf32>
    %select_n3A_332 = arith.select %lt3A_317, %add3A_327, %add3A_18 : vector<256x1xi1>, vector<256x1xi32>
    %swap3A_333 = arith.constant 0 : index
    %swap3A_334 = arith.constant 4 : index
    %swap3A_335 = vector.load %arg4[%swap3A_333, %swap3A_334] : memref<256x32xi32, #tpu.memory_space<vmem>>, vector<256x1xi32>
    tpu.vector_store %arg4[%swap3A_333, %swap3A_334], %select_n3A_332 {strides = array<i32>} : memref<256x32xi32, #tpu.memory_space<vmem>>, vector<256x1xi32>,
    %jit3A_336 = arith.constant 0.000000e+00 : f32
    %broadcast_in_dim3A_337 = vector.broadcast %jit3A_336 : f32 to vector<256x1xf32>
    %select_n3A_338 = arith.select %lt3A_317, %bitcast_convert_type3A_331, %broadcast_in_dim3A_337 : vector<256x1xi1>, vector<256x1xf32>
    %swap3A_339 = arith.constant 0 : index
    %swap3A_340 = arith.constant 4 : index
    %swap3A_341 = vector.load %arg5[%swap3A_339, %swap3A_340] : memref<256x32xf32, #tpu.memory_space<vmem>>, vector<256x1xf32>
    tpu.vector_store %arg5[%swap3A_339, %swap3A_340], %select_n3A_338 {strides = array<i32>} : memref<256x32xf32, #tpu.memory_space<vmem>>, vector<256x1xf32>,
    %convert_element_type3A_342 = arith.extui %lt3A_317 : vector<256x1xi1> to vector<256x1xi32>
    %convert_element_type3A_343 = arith.sitofp %convert_element_type3A_342 : vector<256x1xi32> to vector<256x1xf32>
    %swap3A_344 = arith.constant 0 : index
    %swap3A_345 = arith.constant 4 : index
    %swap3A_346 = vector.load %arg6[%swap3A_344, %swap3A_345] : memref<256x32xf32, #tpu.memory_space<vmem>>, vector<256x1xf32>
    tpu.vector_store %arg6[%swap3A_344, %swap3A_345], %convert_element_type3A_343 {strides = array<i32>} : memref<256x32xf32, #tpu.memory_space<vmem>>, vector<256x1xf32>,
    %eq3A_347 = arith.constant 3.40282347E+38 : f32
    %eq3A_348 = vector.broadcast %eq3A_347 : f32 to vector<256x1xf32>
    %eq3A_349 = arith.cmpf oeq, %while3A_314#0, %eq3A_348 : vector<256x1xf32>
    %reduce_and3A_350 = arith.constant 1.000000e+00 : f32
    %reduce_and3A_351 = arith.constant 0.000000e+00 : f32
    %reduce_and3A_352 = vector.broadcast %reduce_and3A_350 : f32 to vector<256x1xf32>
    %reduce_and3A_353 = vector.broadcast %reduce_and3A_351 : f32 to vector<256x1xf32>
    %reduce_and3A_354 = arith.select %eq3A_349, %reduce_and3A_352, %reduce_and3A_353 : vector<256x1xi1>, vector<256x1xf32>
    %reduce_and3A_355 = vector.shape_cast %reduce_and3A_354 : vector<256x1xf32> to vector<1x256x1xf32>
    %reduce_and3A_356 = arith.constant dense<0x7F800000> : vector<1xf32>
    %reduce_and3A_357 = vector.multi_reduction <minimumf>, %reduce_and3A_355, %reduce_and3A_356 [1, 2] : vector<1x256x1xf32> to vector<1xf32>
    %reduce_and3A_358 = vector.shape_cast %reduce_and3A_357 : vector<1xf32> to vector<1x1x1xf32>
    %reduce_and3A_359 = vector.extract %reduce_and3A_358[0, 0, 0] : f32 from vector<1x1x1xf32>
    %reduce_and3A_360 = arith.constant 0.000000e+00 : f32
    %reduce_and3A_361 = arith.cmpf ogt, %reduce_and3A_359, %reduce_and3A_360 : f32
    %jit3A_362 = arith.constant 0 : i32
    %select_n3A_363 = arith.select %reduce_and3A_361, %jit3A_362, %get3A_4 : i32
    %broadcast_in_dim3A_364 = arith.constant 3.40282347E+38 : f32
    %broadcast_in_dim3A_365 = vector.broadcast %broadcast_in_dim3A_364 : f32 to vector<256x1xf32>
    %broadcast_in_dim3A_366 = arith.constant 0 : i32
    %broadcast_in_dim3A_367 = vector.broadcast %broadcast_in_dim3A_366 : i32 to vector<256x1xi32>
    %while3A_368 = arith.constant 3.40282347E+38 : f32
    %while3A_369 = arith.constant 0 : i32
    %while3A_370 = arith.subi %select_n3A_363, %while3A_369 : i32
    %while3A_371 = arith.addi %while3A_369, %while3A_370 : i32
    %while3A_372 = arith.constant 1 : i32
    %while3A_373 = arith.divsi %while3A_370, %while3A_372 : i32
    %while3A_374 = arith.muli %while3A_373, %while3A_372 : i32
    %while3A_375 = arith.addi %while3A_369, %while3A_374 : i32
    %while3A_376 = arith.constant 1 : i32
    %while3A_377:2 = scf.for %while3A_2102 = %while3A_369 to %while3A_375 step %while3A_376 iter_args(%while3A_2103 = %broadcast_in_dim3A_365, %while3A_2104 = %broadcast_in_dim3A_367) -> (vector<256x1xf32>, vector<256x1xi32>)  : i32 {
      %mul3A_2105 = arith.constant 1024 : i32
      %mul3A_2106 = arith.muli %while3A_2102, %mul3A_2105 : i32
      %multiple_of3A = tpu.assume_multiple %mul3A_2106, 1024 : i32
      %get3A_2107 = arith.constant 0 : index
      %get3A_2108 = arith.index_cast %multiple_of3A : i32 to index
      %get3A_2109 = vector.load %arg7[%get3A_2107, %get3A_2108] : memref<256x10240xf32, #tpu.memory_space<vmem>>, vector<256x1024xf32>
      %gt3A = vector.broadcast %while3A_314#0 : vector<256x1xf32> to vector<256x1024xf32>
      %gt3A_2110 = arith.cmpf ogt, %get3A_2109, %gt3A : vector<256x1024xf32>
      %broadcast_in_dim3A_2111 = vector.broadcast %while3A_368 : f32 to vector<256x1024xf32>
      %select_n3A_2112 = arith.select %gt3A_2110, %get3A_2109, %broadcast_in_dim3A_2111 : vector<256x1024xi1>, vector<256x1024xf32>
      %reduce_min3A = arith.constant dense<0x7F800000> : vector<256xf32>
      %reduce_min3A_2113 = vector.multi_reduction <minimumf>, %select_n3A_2112, %reduce_min3A [1] : vector<256x1024xf32> to vector<256xf32>
      %broadcast_in_dim3A_2114 = vector.shape_cast %reduce_min3A_2113 : vector<256xf32> to vector<256x1xf32>
      %lt3A_2115 = arith.cmpf olt, %broadcast_in_dim3A_2114, %while3A_2103 : vector<256x1xf32>
      %min3A = arith.minimumf %broadcast_in_dim3A_2114, %while3A_2103 : vector<256x1xf32>
      %broadcast_in_dim3A_2116 = vector.broadcast %while3A_2102 : i32 to vector<256x1xi32>
      %select_n3A_2117 = arith.select %lt3A_2115, %broadcast_in_dim3A_2116, %while3A_2104 : vector<256x1xi1>, vector<256x1xi32>
      scf.yield %min3A, %select_n3A_2117 : vector<256x1xf32>, vector<256x1xi32>
    }
    %while3A_378 = arith.constant 1 : i32
    %while3A_379:2 = scf.for %while3A_2102 = %while3A_375 to %while3A_371 step %while3A_378 iter_args(%while3A_2103 = %while3A_377#0, %while3A_2104 = %while3A_377#1) -> (vector<256x1xf32>, vector<256x1xi32>)  : i32 {
      %mul3A_2105 = arith.constant 1024 : i32
      %mul3A_2106 = arith.muli %while3A_2102, %mul3A_2105 : i32
      %multiple_of3A = tpu.assume_multiple %mul3A_2106, 1024 : i32
      %get3A_2107 = arith.constant 0 : index
      %get3A_2108 = arith.index_cast %multiple_of3A : i32 to index
      %get3A_2109 = vector.load %arg7[%get3A_2107, %get3A_2108] : memref<256x10240xf32, #tpu.memory_space<vmem>>, vector<256x1024xf32>
      %gt3A = vector.broadcast %while3A_314#0 : vector<256x1xf32> to vector<256x1024xf32>
      %gt3A_2110 = arith.cmpf ogt, %get3A_2109, %gt3A : vector<256x1024xf32>
      %broadcast_in_dim3A_2111 = vector.broadcast %while3A_368 : f32 to vector<256x1024xf32>
      %select_n3A_2112 = arith.select %gt3A_2110, %get3A_2109, %broadcast_in_dim3A_2111 : vector<256x1024xi1>, vector<256x1024xf32>
      %reduce_min3A = arith.constant dense<0x7F800000> : vector<256xf32>
      %reduce_min3A_2113 = vector.multi_reduction <minimumf>, %select_n3A_2112, %reduce_min3A [1] : vector<256x1024xf32> to vector<256xf32>
      %broadcast_in_dim3A_2114 = vector.shape_cast %reduce_min3A_2113 : vector<256xf32> to vector<256x1xf32>
      %lt3A_2115 = arith.cmpf olt, %broadcast_in_dim3A_2114, %while3A_2103 : vector<256x1xf32>
      %min3A = arith.minimumf %broadcast_in_dim3A_2114, %while3A_2103 : vector<256x1xf32>
      %broadcast_in_dim3A_2116 = vector.broadcast %while3A_2102 : i32 to vector<256x1xi32>
      %select_n3A_2117 = arith.select %lt3A_2115, %broadcast_in_dim3A_2116, %while3A_2104 : vector<256x1xi1>, vector<256x1xi32>
      scf.yield %min3A, %select_n3A_2117 : vector<256x1xf32>, vector<256x1xi32>
    }
    %lt3A_380 = arith.constant 3.40282347E+38 : f32
    %lt3A_381 = vector.broadcast %lt3A_380 : f32 to vector<256x1xf32>
    %lt3A_382 = arith.cmpf olt, %while3A_379#0, %lt3A_381 : vector<256x1xf32>
    %bitcast_convert_type3A_383 = tpu.bitcast %while3A_379#0 : vector<256x1xf32> -> vector<256x1xi32>
    %mul3A_384 = arith.constant 1024 : i32
    %mul3A_385 = vector.broadcast %mul3A_384 : i32 to vector<256x1xi32>
    %mul3A_386 = arith.muli %while3A_379#1, %mul3A_385 : vector<256x1xi32>
    %add3A_387 = vector.broadcast %get3A_1 : i32 to vector<256x1xi32>
    %add3A_388 = arith.addi %add3A_387, %mul3A_386 : vector<256x1xi32>
    %and3A_389 = arith.constant 1023 : i32
    %and3A_390 = vector.broadcast %and3A_389 : i32 to vector<256x1xi32>
    %and3A_391 = arith.andi %bitcast_convert_type3A_383, %and3A_390 : vector<256x1xi32>
    %add3A_392 = arith.addi %add3A_388, %and3A_391 : vector<256x1xi32>
    %and3A_393 = arith.constant -1024 : i32
    %and3A_394 = vector.broadcast %and3A_393 : i32 to vector<256x1xi32>
    %and3A_395 = arith.andi %bitcast_convert_type3A_383, %and3A_394 : vector<256x1xi32>
    %bitcast_convert_type3A_396 = tpu.bitcast %and3A_395 : vector<256x1xi32> -> vector<256x1xf32>
    %select_n3A_397 = arith.select %lt3A_382, %add3A_392, %add3A_18 : vector<256x1xi1>, vector<256x1xi32>
    %swap3A_398 = arith.constant 0 : index
    %swap3A_399 = arith.constant 5 : index
    %swap3A_400 = vector.load %arg4[%swap3A_398, %swap3A_399] : memref<256x32xi32, #tpu.memory_space<vmem>>, vector<256x1xi32>
    tpu.vector_store %arg4[%swap3A_398, %swap3A_399], %select_n3A_397 {strides = array<i32>} : memref<256x32xi32, #tpu.memory_space<vmem>>, vector<256x1xi32>,
    %jit3A_401 = arith.constant 0.000000e+00 : f32
    %broadcast_in_dim3A_402 = vector.broadcast %jit3A_401 : f32 to vector<256x1xf32>
    %select_n3A_403 = arith.select %lt3A_382, %bitcast_convert_type3A_396, %broadcast_in_dim3A_402 : vector<256x1xi1>, vector<256x1xf32>
    %swap3A_404 = arith.constant 0 : index
    %swap3A_405 = arith.constant 5 : index
    %swap3A_406 = vector.load %arg5[%swap3A_404, %swap3A_405] : memref<256x32xf32, #tpu.memory_space<vmem>>, vector<256x1xf32>
    tpu.vector_store %arg5[%swap3A_404, %swap3A_405], %select_n3A_403 {strides = array<i32>} : memref<256x32xf32, #tpu.memory_space<vmem>>, vector<256x1xf32>,
    %convert_element_type3A_407 = arith.extui %lt3A_382 : vector<256x1xi1> to vector<256x1xi32>
    %convert_element_type3A_408 = arith.sitofp %convert_element_type3A_407 : vector<256x1xi32> to vector<256x1xf32>
    %swap3A_409 = arith.constant 0 : index
    %swap3A_410 = arith.constant 5 : index
    %swap3A_411 = vector.load %arg6[%swap3A_409, %swap3A_410] : memref<256x32xf32, #tpu.memory_space<vmem>>, vector<256x1xf32>
    tpu.vector_store %arg6[%swap3A_409, %swap3A_410], %convert_element_type3A_408 {strides = array<i32>} : memref<256x32xf32, #tpu.memory_space<vmem>>, vector<256x1xf32>,
    %eq3A_412 = arith.constant 3.40282347E+38 : f32
    %eq3A_413 = vector.broadcast %eq3A_412 : f32 to vector<256x1xf32>
    %eq3A_414 = arith.cmpf oeq, %while3A_379#0, %eq3A_413 : vector<256x1xf32>
    %reduce_and3A_415 = arith.constant 1.000000e+00 : f32
    %reduce_and3A_416 = arith.constant 0.000000e+00 : f32
    %reduce_and3A_417 = vector.broadcast %reduce_and3A_415 : f32 to vector<256x1xf32>
    %reduce_and3A_418 = vector.broadcast %reduce_and3A_416 : f32 to vector<256x1xf32>
    %reduce_and3A_419 = arith.select %eq3A_414, %reduce_and3A_417, %reduce_and3A_418 : vector<256x1xi1>, vector<256x1xf32>
    %reduce_and3A_420 = vector.shape_cast %reduce_and3A_419 : vector<256x1xf32> to vector<1x256x1xf32>
    %reduce_and3A_421 = arith.constant dense<0x7F800000> : vector<1xf32>
    %reduce_and3A_422 = vector.multi_reduction <minimumf>, %reduce_and3A_420, %reduce_and3A_421 [1, 2] : vector<1x256x1xf32> to vector<1xf32>
    %reduce_and3A_423 = vector.shape_cast %reduce_and3A_422 : vector<1xf32> to vector<1x1x1xf32>
    %reduce_and3A_424 = vector.extract %reduce_and3A_423[0, 0, 0] : f32 from vector<1x1x1xf32>
    %reduce_and3A_425 = arith.constant 0.000000e+00 : f32
    %reduce_and3A_426 = arith.cmpf ogt, %reduce_and3A_424, %reduce_and3A_425 : f32
    %jit3A_427 = arith.constant 0 : i32
    %select_n3A_428 = arith.select %reduce_and3A_426, %jit3A_427, %get3A_4 : i32
    %broadcast_in_dim3A_429 = arith.constant 3.40282347E+38 : f32
    %broadcast_in_dim3A_430 = vector.broadcast %broadcast_in_dim3A_429 : f32 to vector<256x1xf32>
    %broadcast_in_dim3A_431 = arith.constant 0 : i32
    %broadcast_in_dim3A_432 = vector.broadcast %broadcast_in_dim3A_431 : i32 to vector<256x1xi32>
    %while3A_433 = arith.constant 3.40282347E+38 : f32
    %while3A_434 = arith.constant 0 : i32
    %while3A_435 = arith.subi %select_n3A_428, %while3A_434 : i32
    %while3A_436 = arith.addi %while3A_434, %while3A_435 : i32
    %while3A_437 = arith.constant 1 : i32
    %while3A_438 = arith.divsi %while3A_435, %while3A_437 : i32
    %while3A_439 = arith.muli %while3A_438, %while3A_437 : i32
    %while3A_440 = arith.addi %while3A_434, %while3A_439 : i32
    %while3A_441 = arith.constant 1 : i32
    %while3A_442:2 = scf.for %while3A_2102 = %while3A_434 to %while3A_440 step %while3A_441 iter_args(%while3A_2103 = %broadcast_in_dim3A_430, %while3A_2104 = %broadcast_in_dim3A_432) -> (vector<256x1xf32>, vector<256x1xi32>)  : i32 {
      %mul3A_2105 = arith.constant 1024 : i32
      %mul3A_2106 = arith.muli %while3A_2102, %mul3A_2105 : i32
      %multiple_of3A = tpu.assume_multiple %mul3A_2106, 1024 : i32
      %get3A_2107 = arith.constant 0 : index
      %get3A_2108 = arith.index_cast %multiple_of3A : i32 to index
      %get3A_2109 = vector.load %arg7[%get3A_2107, %get3A_2108] : memref<256x10240xf32, #tpu.memory_space<vmem>>, vector<256x1024xf32>
      %gt3A = vector.broadcast %while3A_379#0 : vector<256x1xf32> to vector<256x1024xf32>
      %gt3A_2110 = arith.cmpf ogt, %get3A_2109, %gt3A : vector<256x1024xf32>
      %broadcast_in_dim3A_2111 = vector.broadcast %while3A_433 : f32 to vector<256x1024xf32>
      %select_n3A_2112 = arith.select %gt3A_2110, %get3A_2109, %broadcast_in_dim3A_2111 : vector<256x1024xi1>, vector<256x1024xf32>
      %reduce_min3A = arith.constant dense<0x7F800000> : vector<256xf32>
      %reduce_min3A_2113 = vector.multi_reduction <minimumf>, %select_n3A_2112, %reduce_min3A [1] : vector<256x1024xf32> to vector<256xf32>
      %broadcast_in_dim3A_2114 = vector.shape_cast %reduce_min3A_2113 : vector<256xf32> to vector<256x1xf32>
      %lt3A_2115 = arith.cmpf olt, %broadcast_in_dim3A_2114, %while3A_2103 : vector<256x1xf32>
      %min3A = arith.minimumf %broadcast_in_dim3A_2114, %while3A_2103 : vector<256x1xf32>
      %broadcast_in_dim3A_2116 = vector.broadcast %while3A_2102 : i32 to vector<256x1xi32>
      %select_n3A_2117 = arith.select %lt3A_2115, %broadcast_in_dim3A_2116, %while3A_2104 : vector<256x1xi1>, vector<256x1xi32>
      scf.yield %min3A, %select_n3A_2117 : vector<256x1xf32>, vector<256x1xi32>
    }
    %while3A_443 = arith.constant 1 : i32
    %while3A_444:2 = scf.for %while3A_2102 = %while3A_440 to %while3A_436 step %while3A_443 iter_args(%while3A_2103 = %while3A_442#0, %while3A_2104 = %while3A_442#1) -> (vector<256x1xf32>, vector<256x1xi32>)  : i32 {
      %mul3A_2105 = arith.constant 1024 : i32
      %mul3A_2106 = arith.muli %while3A_2102, %mul3A_2105 : i32
      %multiple_of3A = tpu.assume_multiple %mul3A_2106, 1024 : i32
      %get3A_2107 = arith.constant 0 : index
      %get3A_2108 = arith.index_cast %multiple_of3A : i32 to index
      %get3A_2109 = vector.load %arg7[%get3A_2107, %get3A_2108] : memref<256x10240xf32, #tpu.memory_space<vmem>>, vector<256x1024xf32>
      %gt3A = vector.broadcast %while3A_379#0 : vector<256x1xf32> to vector<256x1024xf32>
      %gt3A_2110 = arith.cmpf ogt, %get3A_2109, %gt3A : vector<256x1024xf32>
      %broadcast_in_dim3A_2111 = vector.broadcast %while3A_433 : f32 to vector<256x1024xf32>
      %select_n3A_2112 = arith.select %gt3A_2110, %get3A_2109, %broadcast_in_dim3A_2111 : vector<256x1024xi1>, vector<256x1024xf32>
      %reduce_min3A = arith.constant dense<0x7F800000> : vector<256xf32>
      %reduce_min3A_2113 = vector.multi_reduction <minimumf>, %select_n3A_2112, %reduce_min3A [1] : vector<256x1024xf32> to vector<256xf32>
      %broadcast_in_dim3A_2114 = vector.shape_cast %reduce_min3A_2113 : vector<256xf32> to vector<256x1xf32>
      %lt3A_2115 = arith.cmpf olt, %broadcast_in_dim3A_2114, %while3A_2103 : vector<256x1xf32>
      %min3A = arith.minimumf %broadcast_in_dim3A_2114, %while3A_2103 : vector<256x1xf32>
      %broadcast_in_dim3A_2116 = vector.broadcast %while3A_2102 : i32 to vector<256x1xi32>
      %select_n3A_2117 = arith.select %lt3A_2115, %broadcast_in_dim3A_2116, %while3A_2104 : vector<256x1xi1>, vector<256x1xi32>
      scf.yield %min3A, %select_n3A_2117 : vector<256x1xf32>, vector<256x1xi32>
    }
    %lt3A_445 = arith.constant 3.40282347E+38 : f32
    %lt3A_446 = vector.broadcast %lt3A_445 : f32 to vector<256x1xf32>
    %lt3A_447 = arith.cmpf olt, %while3A_444#0, %lt3A_446 : vector<256x1xf32>
    %bitcast_convert_type3A_448 = tpu.bitcast %while3A_444#0 : vector<256x1xf32> -> vector<256x1xi32>
    %mul3A_449 = arith.constant 1024 : i32
    %mul3A_450 = vector.broadcast %mul3A_449 : i32 to vector<256x1xi32>
    %mul3A_451 = arith.muli %while3A_444#1, %mul3A_450 : vector<256x1xi32>
    %add3A_452 = vector.broadcast %get3A_1 : i32 to vector<256x1xi32>
    %add3A_453 = arith.addi %add3A_452, %mul3A_451 : vector<256x1xi32>
    %and3A_454 = arith.constant 1023 : i32
    %and3A_455 = vector.broadcast %and3A_454 : i32 to vector<256x1xi32>
    %and3A_456 = arith.andi %bitcast_convert_type3A_448, %and3A_455 : vector<256x1xi32>
    %add3A_457 = arith.addi %add3A_453, %and3A_456 : vector<256x1xi32>
    %and3A_458 = arith.constant -1024 : i32
    %and3A_459 = vector.broadcast %and3A_458 : i32 to vector<256x1xi32>
    %and3A_460 = arith.andi %bitcast_convert_type3A_448, %and3A_459 : vector<256x1xi32>
    %bitcast_convert_type3A_461 = tpu.bitcast %and3A_460 : vector<256x1xi32> -> vector<256x1xf32>
    %select_n3A_462 = arith.select %lt3A_447, %add3A_457, %add3A_18 : vector<256x1xi1>, vector<256x1xi32>
    %swap3A_463 = arith.constant 0 : index
    %swap3A_464 = arith.constant 6 : index
    %swap3A_465 = vector.load %arg4[%swap3A_463, %swap3A_464] : memref<256x32xi32, #tpu.memory_space<vmem>>, vector<256x1xi32>
    tpu.vector_store %arg4[%swap3A_463, %swap3A_464], %select_n3A_462 {strides = array<i32>} : memref<256x32xi32, #tpu.memory_space<vmem>>, vector<256x1xi32>,
    %jit3A_466 = arith.constant 0.000000e+00 : f32
    %broadcast_in_dim3A_467 = vector.broadcast %jit3A_466 : f32 to vector<256x1xf32>
    %select_n3A_468 = arith.select %lt3A_447, %bitcast_convert_type3A_461, %broadcast_in_dim3A_467 : vector<256x1xi1>, vector<256x1xf32>
    %swap3A_469 = arith.constant 0 : index
    %swap3A_470 = arith.constant 6 : index
    %swap3A_471 = vector.load %arg5[%swap3A_469, %swap3A_470] : memref<256x32xf32, #tpu.memory_space<vmem>>, vector<256x1xf32>
    tpu.vector_store %arg5[%swap3A_469, %swap3A_470], %select_n3A_468 {strides = array<i32>} : memref<256x32xf32, #tpu.memory_space<vmem>>, vector<256x1xf32>,
    %convert_element_type3A_472 = arith.extui %lt3A_447 : vector<256x1xi1> to vector<256x1xi32>
    %convert_element_type3A_473 = arith.sitofp %convert_element_type3A_472 : vector<256x1xi32> to vector<256x1xf32>
    %swap3A_474 = arith.constant 0 : index
    %swap3A_475 = arith.constant 6 : index
    %swap3A_476 = vector.load %arg6[%swap3A_474, %swap3A_475] : memref<256x32xf32, #tpu.memory_space<vmem>>, vector<256x1xf32>
    tpu.vector_store %arg6[%swap3A_474, %swap3A_475], %convert_element_type3A_473 {strides = array<i32>} : memref<256x32xf32, #tpu.memory_space<vmem>>, vector<256x1xf32>,
    %eq3A_477 = arith.constant 3.40282347E+38 : f32
    %eq3A_478 = vector.broadcast %eq3A_477 : f32 to vector<256x1xf32>
    %eq3A_479 = arith.cmpf oeq, %while3A_444#0, %eq3A_478 : vector<256x1xf32>
    %reduce_and3A_480 = arith.constant 1.000000e+00 : f32
    %reduce_and3A_481 = arith.constant 0.000000e+00 : f32
    %reduce_and3A_482 = vector.broadcast %reduce_and3A_480 : f32 to vector<256x1xf32>
    %reduce_and3A_483 = vector.broadcast %reduce_and3A_481 : f32 to vector<256x1xf32>
    %reduce_and3A_484 = arith.select %eq3A_479, %reduce_and3A_482, %reduce_and3A_483 : vector<256x1xi1>, vector<256x1xf32>
    %reduce_and3A_485 = vector.shape_cast %reduce_and3A_484 : vector<256x1xf32> to vector<1x256x1xf32>
    %reduce_and3A_486 = arith.constant dense<0x7F800000> : vector<1xf32>
    %reduce_and3A_487 = vector.multi_reduction <minimumf>, %reduce_and3A_485, %reduce_and3A_486 [1, 2] : vector<1x256x1xf32> to vector<1xf32>
    %reduce_and3A_488 = vector.shape_cast %reduce_and3A_487 : vector<1xf32> to vector<1x1x1xf32>
    %reduce_and3A_489 = vector.extract %reduce_and3A_488[0, 0, 0] : f32 from vector<1x1x1xf32>
    %reduce_and3A_490 = arith.constant 0.000000e+00 : f32
    %reduce_and3A_491 = arith.cmpf ogt, %reduce_and3A_489, %reduce_and3A_490 : f32
    %jit3A_492 = arith.constant 0 : i32
    %select_n3A_493 = arith.select %reduce_and3A_491, %jit3A_492, %get3A_4 : i32
    %broadcast_in_dim3A_494 = arith.constant 3.40282347E+38 : f32
    %broadcast_in_dim3A_495 = vector.broadcast %broadcast_in_dim3A_494 : f32 to vector<256x1xf32>
    %broadcast_in_dim3A_496 = arith.constant 0 : i32
    %broadcast_in_dim3A_497 = vector.broadcast %broadcast_in_dim3A_496 : i32 to vector<256x1xi32>
    %while3A_498 = arith.constant 3.40282347E+38 : f32
    %while3A_499 = arith.constant 0 : i32
    %while3A_500 = arith.subi %select_n3A_493, %while3A_499 : i32
    %while3A_501 = arith.addi %while3A_499, %while3A_500 : i32
    %while3A_502 = arith.constant 1 : i32
    %while3A_503 = arith.divsi %while3A_500, %while3A_502 : i32
    %while3A_504 = arith.muli %while3A_503, %while3A_502 : i32
    %while3A_505 = arith.addi %while3A_499, %while3A_504 : i32
    %while3A_506 = arith.constant 1 : i32
    %while3A_507:2 = scf.for %while3A_2102 = %while3A_499 to %while3A_505 step %while3A_506 iter_args(%while3A_2103 = %broadcast_in_dim3A_495, %while3A_2104 = %broadcast_in_dim3A_497) -> (vector<256x1xf32>, vector<256x1xi32>)  : i32 {
      %mul3A_2105 = arith.constant 1024 : i32
      %mul3A_2106 = arith.muli %while3A_2102, %mul3A_2105 : i32
      %multiple_of3A = tpu.assume_multiple %mul3A_2106, 1024 : i32
      %get3A_2107 = arith.constant 0 : index
      %get3A_2108 = arith.index_cast %multiple_of3A : i32 to index
      %get3A_2109 = vector.load %arg7[%get3A_2107, %get3A_2108] : memref<256x10240xf32, #tpu.memory_space<vmem>>, vector<256x1024xf32>
      %gt3A = vector.broadcast %while3A_444#0 : vector<256x1xf32> to vector<256x1024xf32>
      %gt3A_2110 = arith.cmpf ogt, %get3A_2109, %gt3A : vector<256x1024xf32>
      %broadcast_in_dim3A_2111 = vector.broadcast %while3A_498 : f32 to vector<256x1024xf32>
      %select_n3A_2112 = arith.select %gt3A_2110, %get3A_2109, %broadcast_in_dim3A_2111 : vector<256x1024xi1>, vector<256x1024xf32>
      %reduce_min3A = arith.constant dense<0x7F800000> : vector<256xf32>
      %reduce_min3A_2113 = vector.multi_reduction <minimumf>, %select_n3A_2112, %reduce_min3A [1] : vector<256x1024xf32> to vector<256xf32>
      %broadcast_in_dim3A_2114 = vector.shape_cast %reduce_min3A_2113 : vector<256xf32> to vector<256x1xf32>
      %lt3A_2115 = arith.cmpf olt, %broadcast_in_dim3A_2114, %while3A_2103 : vector<256x1xf32>
      %min3A = arith.minimumf %broadcast_in_dim3A_2114, %while3A_2103 : vector<256x1xf32>
      %broadcast_in_dim3A_2116 = vector.broadcast %while3A_2102 : i32 to vector<256x1xi32>
      %select_n3A_2117 = arith.select %lt3A_2115, %broadcast_in_dim3A_2116, %while3A_2104 : vector<256x1xi1>, vector<256x1xi32>
      scf.yield %min3A, %select_n3A_2117 : vector<256x1xf32>, vector<256x1xi32>
    }
    %while3A_508 = arith.constant 1 : i32
    %while3A_509:2 = scf.for %while3A_2102 = %while3A_505 to %while3A_501 step %while3A_508 iter_args(%while3A_2103 = %while3A_507#0, %while3A_2104 = %while3A_507#1) -> (vector<256x1xf32>, vector<256x1xi32>)  : i32 {
      %mul3A_2105 = arith.constant 1024 : i32
      %mul3A_2106 = arith.muli %while3A_2102, %mul3A_2105 : i32
      %multiple_of3A = tpu.assume_multiple %mul3A_2106, 1024 : i32
      %get3A_2107 = arith.constant 0 : index
      %get3A_2108 = arith.index_cast %multiple_of3A : i32 to index
      %get3A_2109 = vector.load %arg7[%get3A_2107, %get3A_2108] : memref<256x10240xf32, #tpu.memory_space<vmem>>, vector<256x1024xf32>
      %gt3A = vector.broadcast %while3A_444#0 : vector<256x1xf32> to vector<256x1024xf32>
      %gt3A_2110 = arith.cmpf ogt, %get3A_2109, %gt3A : vector<256x1024xf32>
      %broadcast_in_dim3A_2111 = vector.broadcast %while3A_498 : f32 to vector<256x1024xf32>
      %select_n3A_2112 = arith.select %gt3A_2110, %get3A_2109, %broadcast_in_dim3A_2111 : vector<256x1024xi1>, vector<256x1024xf32>
      %reduce_min3A = arith.constant dense<0x7F800000> : vector<256xf32>
      %reduce_min3A_2113 = vector.multi_reduction <minimumf>, %select_n3A_2112, %reduce_min3A [1] : vector<256x1024xf32> to vector<256xf32>
      %broadcast_in_dim3A_2114 = vector.shape_cast %reduce_min3A_2113 : vector<256xf32> to vector<256x1xf32>
      %lt3A_2115 = arith.cmpf olt, %broadcast_in_dim3A_2114, %while3A_2103 : vector<256x1xf32>
      %min3A = arith.minimumf %broadcast_in_dim3A_2114, %while3A_2103 : vector<256x1xf32>
      %broadcast_in_dim3A_2116 = vector.broadcast %while3A_2102 : i32 to vector<256x1xi32>
      %select_n3A_2117 = arith.select %lt3A_2115, %broadcast_in_dim3A_2116, %while3A_2104 : vector<256x1xi1>, vector<256x1xi32>
      scf.yield %min3A, %select_n3A_2117 : vector<256x1xf32>, vector<256x1xi32>
    }
    %lt3A_510 = arith.constant 3.40282347E+38 : f32
    %lt3A_511 = vector.broadcast %lt3A_510 : f32 to vector<256x1xf32>
    %lt3A_512 = arith.cmpf olt, %while3A_509#0, %lt3A_511 : vector<256x1xf32>
    %bitcast_convert_type3A_513 = tpu.bitcast %while3A_509#0 : vector<256x1xf32> -> vector<256x1xi32>
    %mul3A_514 = arith.constant 1024 : i32
    %mul3A_515 = vector.broadcast %mul3A_514 : i32 to vector<256x1xi32>
    %mul3A_516 = arith.muli %while3A_509#1, %mul3A_515 : vector<256x1xi32>
    %add3A_517 = vector.broadcast %get3A_1 : i32 to vector<256x1xi32>
    %add3A_518 = arith.addi %add3A_517, %mul3A_516 : vector<256x1xi32>
    %and3A_519 = arith.constant 1023 : i32
    %and3A_520 = vector.broadcast %and3A_519 : i32 to vector<256x1xi32>
    %and3A_521 = arith.andi %bitcast_convert_type3A_513, %and3A_520 : vector<256x1xi32>
    %add3A_522 = arith.addi %add3A_518, %and3A_521 : vector<256x1xi32>
    %and3A_523 = arith.constant -1024 : i32
    %and3A_524 = vector.broadcast %and3A_523 : i32 to vector<256x1xi32>
    %and3A_525 = arith.andi %bitcast_convert_type3A_513, %and3A_524 : vector<256x1xi32>
    %bitcast_convert_type3A_526 = tpu.bitcast %and3A_525 : vector<256x1xi32> -> vector<256x1xf32>
    %select_n3A_527 = arith.select %lt3A_512, %add3A_522, %add3A_18 : vector<256x1xi1>, vector<256x1xi32>
    %swap3A_528 = arith.constant 0 : index
    %swap3A_529 = arith.constant 7 : index
    %swap3A_530 = vector.load %arg4[%swap3A_528, %swap3A_529] : memref<256x32xi32, #tpu.memory_space<vmem>>, vector<256x1xi32>
    tpu.vector_store %arg4[%swap3A_528, %swap3A_529], %select_n3A_527 {strides = array<i32>} : memref<256x32xi32, #tpu.memory_space<vmem>>, vector<256x1xi32>,
    %jit3A_531 = arith.constant 0.000000e+00 : f32
    %broadcast_in_dim3A_532 = vector.broadcast %jit3A_531 : f32 to vector<256x1xf32>
    %select_n3A_533 = arith.select %lt3A_512, %bitcast_convert_type3A_526, %broadcast_in_dim3A_532 : vector<256x1xi1>, vector<256x1xf32>
    %swap3A_534 = arith.constant 0 : index
    %swap3A_535 = arith.constant 7 : index
    %swap3A_536 = vector.load %arg5[%swap3A_534, %swap3A_535] : memref<256x32xf32, #tpu.memory_space<vmem>>, vector<256x1xf32>
    tpu.vector_store %arg5[%swap3A_534, %swap3A_535], %select_n3A_533 {strides = array<i32>} : memref<256x32xf32, #tpu.memory_space<vmem>>, vector<256x1xf32>,
    %convert_element_type3A_537 = arith.extui %lt3A_512 : vector<256x1xi1> to vector<256x1xi32>
    %convert_element_type3A_538 = arith.sitofp %convert_element_type3A_537 : vector<256x1xi32> to vector<256x1xf32>
    %swap3A_539 = arith.constant 0 : index
    %swap3A_540 = arith.constant 7 : index
    %swap3A_541 = vector.load %arg6[%swap3A_539, %swap3A_540] : memref<256x32xf32, #tpu.memory_space<vmem>>, vector<256x1xf32>
    tpu.vector_store %arg6[%swap3A_539, %swap3A_540], %convert_element_type3A_538 {strides = array<i32>} : memref<256x32xf32, #tpu.memory_space<vmem>>, vector<256x1xf32>,
    %eq3A_542 = arith.constant 3.40282347E+38 : f32
    %eq3A_543 = vector.broadcast %eq3A_542 : f32 to vector<256x1xf32>
    %eq3A_544 = arith.cmpf oeq, %while3A_509#0, %eq3A_543 : vector<256x1xf32>
    %reduce_and3A_545 = arith.constant 1.000000e+00 : f32
    %reduce_and3A_546 = arith.constant 0.000000e+00 : f32
    %reduce_and3A_547 = vector.broadcast %reduce_and3A_545 : f32 to vector<256x1xf32>
    %reduce_and3A_548 = vector.broadcast %reduce_and3A_546 : f32 to vector<256x1xf32>
    %reduce_and3A_549 = arith.select %eq3A_544, %reduce_and3A_547, %reduce_and3A_548 : vector<256x1xi1>, vector<256x1xf32>
    %reduce_and3A_550 = vector.shape_cast %reduce_and3A_549 : vector<256x1xf32> to vector<1x256x1xf32>
    %reduce_and3A_551 = arith.constant dense<0x7F800000> : vector<1xf32>
    %reduce_and3A_552 = vector.multi_reduction <minimumf>, %reduce_and3A_550, %reduce_and3A_551 [1, 2] : vector<1x256x1xf32> to vector<1xf32>
    %reduce_and3A_553 = vector.shape_cast %reduce_and3A_552 : vector<1xf32> to vector<1x1x1xf32>
    %reduce_and3A_554 = vector.extract %reduce_and3A_553[0, 0, 0] : f32 from vector<1x1x1xf32>
    %reduce_and3A_555 = arith.constant 0.000000e+00 : f32
    %reduce_and3A_556 = arith.cmpf ogt, %reduce_and3A_554, %reduce_and3A_555 : f32
    %jit3A_557 = arith.constant 0 : i32
    %select_n3A_558 = arith.select %reduce_and3A_556, %jit3A_557, %get3A_4 : i32
    %broadcast_in_dim3A_559 = arith.constant 3.40282347E+38 : f32
    %broadcast_in_dim3A_560 = vector.broadcast %broadcast_in_dim3A_559 : f32 to vector<256x1xf32>
    %broadcast_in_dim3A_561 = arith.constant 0 : i32
    %broadcast_in_dim3A_562 = vector.broadcast %broadcast_in_dim3A_561 : i32 to vector<256x1xi32>
    %while3A_563 = arith.constant 3.40282347E+38 : f32
    %while3A_564 = arith.constant 0 : i32
    %while3A_565 = arith.subi %select_n3A_558, %while3A_564 : i32
    %while3A_566 = arith.addi %while3A_564, %while3A_565 : i32
    %while3A_567 = arith.constant 1 : i32
    %while3A_568 = arith.divsi %while3A_565, %while3A_567 : i32
    %while3A_569 = arith.muli %while3A_568, %while3A_567 : i32
    %while3A_570 = arith.addi %while3A_564, %while3A_569 : i32
    %while3A_571 = arith.constant 1 : i32
    %while3A_572:2 = scf.for %while3A_2102 = %while3A_564 to %while3A_570 step %while3A_571 iter_args(%while3A_2103 = %broadcast_in_dim3A_560, %while3A_2104 = %broadcast_in_dim3A_562) -> (vector<256x1xf32>, vector<256x1xi32>)  : i32 {
      %mul3A_2105 = arith.constant 1024 : i32
      %mul3A_2106 = arith.muli %while3A_2102, %mul3A_2105 : i32
      %multiple_of3A = tpu.assume_multiple %mul3A_2106, 1024 : i32
      %get3A_2107 = arith.constant 0 : index
      %get3A_2108 = arith.index_cast %multiple_of3A : i32 to index
      %get3A_2109 = vector.load %arg7[%get3A_2107, %get3A_2108] : memref<256x10240xf32, #tpu.memory_space<vmem>>, vector<256x1024xf32>
      %gt3A = vector.broadcast %while3A_509#0 : vector<256x1xf32> to vector<256x1024xf32>
      %gt3A_2110 = arith.cmpf ogt, %get3A_2109, %gt3A : vector<256x1024xf32>
      %broadcast_in_dim3A_2111 = vector.broadcast %while3A_563 : f32 to vector<256x1024xf32>
      %select_n3A_2112 = arith.select %gt3A_2110, %get3A_2109, %broadcast_in_dim3A_2111 : vector<256x1024xi1>, vector<256x1024xf32>
      %reduce_min3A = arith.constant dense<0x7F800000> : vector<256xf32>
      %reduce_min3A_2113 = vector.multi_reduction <minimumf>, %select_n3A_2112, %reduce_min3A [1] : vector<256x1024xf32> to vector<256xf32>
      %broadcast_in_dim3A_2114 = vector.shape_cast %reduce_min3A_2113 : vector<256xf32> to vector<256x1xf32>
      %lt3A_2115 = arith.cmpf olt, %broadcast_in_dim3A_2114, %while3A_2103 : vector<256x1xf32>
      %min3A = arith.minimumf %broadcast_in_dim3A_2114, %while3A_2103 : vector<256x1xf32>
      %broadcast_in_dim3A_2116 = vector.broadcast %while3A_2102 : i32 to vector<256x1xi32>
      %select_n3A_2117 = arith.select %lt3A_2115, %broadcast_in_dim3A_2116, %while3A_2104 : vector<256x1xi1>, vector<256x1xi32>
      scf.yield %min3A, %select_n3A_2117 : vector<256x1xf32>, vector<256x1xi32>
    }
    %while3A_573 = arith.constant 1 : i32
    %while3A_574:2 = scf.for %while3A_2102 = %while3A_570 to %while3A_566 step %while3A_573 iter_args(%while3A_2103 = %while3A_572#0, %while3A_2104 = %while3A_572#1) -> (vector<256x1xf32>, vector<256x1xi32>)  : i32 {
      %mul3A_2105 = arith.constant 1024 : i32
      %mul3A_2106 = arith.muli %while3A_2102, %mul3A_2105 : i32
      %multiple_of3A = tpu.assume_multiple %mul3A_2106, 1024 : i32
      %get3A_2107 = arith.constant 0 : index
      %get3A_2108 = arith.index_cast %multiple_of3A : i32 to index
      %get3A_2109 = vector.load %arg7[%get3A_2107, %get3A_2108] : memref<256x10240xf32, #tpu.memory_space<vmem>>, vector<256x1024xf32>
      %gt3A = vector.broadcast %while3A_509#0 : vector<256x1xf32> to vector<256x1024xf32>
      %gt3A_2110 = arith.cmpf ogt, %get3A_2109, %gt3A : vector<256x1024xf32>
      %broadcast_in_dim3A_2111 = vector.broadcast %while3A_563 : f32 to vector<256x1024xf32>
      %select_n3A_2112 = arith.select %gt3A_2110, %get3A_2109, %broadcast_in_dim3A_2111 : vector<256x1024xi1>, vector<256x1024xf32>
      %reduce_min3A = arith.constant dense<0x7F800000> : vector<256xf32>
      %reduce_min3A_2113 = vector.multi_reduction <minimumf>, %select_n3A_2112, %reduce_min3A [1] : vector<256x1024xf32> to vector<256xf32>
      %broadcast_in_dim3A_2114 = vector.shape_cast %reduce_min3A_2113 : vector<256xf32> to vector<256x1xf32>
      %lt3A_2115 = arith.cmpf olt, %broadcast_in_dim3A_2114, %while3A_2103 : vector<256x1xf32>
      %min3A = arith.minimumf %broadcast_in_dim3A_2114, %while3A_2103 : vector<256x1xf32>
      %broadcast_in_dim3A_2116 = vector.broadcast %while3A_2102 : i32 to vector<256x1xi32>
      %select_n3A_2117 = arith.select %lt3A_2115, %broadcast_in_dim3A_2116, %while3A_2104 : vector<256x1xi1>, vector<256x1xi32>
      scf.yield %min3A, %select_n3A_2117 : vector<256x1xf32>, vector<256x1xi32>
    }
    %lt3A_575 = arith.constant 3.40282347E+38 : f32
    %lt3A_576 = vector.broadcast %lt3A_575 : f32 to vector<256x1xf32>
    %lt3A_577 = arith.cmpf olt, %while3A_574#0, %lt3A_576 : vector<256x1xf32>
    %bitcast_convert_type3A_578 = tpu.bitcast %while3A_574#0 : vector<256x1xf32> -> vector<256x1xi32>
    %mul3A_579 = arith.constant 1024 : i32
    %mul3A_580 = vector.broadcast %mul3A_579 : i32 to vector<256x1xi32>
    %mul3A_581 = arith.muli %while3A_574#1, %mul3A_580 : vector<256x1xi32>
    %add3A_582 = vector.broadcast %get3A_1 : i32 to vector<256x1xi32>
    %add3A_583 = arith.addi %add3A_582, %mul3A_581 : vector<256x1xi32>
    %and3A_584 = arith.constant 1023 : i32
    %and3A_585 = vector.broadcast %and3A_584 : i32 to vector<256x1xi32>
    %and3A_586 = arith.andi %bitcast_convert_type3A_578, %and3A_585 : vector<256x1xi32>
    %add3A_587 = arith.addi %add3A_583, %and3A_586 : vector<256x1xi32>
    %and3A_588 = arith.constant -1024 : i32
    %and3A_589 = vector.broadcast %and3A_588 : i32 to vector<256x1xi32>
    %and3A_590 = arith.andi %bitcast_convert_type3A_578, %and3A_589 : vector<256x1xi32>
    %bitcast_convert_type3A_591 = tpu.bitcast %and3A_590 : vector<256x1xi32> -> vector<256x1xf32>
    %select_n3A_592 = arith.select %lt3A_577, %add3A_587, %add3A_18 : vector<256x1xi1>, vector<256x1xi32>
    %swap3A_593 = arith.constant 0 : index
    %swap3A_594 = arith.constant 8 : index
    %swap3A_595 = vector.load %arg4[%swap3A_593, %swap3A_594] : memref<256x32xi32, #tpu.memory_space<vmem>>, vector<256x1xi32>
    tpu.vector_store %arg4[%swap3A_593, %swap3A_594], %select_n3A_592 {strides = array<i32>} : memref<256x32xi32, #tpu.memory_space<vmem>>, vector<256x1xi32>,
    %jit3A_596 = arith.constant 0.000000e+00 : f32
    %broadcast_in_dim3A_597 = vector.broadcast %jit3A_596 : f32 to vector<256x1xf32>
    %select_n3A_598 = arith.select %lt3A_577, %bitcast_convert_type3A_591, %broadcast_in_dim3A_597 : vector<256x1xi1>, vector<256x1xf32>
    %swap3A_599 = arith.constant 0 : index
    %swap3A_600 = arith.constant 8 : index
    %swap3A_601 = vector.load %arg5[%swap3A_599, %swap3A_600] : memref<256x32xf32, #tpu.memory_space<vmem>>, vector<256x1xf32>
    tpu.vector_store %arg5[%swap3A_599, %swap3A_600], %select_n3A_598 {strides = array<i32>} : memref<256x32xf32, #tpu.memory_space<vmem>>, vector<256x1xf32>,
    %convert_element_type3A_602 = arith.extui %lt3A_577 : vector<256x1xi1> to vector<256x1xi32>
    %convert_element_type3A_603 = arith.sitofp %convert_element_type3A_602 : vector<256x1xi32> to vector<256x1xf32>
    %swap3A_604 = arith.constant 0 : index
    %swap3A_605 = arith.constant 8 : index
    %swap3A_606 = vector.load %arg6[%swap3A_604, %swap3A_605] : memref<256x32xf32, #tpu.memory_space<vmem>>, vector<256x1xf32>
    tpu.vector_store %arg6[%swap3A_604, %swap3A_605], %convert_element_type3A_603 {strides = array<i32>} : memref<256x32xf32, #tpu.memory_space<vmem>>, vector<256x1xf32>,
    %eq3A_607 = arith.constant 3.40282347E+38 : f32
    %eq3A_608 = vector.broadcast %eq3A_607 : f32 to vector<256x1xf32>
    %eq3A_609 = arith.cmpf oeq, %while3A_574#0, %eq3A_608 : vector<256x1xf32>
    %reduce_and3A_610 = arith.constant 1.000000e+00 : f32
    %reduce_and3A_611 = arith.constant 0.000000e+00 : f32
    %reduce_and3A_612 = vector.broadcast %reduce_and3A_610 : f32 to vector<256x1xf32>
    %reduce_and3A_613 = vector.broadcast %reduce_and3A_611 : f32 to vector<256x1xf32>
    %reduce_and3A_614 = arith.select %eq3A_609, %reduce_and3A_612, %reduce_and3A_613 : vector<256x1xi1>, vector<256x1xf32>
    %reduce_and3A_615 = vector.shape_cast %reduce_and3A_614 : vector<256x1xf32> to vector<1x256x1xf32>
    %reduce_and3A_616 = arith.constant dense<0x7F800000> : vector<1xf32>
    %reduce_and3A_617 = vector.multi_reduction <minimumf>, %reduce_and3A_615, %reduce_and3A_616 [1, 2] : vector<1x256x1xf32> to vector<1xf32>
    %reduce_and3A_618 = vector.shape_cast %reduce_and3A_617 : vector<1xf32> to vector<1x1x1xf32>
    %reduce_and3A_619 = vector.extract %reduce_and3A_618[0, 0, 0] : f32 from vector<1x1x1xf32>
    %reduce_and3A_620 = arith.constant 0.000000e+00 : f32
    %reduce_and3A_621 = arith.cmpf ogt, %reduce_and3A_619, %reduce_and3A_620 : f32
    %jit3A_622 = arith.constant 0 : i32
    %select_n3A_623 = arith.select %reduce_and3A_621, %jit3A_622, %get3A_4 : i32
    %broadcast_in_dim3A_624 = arith.constant 3.40282347E+38 : f32
    %broadcast_in_dim3A_625 = vector.broadcast %broadcast_in_dim3A_624 : f32 to vector<256x1xf32>
    %broadcast_in_dim3A_626 = arith.constant 0 : i32
    %broadcast_in_dim3A_627 = vector.broadcast %broadcast_in_dim3A_626 : i32 to vector<256x1xi32>
    %while3A_628 = arith.constant 3.40282347E+38 : f32
    %while3A_629 = arith.constant 0 : i32
    %while3A_630 = arith.subi %select_n3A_623, %while3A_629 : i32
    %while3A_631 = arith.addi %while3A_629, %while3A_630 : i32
    %while3A_632 = arith.constant 1 : i32
    %while3A_633 = arith.divsi %while3A_630, %while3A_632 : i32
    %while3A_634 = arith.muli %while3A_633, %while3A_632 : i32
    %while3A_635 = arith.addi %while3A_629, %while3A_634 : i32
    %while3A_636 = arith.constant 1 : i32
    %while3A_637:2 = scf.for %while3A_2102 = %while3A_629 to %while3A_635 step %while3A_636 iter_args(%while3A_2103 = %broadcast_in_dim3A_625, %while3A_2104 = %broadcast_in_dim3A_627) -> (vector<256x1xf32>, vector<256x1xi32>)  : i32 {
      %mul3A_2105 = arith.constant 1024 : i32
      %mul3A_2106 = arith.muli %while3A_2102, %mul3A_2105 : i32
      %multiple_of3A = tpu.assume_multiple %mul3A_2106, 1024 : i32
      %get3A_2107 = arith.constant 0 : index
      %get3A_2108 = arith.index_cast %multiple_of3A : i32 to index
      %get3A_2109 = vector.load %arg7[%get3A_2107, %get3A_2108] : memref<256x10240xf32, #tpu.memory_space<vmem>>, vector<256x1024xf32>
      %gt3A = vector.broadcast %while3A_574#0 : vector<256x1xf32> to vector<256x1024xf32>
      %gt3A_2110 = arith.cmpf ogt, %get3A_2109, %gt3A : vector<256x1024xf32>
      %broadcast_in_dim3A_2111 = vector.broadcast %while3A_628 : f32 to vector<256x1024xf32>
      %select_n3A_2112 = arith.select %gt3A_2110, %get3A_2109, %broadcast_in_dim3A_2111 : vector<256x1024xi1>, vector<256x1024xf32>
      %reduce_min3A = arith.constant dense<0x7F800000> : vector<256xf32>
      %reduce_min3A_2113 = vector.multi_reduction <minimumf>, %select_n3A_2112, %reduce_min3A [1] : vector<256x1024xf32> to vector<256xf32>
      %broadcast_in_dim3A_2114 = vector.shape_cast %reduce_min3A_2113 : vector<256xf32> to vector<256x1xf32>
      %lt3A_2115 = arith.cmpf olt, %broadcast_in_dim3A_2114, %while3A_2103 : vector<256x1xf32>
      %min3A = arith.minimumf %broadcast_in_dim3A_2114, %while3A_2103 : vector<256x1xf32>
      %broadcast_in_dim3A_2116 = vector.broadcast %while3A_2102 : i32 to vector<256x1xi32>
      %select_n3A_2117 = arith.select %lt3A_2115, %broadcast_in_dim3A_2116, %while3A_2104 : vector<256x1xi1>, vector<256x1xi32>
      scf.yield %min3A, %select_n3A_2117 : vector<256x1xf32>, vector<256x1xi32>
    }
    %while3A_638 = arith.constant 1 : i32
    %while3A_639:2 = scf.for %while3A_2102 = %while3A_635 to %while3A_631 step %while3A_638 iter_args(%while3A_2103 = %while3A_637#0, %while3A_2104 = %while3A_637#1) -> (vector<256x1xf32>, vector<256x1xi32>)  : i32 {
      %mul3A_2105 = arith.constant 1024 : i32
      %mul3A_2106 = arith.muli %while3A_2102, %mul3A_2105 : i32
      %multiple_of3A = tpu.assume_multiple %mul3A_2106, 1024 : i32
      %get3A_2107 = arith.constant 0 : index
      %get3A_2108 = arith.index_cast %multiple_of3A : i32 to index
      %get3A_2109 = vector.load %arg7[%get3A_2107, %get3A_2108] : memref<256x10240xf32, #tpu.memory_space<vmem>>, vector<256x1024xf32>
      %gt3A = vector.broadcast %while3A_574#0 : vector<256x1xf32> to vector<256x1024xf32>
      %gt3A_2110 = arith.cmpf ogt, %get3A_2109, %gt3A : vector<256x1024xf32>
      %broadcast_in_dim3A_2111 = vector.broadcast %while3A_628 : f32 to vector<256x1024xf32>
      %select_n3A_2112 = arith.select %gt3A_2110, %get3A_2109, %broadcast_in_dim3A_2111 : vector<256x1024xi1>, vector<256x1024xf32>
      %reduce_min3A = arith.constant dense<0x7F800000> : vector<256xf32>
      %reduce_min3A_2113 = vector.multi_reduction <minimumf>, %select_n3A_2112, %reduce_min3A [1] : vector<256x1024xf32> to vector<256xf32>
      %broadcast_in_dim3A_2114 = vector.shape_cast %reduce_min3A_2113 : vector<256xf32> to vector<256x1xf32>
      %lt3A_2115 = arith.cmpf olt, %broadcast_in_dim3A_2114, %while3A_2103 : vector<256x1xf32>
      %min3A = arith.minimumf %broadcast_in_dim3A_2114, %while3A_2103 : vector<256x1xf32>
      %broadcast_in_dim3A_2116 = vector.broadcast %while3A_2102 : i32 to vector<256x1xi32>
      %select_n3A_2117 = arith.select %lt3A_2115, %broadcast_in_dim3A_2116, %while3A_2104 : vector<256x1xi1>, vector<256x1xi32>
      scf.yield %min3A, %select_n3A_2117 : vector<256x1xf32>, vector<256x1xi32>
    }
    %lt3A_640 = arith.constant 3.40282347E+38 : f32
    %lt3A_641 = vector.broadcast %lt3A_640 : f32 to vector<256x1xf32>
    %lt3A_642 = arith.cmpf olt, %while3A_639#0, %lt3A_641 : vector<256x1xf32>
    %bitcast_convert_type3A_643 = tpu.bitcast %while3A_639#0 : vector<256x1xf32> -> vector<256x1xi32>
    %mul3A_644 = arith.constant 1024 : i32
    %mul3A_645 = vector.broadcast %mul3A_644 : i32 to vector<256x1xi32>
    %mul3A_646 = arith.muli %while3A_639#1, %mul3A_645 : vector<256x1xi32>
    %add3A_647 = vector.broadcast %get3A_1 : i32 to vector<256x1xi32>
    %add3A_648 = arith.addi %add3A_647, %mul3A_646 : vector<256x1xi32>
    %and3A_649 = arith.constant 1023 : i32
    %and3A_650 = vector.broadcast %and3A_649 : i32 to vector<256x1xi32>
    %and3A_651 = arith.andi %bitcast_convert_type3A_643, %and3A_650 : vector<256x1xi32>
    %add3A_652 = arith.addi %add3A_648, %and3A_651 : vector<256x1xi32>
    %and3A_653 = arith.constant -1024 : i32
    %and3A_654 = vector.broadcast %and3A_653 : i32 to vector<256x1xi32>
    %and3A_655 = arith.andi %bitcast_convert_type3A_643, %and3A_654 : vector<256x1xi32>
    %bitcast_convert_type3A_656 = tpu.bitcast %and3A_655 : vector<256x1xi32> -> vector<256x1xf32>
    %select_n3A_657 = arith.select %lt3A_642, %add3A_652, %add3A_18 : vector<256x1xi1>, vector<256x1xi32>
    %swap3A_658 = arith.constant 0 : index
    %swap3A_659 = arith.constant 9 : index
    %swap3A_660 = vector.load %arg4[%swap3A_658, %swap3A_659] : memref<256x32xi32, #tpu.memory_space<vmem>>, vector<256x1xi32>
    tpu.vector_store %arg4[%swap3A_658, %swap3A_659], %select_n3A_657 {strides = array<i32>} : memref<256x32xi32, #tpu.memory_space<vmem>>, vector<256x1xi32>,
    %jit3A_661 = arith.constant 0.000000e+00 : f32
    %broadcast_in_dim3A_662 = vector.broadcast %jit3A_661 : f32 to vector<256x1xf32>
    %select_n3A_663 = arith.select %lt3A_642, %bitcast_convert_type3A_656, %broadcast_in_dim3A_662 : vector<256x1xi1>, vector<256x1xf32>
    %swap3A_664 = arith.constant 0 : index
    %swap3A_665 = arith.constant 9 : index
    %swap3A_666 = vector.load %arg5[%swap3A_664, %swap3A_665] : memref<256x32xf32, #tpu.memory_space<vmem>>, vector<256x1xf32>
    tpu.vector_store %arg5[%swap3A_664, %swap3A_665], %select_n3A_663 {strides = array<i32>} : memref<256x32xf32, #tpu.memory_space<vmem>>, vector<256x1xf32>,
    %convert_element_type3A_667 = arith.extui %lt3A_642 : vector<256x1xi1> to vector<256x1xi32>
    %convert_element_type3A_668 = arith.sitofp %convert_element_type3A_667 : vector<256x1xi32> to vector<256x1xf32>
    %swap3A_669 = arith.constant 0 : index
    %swap3A_670 = arith.constant 9 : index
    %swap3A_671 = vector.load %arg6[%swap3A_669, %swap3A_670] : memref<256x32xf32, #tpu.memory_space<vmem>>, vector<256x1xf32>
    tpu.vector_store %arg6[%swap3A_669, %swap3A_670], %convert_element_type3A_668 {strides = array<i32>} : memref<256x32xf32, #tpu.memory_space<vmem>>, vector<256x1xf32>,
    %eq3A_672 = arith.constant 3.40282347E+38 : f32
    %eq3A_673 = vector.broadcast %eq3A_672 : f32 to vector<256x1xf32>
    %eq3A_674 = arith.cmpf oeq, %while3A_639#0, %eq3A_673 : vector<256x1xf32>
    %reduce_and3A_675 = arith.constant 1.000000e+00 : f32
    %reduce_and3A_676 = arith.constant 0.000000e+00 : f32
    %reduce_and3A_677 = vector.broadcast %reduce_and3A_675 : f32 to vector<256x1xf32>
    %reduce_and3A_678 = vector.broadcast %reduce_and3A_676 : f32 to vector<256x1xf32>
    %reduce_and3A_679 = arith.select %eq3A_674, %reduce_and3A_677, %reduce_and3A_678 : vector<256x1xi1>, vector<256x1xf32>
    %reduce_and3A_680 = vector.shape_cast %reduce_and3A_679 : vector<256x1xf32> to vector<1x256x1xf32>
    %reduce_and3A_681 = arith.constant dense<0x7F800000> : vector<1xf32>
    %reduce_and3A_682 = vector.multi_reduction <minimumf>, %reduce_and3A_680, %reduce_and3A_681 [1, 2] : vector<1x256x1xf32> to vector<1xf32>
    %reduce_and3A_683 = vector.shape_cast %reduce_and3A_682 : vector<1xf32> to vector<1x1x1xf32>
    %reduce_and3A_684 = vector.extract %reduce_and3A_683[0, 0, 0] : f32 from vector<1x1x1xf32>
    %reduce_and3A_685 = arith.constant 0.000000e+00 : f32
    %reduce_and3A_686 = arith.cmpf ogt, %reduce_and3A_684, %reduce_and3A_685 : f32
    %jit3A_687 = arith.constant 0 : i32
    %select_n3A_688 = arith.select %reduce_and3A_686, %jit3A_687, %get3A_4 : i32
    %broadcast_in_dim3A_689 = arith.constant 3.40282347E+38 : f32
    %broadcast_in_dim3A_690 = vector.broadcast %broadcast_in_dim3A_689 : f32 to vector<256x1xf32>
    %broadcast_in_dim3A_691 = arith.constant 0 : i32
    %broadcast_in_dim3A_692 = vector.broadcast %broadcast_in_dim3A_691 : i32 to vector<256x1xi32>
    %while3A_693 = arith.constant 3.40282347E+38 : f32
    %while3A_694 = arith.constant 0 : i32
    %while3A_695 = arith.subi %select_n3A_688, %while3A_694 : i32
    %while3A_696 = arith.addi %while3A_694, %while3A_695 : i32
    %while3A_697 = arith.constant 1 : i32
    %while3A_698 = arith.divsi %while3A_695, %while3A_697 : i32
    %while3A_699 = arith.muli %while3A_698, %while3A_697 : i32
    %while3A_700 = arith.addi %while3A_694, %while3A_699 : i32
    %while3A_701 = arith.constant 1 : i32
    %while3A_702:2 = scf.for %while3A_2102 = %while3A_694 to %while3A_700 step %while3A_701 iter_args(%while3A_2103 = %broadcast_in_dim3A_690, %while3A_2104 = %broadcast_in_dim3A_692) -> (vector<256x1xf32>, vector<256x1xi32>)  : i32 {
      %mul3A_2105 = arith.constant 1024 : i32
      %mul3A_2106 = arith.muli %while3A_2102, %mul3A_2105 : i32
      %multiple_of3A = tpu.assume_multiple %mul3A_2106, 1024 : i32
      %get3A_2107 = arith.constant 0 : index
      %get3A_2108 = arith.index_cast %multiple_of3A : i32 to index
      %get3A_2109 = vector.load %arg7[%get3A_2107, %get3A_2108] : memref<256x10240xf32, #tpu.memory_space<vmem>>, vector<256x1024xf32>
      %gt3A = vector.broadcast %while3A_639#0 : vector<256x1xf32> to vector<256x1024xf32>
      %gt3A_2110 = arith.cmpf ogt, %get3A_2109, %gt3A : vector<256x1024xf32>
      %broadcast_in_dim3A_2111 = vector.broadcast %while3A_693 : f32 to vector<256x1024xf32>
      %select_n3A_2112 = arith.select %gt3A_2110, %get3A_2109, %broadcast_in_dim3A_2111 : vector<256x1024xi1>, vector<256x1024xf32>
      %reduce_min3A = arith.constant dense<0x7F800000> : vector<256xf32>
      %reduce_min3A_2113 = vector.multi_reduction <minimumf>, %select_n3A_2112, %reduce_min3A [1] : vector<256x1024xf32> to vector<256xf32>
      %broadcast_in_dim3A_2114 = vector.shape_cast %reduce_min3A_2113 : vector<256xf32> to vector<256x1xf32>
      %lt3A_2115 = arith.cmpf olt, %broadcast_in_dim3A_2114, %while3A_2103 : vector<256x1xf32>
      %min3A = arith.minimumf %broadcast_in_dim3A_2114, %while3A_2103 : vector<256x1xf32>
      %broadcast_in_dim3A_2116 = vector.broadcast %while3A_2102 : i32 to vector<256x1xi32>
      %select_n3A_2117 = arith.select %lt3A_2115, %broadcast_in_dim3A_2116, %while3A_2104 : vector<256x1xi1>, vector<256x1xi32>
      scf.yield %min3A, %select_n3A_2117 : vector<256x1xf32>, vector<256x1xi32>
    }
    %while3A_703 = arith.constant 1 : i32
    %while3A_704:2 = scf.for %while3A_2102 = %while3A_700 to %while3A_696 step %while3A_703 iter_args(%while3A_2103 = %while3A_702#0, %while3A_2104 = %while3A_702#1) -> (vector<256x1xf32>, vector<256x1xi32>)  : i32 {
      %mul3A_2105 = arith.constant 1024 : i32
      %mul3A_2106 = arith.muli %while3A_2102, %mul3A_2105 : i32
      %multiple_of3A = tpu.assume_multiple %mul3A_2106, 1024 : i32
      %get3A_2107 = arith.constant 0 : index
      %get3A_2108 = arith.index_cast %multiple_of3A : i32 to index
      %get3A_2109 = vector.load %arg7[%get3A_2107, %get3A_2108] : memref<256x10240xf32, #tpu.memory_space<vmem>>, vector<256x1024xf32>
      %gt3A = vector.broadcast %while3A_639#0 : vector<256x1xf32> to vector<256x1024xf32>
      %gt3A_2110 = arith.cmpf ogt, %get3A_2109, %gt3A : vector<256x1024xf32>
      %broadcast_in_dim3A_2111 = vector.broadcast %while3A_693 : f32 to vector<256x1024xf32>
      %select_n3A_2112 = arith.select %gt3A_2110, %get3A_2109, %broadcast_in_dim3A_2111 : vector<256x1024xi1>, vector<256x1024xf32>
      %reduce_min3A = arith.constant dense<0x7F800000> : vector<256xf32>
      %reduce_min3A_2113 = vector.multi_reduction <minimumf>, %select_n3A_2112, %reduce_min3A [1] : vector<256x1024xf32> to vector<256xf32>
      %broadcast_in_dim3A_2114 = vector.shape_cast %reduce_min3A_2113 : vector<256xf32> to vector<256x1xf32>
      %lt3A_2115 = arith.cmpf olt, %broadcast_in_dim3A_2114, %while3A_2103 : vector<256x1xf32>
      %min3A = arith.minimumf %broadcast_in_dim3A_2114, %while3A_2103 : vector<256x1xf32>
      %broadcast_in_dim3A_2116 = vector.broadcast %while3A_2102 : i32 to vector<256x1xi32>
      %select_n3A_2117 = arith.select %lt3A_2115, %broadcast_in_dim3A_2116, %while3A_2104 : vector<256x1xi1>, vector<256x1xi32>
      scf.yield %min3A, %select_n3A_2117 : vector<256x1xf32>, vector<256x1xi32>
    }
    %lt3A_705 = arith.constant 3.40282347E+38 : f32
    %lt3A_706 = vector.broadcast %lt3A_705 : f32 to vector<256x1xf32>
    %lt3A_707 = arith.cmpf olt, %while3A_704#0, %lt3A_706 : vector<256x1xf32>
    %bitcast_convert_type3A_708 = tpu.bitcast %while3A_704#0 : vector<256x1xf32> -> vector<256x1xi32>
    %mul3A_709 = arith.constant 1024 : i32
    %mul3A_710 = vector.broadcast %mul3A_709 : i32 to vector<256x1xi32>
    %mul3A_711 = arith.muli %while3A_704#1, %mul3A_710 : vector<256x1xi32>
    %add3A_712 = vector.broadcast %get3A_1 : i32 to vector<256x1xi32>
    %add3A_713 = arith.addi %add3A_712, %mul3A_711 : vector<256x1xi32>
    %and3A_714 = arith.constant 1023 : i32
    %and3A_715 = vector.broadcast %and3A_714 : i32 to vector<256x1xi32>
    %and3A_716 = arith.andi %bitcast_convert_type3A_708, %and3A_715 : vector<256x1xi32>
    %add3A_717 = arith.addi %add3A_713, %and3A_716 : vector<256x1xi32>
    %and3A_718 = arith.constant -1024 : i32
    %and3A_719 = vector.broadcast %and3A_718 : i32 to vector<256x1xi32>
    %and3A_720 = arith.andi %bitcast_convert_type3A_708, %and3A_719 : vector<256x1xi32>
    %bitcast_convert_type3A_721 = tpu.bitcast %and3A_720 : vector<256x1xi32> -> vector<256x1xf32>
    %select_n3A_722 = arith.select %lt3A_707, %add3A_717, %add3A_18 : vector<256x1xi1>, vector<256x1xi32>
    %swap3A_723 = arith.constant 0 : index
    %swap3A_724 = arith.constant 10 : index
    %swap3A_725 = vector.load %arg4[%swap3A_723, %swap3A_724] : memref<256x32xi32, #tpu.memory_space<vmem>>, vector<256x1xi32>
    tpu.vector_store %arg4[%swap3A_723, %swap3A_724], %select_n3A_722 {strides = array<i32>} : memref<256x32xi32, #tpu.memory_space<vmem>>, vector<256x1xi32>,
    %jit3A_726 = arith.constant 0.000000e+00 : f32
    %broadcast_in_dim3A_727 = vector.broadcast %jit3A_726 : f32 to vector<256x1xf32>
    %select_n3A_728 = arith.select %lt3A_707, %bitcast_convert_type3A_721, %broadcast_in_dim3A_727 : vector<256x1xi1>, vector<256x1xf32>
    %swap3A_729 = arith.constant 0 : index
    %swap3A_730 = arith.constant 10 : index
    %swap3A_731 = vector.load %arg5[%swap3A_729, %swap3A_730] : memref<256x32xf32, #tpu.memory_space<vmem>>, vector<256x1xf32>
    tpu.vector_store %arg5[%swap3A_729, %swap3A_730], %select_n3A_728 {strides = array<i32>} : memref<256x32xf32, #tpu.memory_space<vmem>>, vector<256x1xf32>,
    %convert_element_type3A_732 = arith.extui %lt3A_707 : vector<256x1xi1> to vector<256x1xi32>
    %convert_element_type3A_733 = arith.sitofp %convert_element_type3A_732 : vector<256x1xi32> to vector<256x1xf32>
    %swap3A_734 = arith.constant 0 : index
    %swap3A_735 = arith.constant 10 : index
    %swap3A_736 = vector.load %arg6[%swap3A_734, %swap3A_735] : memref<256x32xf32, #tpu.memory_space<vmem>>, vector<256x1xf32>
    tpu.vector_store %arg6[%swap3A_734, %swap3A_735], %convert_element_type3A_733 {strides = array<i32>} : memref<256x32xf32, #tpu.memory_space<vmem>>, vector<256x1xf32>,
    %eq3A_737 = arith.constant 3.40282347E+38 : f32
    %eq3A_738 = vector.broadcast %eq3A_737 : f32 to vector<256x1xf32>
    %eq3A_739 = arith.cmpf oeq, %while3A_704#0, %eq3A_738 : vector<256x1xf32>
    %reduce_and3A_740 = arith.constant 1.000000e+00 : f32
    %reduce_and3A_741 = arith.constant 0.000000e+00 : f32
    %reduce_and3A_742 = vector.broadcast %reduce_and3A_740 : f32 to vector<256x1xf32>
    %reduce_and3A_743 = vector.broadcast %reduce_and3A_741 : f32 to vector<256x1xf32>
    %reduce_and3A_744 = arith.select %eq3A_739, %reduce_and3A_742, %reduce_and3A_743 : vector<256x1xi1>, vector<256x1xf32>
    %reduce_and3A_745 = vector.shape_cast %reduce_and3A_744 : vector<256x1xf32> to vector<1x256x1xf32>
    %reduce_and3A_746 = arith.constant dense<0x7F800000> : vector<1xf32>
    %reduce_and3A_747 = vector.multi_reduction <minimumf>, %reduce_and3A_745, %reduce_and3A_746 [1, 2] : vector<1x256x1xf32> to vector<1xf32>
    %reduce_and3A_748 = vector.shape_cast %reduce_and3A_747 : vector<1xf32> to vector<1x1x1xf32>
    %reduce_and3A_749 = vector.extract %reduce_and3A_748[0, 0, 0] : f32 from vector<1x1x1xf32>
    %reduce_and3A_750 = arith.constant 0.000000e+00 : f32
    %reduce_and3A_751 = arith.cmpf ogt, %reduce_and3A_749, %reduce_and3A_750 : f32
    %jit3A_752 = arith.constant 0 : i32
    %select_n3A_753 = arith.select %reduce_and3A_751, %jit3A_752, %get3A_4 : i32
    %broadcast_in_dim3A_754 = arith.constant 3.40282347E+38 : f32
    %broadcast_in_dim3A_755 = vector.broadcast %broadcast_in_dim3A_754 : f32 to vector<256x1xf32>
    %broadcast_in_dim3A_756 = arith.constant 0 : i32
    %broadcast_in_dim3A_757 = vector.broadcast %broadcast_in_dim3A_756 : i32 to vector<256x1xi32>
    %while3A_758 = arith.constant 3.40282347E+38 : f32
    %while3A_759 = arith.constant 0 : i32
    %while3A_760 = arith.subi %select_n3A_753, %while3A_759 : i32
    %while3A_761 = arith.addi %while3A_759, %while3A_760 : i32
    %while3A_762 = arith.constant 1 : i32
    %while3A_763 = arith.divsi %while3A_760, %while3A_762 : i32
    %while3A_764 = arith.muli %while3A_763, %while3A_762 : i32
    %while3A_765 = arith.addi %while3A_759, %while3A_764 : i32
    %while3A_766 = arith.constant 1 : i32
    %while3A_767:2 = scf.for %while3A_2102 = %while3A_759 to %while3A_765 step %while3A_766 iter_args(%while3A_2103 = %broadcast_in_dim3A_755, %while3A_2104 = %broadcast_in_dim3A_757) -> (vector<256x1xf32>, vector<256x1xi32>)  : i32 {
      %mul3A_2105 = arith.constant 1024 : i32
      %mul3A_2106 = arith.muli %while3A_2102, %mul3A_2105 : i32
      %multiple_of3A = tpu.assume_multiple %mul3A_2106, 1024 : i32
      %get3A_2107 = arith.constant 0 : index
      %get3A_2108 = arith.index_cast %multiple_of3A : i32 to index
      %get3A_2109 = vector.load %arg7[%get3A_2107, %get3A_2108] : memref<256x10240xf32, #tpu.memory_space<vmem>>, vector<256x1024xf32>
      %gt3A = vector.broadcast %while3A_704#0 : vector<256x1xf32> to vector<256x1024xf32>
      %gt3A_2110 = arith.cmpf ogt, %get3A_2109, %gt3A : vector<256x1024xf32>
      %broadcast_in_dim3A_2111 = vector.broadcast %while3A_758 : f32 to vector<256x1024xf32>
      %select_n3A_2112 = arith.select %gt3A_2110, %get3A_2109, %broadcast_in_dim3A_2111 : vector<256x1024xi1>, vector<256x1024xf32>
      %reduce_min3A = arith.constant dense<0x7F800000> : vector<256xf32>
      %reduce_min3A_2113 = vector.multi_reduction <minimumf>, %select_n3A_2112, %reduce_min3A [1] : vector<256x1024xf32> to vector<256xf32>
      %broadcast_in_dim3A_2114 = vector.shape_cast %reduce_min3A_2113 : vector<256xf32> to vector<256x1xf32>
      %lt3A_2115 = arith.cmpf olt, %broadcast_in_dim3A_2114, %while3A_2103 : vector<256x1xf32>
      %min3A = arith.minimumf %broadcast_in_dim3A_2114, %while3A_2103 : vector<256x1xf32>
      %broadcast_in_dim3A_2116 = vector.broadcast %while3A_2102 : i32 to vector<256x1xi32>
      %select_n3A_2117 = arith.select %lt3A_2115, %broadcast_in_dim3A_2116, %while3A_2104 : vector<256x1xi1>, vector<256x1xi32>
      scf.yield %min3A, %select_n3A_2117 : vector<256x1xf32>, vector<256x1xi32>
    }
    %while3A_768 = arith.constant 1 : i32
    %while3A_769:2 = scf.for %while3A_2102 = %while3A_765 to %while3A_761 step %while3A_768 iter_args(%while3A_2103 = %while3A_767#0, %while3A_2104 = %while3A_767#1) -> (vector<256x1xf32>, vector<256x1xi32>)  : i32 {
      %mul3A_2105 = arith.constant 1024 : i32
      %mul3A_2106 = arith.muli %while3A_2102, %mul3A_2105 : i32
      %multiple_of3A = tpu.assume_multiple %mul3A_2106, 1024 : i32
      %get3A_2107 = arith.constant 0 : index
      %get3A_2108 = arith.index_cast %multiple_of3A : i32 to index
      %get3A_2109 = vector.load %arg7[%get3A_2107, %get3A_2108] : memref<256x10240xf32, #tpu.memory_space<vmem>>, vector<256x1024xf32>
      %gt3A = vector.broadcast %while3A_704#0 : vector<256x1xf32> to vector<256x1024xf32>
      %gt3A_2110 = arith.cmpf ogt, %get3A_2109, %gt3A : vector<256x1024xf32>
      %broadcast_in_dim3A_2111 = vector.broadcast %while3A_758 : f32 to vector<256x1024xf32>
      %select_n3A_2112 = arith.select %gt3A_2110, %get3A_2109, %broadcast_in_dim3A_2111 : vector<256x1024xi1>, vector<256x1024xf32>
      %reduce_min3A = arith.constant dense<0x7F800000> : vector<256xf32>
      %reduce_min3A_2113 = vector.multi_reduction <minimumf>, %select_n3A_2112, %reduce_min3A [1] : vector<256x1024xf32> to vector<256xf32>
      %broadcast_in_dim3A_2114 = vector.shape_cast %reduce_min3A_2113 : vector<256xf32> to vector<256x1xf32>
      %lt3A_2115 = arith.cmpf olt, %broadcast_in_dim3A_2114, %while3A_2103 : vector<256x1xf32>
      %min3A = arith.minimumf %broadcast_in_dim3A_2114, %while3A_2103 : vector<256x1xf32>
      %broadcast_in_dim3A_2116 = vector.broadcast %while3A_2102 : i32 to vector<256x1xi32>
      %select_n3A_2117 = arith.select %lt3A_2115, %broadcast_in_dim3A_2116, %while3A_2104 : vector<256x1xi1>, vector<256x1xi32>
      scf.yield %min3A, %select_n3A_2117 : vector<256x1xf32>, vector<256x1xi32>
    }
    %lt3A_770 = arith.constant 3.40282347E+38 : f32
    %lt3A_771 = vector.broadcast %lt3A_770 : f32 to vector<256x1xf32>
    %lt3A_772 = arith.cmpf olt, %while3A_769#0, %lt3A_771 : vector<256x1xf32>
    %bitcast_convert_type3A_773 = tpu.bitcast %while3A_769#0 : vector<256x1xf32> -> vector<256x1xi32>
    %mul3A_774 = arith.constant 1024 : i32
    %mul3A_775 = vector.broadcast %mul3A_774 : i32 to vector<256x1xi32>
    %mul3A_776 = arith.muli %while3A_769#1, %mul3A_775 : vector<256x1xi32>
    %add3A_777 = vector.broadcast %get3A_1 : i32 to vector<256x1xi32>
    %add3A_778 = arith.addi %add3A_777, %mul3A_776 : vector<256x1xi32>
    %and3A_779 = arith.constant 1023 : i32
    %and3A_780 = vector.broadcast %and3A_779 : i32 to vector<256x1xi32>
    %and3A_781 = arith.andi %bitcast_convert_type3A_773, %and3A_780 : vector<256x1xi32>
    %add3A_782 = arith.addi %add3A_778, %and3A_781 : vector<256x1xi32>
    %and3A_783 = arith.constant -1024 : i32
    %and3A_784 = vector.broadcast %and3A_783 : i32 to vector<256x1xi32>
    %and3A_785 = arith.andi %bitcast_convert_type3A_773, %and3A_784 : vector<256x1xi32>
    %bitcast_convert_type3A_786 = tpu.bitcast %and3A_785 : vector<256x1xi32> -> vector<256x1xf32>
    %select_n3A_787 = arith.select %lt3A_772, %add3A_782, %add3A_18 : vector<256x1xi1>, vector<256x1xi32>
    %swap3A_788 = arith.constant 0 : index
    %swap3A_789 = arith.constant 11 : index
    %swap3A_790 = vector.load %arg4[%swap3A_788, %swap3A_789] : memref<256x32xi32, #tpu.memory_space<vmem>>, vector<256x1xi32>
    tpu.vector_store %arg4[%swap3A_788, %swap3A_789], %select_n3A_787 {strides = array<i32>} : memref<256x32xi32, #tpu.memory_space<vmem>>, vector<256x1xi32>,
    %jit3A_791 = arith.constant 0.000000e+00 : f32
    %broadcast_in_dim3A_792 = vector.broadcast %jit3A_791 : f32 to vector<256x1xf32>
    %select_n3A_793 = arith.select %lt3A_772, %bitcast_convert_type3A_786, %broadcast_in_dim3A_792 : vector<256x1xi1>, vector<256x1xf32>
    %swap3A_794 = arith.constant 0 : index
    %swap3A_795 = arith.constant 11 : index
    %swap3A_796 = vector.load %arg5[%swap3A_794, %swap3A_795] : memref<256x32xf32, #tpu.memory_space<vmem>>, vector<256x1xf32>
    tpu.vector_store %arg5[%swap3A_794, %swap3A_795], %select_n3A_793 {strides = array<i32>} : memref<256x32xf32, #tpu.memory_space<vmem>>, vector<256x1xf32>,
    %convert_element_type3A_797 = arith.extui %lt3A_772 : vector<256x1xi1> to vector<256x1xi32>
    %convert_element_type3A_798 = arith.sitofp %convert_element_type3A_797 : vector<256x1xi32> to vector<256x1xf32>
    %swap3A_799 = arith.constant 0 : index
    %swap3A_800 = arith.constant 11 : index
    %swap3A_801 = vector.load %arg6[%swap3A_799, %swap3A_800] : memref<256x32xf32, #tpu.memory_space<vmem>>, vector<256x1xf32>
    tpu.vector_store %arg6[%swap3A_799, %swap3A_800], %convert_element_type3A_798 {strides = array<i32>} : memref<256x32xf32, #tpu.memory_space<vmem>>, vector<256x1xf32>,
    %eq3A_802 = arith.constant 3.40282347E+38 : f32
    %eq3A_803 = vector.broadcast %eq3A_802 : f32 to vector<256x1xf32>
    %eq3A_804 = arith.cmpf oeq, %while3A_769#0, %eq3A_803 : vector<256x1xf32>
    %reduce_and3A_805 = arith.constant 1.000000e+00 : f32
    %reduce_and3A_806 = arith.constant 0.000000e+00 : f32
    %reduce_and3A_807 = vector.broadcast %reduce_and3A_805 : f32 to vector<256x1xf32>
    %reduce_and3A_808 = vector.broadcast %reduce_and3A_806 : f32 to vector<256x1xf32>
    %reduce_and3A_809 = arith.select %eq3A_804, %reduce_and3A_807, %reduce_and3A_808 : vector<256x1xi1>, vector<256x1xf32>
    %reduce_and3A_810 = vector.shape_cast %reduce_and3A_809 : vector<256x1xf32> to vector<1x256x1xf32>
    %reduce_and3A_811 = arith.constant dense<0x7F800000> : vector<1xf32>
    %reduce_and3A_812 = vector.multi_reduction <minimumf>, %reduce_and3A_810, %reduce_and3A_811 [1, 2] : vector<1x256x1xf32> to vector<1xf32>
    %reduce_and3A_813 = vector.shape_cast %reduce_and3A_812 : vector<1xf32> to vector<1x1x1xf32>
    %reduce_and3A_814 = vector.extract %reduce_and3A_813[0, 0, 0] : f32 from vector<1x1x1xf32>
    %reduce_and3A_815 = arith.constant 0.000000e+00 : f32
    %reduce_and3A_816 = arith.cmpf ogt, %reduce_and3A_814, %reduce_and3A_815 : f32
    %jit3A_817 = arith.constant 0 : i32
    %select_n3A_818 = arith.select %reduce_and3A_816, %jit3A_817, %get3A_4 : i32
    %broadcast_in_dim3A_819 = arith.constant 3.40282347E+38 : f32
    %broadcast_in_dim3A_820 = vector.broadcast %broadcast_in_dim3A_819 : f32 to vector<256x1xf32>
    %broadcast_in_dim3A_821 = arith.constant 0 : i32
    %broadcast_in_dim3A_822 = vector.broadcast %broadcast_in_dim3A_821 : i32 to vector<256x1xi32>
    %while3A_823 = arith.constant 3.40282347E+38 : f32
    %while3A_824 = arith.constant 0 : i32
    %while3A_825 = arith.subi %select_n3A_818, %while3A_824 : i32
    %while3A_826 = arith.addi %while3A_824, %while3A_825 : i32
    %while3A_827 = arith.constant 1 : i32
    %while3A_828 = arith.divsi %while3A_825, %while3A_827 : i32
    %while3A_829 = arith.muli %while3A_828, %while3A_827 : i32
    %while3A_830 = arith.addi %while3A_824, %while3A_829 : i32
    %while3A_831 = arith.constant 1 : i32
    %while3A_832:2 = scf.for %while3A_2102 = %while3A_824 to %while3A_830 step %while3A_831 iter_args(%while3A_2103 = %broadcast_in_dim3A_820, %while3A_2104 = %broadcast_in_dim3A_822) -> (vector<256x1xf32>, vector<256x1xi32>)  : i32 {
      %mul3A_2105 = arith.constant 1024 : i32
      %mul3A_2106 = arith.muli %while3A_2102, %mul3A_2105 : i32
      %multiple_of3A = tpu.assume_multiple %mul3A_2106, 1024 : i32
      %get3A_2107 = arith.constant 0 : index
      %get3A_2108 = arith.index_cast %multiple_of3A : i32 to index
      %get3A_2109 = vector.load %arg7[%get3A_2107, %get3A_2108] : memref<256x10240xf32, #tpu.memory_space<vmem>>, vector<256x1024xf32>
      %gt3A = vector.broadcast %while3A_769#0 : vector<256x1xf32> to vector<256x1024xf32>
      %gt3A_2110 = arith.cmpf ogt, %get3A_2109, %gt3A : vector<256x1024xf32>
      %broadcast_in_dim3A_2111 = vector.broadcast %while3A_823 : f32 to vector<256x1024xf32>
      %select_n3A_2112 = arith.select %gt3A_2110, %get3A_2109, %broadcast_in_dim3A_2111 : vector<256x1024xi1>, vector<256x1024xf32>
      %reduce_min3A = arith.constant dense<0x7F800000> : vector<256xf32>
      %reduce_min3A_2113 = vector.multi_reduction <minimumf>, %select_n3A_2112, %reduce_min3A [1] : vector<256x1024xf32> to vector<256xf32>
      %broadcast_in_dim3A_2114 = vector.shape_cast %reduce_min3A_2113 : vector<256xf32> to vector<256x1xf32>
      %lt3A_2115 = arith.cmpf olt, %broadcast_in_dim3A_2114, %while3A_2103 : vector<256x1xf32>
      %min3A = arith.minimumf %broadcast_in_dim3A_2114, %while3A_2103 : vector<256x1xf32>
      %broadcast_in_dim3A_2116 = vector.broadcast %while3A_2102 : i32 to vector<256x1xi32>
      %select_n3A_2117 = arith.select %lt3A_2115, %broadcast_in_dim3A_2116, %while3A_2104 : vector<256x1xi1>, vector<256x1xi32>
      scf.yield %min3A, %select_n3A_2117 : vector<256x1xf32>, vector<256x1xi32>
    }
    %while3A_833 = arith.constant 1 : i32
    %while3A_834:2 = scf.for %while3A_2102 = %while3A_830 to %while3A_826 step %while3A_833 iter_args(%while3A_2103 = %while3A_832#0, %while3A_2104 = %while3A_832#1) -> (vector<256x1xf32>, vector<256x1xi32>)  : i32 {
      %mul3A_2105 = arith.constant 1024 : i32
      %mul3A_2106 = arith.muli %while3A_2102, %mul3A_2105 : i32
      %multiple_of3A = tpu.assume_multiple %mul3A_2106, 1024 : i32
      %get3A_2107 = arith.constant 0 : index
      %get3A_2108 = arith.index_cast %multiple_of3A : i32 to index
      %get3A_2109 = vector.load %arg7[%get3A_2107, %get3A_2108] : memref<256x10240xf32, #tpu.memory_space<vmem>>, vector<256x1024xf32>
      %gt3A = vector.broadcast %while3A_769#0 : vector<256x1xf32> to vector<256x1024xf32>
      %gt3A_2110 = arith.cmpf ogt, %get3A_2109, %gt3A : vector<256x1024xf32>
      %broadcast_in_dim3A_2111 = vector.broadcast %while3A_823 : f32 to vector<256x1024xf32>
      %select_n3A_2112 = arith.select %gt3A_2110, %get3A_2109, %broadcast_in_dim3A_2111 : vector<256x1024xi1>, vector<256x1024xf32>
      %reduce_min3A = arith.constant dense<0x7F800000> : vector<256xf32>
      %reduce_min3A_2113 = vector.multi_reduction <minimumf>, %select_n3A_2112, %reduce_min3A [1] : vector<256x1024xf32> to vector<256xf32>
      %broadcast_in_dim3A_2114 = vector.shape_cast %reduce_min3A_2113 : vector<256xf32> to vector<256x1xf32>
      %lt3A_2115 = arith.cmpf olt, %broadcast_in_dim3A_2114, %while3A_2103 : vector<256x1xf32>
      %min3A = arith.minimumf %broadcast_in_dim3A_2114, %while3A_2103 : vector<256x1xf32>
      %broadcast_in_dim3A_2116 = vector.broadcast %while3A_2102 : i32 to vector<256x1xi32>
      %select_n3A_2117 = arith.select %lt3A_2115, %broadcast_in_dim3A_2116, %while3A_2104 : vector<256x1xi1>, vector<256x1xi32>
      scf.yield %min3A, %select_n3A_2117 : vector<256x1xf32>, vector<256x1xi32>
    }
    %lt3A_835 = arith.constant 3.40282347E+38 : f32
    %lt3A_836 = vector.broadcast %lt3A_835 : f32 to vector<256x1xf32>
    %lt3A_837 = arith.cmpf olt, %while3A_834#0, %lt3A_836 : vector<256x1xf32>
    %bitcast_convert_type3A_838 = tpu.bitcast %while3A_834#0 : vector<256x1xf32> -> vector<256x1xi32>
    %mul3A_839 = arith.constant 1024 : i32
    %mul3A_840 = vector.broadcast %mul3A_839 : i32 to vector<256x1xi32>
    %mul3A_841 = arith.muli %while3A_834#1, %mul3A_840 : vector<256x1xi32>
    %add3A_842 = vector.broadcast %get3A_1 : i32 to vector<256x1xi32>
    %add3A_843 = arith.addi %add3A_842, %mul3A_841 : vector<256x1xi32>
    %and3A_844 = arith.constant 1023 : i32
    %and3A_845 = vector.broadcast %and3A_844 : i32 to vector<256x1xi32>
    %and3A_846 = arith.andi %bitcast_convert_type3A_838, %and3A_845 : vector<256x1xi32>
    %add3A_847 = arith.addi %add3A_843, %and3A_846 : vector<256x1xi32>
    %and3A_848 = arith.constant -1024 : i32
    %and3A_849 = vector.broadcast %and3A_848 : i32 to vector<256x1xi32>
    %and3A_850 = arith.andi %bitcast_convert_type3A_838, %and3A_849 : vector<256x1xi32>
    %bitcast_convert_type3A_851 = tpu.bitcast %and3A_850 : vector<256x1xi32> -> vector<256x1xf32>
    %select_n3A_852 = arith.select %lt3A_837, %add3A_847, %add3A_18 : vector<256x1xi1>, vector<256x1xi32>
    %swap3A_853 = arith.constant 0 : index
    %swap3A_854 = arith.constant 12 : index
    %swap3A_855 = vector.load %arg4[%swap3A_853, %swap3A_854] : memref<256x32xi32, #tpu.memory_space<vmem>>, vector<256x1xi32>
    tpu.vector_store %arg4[%swap3A_853, %swap3A_854], %select_n3A_852 {strides = array<i32>} : memref<256x32xi32, #tpu.memory_space<vmem>>, vector<256x1xi32>,
    %jit3A_856 = arith.constant 0.000000e+00 : f32
    %broadcast_in_dim3A_857 = vector.broadcast %jit3A_856 : f32 to vector<256x1xf32>
    %select_n3A_858 = arith.select %lt3A_837, %bitcast_convert_type3A_851, %broadcast_in_dim3A_857 : vector<256x1xi1>, vector<256x1xf32>
    %swap3A_859 = arith.constant 0 : index
    %swap3A_860 = arith.constant 12 : index
    %swap3A_861 = vector.load %arg5[%swap3A_859, %swap3A_860] : memref<256x32xf32, #tpu.memory_space<vmem>>, vector<256x1xf32>
    tpu.vector_store %arg5[%swap3A_859, %swap3A_860], %select_n3A_858 {strides = array<i32>} : memref<256x32xf32, #tpu.memory_space<vmem>>, vector<256x1xf32>,
    %convert_element_type3A_862 = arith.extui %lt3A_837 : vector<256x1xi1> to vector<256x1xi32>
    %convert_element_type3A_863 = arith.sitofp %convert_element_type3A_862 : vector<256x1xi32> to vector<256x1xf32>
    %swap3A_864 = arith.constant 0 : index
    %swap3A_865 = arith.constant 12 : index
    %swap3A_866 = vector.load %arg6[%swap3A_864, %swap3A_865] : memref<256x32xf32, #tpu.memory_space<vmem>>, vector<256x1xf32>
    tpu.vector_store %arg6[%swap3A_864, %swap3A_865], %convert_element_type3A_863 {strides = array<i32>} : memref<256x32xf32, #tpu.memory_space<vmem>>, vector<256x1xf32>,
    %eq3A_867 = arith.constant 3.40282347E+38 : f32
    %eq3A_868 = vector.broadcast %eq3A_867 : f32 to vector<256x1xf32>
    %eq3A_869 = arith.cmpf oeq, %while3A_834#0, %eq3A_868 : vector<256x1xf32>
    %reduce_and3A_870 = arith.constant 1.000000e+00 : f32
    %reduce_and3A_871 = arith.constant 0.000000e+00 : f32
    %reduce_and3A_872 = vector.broadcast %reduce_and3A_870 : f32 to vector<256x1xf32>
    %reduce_and3A_873 = vector.broadcast %reduce_and3A_871 : f32 to vector<256x1xf32>
    %reduce_and3A_874 = arith.select %eq3A_869, %reduce_and3A_872, %reduce_and3A_873 : vector<256x1xi1>, vector<256x1xf32>
    %reduce_and3A_875 = vector.shape_cast %reduce_and3A_874 : vector<256x1xf32> to vector<1x256x1xf32>
    %reduce_and3A_876 = arith.constant dense<0x7F800000> : vector<1xf32>
    %reduce_and3A_877 = vector.multi_reduction <minimumf>, %reduce_and3A_875, %reduce_and3A_876 [1, 2] : vector<1x256x1xf32> to vector<1xf32>
    %reduce_and3A_878 = vector.shape_cast %reduce_and3A_877 : vector<1xf32> to vector<1x1x1xf32>
    %reduce_and3A_879 = vector.extract %reduce_and3A_878[0, 0, 0] : f32 from vector<1x1x1xf32>
    %reduce_and3A_880 = arith.constant 0.000000e+00 : f32
    %reduce_and3A_881 = arith.cmpf ogt, %reduce_and3A_879, %reduce_and3A_880 : f32
    %jit3A_882 = arith.constant 0 : i32
    %select_n3A_883 = arith.select %reduce_and3A_881, %jit3A_882, %get3A_4 : i32
    %broadcast_in_dim3A_884 = arith.constant 3.40282347E+38 : f32
    %broadcast_in_dim3A_885 = vector.broadcast %broadcast_in_dim3A_884 : f32 to vector<256x1xf32>
    %broadcast_in_dim3A_886 = arith.constant 0 : i32
    %broadcast_in_dim3A_887 = vector.broadcast %broadcast_in_dim3A_886 : i32 to vector<256x1xi32>
    %while3A_888 = arith.constant 3.40282347E+38 : f32
    %while3A_889 = arith.constant 0 : i32
    %while3A_890 = arith.subi %select_n3A_883, %while3A_889 : i32
    %while3A_891 = arith.addi %while3A_889, %while3A_890 : i32
    %while3A_892 = arith.constant 1 : i32
    %while3A_893 = arith.divsi %while3A_890, %while3A_892 : i32
    %while3A_894 = arith.muli %while3A_893, %while3A_892 : i32
    %while3A_895 = arith.addi %while3A_889, %while3A_894 : i32
    %while3A_896 = arith.constant 1 : i32
    %while3A_897:2 = scf.for %while3A_2102 = %while3A_889 to %while3A_895 step %while3A_896 iter_args(%while3A_2103 = %broadcast_in_dim3A_885, %while3A_2104 = %broadcast_in_dim3A_887) -> (vector<256x1xf32>, vector<256x1xi32>)  : i32 {
      %mul3A_2105 = arith.constant 1024 : i32
      %mul3A_2106 = arith.muli %while3A_2102, %mul3A_2105 : i32
      %multiple_of3A = tpu.assume_multiple %mul3A_2106, 1024 : i32
      %get3A_2107 = arith.constant 0 : index
      %get3A_2108 = arith.index_cast %multiple_of3A : i32 to index
      %get3A_2109 = vector.load %arg7[%get3A_2107, %get3A_2108] : memref<256x10240xf32, #tpu.memory_space<vmem>>, vector<256x1024xf32>
      %gt3A = vector.broadcast %while3A_834#0 : vector<256x1xf32> to vector<256x1024xf32>
      %gt3A_2110 = arith.cmpf ogt, %get3A_2109, %gt3A : vector<256x1024xf32>
      %broadcast_in_dim3A_2111 = vector.broadcast %while3A_888 : f32 to vector<256x1024xf32>
      %select_n3A_2112 = arith.select %gt3A_2110, %get3A_2109, %broadcast_in_dim3A_2111 : vector<256x1024xi1>, vector<256x1024xf32>
      %reduce_min3A = arith.constant dense<0x7F800000> : vector<256xf32>
      %reduce_min3A_2113 = vector.multi_reduction <minimumf>, %select_n3A_2112, %reduce_min3A [1] : vector<256x1024xf32> to vector<256xf32>
      %broadcast_in_dim3A_2114 = vector.shape_cast %reduce_min3A_2113 : vector<256xf32> to vector<256x1xf32>
      %lt3A_2115 = arith.cmpf olt, %broadcast_in_dim3A_2114, %while3A_2103 : vector<256x1xf32>
      %min3A = arith.minimumf %broadcast_in_dim3A_2114, %while3A_2103 : vector<256x1xf32>
      %broadcast_in_dim3A_2116 = vector.broadcast %while3A_2102 : i32 to vector<256x1xi32>
      %select_n3A_2117 = arith.select %lt3A_2115, %broadcast_in_dim3A_2116, %while3A_2104 : vector<256x1xi1>, vector<256x1xi32>
      scf.yield %min3A, %select_n3A_2117 : vector<256x1xf32>, vector<256x1xi32>
    }
    %while3A_898 = arith.constant 1 : i32
    %while3A_899:2 = scf.for %while3A_2102 = %while3A_895 to %while3A_891 step %while3A_898 iter_args(%while3A_2103 = %while3A_897#0, %while3A_2104 = %while3A_897#1) -> (vector<256x1xf32>, vector<256x1xi32>)  : i32 {
      %mul3A_2105 = arith.constant 1024 : i32
      %mul3A_2106 = arith.muli %while3A_2102, %mul3A_2105 : i32
      %multiple_of3A = tpu.assume_multiple %mul3A_2106, 1024 : i32
      %get3A_2107 = arith.constant 0 : index
      %get3A_2108 = arith.index_cast %multiple_of3A : i32 to index
      %get3A_2109 = vector.load %arg7[%get3A_2107, %get3A_2108] : memref<256x10240xf32, #tpu.memory_space<vmem>>, vector<256x1024xf32>
      %gt3A = vector.broadcast %while3A_834#0 : vector<256x1xf32> to vector<256x1024xf32>
      %gt3A_2110 = arith.cmpf ogt, %get3A_2109, %gt3A : vector<256x1024xf32>
      %broadcast_in_dim3A_2111 = vector.broadcast %while3A_888 : f32 to vector<256x1024xf32>
      %select_n3A_2112 = arith.select %gt3A_2110, %get3A_2109, %broadcast_in_dim3A_2111 : vector<256x1024xi1>, vector<256x1024xf32>
      %reduce_min3A = arith.constant dense<0x7F800000> : vector<256xf32>
      %reduce_min3A_2113 = vector.multi_reduction <minimumf>, %select_n3A_2112, %reduce_min3A [1] : vector<256x1024xf32> to vector<256xf32>
      %broadcast_in_dim3A_2114 = vector.shape_cast %reduce_min3A_2113 : vector<256xf32> to vector<256x1xf32>
      %lt3A_2115 = arith.cmpf olt, %broadcast_in_dim3A_2114, %while3A_2103 : vector<256x1xf32>
      %min3A = arith.minimumf %broadcast_in_dim3A_2114, %while3A_2103 : vector<256x1xf32>
      %broadcast_in_dim3A_2116 = vector.broadcast %while3A_2102 : i32 to vector<256x1xi32>
      %select_n3A_2117 = arith.select %lt3A_2115, %broadcast_in_dim3A_2116, %while3A_2104 : vector<256x1xi1>, vector<256x1xi32>
      scf.yield %min3A, %select_n3A_2117 : vector<256x1xf32>, vector<256x1xi32>
    }
    %lt3A_900 = arith.constant 3.40282347E+38 : f32
    %lt3A_901 = vector.broadcast %lt3A_900 : f32 to vector<256x1xf32>
    %lt3A_902 = arith.cmpf olt, %while3A_899#0, %lt3A_901 : vector<256x1xf32>
    %bitcast_convert_type3A_903 = tpu.bitcast %while3A_899#0 : vector<256x1xf32> -> vector<256x1xi32>
    %mul3A_904 = arith.constant 1024 : i32
    %mul3A_905 = vector.broadcast %mul3A_904 : i32 to vector<256x1xi32>
    %mul3A_906 = arith.muli %while3A_899#1, %mul3A_905 : vector<256x1xi32>
    %add3A_907 = vector.broadcast %get3A_1 : i32 to vector<256x1xi32>
    %add3A_908 = arith.addi %add3A_907, %mul3A_906 : vector<256x1xi32>
    %and3A_909 = arith.constant 1023 : i32
    %and3A_910 = vector.broadcast %and3A_909 : i32 to vector<256x1xi32>
    %and3A_911 = arith.andi %bitcast_convert_type3A_903, %and3A_910 : vector<256x1xi32>
    %add3A_912 = arith.addi %add3A_908, %and3A_911 : vector<256x1xi32>
    %and3A_913 = arith.constant -1024 : i32
    %and3A_914 = vector.broadcast %and3A_913 : i32 to vector<256x1xi32>
    %and3A_915 = arith.andi %bitcast_convert_type3A_903, %and3A_914 : vector<256x1xi32>
    %bitcast_convert_type3A_916 = tpu.bitcast %and3A_915 : vector<256x1xi32> -> vector<256x1xf32>
    %select_n3A_917 = arith.select %lt3A_902, %add3A_912, %add3A_18 : vector<256x1xi1>, vector<256x1xi32>
    %swap3A_918 = arith.constant 0 : index
    %swap3A_919 = arith.constant 13 : index
    %swap3A_920 = vector.load %arg4[%swap3A_918, %swap3A_919] : memref<256x32xi32, #tpu.memory_space<vmem>>, vector<256x1xi32>
    tpu.vector_store %arg4[%swap3A_918, %swap3A_919], %select_n3A_917 {strides = array<i32>} : memref<256x32xi32, #tpu.memory_space<vmem>>, vector<256x1xi32>,
    %jit3A_921 = arith.constant 0.000000e+00 : f32
    %broadcast_in_dim3A_922 = vector.broadcast %jit3A_921 : f32 to vector<256x1xf32>
    %select_n3A_923 = arith.select %lt3A_902, %bitcast_convert_type3A_916, %broadcast_in_dim3A_922 : vector<256x1xi1>, vector<256x1xf32>
    %swap3A_924 = arith.constant 0 : index
    %swap3A_925 = arith.constant 13 : index
    %swap3A_926 = vector.load %arg5[%swap3A_924, %swap3A_925] : memref<256x32xf32, #tpu.memory_space<vmem>>, vector<256x1xf32>
    tpu.vector_store %arg5[%swap3A_924, %swap3A_925], %select_n3A_923 {strides = array<i32>} : memref<256x32xf32, #tpu.memory_space<vmem>>, vector<256x1xf32>,
    %convert_element_type3A_927 = arith.extui %lt3A_902 : vector<256x1xi1> to vector<256x1xi32>
    %convert_element_type3A_928 = arith.sitofp %convert_element_type3A_927 : vector<256x1xi32> to vector<256x1xf32>
    %swap3A_929 = arith.constant 0 : index
    %swap3A_930 = arith.constant 13 : index
    %swap3A_931 = vector.load %arg6[%swap3A_929, %swap3A_930] : memref<256x32xf32, #tpu.memory_space<vmem>>, vector<256x1xf32>
    tpu.vector_store %arg6[%swap3A_929, %swap3A_930], %convert_element_type3A_928 {strides = array<i32>} : memref<256x32xf32, #tpu.memory_space<vmem>>, vector<256x1xf32>,
    %eq3A_932 = arith.constant 3.40282347E+38 : f32
    %eq3A_933 = vector.broadcast %eq3A_932 : f32 to vector<256x1xf32>
    %eq3A_934 = arith.cmpf oeq, %while3A_899#0, %eq3A_933 : vector<256x1xf32>
    %reduce_and3A_935 = arith.constant 1.000000e+00 : f32
    %reduce_and3A_936 = arith.constant 0.000000e+00 : f32
    %reduce_and3A_937 = vector.broadcast %reduce_and3A_935 : f32 to vector<256x1xf32>
    %reduce_and3A_938 = vector.broadcast %reduce_and3A_936 : f32 to vector<256x1xf32>
    %reduce_and3A_939 = arith.select %eq3A_934, %reduce_and3A_937, %reduce_and3A_938 : vector<256x1xi1>, vector<256x1xf32>
    %reduce_and3A_940 = vector.shape_cast %reduce_and3A_939 : vector<256x1xf32> to vector<1x256x1xf32>
    %reduce_and3A_941 = arith.constant dense<0x7F800000> : vector<1xf32>
    %reduce_and3A_942 = vector.multi_reduction <minimumf>, %reduce_and3A_940, %reduce_and3A_941 [1, 2] : vector<1x256x1xf32> to vector<1xf32>
    %reduce_and3A_943 = vector.shape_cast %reduce_and3A_942 : vector<1xf32> to vector<1x1x1xf32>
    %reduce_and3A_944 = vector.extract %reduce_and3A_943[0, 0, 0] : f32 from vector<1x1x1xf32>
    %reduce_and3A_945 = arith.constant 0.000000e+00 : f32
    %reduce_and3A_946 = arith.cmpf ogt, %reduce_and3A_944, %reduce_and3A_945 : f32
    %jit3A_947 = arith.constant 0 : i32
    %select_n3A_948 = arith.select %reduce_and3A_946, %jit3A_947, %get3A_4 : i32
    %broadcast_in_dim3A_949 = arith.constant 3.40282347E+38 : f32
    %broadcast_in_dim3A_950 = vector.broadcast %broadcast_in_dim3A_949 : f32 to vector<256x1xf32>
    %broadcast_in_dim3A_951 = arith.constant 0 : i32
    %broadcast_in_dim3A_952 = vector.broadcast %broadcast_in_dim3A_951 : i32 to vector<256x1xi32>
    %while3A_953 = arith.constant 3.40282347E+38 : f32
    %while3A_954 = arith.constant 0 : i32
    %while3A_955 = arith.subi %select_n3A_948, %while3A_954 : i32
    %while3A_956 = arith.addi %while3A_954, %while3A_955 : i32
    %while3A_957 = arith.constant 1 : i32
    %while3A_958 = arith.divsi %while3A_955, %while3A_957 : i32
    %while3A_959 = arith.muli %while3A_958, %while3A_957 : i32
    %while3A_960 = arith.addi %while3A_954, %while3A_959 : i32
    %while3A_961 = arith.constant 1 : i32
    %while3A_962:2 = scf.for %while3A_2102 = %while3A_954 to %while3A_960 step %while3A_961 iter_args(%while3A_2103 = %broadcast_in_dim3A_950, %while3A_2104 = %broadcast_in_dim3A_952) -> (vector<256x1xf32>, vector<256x1xi32>)  : i32 {
      %mul3A_2105 = arith.constant 1024 : i32
      %mul3A_2106 = arith.muli %while3A_2102, %mul3A_2105 : i32
      %multiple_of3A = tpu.assume_multiple %mul3A_2106, 1024 : i32
      %get3A_2107 = arith.constant 0 : index
      %get3A_2108 = arith.index_cast %multiple_of3A : i32 to index
      %get3A_2109 = vector.load %arg7[%get3A_2107, %get3A_2108] : memref<256x10240xf32, #tpu.memory_space<vmem>>, vector<256x1024xf32>
      %gt3A = vector.broadcast %while3A_899#0 : vector<256x1xf32> to vector<256x1024xf32>
      %gt3A_2110 = arith.cmpf ogt, %get3A_2109, %gt3A : vector<256x1024xf32>
      %broadcast_in_dim3A_2111 = vector.broadcast %while3A_953 : f32 to vector<256x1024xf32>
      %select_n3A_2112 = arith.select %gt3A_2110, %get3A_2109, %broadcast_in_dim3A_2111 : vector<256x1024xi1>, vector<256x1024xf32>
      %reduce_min3A = arith.constant dense<0x7F800000> : vector<256xf32>
      %reduce_min3A_2113 = vector.multi_reduction <minimumf>, %select_n3A_2112, %reduce_min3A [1] : vector<256x1024xf32> to vector<256xf32>
      %broadcast_in_dim3A_2114 = vector.shape_cast %reduce_min3A_2113 : vector<256xf32> to vector<256x1xf32>
      %lt3A_2115 = arith.cmpf olt, %broadcast_in_dim3A_2114, %while3A_2103 : vector<256x1xf32>
      %min3A = arith.minimumf %broadcast_in_dim3A_2114, %while3A_2103 : vector<256x1xf32>
      %broadcast_in_dim3A_2116 = vector.broadcast %while3A_2102 : i32 to vector<256x1xi32>
      %select_n3A_2117 = arith.select %lt3A_2115, %broadcast_in_dim3A_2116, %while3A_2104 : vector<256x1xi1>, vector<256x1xi32>
      scf.yield %min3A, %select_n3A_2117 : vector<256x1xf32>, vector<256x1xi32>
    }
    %while3A_963 = arith.constant 1 : i32
    %while3A_964:2 = scf.for %while3A_2102 = %while3A_960 to %while3A_956 step %while3A_963 iter_args(%while3A_2103 = %while3A_962#0, %while3A_2104 = %while3A_962#1) -> (vector<256x1xf32>, vector<256x1xi32>)  : i32 {
      %mul3A_2105 = arith.constant 1024 : i32
      %mul3A_2106 = arith.muli %while3A_2102, %mul3A_2105 : i32
      %multiple_of3A = tpu.assume_multiple %mul3A_2106, 1024 : i32
      %get3A_2107 = arith.constant 0 : index
      %get3A_2108 = arith.index_cast %multiple_of3A : i32 to index
      %get3A_2109 = vector.load %arg7[%get3A_2107, %get3A_2108] : memref<256x10240xf32, #tpu.memory_space<vmem>>, vector<256x1024xf32>
      %gt3A = vector.broadcast %while3A_899#0 : vector<256x1xf32> to vector<256x1024xf32>
      %gt3A_2110 = arith.cmpf ogt, %get3A_2109, %gt3A : vector<256x1024xf32>
      %broadcast_in_dim3A_2111 = vector.broadcast %while3A_953 : f32 to vector<256x1024xf32>
      %select_n3A_2112 = arith.select %gt3A_2110, %get3A_2109, %broadcast_in_dim3A_2111 : vector<256x1024xi1>, vector<256x1024xf32>
      %reduce_min3A = arith.constant dense<0x7F800000> : vector<256xf32>
      %reduce_min3A_2113 = vector.multi_reduction <minimumf>, %select_n3A_2112, %reduce_min3A [1] : vector<256x1024xf32> to vector<256xf32>
      %broadcast_in_dim3A_2114 = vector.shape_cast %reduce_min3A_2113 : vector<256xf32> to vector<256x1xf32>
      %lt3A_2115 = arith.cmpf olt, %broadcast_in_dim3A_2114, %while3A_2103 : vector<256x1xf32>
      %min3A = arith.minimumf %broadcast_in_dim3A_2114, %while3A_2103 : vector<256x1xf32>
      %broadcast_in_dim3A_2116 = vector.broadcast %while3A_2102 : i32 to vector<256x1xi32>
      %select_n3A_2117 = arith.select %lt3A_2115, %broadcast_in_dim3A_2116, %while3A_2104 : vector<256x1xi1>, vector<256x1xi32>
      scf.yield %min3A, %select_n3A_2117 : vector<256x1xf32>, vector<256x1xi32>
    }
    %lt3A_965 = arith.constant 3.40282347E+38 : f32
    %lt3A_966 = vector.broadcast %lt3A_965 : f32 to vector<256x1xf32>
    %lt3A_967 = arith.cmpf olt, %while3A_964#0, %lt3A_966 : vector<256x1xf32>
    %bitcast_convert_type3A_968 = tpu.bitcast %while3A_964#0 : vector<256x1xf32> -> vector<256x1xi32>
    %mul3A_969 = arith.constant 1024 : i32
    %mul3A_970 = vector.broadcast %mul3A_969 : i32 to vector<256x1xi32>
    %mul3A_971 = arith.muli %while3A_964#1, %mul3A_970 : vector<256x1xi32>
    %add3A_972 = vector.broadcast %get3A_1 : i32 to vector<256x1xi32>
    %add3A_973 = arith.addi %add3A_972, %mul3A_971 : vector<256x1xi32>
    %and3A_974 = arith.constant 1023 : i32
    %and3A_975 = vector.broadcast %and3A_974 : i32 to vector<256x1xi32>
    %and3A_976 = arith.andi %bitcast_convert_type3A_968, %and3A_975 : vector<256x1xi32>
    %add3A_977 = arith.addi %add3A_973, %and3A_976 : vector<256x1xi32>
    %and3A_978 = arith.constant -1024 : i32
    %and3A_979 = vector.broadcast %and3A_978 : i32 to vector<256x1xi32>
    %and3A_980 = arith.andi %bitcast_convert_type3A_968, %and3A_979 : vector<256x1xi32>
    %bitcast_convert_type3A_981 = tpu.bitcast %and3A_980 : vector<256x1xi32> -> vector<256x1xf32>
    %select_n3A_982 = arith.select %lt3A_967, %add3A_977, %add3A_18 : vector<256x1xi1>, vector<256x1xi32>
    %swap3A_983 = arith.constant 0 : index
    %swap3A_984 = arith.constant 14 : index
    %swap3A_985 = vector.load %arg4[%swap3A_983, %swap3A_984] : memref<256x32xi32, #tpu.memory_space<vmem>>, vector<256x1xi32>
    tpu.vector_store %arg4[%swap3A_983, %swap3A_984], %select_n3A_982 {strides = array<i32>} : memref<256x32xi32, #tpu.memory_space<vmem>>, vector<256x1xi32>,
    %jit3A_986 = arith.constant 0.000000e+00 : f32
    %broadcast_in_dim3A_987 = vector.broadcast %jit3A_986 : f32 to vector<256x1xf32>
    %select_n3A_988 = arith.select %lt3A_967, %bitcast_convert_type3A_981, %broadcast_in_dim3A_987 : vector<256x1xi1>, vector<256x1xf32>
    %swap3A_989 = arith.constant 0 : index
    %swap3A_990 = arith.constant 14 : index
    %swap3A_991 = vector.load %arg5[%swap3A_989, %swap3A_990] : memref<256x32xf32, #tpu.memory_space<vmem>>, vector<256x1xf32>
    tpu.vector_store %arg5[%swap3A_989, %swap3A_990], %select_n3A_988 {strides = array<i32>} : memref<256x32xf32, #tpu.memory_space<vmem>>, vector<256x1xf32>,
    %convert_element_type3A_992 = arith.extui %lt3A_967 : vector<256x1xi1> to vector<256x1xi32>
    %convert_element_type3A_993 = arith.sitofp %convert_element_type3A_992 : vector<256x1xi32> to vector<256x1xf32>
    %swap3A_994 = arith.constant 0 : index
    %swap3A_995 = arith.constant 14 : index
    %swap3A_996 = vector.load %arg6[%swap3A_994, %swap3A_995] : memref<256x32xf32, #tpu.memory_space<vmem>>, vector<256x1xf32>
    tpu.vector_store %arg6[%swap3A_994, %swap3A_995], %convert_element_type3A_993 {strides = array<i32>} : memref<256x32xf32, #tpu.memory_space<vmem>>, vector<256x1xf32>,
    %eq3A_997 = arith.constant 3.40282347E+38 : f32
    %eq3A_998 = vector.broadcast %eq3A_997 : f32 to vector<256x1xf32>
    %eq3A_999 = arith.cmpf oeq, %while3A_964#0, %eq3A_998 : vector<256x1xf32>
    %reduce_and3A_1000 = arith.constant 1.000000e+00 : f32
    %reduce_and3A_1001 = arith.constant 0.000000e+00 : f32
    %reduce_and3A_1002 = vector.broadcast %reduce_and3A_1000 : f32 to vector<256x1xf32>
    %reduce_and3A_1003 = vector.broadcast %reduce_and3A_1001 : f32 to vector<256x1xf32>
    %reduce_and3A_1004 = arith.select %eq3A_999, %reduce_and3A_1002, %reduce_and3A_1003 : vector<256x1xi1>, vector<256x1xf32>
    %reduce_and3A_1005 = vector.shape_cast %reduce_and3A_1004 : vector<256x1xf32> to vector<1x256x1xf32>
    %reduce_and3A_1006 = arith.constant dense<0x7F800000> : vector<1xf32>
    %reduce_and3A_1007 = vector.multi_reduction <minimumf>, %reduce_and3A_1005, %reduce_and3A_1006 [1, 2] : vector<1x256x1xf32> to vector<1xf32>
    %reduce_and3A_1008 = vector.shape_cast %reduce_and3A_1007 : vector<1xf32> to vector<1x1x1xf32>
    %reduce_and3A_1009 = vector.extract %reduce_and3A_1008[0, 0, 0] : f32 from vector<1x1x1xf32>
    %reduce_and3A_1010 = arith.constant 0.000000e+00 : f32
    %reduce_and3A_1011 = arith.cmpf ogt, %reduce_and3A_1009, %reduce_and3A_1010 : f32
    %jit3A_1012 = arith.constant 0 : i32
    %select_n3A_1013 = arith.select %reduce_and3A_1011, %jit3A_1012, %get3A_4 : i32
    %broadcast_in_dim3A_1014 = arith.constant 3.40282347E+38 : f32
    %broadcast_in_dim3A_1015 = vector.broadcast %broadcast_in_dim3A_1014 : f32 to vector<256x1xf32>
    %broadcast_in_dim3A_1016 = arith.constant 0 : i32
    %broadcast_in_dim3A_1017 = vector.broadcast %broadcast_in_dim3A_1016 : i32 to vector<256x1xi32>
    %while3A_1018 = arith.constant 3.40282347E+38 : f32
    %while3A_1019 = arith.constant 0 : i32
    %while3A_1020 = arith.subi %select_n3A_1013, %while3A_1019 : i32
    %while3A_1021 = arith.addi %while3A_1019, %while3A_1020 : i32
    %while3A_1022 = arith.constant 1 : i32
    %while3A_1023 = arith.divsi %while3A_1020, %while3A_1022 : i32
    %while3A_1024 = arith.muli %while3A_1023, %while3A_1022 : i32
    %while3A_1025 = arith.addi %while3A_1019, %while3A_1024 : i32
    %while3A_1026 = arith.constant 1 : i32
    %while3A_1027:2 = scf.for %while3A_2102 = %while3A_1019 to %while3A_1025 step %while3A_1026 iter_args(%while3A_2103 = %broadcast_in_dim3A_1015, %while3A_2104 = %broadcast_in_dim3A_1017) -> (vector<256x1xf32>, vector<256x1xi32>)  : i32 {
      %mul3A_2105 = arith.constant 1024 : i32
      %mul3A_2106 = arith.muli %while3A_2102, %mul3A_2105 : i32
      %multiple_of3A = tpu.assume_multiple %mul3A_2106, 1024 : i32
      %get3A_2107 = arith.constant 0 : index
      %get3A_2108 = arith.index_cast %multiple_of3A : i32 to index
      %get3A_2109 = vector.load %arg7[%get3A_2107, %get3A_2108] : memref<256x10240xf32, #tpu.memory_space<vmem>>, vector<256x1024xf32>
      %gt3A = vector.broadcast %while3A_964#0 : vector<256x1xf32> to vector<256x1024xf32>
      %gt3A_2110 = arith.cmpf ogt, %get3A_2109, %gt3A : vector<256x1024xf32>
      %broadcast_in_dim3A_2111 = vector.broadcast %while3A_1018 : f32 to vector<256x1024xf32>
      %select_n3A_2112 = arith.select %gt3A_2110, %get3A_2109, %broadcast_in_dim3A_2111 : vector<256x1024xi1>, vector<256x1024xf32>
      %reduce_min3A = arith.constant dense<0x7F800000> : vector<256xf32>
      %reduce_min3A_2113 = vector.multi_reduction <minimumf>, %select_n3A_2112, %reduce_min3A [1] : vector<256x1024xf32> to vector<256xf32>
      %broadcast_in_dim3A_2114 = vector.shape_cast %reduce_min3A_2113 : vector<256xf32> to vector<256x1xf32>
      %lt3A_2115 = arith.cmpf olt, %broadcast_in_dim3A_2114, %while3A_2103 : vector<256x1xf32>
      %min3A = arith.minimumf %broadcast_in_dim3A_2114, %while3A_2103 : vector<256x1xf32>
      %broadcast_in_dim3A_2116 = vector.broadcast %while3A_2102 : i32 to vector<256x1xi32>
      %select_n3A_2117 = arith.select %lt3A_2115, %broadcast_in_dim3A_2116, %while3A_2104 : vector<256x1xi1>, vector<256x1xi32>
      scf.yield %min3A, %select_n3A_2117 : vector<256x1xf32>, vector<256x1xi32>
    }
    %while3A_1028 = arith.constant 1 : i32
    %while3A_1029:2 = scf.for %while3A_2102 = %while3A_1025 to %while3A_1021 step %while3A_1028 iter_args(%while3A_2103 = %while3A_1027#0, %while3A_2104 = %while3A_1027#1) -> (vector<256x1xf32>, vector<256x1xi32>)  : i32 {
      %mul3A_2105 = arith.constant 1024 : i32
      %mul3A_2106 = arith.muli %while3A_2102, %mul3A_2105 : i32
      %multiple_of3A = tpu.assume_multiple %mul3A_2106, 1024 : i32
      %get3A_2107 = arith.constant 0 : index
      %get3A_2108 = arith.index_cast %multiple_of3A : i32 to index
      %get3A_2109 = vector.load %arg7[%get3A_2107, %get3A_2108] : memref<256x10240xf32, #tpu.memory_space<vmem>>, vector<256x1024xf32>
      %gt3A = vector.broadcast %while3A_964#0 : vector<256x1xf32> to vector<256x1024xf32>
      %gt3A_2110 = arith.cmpf ogt, %get3A_2109, %gt3A : vector<256x1024xf32>
      %broadcast_in_dim3A_2111 = vector.broadcast %while3A_1018 : f32 to vector<256x1024xf32>
      %select_n3A_2112 = arith.select %gt3A_2110, %get3A_2109, %broadcast_in_dim3A_2111 : vector<256x1024xi1>, vector<256x1024xf32>
      %reduce_min3A = arith.constant dense<0x7F800000> : vector<256xf32>
      %reduce_min3A_2113 = vector.multi_reduction <minimumf>, %select_n3A_2112, %reduce_min3A [1] : vector<256x1024xf32> to vector<256xf32>
      %broadcast_in_dim3A_2114 = vector.shape_cast %reduce_min3A_2113 : vector<256xf32> to vector<256x1xf32>
      %lt3A_2115 = arith.cmpf olt, %broadcast_in_dim3A_2114, %while3A_2103 : vector<256x1xf32>
      %min3A = arith.minimumf %broadcast_in_dim3A_2114, %while3A_2103 : vector<256x1xf32>
      %broadcast_in_dim3A_2116 = vector.broadcast %while3A_2102 : i32 to vector<256x1xi32>
      %select_n3A_2117 = arith.select %lt3A_2115, %broadcast_in_dim3A_2116, %while3A_2104 : vector<256x1xi1>, vector<256x1xi32>
      scf.yield %min3A, %select_n3A_2117 : vector<256x1xf32>, vector<256x1xi32>
    }
    %lt3A_1030 = arith.constant 3.40282347E+38 : f32
    %lt3A_1031 = vector.broadcast %lt3A_1030 : f32 to vector<256x1xf32>
    %lt3A_1032 = arith.cmpf olt, %while3A_1029#0, %lt3A_1031 : vector<256x1xf32>
    %bitcast_convert_type3A_1033 = tpu.bitcast %while3A_1029#0 : vector<256x1xf32> -> vector<256x1xi32>
    %mul3A_1034 = arith.constant 1024 : i32
    %mul3A_1035 = vector.broadcast %mul3A_1034 : i32 to vector<256x1xi32>
    %mul3A_1036 = arith.muli %while3A_1029#1, %mul3A_1035 : vector<256x1xi32>
    %add3A_1037 = vector.broadcast %get3A_1 : i32 to vector<256x1xi32>
    %add3A_1038 = arith.addi %add3A_1037, %mul3A_1036 : vector<256x1xi32>
    %and3A_1039 = arith.constant 1023 : i32
    %and3A_1040 = vector.broadcast %and3A_1039 : i32 to vector<256x1xi32>
    %and3A_1041 = arith.andi %bitcast_convert_type3A_1033, %and3A_1040 : vector<256x1xi32>
    %add3A_1042 = arith.addi %add3A_1038, %and3A_1041 : vector<256x1xi32>
    %and3A_1043 = arith.constant -1024 : i32
    %and3A_1044 = vector.broadcast %and3A_1043 : i32 to vector<256x1xi32>
    %and3A_1045 = arith.andi %bitcast_convert_type3A_1033, %and3A_1044 : vector<256x1xi32>
    %bitcast_convert_type3A_1046 = tpu.bitcast %and3A_1045 : vector<256x1xi32> -> vector<256x1xf32>
    %select_n3A_1047 = arith.select %lt3A_1032, %add3A_1042, %add3A_18 : vector<256x1xi1>, vector<256x1xi32>
    %swap3A_1048 = arith.constant 0 : index
    %swap3A_1049 = arith.constant 15 : index
    %swap3A_1050 = vector.load %arg4[%swap3A_1048, %swap3A_1049] : memref<256x32xi32, #tpu.memory_space<vmem>>, vector<256x1xi32>
    tpu.vector_store %arg4[%swap3A_1048, %swap3A_1049], %select_n3A_1047 {strides = array<i32>} : memref<256x32xi32, #tpu.memory_space<vmem>>, vector<256x1xi32>,
    %jit3A_1051 = arith.constant 0.000000e+00 : f32
    %broadcast_in_dim3A_1052 = vector.broadcast %jit3A_1051 : f32 to vector<256x1xf32>
    %select_n3A_1053 = arith.select %lt3A_1032, %bitcast_convert_type3A_1046, %broadcast_in_dim3A_1052 : vector<256x1xi1>, vector<256x1xf32>
    %swap3A_1054 = arith.constant 0 : index
    %swap3A_1055 = arith.constant 15 : index
    %swap3A_1056 = vector.load %arg5[%swap3A_1054, %swap3A_1055] : memref<256x32xf32, #tpu.memory_space<vmem>>, vector<256x1xf32>
    tpu.vector_store %arg5[%swap3A_1054, %swap3A_1055], %select_n3A_1053 {strides = array<i32>} : memref<256x32xf32, #tpu.memory_space<vmem>>, vector<256x1xf32>,
    %convert_element_type3A_1057 = arith.extui %lt3A_1032 : vector<256x1xi1> to vector<256x1xi32>
    %convert_element_type3A_1058 = arith.sitofp %convert_element_type3A_1057 : vector<256x1xi32> to vector<256x1xf32>
    %swap3A_1059 = arith.constant 0 : index
    %swap3A_1060 = arith.constant 15 : index
    %swap3A_1061 = vector.load %arg6[%swap3A_1059, %swap3A_1060] : memref<256x32xf32, #tpu.memory_space<vmem>>, vector<256x1xf32>
    tpu.vector_store %arg6[%swap3A_1059, %swap3A_1060], %convert_element_type3A_1058 {strides = array<i32>} : memref<256x32xf32, #tpu.memory_space<vmem>>, vector<256x1xf32>,
    %eq3A_1062 = arith.constant 3.40282347E+38 : f32
    %eq3A_1063 = vector.broadcast %eq3A_1062 : f32 to vector<256x1xf32>
    %eq3A_1064 = arith.cmpf oeq, %while3A_1029#0, %eq3A_1063 : vector<256x1xf32>
    %reduce_and3A_1065 = arith.constant 1.000000e+00 : f32
    %reduce_and3A_1066 = arith.constant 0.000000e+00 : f32
    %reduce_and3A_1067 = vector.broadcast %reduce_and3A_1065 : f32 to vector<256x1xf32>
    %reduce_and3A_1068 = vector.broadcast %reduce_and3A_1066 : f32 to vector<256x1xf32>
    %reduce_and3A_1069 = arith.select %eq3A_1064, %reduce_and3A_1067, %reduce_and3A_1068 : vector<256x1xi1>, vector<256x1xf32>
    %reduce_and3A_1070 = vector.shape_cast %reduce_and3A_1069 : vector<256x1xf32> to vector<1x256x1xf32>
    %reduce_and3A_1071 = arith.constant dense<0x7F800000> : vector<1xf32>
    %reduce_and3A_1072 = vector.multi_reduction <minimumf>, %reduce_and3A_1070, %reduce_and3A_1071 [1, 2] : vector<1x256x1xf32> to vector<1xf32>
    %reduce_and3A_1073 = vector.shape_cast %reduce_and3A_1072 : vector<1xf32> to vector<1x1x1xf32>
    %reduce_and3A_1074 = vector.extract %reduce_and3A_1073[0, 0, 0] : f32 from vector<1x1x1xf32>
    %reduce_and3A_1075 = arith.constant 0.000000e+00 : f32
    %reduce_and3A_1076 = arith.cmpf ogt, %reduce_and3A_1074, %reduce_and3A_1075 : f32
    %jit3A_1077 = arith.constant 0 : i32
    %select_n3A_1078 = arith.select %reduce_and3A_1076, %jit3A_1077, %get3A_4 : i32
    %broadcast_in_dim3A_1079 = arith.constant 3.40282347E+38 : f32
    %broadcast_in_dim3A_1080 = vector.broadcast %broadcast_in_dim3A_1079 : f32 to vector<256x1xf32>
    %broadcast_in_dim3A_1081 = arith.constant 0 : i32
    %broadcast_in_dim3A_1082 = vector.broadcast %broadcast_in_dim3A_1081 : i32 to vector<256x1xi32>
    %while3A_1083 = arith.constant 3.40282347E+38 : f32
    %while3A_1084 = arith.constant 0 : i32
    %while3A_1085 = arith.subi %select_n3A_1078, %while3A_1084 : i32
    %while3A_1086 = arith.addi %while3A_1084, %while3A_1085 : i32
    %while3A_1087 = arith.constant 1 : i32
    %while3A_1088 = arith.divsi %while3A_1085, %while3A_1087 : i32
    %while3A_1089 = arith.muli %while3A_1088, %while3A_1087 : i32
    %while3A_1090 = arith.addi %while3A_1084, %while3A_1089 : i32
    %while3A_1091 = arith.constant 1 : i32
    %while3A_1092:2 = scf.for %while3A_2102 = %while3A_1084 to %while3A_1090 step %while3A_1091 iter_args(%while3A_2103 = %broadcast_in_dim3A_1080, %while3A_2104 = %broadcast_in_dim3A_1082) -> (vector<256x1xf32>, vector<256x1xi32>)  : i32 {
      %mul3A_2105 = arith.constant 1024 : i32
      %mul3A_2106 = arith.muli %while3A_2102, %mul3A_2105 : i32
      %multiple_of3A = tpu.assume_multiple %mul3A_2106, 1024 : i32
      %get3A_2107 = arith.constant 0 : index
      %get3A_2108 = arith.index_cast %multiple_of3A : i32 to index
      %get3A_2109 = vector.load %arg7[%get3A_2107, %get3A_2108] : memref<256x10240xf32, #tpu.memory_space<vmem>>, vector<256x1024xf32>
      %gt3A = vector.broadcast %while3A_1029#0 : vector<256x1xf32> to vector<256x1024xf32>
      %gt3A_2110 = arith.cmpf ogt, %get3A_2109, %gt3A : vector<256x1024xf32>
      %broadcast_in_dim3A_2111 = vector.broadcast %while3A_1083 : f32 to vector<256x1024xf32>
      %select_n3A_2112 = arith.select %gt3A_2110, %get3A_2109, %broadcast_in_dim3A_2111 : vector<256x1024xi1>, vector<256x1024xf32>
      %reduce_min3A = arith.constant dense<0x7F800000> : vector<256xf32>
      %reduce_min3A_2113 = vector.multi_reduction <minimumf>, %select_n3A_2112, %reduce_min3A [1] : vector<256x1024xf32> to vector<256xf32>
      %broadcast_in_dim3A_2114 = vector.shape_cast %reduce_min3A_2113 : vector<256xf32> to vector<256x1xf32>
      %lt3A_2115 = arith.cmpf olt, %broadcast_in_dim3A_2114, %while3A_2103 : vector<256x1xf32>
      %min3A = arith.minimumf %broadcast_in_dim3A_2114, %while3A_2103 : vector<256x1xf32>
      %broadcast_in_dim3A_2116 = vector.broadcast %while3A_2102 : i32 to vector<256x1xi32>
      %select_n3A_2117 = arith.select %lt3A_2115, %broadcast_in_dim3A_2116, %while3A_2104 : vector<256x1xi1>, vector<256x1xi32>
      scf.yield %min3A, %select_n3A_2117 : vector<256x1xf32>, vector<256x1xi32>
    }
    %while3A_1093 = arith.constant 1 : i32
    %while3A_1094:2 = scf.for %while3A_2102 = %while3A_1090 to %while3A_1086 step %while3A_1093 iter_args(%while3A_2103 = %while3A_1092#0, %while3A_2104 = %while3A_1092#1) -> (vector<256x1xf32>, vector<256x1xi32>)  : i32 {
      %mul3A_2105 = arith.constant 1024 : i32
      %mul3A_2106 = arith.muli %while3A_2102, %mul3A_2105 : i32
      %multiple_of3A = tpu.assume_multiple %mul3A_2106, 1024 : i32
      %get3A_2107 = arith.constant 0 : index
      %get3A_2108 = arith.index_cast %multiple_of3A : i32 to index
      %get3A_2109 = vector.load %arg7[%get3A_2107, %get3A_2108] : memref<256x10240xf32, #tpu.memory_space<vmem>>, vector<256x1024xf32>
      %gt3A = vector.broadcast %while3A_1029#0 : vector<256x1xf32> to vector<256x1024xf32>
      %gt3A_2110 = arith.cmpf ogt, %get3A_2109, %gt3A : vector<256x1024xf32>
      %broadcast_in_dim3A_2111 = vector.broadcast %while3A_1083 : f32 to vector<256x1024xf32>
      %select_n3A_2112 = arith.select %gt3A_2110, %get3A_2109, %broadcast_in_dim3A_2111 : vector<256x1024xi1>, vector<256x1024xf32>
      %reduce_min3A = arith.constant dense<0x7F800000> : vector<256xf32>
      %reduce_min3A_2113 = vector.multi_reduction <minimumf>, %select_n3A_2112, %reduce_min3A [1] : vector<256x1024xf32> to vector<256xf32>
      %broadcast_in_dim3A_2114 = vector.shape_cast %reduce_min3A_2113 : vector<256xf32> to vector<256x1xf32>
      %lt3A_2115 = arith.cmpf olt, %broadcast_in_dim3A_2114, %while3A_2103 : vector<256x1xf32>
      %min3A = arith.minimumf %broadcast_in_dim3A_2114, %while3A_2103 : vector<256x1xf32>
      %broadcast_in_dim3A_2116 = vector.broadcast %while3A_2102 : i32 to vector<256x1xi32>
      %select_n3A_2117 = arith.select %lt3A_2115, %broadcast_in_dim3A_2116, %while3A_2104 : vector<256x1xi1>, vector<256x1xi32>
      scf.yield %min3A, %select_n3A_2117 : vector<256x1xf32>, vector<256x1xi32>
    }
    %lt3A_1095 = arith.constant 3.40282347E+38 : f32
    %lt3A_1096 = vector.broadcast %lt3A_1095 : f32 to vector<256x1xf32>
    %lt3A_1097 = arith.cmpf olt, %while3A_1094#0, %lt3A_1096 : vector<256x1xf32>
    %bitcast_convert_type3A_1098 = tpu.bitcast %while3A_1094#0 : vector<256x1xf32> -> vector<256x1xi32>
    %mul3A_1099 = arith.constant 1024 : i32
    %mul3A_1100 = vector.broadcast %mul3A_1099 : i32 to vector<256x1xi32>
    %mul3A_1101 = arith.muli %while3A_1094#1, %mul3A_1100 : vector<256x1xi32>
    %add3A_1102 = vector.broadcast %get3A_1 : i32 to vector<256x1xi32>
    %add3A_1103 = arith.addi %add3A_1102, %mul3A_1101 : vector<256x1xi32>
    %and3A_1104 = arith.constant 1023 : i32
    %and3A_1105 = vector.broadcast %and3A_1104 : i32 to vector<256x1xi32>
    %and3A_1106 = arith.andi %bitcast_convert_type3A_1098, %and3A_1105 : vector<256x1xi32>
    %add3A_1107 = arith.addi %add3A_1103, %and3A_1106 : vector<256x1xi32>
    %and3A_1108 = arith.constant -1024 : i32
    %and3A_1109 = vector.broadcast %and3A_1108 : i32 to vector<256x1xi32>
    %and3A_1110 = arith.andi %bitcast_convert_type3A_1098, %and3A_1109 : vector<256x1xi32>
    %bitcast_convert_type3A_1111 = tpu.bitcast %and3A_1110 : vector<256x1xi32> -> vector<256x1xf32>
    %select_n3A_1112 = arith.select %lt3A_1097, %add3A_1107, %add3A_18 : vector<256x1xi1>, vector<256x1xi32>
    %swap3A_1113 = arith.constant 0 : index
    %swap3A_1114 = arith.constant 16 : index
    %swap3A_1115 = vector.load %arg4[%swap3A_1113, %swap3A_1114] : memref<256x32xi32, #tpu.memory_space<vmem>>, vector<256x1xi32>
    tpu.vector_store %arg4[%swap3A_1113, %swap3A_1114], %select_n3A_1112 {strides = array<i32>} : memref<256x32xi32, #tpu.memory_space<vmem>>, vector<256x1xi32>,
    %jit3A_1116 = arith.constant 0.000000e+00 : f32
    %broadcast_in_dim3A_1117 = vector.broadcast %jit3A_1116 : f32 to vector<256x1xf32>
    %select_n3A_1118 = arith.select %lt3A_1097, %bitcast_convert_type3A_1111, %broadcast_in_dim3A_1117 : vector<256x1xi1>, vector<256x1xf32>
    %swap3A_1119 = arith.constant 0 : index
    %swap3A_1120 = arith.constant 16 : index
    %swap3A_1121 = vector.load %arg5[%swap3A_1119, %swap3A_1120] : memref<256x32xf32, #tpu.memory_space<vmem>>, vector<256x1xf32>
    tpu.vector_store %arg5[%swap3A_1119, %swap3A_1120], %select_n3A_1118 {strides = array<i32>} : memref<256x32xf32, #tpu.memory_space<vmem>>, vector<256x1xf32>,
    %convert_element_type3A_1122 = arith.extui %lt3A_1097 : vector<256x1xi1> to vector<256x1xi32>
    %convert_element_type3A_1123 = arith.sitofp %convert_element_type3A_1122 : vector<256x1xi32> to vector<256x1xf32>
    %swap3A_1124 = arith.constant 0 : index
    %swap3A_1125 = arith.constant 16 : index
    %swap3A_1126 = vector.load %arg6[%swap3A_1124, %swap3A_1125] : memref<256x32xf32, #tpu.memory_space<vmem>>, vector<256x1xf32>
    tpu.vector_store %arg6[%swap3A_1124, %swap3A_1125], %convert_element_type3A_1123 {strides = array<i32>} : memref<256x32xf32, #tpu.memory_space<vmem>>, vector<256x1xf32>,
    %eq3A_1127 = arith.constant 3.40282347E+38 : f32
    %eq3A_1128 = vector.broadcast %eq3A_1127 : f32 to vector<256x1xf32>
    %eq3A_1129 = arith.cmpf oeq, %while3A_1094#0, %eq3A_1128 : vector<256x1xf32>
    %reduce_and3A_1130 = arith.constant 1.000000e+00 : f32
    %reduce_and3A_1131 = arith.constant 0.000000e+00 : f32
    %reduce_and3A_1132 = vector.broadcast %reduce_and3A_1130 : f32 to vector<256x1xf32>
    %reduce_and3A_1133 = vector.broadcast %reduce_and3A_1131 : f32 to vector<256x1xf32>
    %reduce_and3A_1134 = arith.select %eq3A_1129, %reduce_and3A_1132, %reduce_and3A_1133 : vector<256x1xi1>, vector<256x1xf32>
    %reduce_and3A_1135 = vector.shape_cast %reduce_and3A_1134 : vector<256x1xf32> to vector<1x256x1xf32>
    %reduce_and3A_1136 = arith.constant dense<0x7F800000> : vector<1xf32>
    %reduce_and3A_1137 = vector.multi_reduction <minimumf>, %reduce_and3A_1135, %reduce_and3A_1136 [1, 2] : vector<1x256x1xf32> to vector<1xf32>
    %reduce_and3A_1138 = vector.shape_cast %reduce_and3A_1137 : vector<1xf32> to vector<1x1x1xf32>
    %reduce_and3A_1139 = vector.extract %reduce_and3A_1138[0, 0, 0] : f32 from vector<1x1x1xf32>
    %reduce_and3A_1140 = arith.constant 0.000000e+00 : f32
    %reduce_and3A_1141 = arith.cmpf ogt, %reduce_and3A_1139, %reduce_and3A_1140 : f32
    %jit3A_1142 = arith.constant 0 : i32
    %select_n3A_1143 = arith.select %reduce_and3A_1141, %jit3A_1142, %get3A_4 : i32
    %broadcast_in_dim3A_1144 = arith.constant 3.40282347E+38 : f32
    %broadcast_in_dim3A_1145 = vector.broadcast %broadcast_in_dim3A_1144 : f32 to vector<256x1xf32>
    %broadcast_in_dim3A_1146 = arith.constant 0 : i32
    %broadcast_in_dim3A_1147 = vector.broadcast %broadcast_in_dim3A_1146 : i32 to vector<256x1xi32>
    %while3A_1148 = arith.constant 3.40282347E+38 : f32
    %while3A_1149 = arith.constant 0 : i32
    %while3A_1150 = arith.subi %select_n3A_1143, %while3A_1149 : i32
    %while3A_1151 = arith.addi %while3A_1149, %while3A_1150 : i32
    %while3A_1152 = arith.constant 1 : i32
    %while3A_1153 = arith.divsi %while3A_1150, %while3A_1152 : i32
    %while3A_1154 = arith.muli %while3A_1153, %while3A_1152 : i32
    %while3A_1155 = arith.addi %while3A_1149, %while3A_1154 : i32
    %while3A_1156 = arith.constant 1 : i32
    %while3A_1157:2 = scf.for %while3A_2102 = %while3A_1149 to %while3A_1155 step %while3A_1156 iter_args(%while3A_2103 = %broadcast_in_dim3A_1145, %while3A_2104 = %broadcast_in_dim3A_1147) -> (vector<256x1xf32>, vector<256x1xi32>)  : i32 {
      %mul3A_2105 = arith.constant 1024 : i32
      %mul3A_2106 = arith.muli %while3A_2102, %mul3A_2105 : i32
      %multiple_of3A = tpu.assume_multiple %mul3A_2106, 1024 : i32
      %get3A_2107 = arith.constant 0 : index
      %get3A_2108 = arith.index_cast %multiple_of3A : i32 to index
      %get3A_2109 = vector.load %arg7[%get3A_2107, %get3A_2108] : memref<256x10240xf32, #tpu.memory_space<vmem>>, vector<256x1024xf32>
      %gt3A = vector.broadcast %while3A_1094#0 : vector<256x1xf32> to vector<256x1024xf32>
      %gt3A_2110 = arith.cmpf ogt, %get3A_2109, %gt3A : vector<256x1024xf32>
      %broadcast_in_dim3A_2111 = vector.broadcast %while3A_1148 : f32 to vector<256x1024xf32>
      %select_n3A_2112 = arith.select %gt3A_2110, %get3A_2109, %broadcast_in_dim3A_2111 : vector<256x1024xi1>, vector<256x1024xf32>
      %reduce_min3A = arith.constant dense<0x7F800000> : vector<256xf32>
      %reduce_min3A_2113 = vector.multi_reduction <minimumf>, %select_n3A_2112, %reduce_min3A [1] : vector<256x1024xf32> to vector<256xf32>
      %broadcast_in_dim3A_2114 = vector.shape_cast %reduce_min3A_2113 : vector<256xf32> to vector<256x1xf32>
      %lt3A_2115 = arith.cmpf olt, %broadcast_in_dim3A_2114, %while3A_2103 : vector<256x1xf32>
      %min3A = arith.minimumf %broadcast_in_dim3A_2114, %while3A_2103 : vector<256x1xf32>
      %broadcast_in_dim3A_2116 = vector.broadcast %while3A_2102 : i32 to vector<256x1xi32>
      %select_n3A_2117 = arith.select %lt3A_2115, %broadcast_in_dim3A_2116, %while3A_2104 : vector<256x1xi1>, vector<256x1xi32>
      scf.yield %min3A, %select_n3A_2117 : vector<256x1xf32>, vector<256x1xi32>
    }
    %while3A_1158 = arith.constant 1 : i32
    %while3A_1159:2 = scf.for %while3A_2102 = %while3A_1155 to %while3A_1151 step %while3A_1158 iter_args(%while3A_2103 = %while3A_1157#0, %while3A_2104 = %while3A_1157#1) -> (vector<256x1xf32>, vector<256x1xi32>)  : i32 {
      %mul3A_2105 = arith.constant 1024 : i32
      %mul3A_2106 = arith.muli %while3A_2102, %mul3A_2105 : i32
      %multiple_of3A = tpu.assume_multiple %mul3A_2106, 1024 : i32
      %get3A_2107 = arith.constant 0 : index
      %get3A_2108 = arith.index_cast %multiple_of3A : i32 to index
      %get3A_2109 = vector.load %arg7[%get3A_2107, %get3A_2108] : memref<256x10240xf32, #tpu.memory_space<vmem>>, vector<256x1024xf32>
      %gt3A = vector.broadcast %while3A_1094#0 : vector<256x1xf32> to vector<256x1024xf32>
      %gt3A_2110 = arith.cmpf ogt, %get3A_2109, %gt3A : vector<256x1024xf32>
      %broadcast_in_dim3A_2111 = vector.broadcast %while3A_1148 : f32 to vector<256x1024xf32>
      %select_n3A_2112 = arith.select %gt3A_2110, %get3A_2109, %broadcast_in_dim3A_2111 : vector<256x1024xi1>, vector<256x1024xf32>
      %reduce_min3A = arith.constant dense<0x7F800000> : vector<256xf32>
      %reduce_min3A_2113 = vector.multi_reduction <minimumf>, %select_n3A_2112, %reduce_min3A [1] : vector<256x1024xf32> to vector<256xf32>
      %broadcast_in_dim3A_2114 = vector.shape_cast %reduce_min3A_2113 : vector<256xf32> to vector<256x1xf32>
      %lt3A_2115 = arith.cmpf olt, %broadcast_in_dim3A_2114, %while3A_2103 : vector<256x1xf32>
      %min3A = arith.minimumf %broadcast_in_dim3A_2114, %while3A_2103 : vector<256x1xf32>
      %broadcast_in_dim3A_2116 = vector.broadcast %while3A_2102 : i32 to vector<256x1xi32>
      %select_n3A_2117 = arith.select %lt3A_2115, %broadcast_in_dim3A_2116, %while3A_2104 : vector<256x1xi1>, vector<256x1xi32>
      scf.yield %min3A, %select_n3A_2117 : vector<256x1xf32>, vector<256x1xi32>
    }
    %lt3A_1160 = arith.constant 3.40282347E+38 : f32
    %lt3A_1161 = vector.broadcast %lt3A_1160 : f32 to vector<256x1xf32>
    %lt3A_1162 = arith.cmpf olt, %while3A_1159#0, %lt3A_1161 : vector<256x1xf32>
    %bitcast_convert_type3A_1163 = tpu.bitcast %while3A_1159#0 : vector<256x1xf32> -> vector<256x1xi32>
    %mul3A_1164 = arith.constant 1024 : i32
    %mul3A_1165 = vector.broadcast %mul3A_1164 : i32 to vector<256x1xi32>
    %mul3A_1166 = arith.muli %while3A_1159#1, %mul3A_1165 : vector<256x1xi32>
    %add3A_1167 = vector.broadcast %get3A_1 : i32 to vector<256x1xi32>
    %add3A_1168 = arith.addi %add3A_1167, %mul3A_1166 : vector<256x1xi32>
    %and3A_1169 = arith.constant 1023 : i32
    %and3A_1170 = vector.broadcast %and3A_1169 : i32 to vector<256x1xi32>
    %and3A_1171 = arith.andi %bitcast_convert_type3A_1163, %and3A_1170 : vector<256x1xi32>
    %add3A_1172 = arith.addi %add3A_1168, %and3A_1171 : vector<256x1xi32>
    %and3A_1173 = arith.constant -1024 : i32
    %and3A_1174 = vector.broadcast %and3A_1173 : i32 to vector<256x1xi32>
    %and3A_1175 = arith.andi %bitcast_convert_type3A_1163, %and3A_1174 : vector<256x1xi32>
    %bitcast_convert_type3A_1176 = tpu.bitcast %and3A_1175 : vector<256x1xi32> -> vector<256x1xf32>
    %select_n3A_1177 = arith.select %lt3A_1162, %add3A_1172, %add3A_18 : vector<256x1xi1>, vector<256x1xi32>
    %swap3A_1178 = arith.constant 0 : index
    %swap3A_1179 = arith.constant 17 : index
    %swap3A_1180 = vector.load %arg4[%swap3A_1178, %swap3A_1179] : memref<256x32xi32, #tpu.memory_space<vmem>>, vector<256x1xi32>
    tpu.vector_store %arg4[%swap3A_1178, %swap3A_1179], %select_n3A_1177 {strides = array<i32>} : memref<256x32xi32, #tpu.memory_space<vmem>>, vector<256x1xi32>,
    %jit3A_1181 = arith.constant 0.000000e+00 : f32
    %broadcast_in_dim3A_1182 = vector.broadcast %jit3A_1181 : f32 to vector<256x1xf32>
    %select_n3A_1183 = arith.select %lt3A_1162, %bitcast_convert_type3A_1176, %broadcast_in_dim3A_1182 : vector<256x1xi1>, vector<256x1xf32>
    %swap3A_1184 = arith.constant 0 : index
    %swap3A_1185 = arith.constant 17 : index
    %swap3A_1186 = vector.load %arg5[%swap3A_1184, %swap3A_1185] : memref<256x32xf32, #tpu.memory_space<vmem>>, vector<256x1xf32>
    tpu.vector_store %arg5[%swap3A_1184, %swap3A_1185], %select_n3A_1183 {strides = array<i32>} : memref<256x32xf32, #tpu.memory_space<vmem>>, vector<256x1xf32>,
    %convert_element_type3A_1187 = arith.extui %lt3A_1162 : vector<256x1xi1> to vector<256x1xi32>
    %convert_element_type3A_1188 = arith.sitofp %convert_element_type3A_1187 : vector<256x1xi32> to vector<256x1xf32>
    %swap3A_1189 = arith.constant 0 : index
    %swap3A_1190 = arith.constant 17 : index
    %swap3A_1191 = vector.load %arg6[%swap3A_1189, %swap3A_1190] : memref<256x32xf32, #tpu.memory_space<vmem>>, vector<256x1xf32>
    tpu.vector_store %arg6[%swap3A_1189, %swap3A_1190], %convert_element_type3A_1188 {strides = array<i32>} : memref<256x32xf32, #tpu.memory_space<vmem>>, vector<256x1xf32>,
    %eq3A_1192 = arith.constant 3.40282347E+38 : f32
    %eq3A_1193 = vector.broadcast %eq3A_1192 : f32 to vector<256x1xf32>
    %eq3A_1194 = arith.cmpf oeq, %while3A_1159#0, %eq3A_1193 : vector<256x1xf32>
    %reduce_and3A_1195 = arith.constant 1.000000e+00 : f32
    %reduce_and3A_1196 = arith.constant 0.000000e+00 : f32
    %reduce_and3A_1197 = vector.broadcast %reduce_and3A_1195 : f32 to vector<256x1xf32>
    %reduce_and3A_1198 = vector.broadcast %reduce_and3A_1196 : f32 to vector<256x1xf32>
    %reduce_and3A_1199 = arith.select %eq3A_1194, %reduce_and3A_1197, %reduce_and3A_1198 : vector<256x1xi1>, vector<256x1xf32>
    %reduce_and3A_1200 = vector.shape_cast %reduce_and3A_1199 : vector<256x1xf32> to vector<1x256x1xf32>
    %reduce_and3A_1201 = arith.constant dense<0x7F800000> : vector<1xf32>
    %reduce_and3A_1202 = vector.multi_reduction <minimumf>, %reduce_and3A_1200, %reduce_and3A_1201 [1, 2] : vector<1x256x1xf32> to vector<1xf32>
    %reduce_and3A_1203 = vector.shape_cast %reduce_and3A_1202 : vector<1xf32> to vector<1x1x1xf32>
    %reduce_and3A_1204 = vector.extract %reduce_and3A_1203[0, 0, 0] : f32 from vector<1x1x1xf32>
    %reduce_and3A_1205 = arith.constant 0.000000e+00 : f32
    %reduce_and3A_1206 = arith.cmpf ogt, %reduce_and3A_1204, %reduce_and3A_1205 : f32
    %jit3A_1207 = arith.constant 0 : i32
    %select_n3A_1208 = arith.select %reduce_and3A_1206, %jit3A_1207, %get3A_4 : i32
    %broadcast_in_dim3A_1209 = arith.constant 3.40282347E+38 : f32
    %broadcast_in_dim3A_1210 = vector.broadcast %broadcast_in_dim3A_1209 : f32 to vector<256x1xf32>
    %broadcast_in_dim3A_1211 = arith.constant 0 : i32
    %broadcast_in_dim3A_1212 = vector.broadcast %broadcast_in_dim3A_1211 : i32 to vector<256x1xi32>
    %while3A_1213 = arith.constant 3.40282347E+38 : f32
    %while3A_1214 = arith.constant 0 : i32
    %while3A_1215 = arith.subi %select_n3A_1208, %while3A_1214 : i32
    %while3A_1216 = arith.addi %while3A_1214, %while3A_1215 : i32
    %while3A_1217 = arith.constant 1 : i32
    %while3A_1218 = arith.divsi %while3A_1215, %while3A_1217 : i32
    %while3A_1219 = arith.muli %while3A_1218, %while3A_1217 : i32
    %while3A_1220 = arith.addi %while3A_1214, %while3A_1219 : i32
    %while3A_1221 = arith.constant 1 : i32
    %while3A_1222:2 = scf.for %while3A_2102 = %while3A_1214 to %while3A_1220 step %while3A_1221 iter_args(%while3A_2103 = %broadcast_in_dim3A_1210, %while3A_2104 = %broadcast_in_dim3A_1212) -> (vector<256x1xf32>, vector<256x1xi32>)  : i32 {
      %mul3A_2105 = arith.constant 1024 : i32
      %mul3A_2106 = arith.muli %while3A_2102, %mul3A_2105 : i32
      %multiple_of3A = tpu.assume_multiple %mul3A_2106, 1024 : i32
      %get3A_2107 = arith.constant 0 : index
      %get3A_2108 = arith.index_cast %multiple_of3A : i32 to index
      %get3A_2109 = vector.load %arg7[%get3A_2107, %get3A_2108] : memref<256x10240xf32, #tpu.memory_space<vmem>>, vector<256x1024xf32>
      %gt3A = vector.broadcast %while3A_1159#0 : vector<256x1xf32> to vector<256x1024xf32>
      %gt3A_2110 = arith.cmpf ogt, %get3A_2109, %gt3A : vector<256x1024xf32>
      %broadcast_in_dim3A_2111 = vector.broadcast %while3A_1213 : f32 to vector<256x1024xf32>
      %select_n3A_2112 = arith.select %gt3A_2110, %get3A_2109, %broadcast_in_dim3A_2111 : vector<256x1024xi1>, vector<256x1024xf32>
      %reduce_min3A = arith.constant dense<0x7F800000> : vector<256xf32>
      %reduce_min3A_2113 = vector.multi_reduction <minimumf>, %select_n3A_2112, %reduce_min3A [1] : vector<256x1024xf32> to vector<256xf32>
      %broadcast_in_dim3A_2114 = vector.shape_cast %reduce_min3A_2113 : vector<256xf32> to vector<256x1xf32>
      %lt3A_2115 = arith.cmpf olt, %broadcast_in_dim3A_2114, %while3A_2103 : vector<256x1xf32>
      %min3A = arith.minimumf %broadcast_in_dim3A_2114, %while3A_2103 : vector<256x1xf32>
      %broadcast_in_dim3A_2116 = vector.broadcast %while3A_2102 : i32 to vector<256x1xi32>
      %select_n3A_2117 = arith.select %lt3A_2115, %broadcast_in_dim3A_2116, %while3A_2104 : vector<256x1xi1>, vector<256x1xi32>
      scf.yield %min3A, %select_n3A_2117 : vector<256x1xf32>, vector<256x1xi32>
    }
    %while3A_1223 = arith.constant 1 : i32
    %while3A_1224:2 = scf.for %while3A_2102 = %while3A_1220 to %while3A_1216 step %while3A_1223 iter_args(%while3A_2103 = %while3A_1222#0, %while3A_2104 = %while3A_1222#1) -> (vector<256x1xf32>, vector<256x1xi32>)  : i32 {
      %mul3A_2105 = arith.constant 1024 : i32
      %mul3A_2106 = arith.muli %while3A_2102, %mul3A_2105 : i32
      %multiple_of3A = tpu.assume_multiple %mul3A_2106, 1024 : i32
      %get3A_2107 = arith.constant 0 : index
      %get3A_2108 = arith.index_cast %multiple_of3A : i32 to index
      %get3A_2109 = vector.load %arg7[%get3A_2107, %get3A_2108] : memref<256x10240xf32, #tpu.memory_space<vmem>>, vector<256x1024xf32>
      %gt3A = vector.broadcast %while3A_1159#0 : vector<256x1xf32> to vector<256x1024xf32>
      %gt3A_2110 = arith.cmpf ogt, %get3A_2109, %gt3A : vector<256x1024xf32>
      %broadcast_in_dim3A_2111 = vector.broadcast %while3A_1213 : f32 to vector<256x1024xf32>
      %select_n3A_2112 = arith.select %gt3A_2110, %get3A_2109, %broadcast_in_dim3A_2111 : vector<256x1024xi1>, vector<256x1024xf32>
      %reduce_min3A = arith.constant dense<0x7F800000> : vector<256xf32>
      %reduce_min3A_2113 = vector.multi_reduction <minimumf>, %select_n3A_2112, %reduce_min3A [1] : vector<256x1024xf32> to vector<256xf32>
      %broadcast_in_dim3A_2114 = vector.shape_cast %reduce_min3A_2113 : vector<256xf32> to vector<256x1xf32>
      %lt3A_2115 = arith.cmpf olt, %broadcast_in_dim3A_2114, %while3A_2103 : vector<256x1xf32>
      %min3A = arith.minimumf %broadcast_in_dim3A_2114, %while3A_2103 : vector<256x1xf32>
      %broadcast_in_dim3A_2116 = vector.broadcast %while3A_2102 : i32 to vector<256x1xi32>
      %select_n3A_2117 = arith.select %lt3A_2115, %broadcast_in_dim3A_2116, %while3A_2104 : vector<256x1xi1>, vector<256x1xi32>
      scf.yield %min3A, %select_n3A_2117 : vector<256x1xf32>, vector<256x1xi32>
    }
    %lt3A_1225 = arith.constant 3.40282347E+38 : f32
    %lt3A_1226 = vector.broadcast %lt3A_1225 : f32 to vector<256x1xf32>
    %lt3A_1227 = arith.cmpf olt, %while3A_1224#0, %lt3A_1226 : vector<256x1xf32>
    %bitcast_convert_type3A_1228 = tpu.bitcast %while3A_1224#0 : vector<256x1xf32> -> vector<256x1xi32>
    %mul3A_1229 = arith.constant 1024 : i32
    %mul3A_1230 = vector.broadcast %mul3A_1229 : i32 to vector<256x1xi32>
    %mul3A_1231 = arith.muli %while3A_1224#1, %mul3A_1230 : vector<256x1xi32>
    %add3A_1232 = vector.broadcast %get3A_1 : i32 to vector<256x1xi32>
    %add3A_1233 = arith.addi %add3A_1232, %mul3A_1231 : vector<256x1xi32>
    %and3A_1234 = arith.constant 1023 : i32
    %and3A_1235 = vector.broadcast %and3A_1234 : i32 to vector<256x1xi32>
    %and3A_1236 = arith.andi %bitcast_convert_type3A_1228, %and3A_1235 : vector<256x1xi32>
    %add3A_1237 = arith.addi %add3A_1233, %and3A_1236 : vector<256x1xi32>
    %and3A_1238 = arith.constant -1024 : i32
    %and3A_1239 = vector.broadcast %and3A_1238 : i32 to vector<256x1xi32>
    %and3A_1240 = arith.andi %bitcast_convert_type3A_1228, %and3A_1239 : vector<256x1xi32>
    %bitcast_convert_type3A_1241 = tpu.bitcast %and3A_1240 : vector<256x1xi32> -> vector<256x1xf32>
    %select_n3A_1242 = arith.select %lt3A_1227, %add3A_1237, %add3A_18 : vector<256x1xi1>, vector<256x1xi32>
    %swap3A_1243 = arith.constant 0 : index
    %swap3A_1244 = arith.constant 18 : index
    %swap3A_1245 = vector.load %arg4[%swap3A_1243, %swap3A_1244] : memref<256x32xi32, #tpu.memory_space<vmem>>, vector<256x1xi32>
    tpu.vector_store %arg4[%swap3A_1243, %swap3A_1244], %select_n3A_1242 {strides = array<i32>} : memref<256x32xi32, #tpu.memory_space<vmem>>, vector<256x1xi32>,
    %jit3A_1246 = arith.constant 0.000000e+00 : f32
    %broadcast_in_dim3A_1247 = vector.broadcast %jit3A_1246 : f32 to vector<256x1xf32>
    %select_n3A_1248 = arith.select %lt3A_1227, %bitcast_convert_type3A_1241, %broadcast_in_dim3A_1247 : vector<256x1xi1>, vector<256x1xf32>
    %swap3A_1249 = arith.constant 0 : index
    %swap3A_1250 = arith.constant 18 : index
    %swap3A_1251 = vector.load %arg5[%swap3A_1249, %swap3A_1250] : memref<256x32xf32, #tpu.memory_space<vmem>>, vector<256x1xf32>
    tpu.vector_store %arg5[%swap3A_1249, %swap3A_1250], %select_n3A_1248 {strides = array<i32>} : memref<256x32xf32, #tpu.memory_space<vmem>>, vector<256x1xf32>,
    %convert_element_type3A_1252 = arith.extui %lt3A_1227 : vector<256x1xi1> to vector<256x1xi32>
    %convert_element_type3A_1253 = arith.sitofp %convert_element_type3A_1252 : vector<256x1xi32> to vector<256x1xf32>
    %swap3A_1254 = arith.constant 0 : index
    %swap3A_1255 = arith.constant 18 : index
    %swap3A_1256 = vector.load %arg6[%swap3A_1254, %swap3A_1255] : memref<256x32xf32, #tpu.memory_space<vmem>>, vector<256x1xf32>
    tpu.vector_store %arg6[%swap3A_1254, %swap3A_1255], %convert_element_type3A_1253 {strides = array<i32>} : memref<256x32xf32, #tpu.memory_space<vmem>>, vector<256x1xf32>,
    %eq3A_1257 = arith.constant 3.40282347E+38 : f32
    %eq3A_1258 = vector.broadcast %eq3A_1257 : f32 to vector<256x1xf32>
    %eq3A_1259 = arith.cmpf oeq, %while3A_1224#0, %eq3A_1258 : vector<256x1xf32>
    %reduce_and3A_1260 = arith.constant 1.000000e+00 : f32
    %reduce_and3A_1261 = arith.constant 0.000000e+00 : f32
    %reduce_and3A_1262 = vector.broadcast %reduce_and3A_1260 : f32 to vector<256x1xf32>
    %reduce_and3A_1263 = vector.broadcast %reduce_and3A_1261 : f32 to vector<256x1xf32>
    %reduce_and3A_1264 = arith.select %eq3A_1259, %reduce_and3A_1262, %reduce_and3A_1263 : vector<256x1xi1>, vector<256x1xf32>
    %reduce_and3A_1265 = vector.shape_cast %reduce_and3A_1264 : vector<256x1xf32> to vector<1x256x1xf32>
    %reduce_and3A_1266 = arith.constant dense<0x7F800000> : vector<1xf32>
    %reduce_and3A_1267 = vector.multi_reduction <minimumf>, %reduce_and3A_1265, %reduce_and3A_1266 [1, 2] : vector<1x256x1xf32> to vector<1xf32>
    %reduce_and3A_1268 = vector.shape_cast %reduce_and3A_1267 : vector<1xf32> to vector<1x1x1xf32>
    %reduce_and3A_1269 = vector.extract %reduce_and3A_1268[0, 0, 0] : f32 from vector<1x1x1xf32>
    %reduce_and3A_1270 = arith.constant 0.000000e+00 : f32
    %reduce_and3A_1271 = arith.cmpf ogt, %reduce_and3A_1269, %reduce_and3A_1270 : f32
    %jit3A_1272 = arith.constant 0 : i32
    %select_n3A_1273 = arith.select %reduce_and3A_1271, %jit3A_1272, %get3A_4 : i32
    %broadcast_in_dim3A_1274 = arith.constant 3.40282347E+38 : f32
    %broadcast_in_dim3A_1275 = vector.broadcast %broadcast_in_dim3A_1274 : f32 to vector<256x1xf32>
    %broadcast_in_dim3A_1276 = arith.constant 0 : i32
    %broadcast_in_dim3A_1277 = vector.broadcast %broadcast_in_dim3A_1276 : i32 to vector<256x1xi32>
    %while3A_1278 = arith.constant 3.40282347E+38 : f32
    %while3A_1279 = arith.constant 0 : i32
    %while3A_1280 = arith.subi %select_n3A_1273, %while3A_1279 : i32
    %while3A_1281 = arith.addi %while3A_1279, %while3A_1280 : i32
    %while3A_1282 = arith.constant 1 : i32
    %while3A_1283 = arith.divsi %while3A_1280, %while3A_1282 : i32
    %while3A_1284 = arith.muli %while3A_1283, %while3A_1282 : i32
    %while3A_1285 = arith.addi %while3A_1279, %while3A_1284 : i32
    %while3A_1286 = arith.constant 1 : i32
    %while3A_1287:2 = scf.for %while3A_2102 = %while3A_1279 to %while3A_1285 step %while3A_1286 iter_args(%while3A_2103 = %broadcast_in_dim3A_1275, %while3A_2104 = %broadcast_in_dim3A_1277) -> (vector<256x1xf32>, vector<256x1xi32>)  : i32 {
      %mul3A_2105 = arith.constant 1024 : i32
      %mul3A_2106 = arith.muli %while3A_2102, %mul3A_2105 : i32
      %multiple_of3A = tpu.assume_multiple %mul3A_2106, 1024 : i32
      %get3A_2107 = arith.constant 0 : index
      %get3A_2108 = arith.index_cast %multiple_of3A : i32 to index
      %get3A_2109 = vector.load %arg7[%get3A_2107, %get3A_2108] : memref<256x10240xf32, #tpu.memory_space<vmem>>, vector<256x1024xf32>
      %gt3A = vector.broadcast %while3A_1224#0 : vector<256x1xf32> to vector<256x1024xf32>
      %gt3A_2110 = arith.cmpf ogt, %get3A_2109, %gt3A : vector<256x1024xf32>
      %broadcast_in_dim3A_2111 = vector.broadcast %while3A_1278 : f32 to vector<256x1024xf32>
      %select_n3A_2112 = arith.select %gt3A_2110, %get3A_2109, %broadcast_in_dim3A_2111 : vector<256x1024xi1>, vector<256x1024xf32>
      %reduce_min3A = arith.constant dense<0x7F800000> : vector<256xf32>
      %reduce_min3A_2113 = vector.multi_reduction <minimumf>, %select_n3A_2112, %reduce_min3A [1] : vector<256x1024xf32> to vector<256xf32>
      %broadcast_in_dim3A_2114 = vector.shape_cast %reduce_min3A_2113 : vector<256xf32> to vector<256x1xf32>
      %lt3A_2115 = arith.cmpf olt, %broadcast_in_dim3A_2114, %while3A_2103 : vector<256x1xf32>
      %min3A = arith.minimumf %broadcast_in_dim3A_2114, %while3A_2103 : vector<256x1xf32>
      %broadcast_in_dim3A_2116 = vector.broadcast %while3A_2102 : i32 to vector<256x1xi32>
      %select_n3A_2117 = arith.select %lt3A_2115, %broadcast_in_dim3A_2116, %while3A_2104 : vector<256x1xi1>, vector<256x1xi32>
      scf.yield %min3A, %select_n3A_2117 : vector<256x1xf32>, vector<256x1xi32>
    }
    %while3A_1288 = arith.constant 1 : i32
    %while3A_1289:2 = scf.for %while3A_2102 = %while3A_1285 to %while3A_1281 step %while3A_1288 iter_args(%while3A_2103 = %while3A_1287#0, %while3A_2104 = %while3A_1287#1) -> (vector<256x1xf32>, vector<256x1xi32>)  : i32 {
      %mul3A_2105 = arith.constant 1024 : i32
      %mul3A_2106 = arith.muli %while3A_2102, %mul3A_2105 : i32
      %multiple_of3A = tpu.assume_multiple %mul3A_2106, 1024 : i32
      %get3A_2107 = arith.constant 0 : index
      %get3A_2108 = arith.index_cast %multiple_of3A : i32 to index
      %get3A_2109 = vector.load %arg7[%get3A_2107, %get3A_2108] : memref<256x10240xf32, #tpu.memory_space<vmem>>, vector<256x1024xf32>
      %gt3A = vector.broadcast %while3A_1224#0 : vector<256x1xf32> to vector<256x1024xf32>
      %gt3A_2110 = arith.cmpf ogt, %get3A_2109, %gt3A : vector<256x1024xf32>
      %broadcast_in_dim3A_2111 = vector.broadcast %while3A_1278 : f32 to vector<256x1024xf32>
      %select_n3A_2112 = arith.select %gt3A_2110, %get3A_2109, %broadcast_in_dim3A_2111 : vector<256x1024xi1>, vector<256x1024xf32>
      %reduce_min3A = arith.constant dense<0x7F800000> : vector<256xf32>
      %reduce_min3A_2113 = vector.multi_reduction <minimumf>, %select_n3A_2112, %reduce_min3A [1] : vector<256x1024xf32> to vector<256xf32>
      %broadcast_in_dim3A_2114 = vector.shape_cast %reduce_min3A_2113 : vector<256xf32> to vector<256x1xf32>
      %lt3A_2115 = arith.cmpf olt, %broadcast_in_dim3A_2114, %while3A_2103 : vector<256x1xf32>
      %min3A = arith.minimumf %broadcast_in_dim3A_2114, %while3A_2103 : vector<256x1xf32>
      %broadcast_in_dim3A_2116 = vector.broadcast %while3A_2102 : i32 to vector<256x1xi32>
      %select_n3A_2117 = arith.select %lt3A_2115, %broadcast_in_dim3A_2116, %while3A_2104 : vector<256x1xi1>, vector<256x1xi32>
      scf.yield %min3A, %select_n3A_2117 : vector<256x1xf32>, vector<256x1xi32>
    }
    %lt3A_1290 = arith.constant 3.40282347E+38 : f32
    %lt3A_1291 = vector.broadcast %lt3A_1290 : f32 to vector<256x1xf32>
    %lt3A_1292 = arith.cmpf olt, %while3A_1289#0, %lt3A_1291 : vector<256x1xf32>
    %bitcast_convert_type3A_1293 = tpu.bitcast %while3A_1289#0 : vector<256x1xf32> -> vector<256x1xi32>
    %mul3A_1294 = arith.constant 1024 : i32
    %mul3A_1295 = vector.broadcast %mul3A_1294 : i32 to vector<256x1xi32>
    %mul3A_1296 = arith.muli %while3A_1289#1, %mul3A_1295 : vector<256x1xi32>
    %add3A_1297 = vector.broadcast %get3A_1 : i32 to vector<256x1xi32>
    %add3A_1298 = arith.addi %add3A_1297, %mul3A_1296 : vector<256x1xi32>
    %and3A_1299 = arith.constant 1023 : i32
    %and3A_1300 = vector.broadcast %and3A_1299 : i32 to vector<256x1xi32>
    %and3A_1301 = arith.andi %bitcast_convert_type3A_1293, %and3A_1300 : vector<256x1xi32>
    %add3A_1302 = arith.addi %add3A_1298, %and3A_1301 : vector<256x1xi32>
    %and3A_1303 = arith.constant -1024 : i32
    %and3A_1304 = vector.broadcast %and3A_1303 : i32 to vector<256x1xi32>
    %and3A_1305 = arith.andi %bitcast_convert_type3A_1293, %and3A_1304 : vector<256x1xi32>
    %bitcast_convert_type3A_1306 = tpu.bitcast %and3A_1305 : vector<256x1xi32> -> vector<256x1xf32>
    %select_n3A_1307 = arith.select %lt3A_1292, %add3A_1302, %add3A_18 : vector<256x1xi1>, vector<256x1xi32>
    %swap3A_1308 = arith.constant 0 : index
    %swap3A_1309 = arith.constant 19 : index
    %swap3A_1310 = vector.load %arg4[%swap3A_1308, %swap3A_1309] : memref<256x32xi32, #tpu.memory_space<vmem>>, vector<256x1xi32>
    tpu.vector_store %arg4[%swap3A_1308, %swap3A_1309], %select_n3A_1307 {strides = array<i32>} : memref<256x32xi32, #tpu.memory_space<vmem>>, vector<256x1xi32>,
    %jit3A_1311 = arith.constant 0.000000e+00 : f32
    %broadcast_in_dim3A_1312 = vector.broadcast %jit3A_1311 : f32 to vector<256x1xf32>
    %select_n3A_1313 = arith.select %lt3A_1292, %bitcast_convert_type3A_1306, %broadcast_in_dim3A_1312 : vector<256x1xi1>, vector<256x1xf32>
    %swap3A_1314 = arith.constant 0 : index
    %swap3A_1315 = arith.constant 19 : index
    %swap3A_1316 = vector.load %arg5[%swap3A_1314, %swap3A_1315] : memref<256x32xf32, #tpu.memory_space<vmem>>, vector<256x1xf32>
    tpu.vector_store %arg5[%swap3A_1314, %swap3A_1315], %select_n3A_1313 {strides = array<i32>} : memref<256x32xf32, #tpu.memory_space<vmem>>, vector<256x1xf32>,
    %convert_element_type3A_1317 = arith.extui %lt3A_1292 : vector<256x1xi1> to vector<256x1xi32>
    %convert_element_type3A_1318 = arith.sitofp %convert_element_type3A_1317 : vector<256x1xi32> to vector<256x1xf32>
    %swap3A_1319 = arith.constant 0 : index
    %swap3A_1320 = arith.constant 19 : index
    %swap3A_1321 = vector.load %arg6[%swap3A_1319, %swap3A_1320] : memref<256x32xf32, #tpu.memory_space<vmem>>, vector<256x1xf32>
    tpu.vector_store %arg6[%swap3A_1319, %swap3A_1320], %convert_element_type3A_1318 {strides = array<i32>} : memref<256x32xf32, #tpu.memory_space<vmem>>, vector<256x1xf32>,
    %eq3A_1322 = arith.constant 3.40282347E+38 : f32
    %eq3A_1323 = vector.broadcast %eq3A_1322 : f32 to vector<256x1xf32>
    %eq3A_1324 = arith.cmpf oeq, %while3A_1289#0, %eq3A_1323 : vector<256x1xf32>
    %reduce_and3A_1325 = arith.constant 1.000000e+00 : f32
    %reduce_and3A_1326 = arith.constant 0.000000e+00 : f32
    %reduce_and3A_1327 = vector.broadcast %reduce_and3A_1325 : f32 to vector<256x1xf32>
    %reduce_and3A_1328 = vector.broadcast %reduce_and3A_1326 : f32 to vector<256x1xf32>
    %reduce_and3A_1329 = arith.select %eq3A_1324, %reduce_and3A_1327, %reduce_and3A_1328 : vector<256x1xi1>, vector<256x1xf32>
    %reduce_and3A_1330 = vector.shape_cast %reduce_and3A_1329 : vector<256x1xf32> to vector<1x256x1xf32>
    %reduce_and3A_1331 = arith.constant dense<0x7F800000> : vector<1xf32>
    %reduce_and3A_1332 = vector.multi_reduction <minimumf>, %reduce_and3A_1330, %reduce_and3A_1331 [1, 2] : vector<1x256x1xf32> to vector<1xf32>
    %reduce_and3A_1333 = vector.shape_cast %reduce_and3A_1332 : vector<1xf32> to vector<1x1x1xf32>
    %reduce_and3A_1334 = vector.extract %reduce_and3A_1333[0, 0, 0] : f32 from vector<1x1x1xf32>
    %reduce_and3A_1335 = arith.constant 0.000000e+00 : f32
    %reduce_and3A_1336 = arith.cmpf ogt, %reduce_and3A_1334, %reduce_and3A_1335 : f32
    %jit3A_1337 = arith.constant 0 : i32
    %select_n3A_1338 = arith.select %reduce_and3A_1336, %jit3A_1337, %get3A_4 : i32
    %broadcast_in_dim3A_1339 = arith.constant 3.40282347E+38 : f32
    %broadcast_in_dim3A_1340 = vector.broadcast %broadcast_in_dim3A_1339 : f32 to vector<256x1xf32>
    %broadcast_in_dim3A_1341 = arith.constant 0 : i32
    %broadcast_in_dim3A_1342 = vector.broadcast %broadcast_in_dim3A_1341 : i32 to vector<256x1xi32>
    %while3A_1343 = arith.constant 3.40282347E+38 : f32
    %while3A_1344 = arith.constant 0 : i32
    %while3A_1345 = arith.subi %select_n3A_1338, %while3A_1344 : i32
    %while3A_1346 = arith.addi %while3A_1344, %while3A_1345 : i32
    %while3A_1347 = arith.constant 1 : i32
    %while3A_1348 = arith.divsi %while3A_1345, %while3A_1347 : i32
    %while3A_1349 = arith.muli %while3A_1348, %while3A_1347 : i32
    %while3A_1350 = arith.addi %while3A_1344, %while3A_1349 : i32
    %while3A_1351 = arith.constant 1 : i32
    %while3A_1352:2 = scf.for %while3A_2102 = %while3A_1344 to %while3A_1350 step %while3A_1351 iter_args(%while3A_2103 = %broadcast_in_dim3A_1340, %while3A_2104 = %broadcast_in_dim3A_1342) -> (vector<256x1xf32>, vector<256x1xi32>)  : i32 {
      %mul3A_2105 = arith.constant 1024 : i32
      %mul3A_2106 = arith.muli %while3A_2102, %mul3A_2105 : i32
      %multiple_of3A = tpu.assume_multiple %mul3A_2106, 1024 : i32
      %get3A_2107 = arith.constant 0 : index
      %get3A_2108 = arith.index_cast %multiple_of3A : i32 to index
      %get3A_2109 = vector.load %arg7[%get3A_2107, %get3A_2108] : memref<256x10240xf32, #tpu.memory_space<vmem>>, vector<256x1024xf32>
      %gt3A = vector.broadcast %while3A_1289#0 : vector<256x1xf32> to vector<256x1024xf32>
      %gt3A_2110 = arith.cmpf ogt, %get3A_2109, %gt3A : vector<256x1024xf32>
      %broadcast_in_dim3A_2111 = vector.broadcast %while3A_1343 : f32 to vector<256x1024xf32>
      %select_n3A_2112 = arith.select %gt3A_2110, %get3A_2109, %broadcast_in_dim3A_2111 : vector<256x1024xi1>, vector<256x1024xf32>
      %reduce_min3A = arith.constant dense<0x7F800000> : vector<256xf32>
      %reduce_min3A_2113 = vector.multi_reduction <minimumf>, %select_n3A_2112, %reduce_min3A [1] : vector<256x1024xf32> to vector<256xf32>
      %broadcast_in_dim3A_2114 = vector.shape_cast %reduce_min3A_2113 : vector<256xf32> to vector<256x1xf32>
      %lt3A_2115 = arith.cmpf olt, %broadcast_in_dim3A_2114, %while3A_2103 : vector<256x1xf32>
      %min3A = arith.minimumf %broadcast_in_dim3A_2114, %while3A_2103 : vector<256x1xf32>
      %broadcast_in_dim3A_2116 = vector.broadcast %while3A_2102 : i32 to vector<256x1xi32>
      %select_n3A_2117 = arith.select %lt3A_2115, %broadcast_in_dim3A_2116, %while3A_2104 : vector<256x1xi1>, vector<256x1xi32>
      scf.yield %min3A, %select_n3A_2117 : vector<256x1xf32>, vector<256x1xi32>
    }
    %while3A_1353 = arith.constant 1 : i32
    %while3A_1354:2 = scf.for %while3A_2102 = %while3A_1350 to %while3A_1346 step %while3A_1353 iter_args(%while3A_2103 = %while3A_1352#0, %while3A_2104 = %while3A_1352#1) -> (vector<256x1xf32>, vector<256x1xi32>)  : i32 {
      %mul3A_2105 = arith.constant 1024 : i32
      %mul3A_2106 = arith.muli %while3A_2102, %mul3A_2105 : i32
      %multiple_of3A = tpu.assume_multiple %mul3A_2106, 1024 : i32
      %get3A_2107 = arith.constant 0 : index
      %get3A_2108 = arith.index_cast %multiple_of3A : i32 to index
      %get3A_2109 = vector.load %arg7[%get3A_2107, %get3A_2108] : memref<256x10240xf32, #tpu.memory_space<vmem>>, vector<256x1024xf32>
      %gt3A = vector.broadcast %while3A_1289#0 : vector<256x1xf32> to vector<256x1024xf32>
      %gt3A_2110 = arith.cmpf ogt, %get3A_2109, %gt3A : vector<256x1024xf32>
      %broadcast_in_dim3A_2111 = vector.broadcast %while3A_1343 : f32 to vector<256x1024xf32>
      %select_n3A_2112 = arith.select %gt3A_2110, %get3A_2109, %broadcast_in_dim3A_2111 : vector<256x1024xi1>, vector<256x1024xf32>
      %reduce_min3A = arith.constant dense<0x7F800000> : vector<256xf32>
      %reduce_min3A_2113 = vector.multi_reduction <minimumf>, %select_n3A_2112, %reduce_min3A [1] : vector<256x1024xf32> to vector<256xf32>
      %broadcast_in_dim3A_2114 = vector.shape_cast %reduce_min3A_2113 : vector<256xf32> to vector<256x1xf32>
      %lt3A_2115 = arith.cmpf olt, %broadcast_in_dim3A_2114, %while3A_2103 : vector<256x1xf32>
      %min3A = arith.minimumf %broadcast_in_dim3A_2114, %while3A_2103 : vector<256x1xf32>
      %broadcast_in_dim3A_2116 = vector.broadcast %while3A_2102 : i32 to vector<256x1xi32>
      %select_n3A_2117 = arith.select %lt3A_2115, %broadcast_in_dim3A_2116, %while3A_2104 : vector<256x1xi1>, vector<256x1xi32>
      scf.yield %min3A, %select_n3A_2117 : vector<256x1xf32>, vector<256x1xi32>
    }
    %lt3A_1355 = arith.constant 3.40282347E+38 : f32
    %lt3A_1356 = vector.broadcast %lt3A_1355 : f32 to vector<256x1xf32>
    %lt3A_1357 = arith.cmpf olt, %while3A_1354#0, %lt3A_1356 : vector<256x1xf32>
    %bitcast_convert_type3A_1358 = tpu.bitcast %while3A_1354#0 : vector<256x1xf32> -> vector<256x1xi32>
    %mul3A_1359 = arith.constant 1024 : i32
    %mul3A_1360 = vector.broadcast %mul3A_1359 : i32 to vector<256x1xi32>
    %mul3A_1361 = arith.muli %while3A_1354#1, %mul3A_1360 : vector<256x1xi32>
    %add3A_1362 = vector.broadcast %get3A_1 : i32 to vector<256x1xi32>
    %add3A_1363 = arith.addi %add3A_1362, %mul3A_1361 : vector<256x1xi32>
    %and3A_1364 = arith.constant 1023 : i32
    %and3A_1365 = vector.broadcast %and3A_1364 : i32 to vector<256x1xi32>
    %and3A_1366 = arith.andi %bitcast_convert_type3A_1358, %and3A_1365 : vector<256x1xi32>
    %add3A_1367 = arith.addi %add3A_1363, %and3A_1366 : vector<256x1xi32>
    %and3A_1368 = arith.constant -1024 : i32
    %and3A_1369 = vector.broadcast %and3A_1368 : i32 to vector<256x1xi32>
    %and3A_1370 = arith.andi %bitcast_convert_type3A_1358, %and3A_1369 : vector<256x1xi32>
    %bitcast_convert_type3A_1371 = tpu.bitcast %and3A_1370 : vector<256x1xi32> -> vector<256x1xf32>
    %select_n3A_1372 = arith.select %lt3A_1357, %add3A_1367, %add3A_18 : vector<256x1xi1>, vector<256x1xi32>
    %swap3A_1373 = arith.constant 0 : index
    %swap3A_1374 = arith.constant 20 : index
    %swap3A_1375 = vector.load %arg4[%swap3A_1373, %swap3A_1374] : memref<256x32xi32, #tpu.memory_space<vmem>>, vector<256x1xi32>
    tpu.vector_store %arg4[%swap3A_1373, %swap3A_1374], %select_n3A_1372 {strides = array<i32>} : memref<256x32xi32, #tpu.memory_space<vmem>>, vector<256x1xi32>,
    %jit3A_1376 = arith.constant 0.000000e+00 : f32
    %broadcast_in_dim3A_1377 = vector.broadcast %jit3A_1376 : f32 to vector<256x1xf32>
    %select_n3A_1378 = arith.select %lt3A_1357, %bitcast_convert_type3A_1371, %broadcast_in_dim3A_1377 : vector<256x1xi1>, vector<256x1xf32>
    %swap3A_1379 = arith.constant 0 : index
    %swap3A_1380 = arith.constant 20 : index
    %swap3A_1381 = vector.load %arg5[%swap3A_1379, %swap3A_1380] : memref<256x32xf32, #tpu.memory_space<vmem>>, vector<256x1xf32>
    tpu.vector_store %arg5[%swap3A_1379, %swap3A_1380], %select_n3A_1378 {strides = array<i32>} : memref<256x32xf32, #tpu.memory_space<vmem>>, vector<256x1xf32>,
    %convert_element_type3A_1382 = arith.extui %lt3A_1357 : vector<256x1xi1> to vector<256x1xi32>
    %convert_element_type3A_1383 = arith.sitofp %convert_element_type3A_1382 : vector<256x1xi32> to vector<256x1xf32>
    %swap3A_1384 = arith.constant 0 : index
    %swap3A_1385 = arith.constant 20 : index
    %swap3A_1386 = vector.load %arg6[%swap3A_1384, %swap3A_1385] : memref<256x32xf32, #tpu.memory_space<vmem>>, vector<256x1xf32>
    tpu.vector_store %arg6[%swap3A_1384, %swap3A_1385], %convert_element_type3A_1383 {strides = array<i32>} : memref<256x32xf32, #tpu.memory_space<vmem>>, vector<256x1xf32>,
    %eq3A_1387 = arith.constant 3.40282347E+38 : f32
    %eq3A_1388 = vector.broadcast %eq3A_1387 : f32 to vector<256x1xf32>
    %eq3A_1389 = arith.cmpf oeq, %while3A_1354#0, %eq3A_1388 : vector<256x1xf32>
    %reduce_and3A_1390 = arith.constant 1.000000e+00 : f32
    %reduce_and3A_1391 = arith.constant 0.000000e+00 : f32
    %reduce_and3A_1392 = vector.broadcast %reduce_and3A_1390 : f32 to vector<256x1xf32>
    %reduce_and3A_1393 = vector.broadcast %reduce_and3A_1391 : f32 to vector<256x1xf32>
    %reduce_and3A_1394 = arith.select %eq3A_1389, %reduce_and3A_1392, %reduce_and3A_1393 : vector<256x1xi1>, vector<256x1xf32>
    %reduce_and3A_1395 = vector.shape_cast %reduce_and3A_1394 : vector<256x1xf32> to vector<1x256x1xf32>
    %reduce_and3A_1396 = arith.constant dense<0x7F800000> : vector<1xf32>
    %reduce_and3A_1397 = vector.multi_reduction <minimumf>, %reduce_and3A_1395, %reduce_and3A_1396 [1, 2] : vector<1x256x1xf32> to vector<1xf32>
    %reduce_and3A_1398 = vector.shape_cast %reduce_and3A_1397 : vector<1xf32> to vector<1x1x1xf32>
    %reduce_and3A_1399 = vector.extract %reduce_and3A_1398[0, 0, 0] : f32 from vector<1x1x1xf32>
    %reduce_and3A_1400 = arith.constant 0.000000e+00 : f32
    %reduce_and3A_1401 = arith.cmpf ogt, %reduce_and3A_1399, %reduce_and3A_1400 : f32
    %jit3A_1402 = arith.constant 0 : i32
    %select_n3A_1403 = arith.select %reduce_and3A_1401, %jit3A_1402, %get3A_4 : i32
    %broadcast_in_dim3A_1404 = arith.constant 3.40282347E+38 : f32
    %broadcast_in_dim3A_1405 = vector.broadcast %broadcast_in_dim3A_1404 : f32 to vector<256x1xf32>
    %broadcast_in_dim3A_1406 = arith.constant 0 : i32
    %broadcast_in_dim3A_1407 = vector.broadcast %broadcast_in_dim3A_1406 : i32 to vector<256x1xi32>
    %while3A_1408 = arith.constant 3.40282347E+38 : f32
    %while3A_1409 = arith.constant 0 : i32
    %while3A_1410 = arith.subi %select_n3A_1403, %while3A_1409 : i32
    %while3A_1411 = arith.addi %while3A_1409, %while3A_1410 : i32
    %while3A_1412 = arith.constant 1 : i32
    %while3A_1413 = arith.divsi %while3A_1410, %while3A_1412 : i32
    %while3A_1414 = arith.muli %while3A_1413, %while3A_1412 : i32
    %while3A_1415 = arith.addi %while3A_1409, %while3A_1414 : i32
    %while3A_1416 = arith.constant 1 : i32
    %while3A_1417:2 = scf.for %while3A_2102 = %while3A_1409 to %while3A_1415 step %while3A_1416 iter_args(%while3A_2103 = %broadcast_in_dim3A_1405, %while3A_2104 = %broadcast_in_dim3A_1407) -> (vector<256x1xf32>, vector<256x1xi32>)  : i32 {
      %mul3A_2105 = arith.constant 1024 : i32
      %mul3A_2106 = arith.muli %while3A_2102, %mul3A_2105 : i32
      %multiple_of3A = tpu.assume_multiple %mul3A_2106, 1024 : i32
      %get3A_2107 = arith.constant 0 : index
      %get3A_2108 = arith.index_cast %multiple_of3A : i32 to index
      %get3A_2109 = vector.load %arg7[%get3A_2107, %get3A_2108] : memref<256x10240xf32, #tpu.memory_space<vmem>>, vector<256x1024xf32>
      %gt3A = vector.broadcast %while3A_1354#0 : vector<256x1xf32> to vector<256x1024xf32>
      %gt3A_2110 = arith.cmpf ogt, %get3A_2109, %gt3A : vector<256x1024xf32>
      %broadcast_in_dim3A_2111 = vector.broadcast %while3A_1408 : f32 to vector<256x1024xf32>
      %select_n3A_2112 = arith.select %gt3A_2110, %get3A_2109, %broadcast_in_dim3A_2111 : vector<256x1024xi1>, vector<256x1024xf32>
      %reduce_min3A = arith.constant dense<0x7F800000> : vector<256xf32>
      %reduce_min3A_2113 = vector.multi_reduction <minimumf>, %select_n3A_2112, %reduce_min3A [1] : vector<256x1024xf32> to vector<256xf32>
      %broadcast_in_dim3A_2114 = vector.shape_cast %reduce_min3A_2113 : vector<256xf32> to vector<256x1xf32>
      %lt3A_2115 = arith.cmpf olt, %broadcast_in_dim3A_2114, %while3A_2103 : vector<256x1xf32>
      %min3A = arith.minimumf %broadcast_in_dim3A_2114, %while3A_2103 : vector<256x1xf32>
      %broadcast_in_dim3A_2116 = vector.broadcast %while3A_2102 : i32 to vector<256x1xi32>
      %select_n3A_2117 = arith.select %lt3A_2115, %broadcast_in_dim3A_2116, %while3A_2104 : vector<256x1xi1>, vector<256x1xi32>
      scf.yield %min3A, %select_n3A_2117 : vector<256x1xf32>, vector<256x1xi32>
    }
    %while3A_1418 = arith.constant 1 : i32
    %while3A_1419:2 = scf.for %while3A_2102 = %while3A_1415 to %while3A_1411 step %while3A_1418 iter_args(%while3A_2103 = %while3A_1417#0, %while3A_2104 = %while3A_1417#1) -> (vector<256x1xf32>, vector<256x1xi32>)  : i32 {
      %mul3A_2105 = arith.constant 1024 : i32
      %mul3A_2106 = arith.muli %while3A_2102, %mul3A_2105 : i32
      %multiple_of3A = tpu.assume_multiple %mul3A_2106, 1024 : i32
      %get3A_2107 = arith.constant 0 : index
      %get3A_2108 = arith.index_cast %multiple_of3A : i32 to index
      %get3A_2109 = vector.load %arg7[%get3A_2107, %get3A_2108] : memref<256x10240xf32, #tpu.memory_space<vmem>>, vector<256x1024xf32>
      %gt3A = vector.broadcast %while3A_1354#0 : vector<256x1xf32> to vector<256x1024xf32>
      %gt3A_2110 = arith.cmpf ogt, %get3A_2109, %gt3A : vector<256x1024xf32>
      %broadcast_in_dim3A_2111 = vector.broadcast %while3A_1408 : f32 to vector<256x1024xf32>
      %select_n3A_2112 = arith.select %gt3A_2110, %get3A_2109, %broadcast_in_dim3A_2111 : vector<256x1024xi1>, vector<256x1024xf32>
      %reduce_min3A = arith.constant dense<0x7F800000> : vector<256xf32>
      %reduce_min3A_2113 = vector.multi_reduction <minimumf>, %select_n3A_2112, %reduce_min3A [1] : vector<256x1024xf32> to vector<256xf32>
      %broadcast_in_dim3A_2114 = vector.shape_cast %reduce_min3A_2113 : vector<256xf32> to vector<256x1xf32>
      %lt3A_2115 = arith.cmpf olt, %broadcast_in_dim3A_2114, %while3A_2103 : vector<256x1xf32>
      %min3A = arith.minimumf %broadcast_in_dim3A_2114, %while3A_2103 : vector<256x1xf32>
      %broadcast_in_dim3A_2116 = vector.broadcast %while3A_2102 : i32 to vector<256x1xi32>
      %select_n3A_2117 = arith.select %lt3A_2115, %broadcast_in_dim3A_2116, %while3A_2104 : vector<256x1xi1>, vector<256x1xi32>
      scf.yield %min3A, %select_n3A_2117 : vector<256x1xf32>, vector<256x1xi32>
    }
    %lt3A_1420 = arith.constant 3.40282347E+38 : f32
    %lt3A_1421 = vector.broadcast %lt3A_1420 : f32 to vector<256x1xf32>
    %lt3A_1422 = arith.cmpf olt, %while3A_1419#0, %lt3A_1421 : vector<256x1xf32>
    %bitcast_convert_type3A_1423 = tpu.bitcast %while3A_1419#0 : vector<256x1xf32> -> vector<256x1xi32>
    %mul3A_1424 = arith.constant 1024 : i32
    %mul3A_1425 = vector.broadcast %mul3A_1424 : i32 to vector<256x1xi32>
    %mul3A_1426 = arith.muli %while3A_1419#1, %mul3A_1425 : vector<256x1xi32>
    %add3A_1427 = vector.broadcast %get3A_1 : i32 to vector<256x1xi32>
    %add3A_1428 = arith.addi %add3A_1427, %mul3A_1426 : vector<256x1xi32>
    %and3A_1429 = arith.constant 1023 : i32
    %and3A_1430 = vector.broadcast %and3A_1429 : i32 to vector<256x1xi32>
    %and3A_1431 = arith.andi %bitcast_convert_type3A_1423, %and3A_1430 : vector<256x1xi32>
    %add3A_1432 = arith.addi %add3A_1428, %and3A_1431 : vector<256x1xi32>
    %and3A_1433 = arith.constant -1024 : i32
    %and3A_1434 = vector.broadcast %and3A_1433 : i32 to vector<256x1xi32>
    %and3A_1435 = arith.andi %bitcast_convert_type3A_1423, %and3A_1434 : vector<256x1xi32>
    %bitcast_convert_type3A_1436 = tpu.bitcast %and3A_1435 : vector<256x1xi32> -> vector<256x1xf32>
    %select_n3A_1437 = arith.select %lt3A_1422, %add3A_1432, %add3A_18 : vector<256x1xi1>, vector<256x1xi32>
    %swap3A_1438 = arith.constant 0 : index
    %swap3A_1439 = arith.constant 21 : index
    %swap3A_1440 = vector.load %arg4[%swap3A_1438, %swap3A_1439] : memref<256x32xi32, #tpu.memory_space<vmem>>, vector<256x1xi32>
    tpu.vector_store %arg4[%swap3A_1438, %swap3A_1439], %select_n3A_1437 {strides = array<i32>} : memref<256x32xi32, #tpu.memory_space<vmem>>, vector<256x1xi32>,
    %jit3A_1441 = arith.constant 0.000000e+00 : f32
    %broadcast_in_dim3A_1442 = vector.broadcast %jit3A_1441 : f32 to vector<256x1xf32>
    %select_n3A_1443 = arith.select %lt3A_1422, %bitcast_convert_type3A_1436, %broadcast_in_dim3A_1442 : vector<256x1xi1>, vector<256x1xf32>
    %swap3A_1444 = arith.constant 0 : index
    %swap3A_1445 = arith.constant 21 : index
    %swap3A_1446 = vector.load %arg5[%swap3A_1444, %swap3A_1445] : memref<256x32xf32, #tpu.memory_space<vmem>>, vector<256x1xf32>
    tpu.vector_store %arg5[%swap3A_1444, %swap3A_1445], %select_n3A_1443 {strides = array<i32>} : memref<256x32xf32, #tpu.memory_space<vmem>>, vector<256x1xf32>,
    %convert_element_type3A_1447 = arith.extui %lt3A_1422 : vector<256x1xi1> to vector<256x1xi32>
    %convert_element_type3A_1448 = arith.sitofp %convert_element_type3A_1447 : vector<256x1xi32> to vector<256x1xf32>
    %swap3A_1449 = arith.constant 0 : index
    %swap3A_1450 = arith.constant 21 : index
    %swap3A_1451 = vector.load %arg6[%swap3A_1449, %swap3A_1450] : memref<256x32xf32, #tpu.memory_space<vmem>>, vector<256x1xf32>
    tpu.vector_store %arg6[%swap3A_1449, %swap3A_1450], %convert_element_type3A_1448 {strides = array<i32>} : memref<256x32xf32, #tpu.memory_space<vmem>>, vector<256x1xf32>,
    %eq3A_1452 = arith.constant 3.40282347E+38 : f32
    %eq3A_1453 = vector.broadcast %eq3A_1452 : f32 to vector<256x1xf32>
    %eq3A_1454 = arith.cmpf oeq, %while3A_1419#0, %eq3A_1453 : vector<256x1xf32>
    %reduce_and3A_1455 = arith.constant 1.000000e+00 : f32
    %reduce_and3A_1456 = arith.constant 0.000000e+00 : f32
    %reduce_and3A_1457 = vector.broadcast %reduce_and3A_1455 : f32 to vector<256x1xf32>
    %reduce_and3A_1458 = vector.broadcast %reduce_and3A_1456 : f32 to vector<256x1xf32>
    %reduce_and3A_1459 = arith.select %eq3A_1454, %reduce_and3A_1457, %reduce_and3A_1458 : vector<256x1xi1>, vector<256x1xf32>
    %reduce_and3A_1460 = vector.shape_cast %reduce_and3A_1459 : vector<256x1xf32> to vector<1x256x1xf32>
    %reduce_and3A_1461 = arith.constant dense<0x7F800000> : vector<1xf32>
    %reduce_and3A_1462 = vector.multi_reduction <minimumf>, %reduce_and3A_1460, %reduce_and3A_1461 [1, 2] : vector<1x256x1xf32> to vector<1xf32>
    %reduce_and3A_1463 = vector.shape_cast %reduce_and3A_1462 : vector<1xf32> to vector<1x1x1xf32>
    %reduce_and3A_1464 = vector.extract %reduce_and3A_1463[0, 0, 0] : f32 from vector<1x1x1xf32>
    %reduce_and3A_1465 = arith.constant 0.000000e+00 : f32
    %reduce_and3A_1466 = arith.cmpf ogt, %reduce_and3A_1464, %reduce_and3A_1465 : f32
    %jit3A_1467 = arith.constant 0 : i32
    %select_n3A_1468 = arith.select %reduce_and3A_1466, %jit3A_1467, %get3A_4 : i32
    %broadcast_in_dim3A_1469 = arith.constant 3.40282347E+38 : f32
    %broadcast_in_dim3A_1470 = vector.broadcast %broadcast_in_dim3A_1469 : f32 to vector<256x1xf32>
    %broadcast_in_dim3A_1471 = arith.constant 0 : i32
    %broadcast_in_dim3A_1472 = vector.broadcast %broadcast_in_dim3A_1471 : i32 to vector<256x1xi32>
    %while3A_1473 = arith.constant 3.40282347E+38 : f32
    %while3A_1474 = arith.constant 0 : i32
    %while3A_1475 = arith.subi %select_n3A_1468, %while3A_1474 : i32
    %while3A_1476 = arith.addi %while3A_1474, %while3A_1475 : i32
    %while3A_1477 = arith.constant 1 : i32
    %while3A_1478 = arith.divsi %while3A_1475, %while3A_1477 : i32
    %while3A_1479 = arith.muli %while3A_1478, %while3A_1477 : i32
    %while3A_1480 = arith.addi %while3A_1474, %while3A_1479 : i32
    %while3A_1481 = arith.constant 1 : i32
    %while3A_1482:2 = scf.for %while3A_2102 = %while3A_1474 to %while3A_1480 step %while3A_1481 iter_args(%while3A_2103 = %broadcast_in_dim3A_1470, %while3A_2104 = %broadcast_in_dim3A_1472) -> (vector<256x1xf32>, vector<256x1xi32>)  : i32 {
      %mul3A_2105 = arith.constant 1024 : i32
      %mul3A_2106 = arith.muli %while3A_2102, %mul3A_2105 : i32
      %multiple_of3A = tpu.assume_multiple %mul3A_2106, 1024 : i32
      %get3A_2107 = arith.constant 0 : index
      %get3A_2108 = arith.index_cast %multiple_of3A : i32 to index
      %get3A_2109 = vector.load %arg7[%get3A_2107, %get3A_2108] : memref<256x10240xf32, #tpu.memory_space<vmem>>, vector<256x1024xf32>
      %gt3A = vector.broadcast %while3A_1419#0 : vector<256x1xf32> to vector<256x1024xf32>
      %gt3A_2110 = arith.cmpf ogt, %get3A_2109, %gt3A : vector<256x1024xf32>
      %broadcast_in_dim3A_2111 = vector.broadcast %while3A_1473 : f32 to vector<256x1024xf32>
      %select_n3A_2112 = arith.select %gt3A_2110, %get3A_2109, %broadcast_in_dim3A_2111 : vector<256x1024xi1>, vector<256x1024xf32>
      %reduce_min3A = arith.constant dense<0x7F800000> : vector<256xf32>
      %reduce_min3A_2113 = vector.multi_reduction <minimumf>, %select_n3A_2112, %reduce_min3A [1] : vector<256x1024xf32> to vector<256xf32>
      %broadcast_in_dim3A_2114 = vector.shape_cast %reduce_min3A_2113 : vector<256xf32> to vector<256x1xf32>
      %lt3A_2115 = arith.cmpf olt, %broadcast_in_dim3A_2114, %while3A_2103 : vector<256x1xf32>
      %min3A = arith.minimumf %broadcast_in_dim3A_2114, %while3A_2103 : vector<256x1xf32>
      %broadcast_in_dim3A_2116 = vector.broadcast %while3A_2102 : i32 to vector<256x1xi32>
      %select_n3A_2117 = arith.select %lt3A_2115, %broadcast_in_dim3A_2116, %while3A_2104 : vector<256x1xi1>, vector<256x1xi32>
      scf.yield %min3A, %select_n3A_2117 : vector<256x1xf32>, vector<256x1xi32>
    }
    %while3A_1483 = arith.constant 1 : i32
    %while3A_1484:2 = scf.for %while3A_2102 = %while3A_1480 to %while3A_1476 step %while3A_1483 iter_args(%while3A_2103 = %while3A_1482#0, %while3A_2104 = %while3A_1482#1) -> (vector<256x1xf32>, vector<256x1xi32>)  : i32 {
      %mul3A_2105 = arith.constant 1024 : i32
      %mul3A_2106 = arith.muli %while3A_2102, %mul3A_2105 : i32
      %multiple_of3A = tpu.assume_multiple %mul3A_2106, 1024 : i32
      %get3A_2107 = arith.constant 0 : index
      %get3A_2108 = arith.index_cast %multiple_of3A : i32 to index
      %get3A_2109 = vector.load %arg7[%get3A_2107, %get3A_2108] : memref<256x10240xf32, #tpu.memory_space<vmem>>, vector<256x1024xf32>
      %gt3A = vector.broadcast %while3A_1419#0 : vector<256x1xf32> to vector<256x1024xf32>
      %gt3A_2110 = arith.cmpf ogt, %get3A_2109, %gt3A : vector<256x1024xf32>
      %broadcast_in_dim3A_2111 = vector.broadcast %while3A_1473 : f32 to vector<256x1024xf32>
      %select_n3A_2112 = arith.select %gt3A_2110, %get3A_2109, %broadcast_in_dim3A_2111 : vector<256x1024xi1>, vector<256x1024xf32>
      %reduce_min3A = arith.constant dense<0x7F800000> : vector<256xf32>
      %reduce_min3A_2113 = vector.multi_reduction <minimumf>, %select_n3A_2112, %reduce_min3A [1] : vector<256x1024xf32> to vector<256xf32>
      %broadcast_in_dim3A_2114 = vector.shape_cast %reduce_min3A_2113 : vector<256xf32> to vector<256x1xf32>
      %lt3A_2115 = arith.cmpf olt, %broadcast_in_dim3A_2114, %while3A_2103 : vector<256x1xf32>
      %min3A = arith.minimumf %broadcast_in_dim3A_2114, %while3A_2103 : vector<256x1xf32>
      %broadcast_in_dim3A_2116 = vector.broadcast %while3A_2102 : i32 to vector<256x1xi32>
      %select_n3A_2117 = arith.select %lt3A_2115, %broadcast_in_dim3A_2116, %while3A_2104 : vector<256x1xi1>, vector<256x1xi32>
      scf.yield %min3A, %select_n3A_2117 : vector<256x1xf32>, vector<256x1xi32>
    }
    %lt3A_1485 = arith.constant 3.40282347E+38 : f32
    %lt3A_1486 = vector.broadcast %lt3A_1485 : f32 to vector<256x1xf32>
    %lt3A_1487 = arith.cmpf olt, %while3A_1484#0, %lt3A_1486 : vector<256x1xf32>
    %bitcast_convert_type3A_1488 = tpu.bitcast %while3A_1484#0 : vector<256x1xf32> -> vector<256x1xi32>
    %mul3A_1489 = arith.constant 1024 : i32
    %mul3A_1490 = vector.broadcast %mul3A_1489 : i32 to vector<256x1xi32>
    %mul3A_1491 = arith.muli %while3A_1484#1, %mul3A_1490 : vector<256x1xi32>
    %add3A_1492 = vector.broadcast %get3A_1 : i32 to vector<256x1xi32>
    %add3A_1493 = arith.addi %add3A_1492, %mul3A_1491 : vector<256x1xi32>
    %and3A_1494 = arith.constant 1023 : i32
    %and3A_1495 = vector.broadcast %and3A_1494 : i32 to vector<256x1xi32>
    %and3A_1496 = arith.andi %bitcast_convert_type3A_1488, %and3A_1495 : vector<256x1xi32>
    %add3A_1497 = arith.addi %add3A_1493, %and3A_1496 : vector<256x1xi32>
    %and3A_1498 = arith.constant -1024 : i32
    %and3A_1499 = vector.broadcast %and3A_1498 : i32 to vector<256x1xi32>
    %and3A_1500 = arith.andi %bitcast_convert_type3A_1488, %and3A_1499 : vector<256x1xi32>
    %bitcast_convert_type3A_1501 = tpu.bitcast %and3A_1500 : vector<256x1xi32> -> vector<256x1xf32>
    %select_n3A_1502 = arith.select %lt3A_1487, %add3A_1497, %add3A_18 : vector<256x1xi1>, vector<256x1xi32>
    %swap3A_1503 = arith.constant 0 : index
    %swap3A_1504 = arith.constant 22 : index
    %swap3A_1505 = vector.load %arg4[%swap3A_1503, %swap3A_1504] : memref<256x32xi32, #tpu.memory_space<vmem>>, vector<256x1xi32>
    tpu.vector_store %arg4[%swap3A_1503, %swap3A_1504], %select_n3A_1502 {strides = array<i32>} : memref<256x32xi32, #tpu.memory_space<vmem>>, vector<256x1xi32>,
    %jit3A_1506 = arith.constant 0.000000e+00 : f32
    %broadcast_in_dim3A_1507 = vector.broadcast %jit3A_1506 : f32 to vector<256x1xf32>
    %select_n3A_1508 = arith.select %lt3A_1487, %bitcast_convert_type3A_1501, %broadcast_in_dim3A_1507 : vector<256x1xi1>, vector<256x1xf32>
    %swap3A_1509 = arith.constant 0 : index
    %swap3A_1510 = arith.constant 22 : index
    %swap3A_1511 = vector.load %arg5[%swap3A_1509, %swap3A_1510] : memref<256x32xf32, #tpu.memory_space<vmem>>, vector<256x1xf32>
    tpu.vector_store %arg5[%swap3A_1509, %swap3A_1510], %select_n3A_1508 {strides = array<i32>} : memref<256x32xf32, #tpu.memory_space<vmem>>, vector<256x1xf32>,
    %convert_element_type3A_1512 = arith.extui %lt3A_1487 : vector<256x1xi1> to vector<256x1xi32>
    %convert_element_type3A_1513 = arith.sitofp %convert_element_type3A_1512 : vector<256x1xi32> to vector<256x1xf32>
    %swap3A_1514 = arith.constant 0 : index
    %swap3A_1515 = arith.constant 22 : index
    %swap3A_1516 = vector.load %arg6[%swap3A_1514, %swap3A_1515] : memref<256x32xf32, #tpu.memory_space<vmem>>, vector<256x1xf32>
    tpu.vector_store %arg6[%swap3A_1514, %swap3A_1515], %convert_element_type3A_1513 {strides = array<i32>} : memref<256x32xf32, #tpu.memory_space<vmem>>, vector<256x1xf32>,
    %eq3A_1517 = arith.constant 3.40282347E+38 : f32
    %eq3A_1518 = vector.broadcast %eq3A_1517 : f32 to vector<256x1xf32>
    %eq3A_1519 = arith.cmpf oeq, %while3A_1484#0, %eq3A_1518 : vector<256x1xf32>
    %reduce_and3A_1520 = arith.constant 1.000000e+00 : f32
    %reduce_and3A_1521 = arith.constant 0.000000e+00 : f32
    %reduce_and3A_1522 = vector.broadcast %reduce_and3A_1520 : f32 to vector<256x1xf32>
    %reduce_and3A_1523 = vector.broadcast %reduce_and3A_1521 : f32 to vector<256x1xf32>
    %reduce_and3A_1524 = arith.select %eq3A_1519, %reduce_and3A_1522, %reduce_and3A_1523 : vector<256x1xi1>, vector<256x1xf32>
    %reduce_and3A_1525 = vector.shape_cast %reduce_and3A_1524 : vector<256x1xf32> to vector<1x256x1xf32>
    %reduce_and3A_1526 = arith.constant dense<0x7F800000> : vector<1xf32>
    %reduce_and3A_1527 = vector.multi_reduction <minimumf>, %reduce_and3A_1525, %reduce_and3A_1526 [1, 2] : vector<1x256x1xf32> to vector<1xf32>
    %reduce_and3A_1528 = vector.shape_cast %reduce_and3A_1527 : vector<1xf32> to vector<1x1x1xf32>
    %reduce_and3A_1529 = vector.extract %reduce_and3A_1528[0, 0, 0] : f32 from vector<1x1x1xf32>
    %reduce_and3A_1530 = arith.constant 0.000000e+00 : f32
    %reduce_and3A_1531 = arith.cmpf ogt, %reduce_and3A_1529, %reduce_and3A_1530 : f32
    %jit3A_1532 = arith.constant 0 : i32
    %select_n3A_1533 = arith.select %reduce_and3A_1531, %jit3A_1532, %get3A_4 : i32
    %broadcast_in_dim3A_1534 = arith.constant 3.40282347E+38 : f32
    %broadcast_in_dim3A_1535 = vector.broadcast %broadcast_in_dim3A_1534 : f32 to vector<256x1xf32>
    %broadcast_in_dim3A_1536 = arith.constant 0 : i32
    %broadcast_in_dim3A_1537 = vector.broadcast %broadcast_in_dim3A_1536 : i32 to vector<256x1xi32>
    %while3A_1538 = arith.constant 3.40282347E+38 : f32
    %while3A_1539 = arith.constant 0 : i32
    %while3A_1540 = arith.subi %select_n3A_1533, %while3A_1539 : i32
    %while3A_1541 = arith.addi %while3A_1539, %while3A_1540 : i32
    %while3A_1542 = arith.constant 1 : i32
    %while3A_1543 = arith.divsi %while3A_1540, %while3A_1542 : i32
    %while3A_1544 = arith.muli %while3A_1543, %while3A_1542 : i32
    %while3A_1545 = arith.addi %while3A_1539, %while3A_1544 : i32
    %while3A_1546 = arith.constant 1 : i32
    %while3A_1547:2 = scf.for %while3A_2102 = %while3A_1539 to %while3A_1545 step %while3A_1546 iter_args(%while3A_2103 = %broadcast_in_dim3A_1535, %while3A_2104 = %broadcast_in_dim3A_1537) -> (vector<256x1xf32>, vector<256x1xi32>)  : i32 {
      %mul3A_2105 = arith.constant 1024 : i32
      %mul3A_2106 = arith.muli %while3A_2102, %mul3A_2105 : i32
      %multiple_of3A = tpu.assume_multiple %mul3A_2106, 1024 : i32
      %get3A_2107 = arith.constant 0 : index
      %get3A_2108 = arith.index_cast %multiple_of3A : i32 to index
      %get3A_2109 = vector.load %arg7[%get3A_2107, %get3A_2108] : memref<256x10240xf32, #tpu.memory_space<vmem>>, vector<256x1024xf32>
      %gt3A = vector.broadcast %while3A_1484#0 : vector<256x1xf32> to vector<256x1024xf32>
      %gt3A_2110 = arith.cmpf ogt, %get3A_2109, %gt3A : vector<256x1024xf32>
      %broadcast_in_dim3A_2111 = vector.broadcast %while3A_1538 : f32 to vector<256x1024xf32>
      %select_n3A_2112 = arith.select %gt3A_2110, %get3A_2109, %broadcast_in_dim3A_2111 : vector<256x1024xi1>, vector<256x1024xf32>
      %reduce_min3A = arith.constant dense<0x7F800000> : vector<256xf32>
      %reduce_min3A_2113 = vector.multi_reduction <minimumf>, %select_n3A_2112, %reduce_min3A [1] : vector<256x1024xf32> to vector<256xf32>
      %broadcast_in_dim3A_2114 = vector.shape_cast %reduce_min3A_2113 : vector<256xf32> to vector<256x1xf32>
      %lt3A_2115 = arith.cmpf olt, %broadcast_in_dim3A_2114, %while3A_2103 : vector<256x1xf32>
      %min3A = arith.minimumf %broadcast_in_dim3A_2114, %while3A_2103 : vector<256x1xf32>
      %broadcast_in_dim3A_2116 = vector.broadcast %while3A_2102 : i32 to vector<256x1xi32>
      %select_n3A_2117 = arith.select %lt3A_2115, %broadcast_in_dim3A_2116, %while3A_2104 : vector<256x1xi1>, vector<256x1xi32>
      scf.yield %min3A, %select_n3A_2117 : vector<256x1xf32>, vector<256x1xi32>
    }
    %while3A_1548 = arith.constant 1 : i32
    %while3A_1549:2 = scf.for %while3A_2102 = %while3A_1545 to %while3A_1541 step %while3A_1548 iter_args(%while3A_2103 = %while3A_1547#0, %while3A_2104 = %while3A_1547#1) -> (vector<256x1xf32>, vector<256x1xi32>)  : i32 {
      %mul3A_2105 = arith.constant 1024 : i32
      %mul3A_2106 = arith.muli %while3A_2102, %mul3A_2105 : i32
      %multiple_of3A = tpu.assume_multiple %mul3A_2106, 1024 : i32
      %get3A_2107 = arith.constant 0 : index
      %get3A_2108 = arith.index_cast %multiple_of3A : i32 to index
      %get3A_2109 = vector.load %arg7[%get3A_2107, %get3A_2108] : memref<256x10240xf32, #tpu.memory_space<vmem>>, vector<256x1024xf32>
      %gt3A = vector.broadcast %while3A_1484#0 : vector<256x1xf32> to vector<256x1024xf32>
      %gt3A_2110 = arith.cmpf ogt, %get3A_2109, %gt3A : vector<256x1024xf32>
      %broadcast_in_dim3A_2111 = vector.broadcast %while3A_1538 : f32 to vector<256x1024xf32>
      %select_n3A_2112 = arith.select %gt3A_2110, %get3A_2109, %broadcast_in_dim3A_2111 : vector<256x1024xi1>, vector<256x1024xf32>
      %reduce_min3A = arith.constant dense<0x7F800000> : vector<256xf32>
      %reduce_min3A_2113 = vector.multi_reduction <minimumf>, %select_n3A_2112, %reduce_min3A [1] : vector<256x1024xf32> to vector<256xf32>
      %broadcast_in_dim3A_2114 = vector.shape_cast %reduce_min3A_2113 : vector<256xf32> to vector<256x1xf32>
      %lt3A_2115 = arith.cmpf olt, %broadcast_in_dim3A_2114, %while3A_2103 : vector<256x1xf32>
      %min3A = arith.minimumf %broadcast_in_dim3A_2114, %while3A_2103 : vector<256x1xf32>
      %broadcast_in_dim3A_2116 = vector.broadcast %while3A_2102 : i32 to vector<256x1xi32>
      %select_n3A_2117 = arith.select %lt3A_2115, %broadcast_in_dim3A_2116, %while3A_2104 : vector<256x1xi1>, vector<256x1xi32>
      scf.yield %min3A, %select_n3A_2117 : vector<256x1xf32>, vector<256x1xi32>
    }
    %lt3A_1550 = arith.constant 3.40282347E+38 : f32
    %lt3A_1551 = vector.broadcast %lt3A_1550 : f32 to vector<256x1xf32>
    %lt3A_1552 = arith.cmpf olt, %while3A_1549#0, %lt3A_1551 : vector<256x1xf32>
    %bitcast_convert_type3A_1553 = tpu.bitcast %while3A_1549#0 : vector<256x1xf32> -> vector<256x1xi32>
    %mul3A_1554 = arith.constant 1024 : i32
    %mul3A_1555 = vector.broadcast %mul3A_1554 : i32 to vector<256x1xi32>
    %mul3A_1556 = arith.muli %while3A_1549#1, %mul3A_1555 : vector<256x1xi32>
    %add3A_1557 = vector.broadcast %get3A_1 : i32 to vector<256x1xi32>
    %add3A_1558 = arith.addi %add3A_1557, %mul3A_1556 : vector<256x1xi32>
    %and3A_1559 = arith.constant 1023 : i32
    %and3A_1560 = vector.broadcast %and3A_1559 : i32 to vector<256x1xi32>
    %and3A_1561 = arith.andi %bitcast_convert_type3A_1553, %and3A_1560 : vector<256x1xi32>
    %add3A_1562 = arith.addi %add3A_1558, %and3A_1561 : vector<256x1xi32>
    %and3A_1563 = arith.constant -1024 : i32
    %and3A_1564 = vector.broadcast %and3A_1563 : i32 to vector<256x1xi32>
    %and3A_1565 = arith.andi %bitcast_convert_type3A_1553, %and3A_1564 : vector<256x1xi32>
    %bitcast_convert_type3A_1566 = tpu.bitcast %and3A_1565 : vector<256x1xi32> -> vector<256x1xf32>
    %select_n3A_1567 = arith.select %lt3A_1552, %add3A_1562, %add3A_18 : vector<256x1xi1>, vector<256x1xi32>
    %swap3A_1568 = arith.constant 0 : index
    %swap3A_1569 = arith.constant 23 : index
    %swap3A_1570 = vector.load %arg4[%swap3A_1568, %swap3A_1569] : memref<256x32xi32, #tpu.memory_space<vmem>>, vector<256x1xi32>
    tpu.vector_store %arg4[%swap3A_1568, %swap3A_1569], %select_n3A_1567 {strides = array<i32>} : memref<256x32xi32, #tpu.memory_space<vmem>>, vector<256x1xi32>,
    %jit3A_1571 = arith.constant 0.000000e+00 : f32
    %broadcast_in_dim3A_1572 = vector.broadcast %jit3A_1571 : f32 to vector<256x1xf32>
    %select_n3A_1573 = arith.select %lt3A_1552, %bitcast_convert_type3A_1566, %broadcast_in_dim3A_1572 : vector<256x1xi1>, vector<256x1xf32>
    %swap3A_1574 = arith.constant 0 : index
    %swap3A_1575 = arith.constant 23 : index
    %swap3A_1576 = vector.load %arg5[%swap3A_1574, %swap3A_1575] : memref<256x32xf32, #tpu.memory_space<vmem>>, vector<256x1xf32>
    tpu.vector_store %arg5[%swap3A_1574, %swap3A_1575], %select_n3A_1573 {strides = array<i32>} : memref<256x32xf32, #tpu.memory_space<vmem>>, vector<256x1xf32>,
    %convert_element_type3A_1577 = arith.extui %lt3A_1552 : vector<256x1xi1> to vector<256x1xi32>
    %convert_element_type3A_1578 = arith.sitofp %convert_element_type3A_1577 : vector<256x1xi32> to vector<256x1xf32>
    %swap3A_1579 = arith.constant 0 : index
    %swap3A_1580 = arith.constant 23 : index
    %swap3A_1581 = vector.load %arg6[%swap3A_1579, %swap3A_1580] : memref<256x32xf32, #tpu.memory_space<vmem>>, vector<256x1xf32>
    tpu.vector_store %arg6[%swap3A_1579, %swap3A_1580], %convert_element_type3A_1578 {strides = array<i32>} : memref<256x32xf32, #tpu.memory_space<vmem>>, vector<256x1xf32>,
    %eq3A_1582 = arith.constant 3.40282347E+38 : f32
    %eq3A_1583 = vector.broadcast %eq3A_1582 : f32 to vector<256x1xf32>
    %eq3A_1584 = arith.cmpf oeq, %while3A_1549#0, %eq3A_1583 : vector<256x1xf32>
    %reduce_and3A_1585 = arith.constant 1.000000e+00 : f32
    %reduce_and3A_1586 = arith.constant 0.000000e+00 : f32
    %reduce_and3A_1587 = vector.broadcast %reduce_and3A_1585 : f32 to vector<256x1xf32>
    %reduce_and3A_1588 = vector.broadcast %reduce_and3A_1586 : f32 to vector<256x1xf32>
    %reduce_and3A_1589 = arith.select %eq3A_1584, %reduce_and3A_1587, %reduce_and3A_1588 : vector<256x1xi1>, vector<256x1xf32>
    %reduce_and3A_1590 = vector.shape_cast %reduce_and3A_1589 : vector<256x1xf32> to vector<1x256x1xf32>
    %reduce_and3A_1591 = arith.constant dense<0x7F800000> : vector<1xf32>
    %reduce_and3A_1592 = vector.multi_reduction <minimumf>, %reduce_and3A_1590, %reduce_and3A_1591 [1, 2] : vector<1x256x1xf32> to vector<1xf32>
    %reduce_and3A_1593 = vector.shape_cast %reduce_and3A_1592 : vector<1xf32> to vector<1x1x1xf32>
    %reduce_and3A_1594 = vector.extract %reduce_and3A_1593[0, 0, 0] : f32 from vector<1x1x1xf32>
    %reduce_and3A_1595 = arith.constant 0.000000e+00 : f32
    %reduce_and3A_1596 = arith.cmpf ogt, %reduce_and3A_1594, %reduce_and3A_1595 : f32
    %jit3A_1597 = arith.constant 0 : i32
    %select_n3A_1598 = arith.select %reduce_and3A_1596, %jit3A_1597, %get3A_4 : i32
    %broadcast_in_dim3A_1599 = arith.constant 3.40282347E+38 : f32
    %broadcast_in_dim3A_1600 = vector.broadcast %broadcast_in_dim3A_1599 : f32 to vector<256x1xf32>
    %broadcast_in_dim3A_1601 = arith.constant 0 : i32
    %broadcast_in_dim3A_1602 = vector.broadcast %broadcast_in_dim3A_1601 : i32 to vector<256x1xi32>
    %while3A_1603 = arith.constant 3.40282347E+38 : f32
    %while3A_1604 = arith.constant 0 : i32
    %while3A_1605 = arith.subi %select_n3A_1598, %while3A_1604 : i32
    %while3A_1606 = arith.addi %while3A_1604, %while3A_1605 : i32
    %while3A_1607 = arith.constant 1 : i32
    %while3A_1608 = arith.divsi %while3A_1605, %while3A_1607 : i32
    %while3A_1609 = arith.muli %while3A_1608, %while3A_1607 : i32
    %while3A_1610 = arith.addi %while3A_1604, %while3A_1609 : i32
    %while3A_1611 = arith.constant 1 : i32
    %while3A_1612:2 = scf.for %while3A_2102 = %while3A_1604 to %while3A_1610 step %while3A_1611 iter_args(%while3A_2103 = %broadcast_in_dim3A_1600, %while3A_2104 = %broadcast_in_dim3A_1602) -> (vector<256x1xf32>, vector<256x1xi32>)  : i32 {
      %mul3A_2105 = arith.constant 1024 : i32
      %mul3A_2106 = arith.muli %while3A_2102, %mul3A_2105 : i32
      %multiple_of3A = tpu.assume_multiple %mul3A_2106, 1024 : i32
      %get3A_2107 = arith.constant 0 : index
      %get3A_2108 = arith.index_cast %multiple_of3A : i32 to index
      %get3A_2109 = vector.load %arg7[%get3A_2107, %get3A_2108] : memref<256x10240xf32, #tpu.memory_space<vmem>>, vector<256x1024xf32>
      %gt3A = vector.broadcast %while3A_1549#0 : vector<256x1xf32> to vector<256x1024xf32>
      %gt3A_2110 = arith.cmpf ogt, %get3A_2109, %gt3A : vector<256x1024xf32>
      %broadcast_in_dim3A_2111 = vector.broadcast %while3A_1603 : f32 to vector<256x1024xf32>
      %select_n3A_2112 = arith.select %gt3A_2110, %get3A_2109, %broadcast_in_dim3A_2111 : vector<256x1024xi1>, vector<256x1024xf32>
      %reduce_min3A = arith.constant dense<0x7F800000> : vector<256xf32>
      %reduce_min3A_2113 = vector.multi_reduction <minimumf>, %select_n3A_2112, %reduce_min3A [1] : vector<256x1024xf32> to vector<256xf32>
      %broadcast_in_dim3A_2114 = vector.shape_cast %reduce_min3A_2113 : vector<256xf32> to vector<256x1xf32>
      %lt3A_2115 = arith.cmpf olt, %broadcast_in_dim3A_2114, %while3A_2103 : vector<256x1xf32>
      %min3A = arith.minimumf %broadcast_in_dim3A_2114, %while3A_2103 : vector<256x1xf32>
      %broadcast_in_dim3A_2116 = vector.broadcast %while3A_2102 : i32 to vector<256x1xi32>
      %select_n3A_2117 = arith.select %lt3A_2115, %broadcast_in_dim3A_2116, %while3A_2104 : vector<256x1xi1>, vector<256x1xi32>
      scf.yield %min3A, %select_n3A_2117 : vector<256x1xf32>, vector<256x1xi32>
    }
    %while3A_1613 = arith.constant 1 : i32
    %while3A_1614:2 = scf.for %while3A_2102 = %while3A_1610 to %while3A_1606 step %while3A_1613 iter_args(%while3A_2103 = %while3A_1612#0, %while3A_2104 = %while3A_1612#1) -> (vector<256x1xf32>, vector<256x1xi32>)  : i32 {
      %mul3A_2105 = arith.constant 1024 : i32
      %mul3A_2106 = arith.muli %while3A_2102, %mul3A_2105 : i32
      %multiple_of3A = tpu.assume_multiple %mul3A_2106, 1024 : i32
      %get3A_2107 = arith.constant 0 : index
      %get3A_2108 = arith.index_cast %multiple_of3A : i32 to index
      %get3A_2109 = vector.load %arg7[%get3A_2107, %get3A_2108] : memref<256x10240xf32, #tpu.memory_space<vmem>>, vector<256x1024xf32>
      %gt3A = vector.broadcast %while3A_1549#0 : vector<256x1xf32> to vector<256x1024xf32>
      %gt3A_2110 = arith.cmpf ogt, %get3A_2109, %gt3A : vector<256x1024xf32>
      %broadcast_in_dim3A_2111 = vector.broadcast %while3A_1603 : f32 to vector<256x1024xf32>
      %select_n3A_2112 = arith.select %gt3A_2110, %get3A_2109, %broadcast_in_dim3A_2111 : vector<256x1024xi1>, vector<256x1024xf32>
      %reduce_min3A = arith.constant dense<0x7F800000> : vector<256xf32>
      %reduce_min3A_2113 = vector.multi_reduction <minimumf>, %select_n3A_2112, %reduce_min3A [1] : vector<256x1024xf32> to vector<256xf32>
      %broadcast_in_dim3A_2114 = vector.shape_cast %reduce_min3A_2113 : vector<256xf32> to vector<256x1xf32>
      %lt3A_2115 = arith.cmpf olt, %broadcast_in_dim3A_2114, %while3A_2103 : vector<256x1xf32>
      %min3A = arith.minimumf %broadcast_in_dim3A_2114, %while3A_2103 : vector<256x1xf32>
      %broadcast_in_dim3A_2116 = vector.broadcast %while3A_2102 : i32 to vector<256x1xi32>
      %select_n3A_2117 = arith.select %lt3A_2115, %broadcast_in_dim3A_2116, %while3A_2104 : vector<256x1xi1>, vector<256x1xi32>
      scf.yield %min3A, %select_n3A_2117 : vector<256x1xf32>, vector<256x1xi32>
    }
    %lt3A_1615 = arith.constant 3.40282347E+38 : f32
    %lt3A_1616 = vector.broadcast %lt3A_1615 : f32 to vector<256x1xf32>
    %lt3A_1617 = arith.cmpf olt, %while3A_1614#0, %lt3A_1616 : vector<256x1xf32>
    %bitcast_convert_type3A_1618 = tpu.bitcast %while3A_1614#0 : vector<256x1xf32> -> vector<256x1xi32>
    %mul3A_1619 = arith.constant 1024 : i32
    %mul3A_1620 = vector.broadcast %mul3A_1619 : i32 to vector<256x1xi32>
    %mul3A_1621 = arith.muli %while3A_1614#1, %mul3A_1620 : vector<256x1xi32>
    %add3A_1622 = vector.broadcast %get3A_1 : i32 to vector<256x1xi32>
    %add3A_1623 = arith.addi %add3A_1622, %mul3A_1621 : vector<256x1xi32>
    %and3A_1624 = arith.constant 1023 : i32
    %and3A_1625 = vector.broadcast %and3A_1624 : i32 to vector<256x1xi32>
    %and3A_1626 = arith.andi %bitcast_convert_type3A_1618, %and3A_1625 : vector<256x1xi32>
    %add3A_1627 = arith.addi %add3A_1623, %and3A_1626 : vector<256x1xi32>
    %and3A_1628 = arith.constant -1024 : i32
    %and3A_1629 = vector.broadcast %and3A_1628 : i32 to vector<256x1xi32>
    %and3A_1630 = arith.andi %bitcast_convert_type3A_1618, %and3A_1629 : vector<256x1xi32>
    %bitcast_convert_type3A_1631 = tpu.bitcast %and3A_1630 : vector<256x1xi32> -> vector<256x1xf32>
    %select_n3A_1632 = arith.select %lt3A_1617, %add3A_1627, %add3A_18 : vector<256x1xi1>, vector<256x1xi32>
    %swap3A_1633 = arith.constant 0 : index
    %swap3A_1634 = arith.constant 24 : index
    %swap3A_1635 = vector.load %arg4[%swap3A_1633, %swap3A_1634] : memref<256x32xi32, #tpu.memory_space<vmem>>, vector<256x1xi32>
    tpu.vector_store %arg4[%swap3A_1633, %swap3A_1634], %select_n3A_1632 {strides = array<i32>} : memref<256x32xi32, #tpu.memory_space<vmem>>, vector<256x1xi32>,
    %jit3A_1636 = arith.constant 0.000000e+00 : f32
    %broadcast_in_dim3A_1637 = vector.broadcast %jit3A_1636 : f32 to vector<256x1xf32>
    %select_n3A_1638 = arith.select %lt3A_1617, %bitcast_convert_type3A_1631, %broadcast_in_dim3A_1637 : vector<256x1xi1>, vector<256x1xf32>
    %swap3A_1639 = arith.constant 0 : index
    %swap3A_1640 = arith.constant 24 : index
    %swap3A_1641 = vector.load %arg5[%swap3A_1639, %swap3A_1640] : memref<256x32xf32, #tpu.memory_space<vmem>>, vector<256x1xf32>
    tpu.vector_store %arg5[%swap3A_1639, %swap3A_1640], %select_n3A_1638 {strides = array<i32>} : memref<256x32xf32, #tpu.memory_space<vmem>>, vector<256x1xf32>,
    %convert_element_type3A_1642 = arith.extui %lt3A_1617 : vector<256x1xi1> to vector<256x1xi32>
    %convert_element_type3A_1643 = arith.sitofp %convert_element_type3A_1642 : vector<256x1xi32> to vector<256x1xf32>
    %swap3A_1644 = arith.constant 0 : index
    %swap3A_1645 = arith.constant 24 : index
    %swap3A_1646 = vector.load %arg6[%swap3A_1644, %swap3A_1645] : memref<256x32xf32, #tpu.memory_space<vmem>>, vector<256x1xf32>
    tpu.vector_store %arg6[%swap3A_1644, %swap3A_1645], %convert_element_type3A_1643 {strides = array<i32>} : memref<256x32xf32, #tpu.memory_space<vmem>>, vector<256x1xf32>,
    %eq3A_1647 = arith.constant 3.40282347E+38 : f32
    %eq3A_1648 = vector.broadcast %eq3A_1647 : f32 to vector<256x1xf32>
    %eq3A_1649 = arith.cmpf oeq, %while3A_1614#0, %eq3A_1648 : vector<256x1xf32>
    %reduce_and3A_1650 = arith.constant 1.000000e+00 : f32
    %reduce_and3A_1651 = arith.constant 0.000000e+00 : f32
    %reduce_and3A_1652 = vector.broadcast %reduce_and3A_1650 : f32 to vector<256x1xf32>
    %reduce_and3A_1653 = vector.broadcast %reduce_and3A_1651 : f32 to vector<256x1xf32>
    %reduce_and3A_1654 = arith.select %eq3A_1649, %reduce_and3A_1652, %reduce_and3A_1653 : vector<256x1xi1>, vector<256x1xf32>
    %reduce_and3A_1655 = vector.shape_cast %reduce_and3A_1654 : vector<256x1xf32> to vector<1x256x1xf32>
    %reduce_and3A_1656 = arith.constant dense<0x7F800000> : vector<1xf32>
    %reduce_and3A_1657 = vector.multi_reduction <minimumf>, %reduce_and3A_1655, %reduce_and3A_1656 [1, 2] : vector<1x256x1xf32> to vector<1xf32>
    %reduce_and3A_1658 = vector.shape_cast %reduce_and3A_1657 : vector<1xf32> to vector<1x1x1xf32>
    %reduce_and3A_1659 = vector.extract %reduce_and3A_1658[0, 0, 0] : f32 from vector<1x1x1xf32>
    %reduce_and3A_1660 = arith.constant 0.000000e+00 : f32
    %reduce_and3A_1661 = arith.cmpf ogt, %reduce_and3A_1659, %reduce_and3A_1660 : f32
    %jit3A_1662 = arith.constant 0 : i32
    %select_n3A_1663 = arith.select %reduce_and3A_1661, %jit3A_1662, %get3A_4 : i32
    %broadcast_in_dim3A_1664 = arith.constant 3.40282347E+38 : f32
    %broadcast_in_dim3A_1665 = vector.broadcast %broadcast_in_dim3A_1664 : f32 to vector<256x1xf32>
    %broadcast_in_dim3A_1666 = arith.constant 0 : i32
    %broadcast_in_dim3A_1667 = vector.broadcast %broadcast_in_dim3A_1666 : i32 to vector<256x1xi32>
    %while3A_1668 = arith.constant 3.40282347E+38 : f32
    %while3A_1669 = arith.constant 0 : i32
    %while3A_1670 = arith.subi %select_n3A_1663, %while3A_1669 : i32
    %while3A_1671 = arith.addi %while3A_1669, %while3A_1670 : i32
    %while3A_1672 = arith.constant 1 : i32
    %while3A_1673 = arith.divsi %while3A_1670, %while3A_1672 : i32
    %while3A_1674 = arith.muli %while3A_1673, %while3A_1672 : i32
    %while3A_1675 = arith.addi %while3A_1669, %while3A_1674 : i32
    %while3A_1676 = arith.constant 1 : i32
    %while3A_1677:2 = scf.for %while3A_2102 = %while3A_1669 to %while3A_1675 step %while3A_1676 iter_args(%while3A_2103 = %broadcast_in_dim3A_1665, %while3A_2104 = %broadcast_in_dim3A_1667) -> (vector<256x1xf32>, vector<256x1xi32>)  : i32 {
      %mul3A_2105 = arith.constant 1024 : i32
      %mul3A_2106 = arith.muli %while3A_2102, %mul3A_2105 : i32
      %multiple_of3A = tpu.assume_multiple %mul3A_2106, 1024 : i32
      %get3A_2107 = arith.constant 0 : index
      %get3A_2108 = arith.index_cast %multiple_of3A : i32 to index
      %get3A_2109 = vector.load %arg7[%get3A_2107, %get3A_2108] : memref<256x10240xf32, #tpu.memory_space<vmem>>, vector<256x1024xf32>
      %gt3A = vector.broadcast %while3A_1614#0 : vector<256x1xf32> to vector<256x1024xf32>
      %gt3A_2110 = arith.cmpf ogt, %get3A_2109, %gt3A : vector<256x1024xf32>
      %broadcast_in_dim3A_2111 = vector.broadcast %while3A_1668 : f32 to vector<256x1024xf32>
      %select_n3A_2112 = arith.select %gt3A_2110, %get3A_2109, %broadcast_in_dim3A_2111 : vector<256x1024xi1>, vector<256x1024xf32>
      %reduce_min3A = arith.constant dense<0x7F800000> : vector<256xf32>
      %reduce_min3A_2113 = vector.multi_reduction <minimumf>, %select_n3A_2112, %reduce_min3A [1] : vector<256x1024xf32> to vector<256xf32>
      %broadcast_in_dim3A_2114 = vector.shape_cast %reduce_min3A_2113 : vector<256xf32> to vector<256x1xf32>
      %lt3A_2115 = arith.cmpf olt, %broadcast_in_dim3A_2114, %while3A_2103 : vector<256x1xf32>
      %min3A = arith.minimumf %broadcast_in_dim3A_2114, %while3A_2103 : vector<256x1xf32>
      %broadcast_in_dim3A_2116 = vector.broadcast %while3A_2102 : i32 to vector<256x1xi32>
      %select_n3A_2117 = arith.select %lt3A_2115, %broadcast_in_dim3A_2116, %while3A_2104 : vector<256x1xi1>, vector<256x1xi32>
      scf.yield %min3A, %select_n3A_2117 : vector<256x1xf32>, vector<256x1xi32>
    }
    %while3A_1678 = arith.constant 1 : i32
    %while3A_1679:2 = scf.for %while3A_2102 = %while3A_1675 to %while3A_1671 step %while3A_1678 iter_args(%while3A_2103 = %while3A_1677#0, %while3A_2104 = %while3A_1677#1) -> (vector<256x1xf32>, vector<256x1xi32>)  : i32 {
      %mul3A_2105 = arith.constant 1024 : i32
      %mul3A_2106 = arith.muli %while3A_2102, %mul3A_2105 : i32
      %multiple_of3A = tpu.assume_multiple %mul3A_2106, 1024 : i32
      %get3A_2107 = arith.constant 0 : index
      %get3A_2108 = arith.index_cast %multiple_of3A : i32 to index
      %get3A_2109 = vector.load %arg7[%get3A_2107, %get3A_2108] : memref<256x10240xf32, #tpu.memory_space<vmem>>, vector<256x1024xf32>
      %gt3A = vector.broadcast %while3A_1614#0 : vector<256x1xf32> to vector<256x1024xf32>
      %gt3A_2110 = arith.cmpf ogt, %get3A_2109, %gt3A : vector<256x1024xf32>
      %broadcast_in_dim3A_2111 = vector.broadcast %while3A_1668 : f32 to vector<256x1024xf32>
      %select_n3A_2112 = arith.select %gt3A_2110, %get3A_2109, %broadcast_in_dim3A_2111 : vector<256x1024xi1>, vector<256x1024xf32>
      %reduce_min3A = arith.constant dense<0x7F800000> : vector<256xf32>
      %reduce_min3A_2113 = vector.multi_reduction <minimumf>, %select_n3A_2112, %reduce_min3A [1] : vector<256x1024xf32> to vector<256xf32>
      %broadcast_in_dim3A_2114 = vector.shape_cast %reduce_min3A_2113 : vector<256xf32> to vector<256x1xf32>
      %lt3A_2115 = arith.cmpf olt, %broadcast_in_dim3A_2114, %while3A_2103 : vector<256x1xf32>
      %min3A = arith.minimumf %broadcast_in_dim3A_2114, %while3A_2103 : vector<256x1xf32>
      %broadcast_in_dim3A_2116 = vector.broadcast %while3A_2102 : i32 to vector<256x1xi32>
      %select_n3A_2117 = arith.select %lt3A_2115, %broadcast_in_dim3A_2116, %while3A_2104 : vector<256x1xi1>, vector<256x1xi32>
      scf.yield %min3A, %select_n3A_2117 : vector<256x1xf32>, vector<256x1xi32>
    }
    %lt3A_1680 = arith.constant 3.40282347E+38 : f32
    %lt3A_1681 = vector.broadcast %lt3A_1680 : f32 to vector<256x1xf32>
    %lt3A_1682 = arith.cmpf olt, %while3A_1679#0, %lt3A_1681 : vector<256x1xf32>
    %bitcast_convert_type3A_1683 = tpu.bitcast %while3A_1679#0 : vector<256x1xf32> -> vector<256x1xi32>
    %mul3A_1684 = arith.constant 1024 : i32
    %mul3A_1685 = vector.broadcast %mul3A_1684 : i32 to vector<256x1xi32>
    %mul3A_1686 = arith.muli %while3A_1679#1, %mul3A_1685 : vector<256x1xi32>
    %add3A_1687 = vector.broadcast %get3A_1 : i32 to vector<256x1xi32>
    %add3A_1688 = arith.addi %add3A_1687, %mul3A_1686 : vector<256x1xi32>
    %and3A_1689 = arith.constant 1023 : i32
    %and3A_1690 = vector.broadcast %and3A_1689 : i32 to vector<256x1xi32>
    %and3A_1691 = arith.andi %bitcast_convert_type3A_1683, %and3A_1690 : vector<256x1xi32>
    %add3A_1692 = arith.addi %add3A_1688, %and3A_1691 : vector<256x1xi32>
    %and3A_1693 = arith.constant -1024 : i32
    %and3A_1694 = vector.broadcast %and3A_1693 : i32 to vector<256x1xi32>
    %and3A_1695 = arith.andi %bitcast_convert_type3A_1683, %and3A_1694 : vector<256x1xi32>
    %bitcast_convert_type3A_1696 = tpu.bitcast %and3A_1695 : vector<256x1xi32> -> vector<256x1xf32>
    %select_n3A_1697 = arith.select %lt3A_1682, %add3A_1692, %add3A_18 : vector<256x1xi1>, vector<256x1xi32>
    %swap3A_1698 = arith.constant 0 : index
    %swap3A_1699 = arith.constant 25 : index
    %swap3A_1700 = vector.load %arg4[%swap3A_1698, %swap3A_1699] : memref<256x32xi32, #tpu.memory_space<vmem>>, vector<256x1xi32>
    tpu.vector_store %arg4[%swap3A_1698, %swap3A_1699], %select_n3A_1697 {strides = array<i32>} : memref<256x32xi32, #tpu.memory_space<vmem>>, vector<256x1xi32>,
    %jit3A_1701 = arith.constant 0.000000e+00 : f32
    %broadcast_in_dim3A_1702 = vector.broadcast %jit3A_1701 : f32 to vector<256x1xf32>
    %select_n3A_1703 = arith.select %lt3A_1682, %bitcast_convert_type3A_1696, %broadcast_in_dim3A_1702 : vector<256x1xi1>, vector<256x1xf32>
    %swap3A_1704 = arith.constant 0 : index
    %swap3A_1705 = arith.constant 25 : index
    %swap3A_1706 = vector.load %arg5[%swap3A_1704, %swap3A_1705] : memref<256x32xf32, #tpu.memory_space<vmem>>, vector<256x1xf32>
    tpu.vector_store %arg5[%swap3A_1704, %swap3A_1705], %select_n3A_1703 {strides = array<i32>} : memref<256x32xf32, #tpu.memory_space<vmem>>, vector<256x1xf32>,
    %convert_element_type3A_1707 = arith.extui %lt3A_1682 : vector<256x1xi1> to vector<256x1xi32>
    %convert_element_type3A_1708 = arith.sitofp %convert_element_type3A_1707 : vector<256x1xi32> to vector<256x1xf32>
    %swap3A_1709 = arith.constant 0 : index
    %swap3A_1710 = arith.constant 25 : index
    %swap3A_1711 = vector.load %arg6[%swap3A_1709, %swap3A_1710] : memref<256x32xf32, #tpu.memory_space<vmem>>, vector<256x1xf32>
    tpu.vector_store %arg6[%swap3A_1709, %swap3A_1710], %convert_element_type3A_1708 {strides = array<i32>} : memref<256x32xf32, #tpu.memory_space<vmem>>, vector<256x1xf32>,
    %eq3A_1712 = arith.constant 3.40282347E+38 : f32
    %eq3A_1713 = vector.broadcast %eq3A_1712 : f32 to vector<256x1xf32>
    %eq3A_1714 = arith.cmpf oeq, %while3A_1679#0, %eq3A_1713 : vector<256x1xf32>
    %reduce_and3A_1715 = arith.constant 1.000000e+00 : f32
    %reduce_and3A_1716 = arith.constant 0.000000e+00 : f32
    %reduce_and3A_1717 = vector.broadcast %reduce_and3A_1715 : f32 to vector<256x1xf32>
    %reduce_and3A_1718 = vector.broadcast %reduce_and3A_1716 : f32 to vector<256x1xf32>
    %reduce_and3A_1719 = arith.select %eq3A_1714, %reduce_and3A_1717, %reduce_and3A_1718 : vector<256x1xi1>, vector<256x1xf32>
    %reduce_and3A_1720 = vector.shape_cast %reduce_and3A_1719 : vector<256x1xf32> to vector<1x256x1xf32>
    %reduce_and3A_1721 = arith.constant dense<0x7F800000> : vector<1xf32>
    %reduce_and3A_1722 = vector.multi_reduction <minimumf>, %reduce_and3A_1720, %reduce_and3A_1721 [1, 2] : vector<1x256x1xf32> to vector<1xf32>
    %reduce_and3A_1723 = vector.shape_cast %reduce_and3A_1722 : vector<1xf32> to vector<1x1x1xf32>
    %reduce_and3A_1724 = vector.extract %reduce_and3A_1723[0, 0, 0] : f32 from vector<1x1x1xf32>
    %reduce_and3A_1725 = arith.constant 0.000000e+00 : f32
    %reduce_and3A_1726 = arith.cmpf ogt, %reduce_and3A_1724, %reduce_and3A_1725 : f32
    %jit3A_1727 = arith.constant 0 : i32
    %select_n3A_1728 = arith.select %reduce_and3A_1726, %jit3A_1727, %get3A_4 : i32
    %broadcast_in_dim3A_1729 = arith.constant 3.40282347E+38 : f32
    %broadcast_in_dim3A_1730 = vector.broadcast %broadcast_in_dim3A_1729 : f32 to vector<256x1xf32>
    %broadcast_in_dim3A_1731 = arith.constant 0 : i32
    %broadcast_in_dim3A_1732 = vector.broadcast %broadcast_in_dim3A_1731 : i32 to vector<256x1xi32>
    %while3A_1733 = arith.constant 3.40282347E+38 : f32
    %while3A_1734 = arith.constant 0 : i32
    %while3A_1735 = arith.subi %select_n3A_1728, %while3A_1734 : i32
    %while3A_1736 = arith.addi %while3A_1734, %while3A_1735 : i32
    %while3A_1737 = arith.constant 1 : i32
    %while3A_1738 = arith.divsi %while3A_1735, %while3A_1737 : i32
    %while3A_1739 = arith.muli %while3A_1738, %while3A_1737 : i32
    %while3A_1740 = arith.addi %while3A_1734, %while3A_1739 : i32
    %while3A_1741 = arith.constant 1 : i32
    %while3A_1742:2 = scf.for %while3A_2102 = %while3A_1734 to %while3A_1740 step %while3A_1741 iter_args(%while3A_2103 = %broadcast_in_dim3A_1730, %while3A_2104 = %broadcast_in_dim3A_1732) -> (vector<256x1xf32>, vector<256x1xi32>)  : i32 {
      %mul3A_2105 = arith.constant 1024 : i32
      %mul3A_2106 = arith.muli %while3A_2102, %mul3A_2105 : i32
      %multiple_of3A = tpu.assume_multiple %mul3A_2106, 1024 : i32
      %get3A_2107 = arith.constant 0 : index
      %get3A_2108 = arith.index_cast %multiple_of3A : i32 to index
      %get3A_2109 = vector.load %arg7[%get3A_2107, %get3A_2108] : memref<256x10240xf32, #tpu.memory_space<vmem>>, vector<256x1024xf32>
      %gt3A = vector.broadcast %while3A_1679#0 : vector<256x1xf32> to vector<256x1024xf32>
      %gt3A_2110 = arith.cmpf ogt, %get3A_2109, %gt3A : vector<256x1024xf32>
      %broadcast_in_dim3A_2111 = vector.broadcast %while3A_1733 : f32 to vector<256x1024xf32>
      %select_n3A_2112 = arith.select %gt3A_2110, %get3A_2109, %broadcast_in_dim3A_2111 : vector<256x1024xi1>, vector<256x1024xf32>
      %reduce_min3A = arith.constant dense<0x7F800000> : vector<256xf32>
      %reduce_min3A_2113 = vector.multi_reduction <minimumf>, %select_n3A_2112, %reduce_min3A [1] : vector<256x1024xf32> to vector<256xf32>
      %broadcast_in_dim3A_2114 = vector.shape_cast %reduce_min3A_2113 : vector<256xf32> to vector<256x1xf32>
      %lt3A_2115 = arith.cmpf olt, %broadcast_in_dim3A_2114, %while3A_2103 : vector<256x1xf32>
      %min3A = arith.minimumf %broadcast_in_dim3A_2114, %while3A_2103 : vector<256x1xf32>
      %broadcast_in_dim3A_2116 = vector.broadcast %while3A_2102 : i32 to vector<256x1xi32>
      %select_n3A_2117 = arith.select %lt3A_2115, %broadcast_in_dim3A_2116, %while3A_2104 : vector<256x1xi1>, vector<256x1xi32>
      scf.yield %min3A, %select_n3A_2117 : vector<256x1xf32>, vector<256x1xi32>
    }
    %while3A_1743 = arith.constant 1 : i32
    %while3A_1744:2 = scf.for %while3A_2102 = %while3A_1740 to %while3A_1736 step %while3A_1743 iter_args(%while3A_2103 = %while3A_1742#0, %while3A_2104 = %while3A_1742#1) -> (vector<256x1xf32>, vector<256x1xi32>)  : i32 {
      %mul3A_2105 = arith.constant 1024 : i32
      %mul3A_2106 = arith.muli %while3A_2102, %mul3A_2105 : i32
      %multiple_of3A = tpu.assume_multiple %mul3A_2106, 1024 : i32
      %get3A_2107 = arith.constant 0 : index
      %get3A_2108 = arith.index_cast %multiple_of3A : i32 to index
      %get3A_2109 = vector.load %arg7[%get3A_2107, %get3A_2108] : memref<256x10240xf32, #tpu.memory_space<vmem>>, vector<256x1024xf32>
      %gt3A = vector.broadcast %while3A_1679#0 : vector<256x1xf32> to vector<256x1024xf32>
      %gt3A_2110 = arith.cmpf ogt, %get3A_2109, %gt3A : vector<256x1024xf32>
      %broadcast_in_dim3A_2111 = vector.broadcast %while3A_1733 : f32 to vector<256x1024xf32>
      %select_n3A_2112 = arith.select %gt3A_2110, %get3A_2109, %broadcast_in_dim3A_2111 : vector<256x1024xi1>, vector<256x1024xf32>
      %reduce_min3A = arith.constant dense<0x7F800000> : vector<256xf32>
      %reduce_min3A_2113 = vector.multi_reduction <minimumf>, %select_n3A_2112, %reduce_min3A [1] : vector<256x1024xf32> to vector<256xf32>
      %broadcast_in_dim3A_2114 = vector.shape_cast %reduce_min3A_2113 : vector<256xf32> to vector<256x1xf32>
      %lt3A_2115 = arith.cmpf olt, %broadcast_in_dim3A_2114, %while3A_2103 : vector<256x1xf32>
      %min3A = arith.minimumf %broadcast_in_dim3A_2114, %while3A_2103 : vector<256x1xf32>
      %broadcast_in_dim3A_2116 = vector.broadcast %while3A_2102 : i32 to vector<256x1xi32>
      %select_n3A_2117 = arith.select %lt3A_2115, %broadcast_in_dim3A_2116, %while3A_2104 : vector<256x1xi1>, vector<256x1xi32>
      scf.yield %min3A, %select_n3A_2117 : vector<256x1xf32>, vector<256x1xi32>
    }
    %lt3A_1745 = arith.constant 3.40282347E+38 : f32
    %lt3A_1746 = vector.broadcast %lt3A_1745 : f32 to vector<256x1xf32>
    %lt3A_1747 = arith.cmpf olt, %while3A_1744#0, %lt3A_1746 : vector<256x1xf32>
    %bitcast_convert_type3A_1748 = tpu.bitcast %while3A_1744#0 : vector<256x1xf32> -> vector<256x1xi32>
    %mul3A_1749 = arith.constant 1024 : i32
    %mul3A_1750 = vector.broadcast %mul3A_1749 : i32 to vector<256x1xi32>
    %mul3A_1751 = arith.muli %while3A_1744#1, %mul3A_1750 : vector<256x1xi32>
    %add3A_1752 = vector.broadcast %get3A_1 : i32 to vector<256x1xi32>
    %add3A_1753 = arith.addi %add3A_1752, %mul3A_1751 : vector<256x1xi32>
    %and3A_1754 = arith.constant 1023 : i32
    %and3A_1755 = vector.broadcast %and3A_1754 : i32 to vector<256x1xi32>
    %and3A_1756 = arith.andi %bitcast_convert_type3A_1748, %and3A_1755 : vector<256x1xi32>
    %add3A_1757 = arith.addi %add3A_1753, %and3A_1756 : vector<256x1xi32>
    %and3A_1758 = arith.constant -1024 : i32
    %and3A_1759 = vector.broadcast %and3A_1758 : i32 to vector<256x1xi32>
    %and3A_1760 = arith.andi %bitcast_convert_type3A_1748, %and3A_1759 : vector<256x1xi32>
    %bitcast_convert_type3A_1761 = tpu.bitcast %and3A_1760 : vector<256x1xi32> -> vector<256x1xf32>
    %select_n3A_1762 = arith.select %lt3A_1747, %add3A_1757, %add3A_18 : vector<256x1xi1>, vector<256x1xi32>
    %swap3A_1763 = arith.constant 0 : index
    %swap3A_1764 = arith.constant 26 : index
    %swap3A_1765 = vector.load %arg4[%swap3A_1763, %swap3A_1764] : memref<256x32xi32, #tpu.memory_space<vmem>>, vector<256x1xi32>
    tpu.vector_store %arg4[%swap3A_1763, %swap3A_1764], %select_n3A_1762 {strides = array<i32>} : memref<256x32xi32, #tpu.memory_space<vmem>>, vector<256x1xi32>,
    %jit3A_1766 = arith.constant 0.000000e+00 : f32
    %broadcast_in_dim3A_1767 = vector.broadcast %jit3A_1766 : f32 to vector<256x1xf32>
    %select_n3A_1768 = arith.select %lt3A_1747, %bitcast_convert_type3A_1761, %broadcast_in_dim3A_1767 : vector<256x1xi1>, vector<256x1xf32>
    %swap3A_1769 = arith.constant 0 : index
    %swap3A_1770 = arith.constant 26 : index
    %swap3A_1771 = vector.load %arg5[%swap3A_1769, %swap3A_1770] : memref<256x32xf32, #tpu.memory_space<vmem>>, vector<256x1xf32>
    tpu.vector_store %arg5[%swap3A_1769, %swap3A_1770], %select_n3A_1768 {strides = array<i32>} : memref<256x32xf32, #tpu.memory_space<vmem>>, vector<256x1xf32>,
    %convert_element_type3A_1772 = arith.extui %lt3A_1747 : vector<256x1xi1> to vector<256x1xi32>
    %convert_element_type3A_1773 = arith.sitofp %convert_element_type3A_1772 : vector<256x1xi32> to vector<256x1xf32>
    %swap3A_1774 = arith.constant 0 : index
    %swap3A_1775 = arith.constant 26 : index
    %swap3A_1776 = vector.load %arg6[%swap3A_1774, %swap3A_1775] : memref<256x32xf32, #tpu.memory_space<vmem>>, vector<256x1xf32>
    tpu.vector_store %arg6[%swap3A_1774, %swap3A_1775], %convert_element_type3A_1773 {strides = array<i32>} : memref<256x32xf32, #tpu.memory_space<vmem>>, vector<256x1xf32>,
    %eq3A_1777 = arith.constant 3.40282347E+38 : f32
    %eq3A_1778 = vector.broadcast %eq3A_1777 : f32 to vector<256x1xf32>
    %eq3A_1779 = arith.cmpf oeq, %while3A_1744#0, %eq3A_1778 : vector<256x1xf32>
    %reduce_and3A_1780 = arith.constant 1.000000e+00 : f32
    %reduce_and3A_1781 = arith.constant 0.000000e+00 : f32
    %reduce_and3A_1782 = vector.broadcast %reduce_and3A_1780 : f32 to vector<256x1xf32>
    %reduce_and3A_1783 = vector.broadcast %reduce_and3A_1781 : f32 to vector<256x1xf32>
    %reduce_and3A_1784 = arith.select %eq3A_1779, %reduce_and3A_1782, %reduce_and3A_1783 : vector<256x1xi1>, vector<256x1xf32>
    %reduce_and3A_1785 = vector.shape_cast %reduce_and3A_1784 : vector<256x1xf32> to vector<1x256x1xf32>
    %reduce_and3A_1786 = arith.constant dense<0x7F800000> : vector<1xf32>
    %reduce_and3A_1787 = vector.multi_reduction <minimumf>, %reduce_and3A_1785, %reduce_and3A_1786 [1, 2] : vector<1x256x1xf32> to vector<1xf32>
    %reduce_and3A_1788 = vector.shape_cast %reduce_and3A_1787 : vector<1xf32> to vector<1x1x1xf32>
    %reduce_and3A_1789 = vector.extract %reduce_and3A_1788[0, 0, 0] : f32 from vector<1x1x1xf32>
    %reduce_and3A_1790 = arith.constant 0.000000e+00 : f32
    %reduce_and3A_1791 = arith.cmpf ogt, %reduce_and3A_1789, %reduce_and3A_1790 : f32
    %jit3A_1792 = arith.constant 0 : i32
    %select_n3A_1793 = arith.select %reduce_and3A_1791, %jit3A_1792, %get3A_4 : i32
    %broadcast_in_dim3A_1794 = arith.constant 3.40282347E+38 : f32
    %broadcast_in_dim3A_1795 = vector.broadcast %broadcast_in_dim3A_1794 : f32 to vector<256x1xf32>
    %broadcast_in_dim3A_1796 = arith.constant 0 : i32
    %broadcast_in_dim3A_1797 = vector.broadcast %broadcast_in_dim3A_1796 : i32 to vector<256x1xi32>
    %while3A_1798 = arith.constant 3.40282347E+38 : f32
    %while3A_1799 = arith.constant 0 : i32
    %while3A_1800 = arith.subi %select_n3A_1793, %while3A_1799 : i32
    %while3A_1801 = arith.addi %while3A_1799, %while3A_1800 : i32
    %while3A_1802 = arith.constant 1 : i32
    %while3A_1803 = arith.divsi %while3A_1800, %while3A_1802 : i32
    %while3A_1804 = arith.muli %while3A_1803, %while3A_1802 : i32
    %while3A_1805 = arith.addi %while3A_1799, %while3A_1804 : i32
    %while3A_1806 = arith.constant 1 : i32
    %while3A_1807:2 = scf.for %while3A_2102 = %while3A_1799 to %while3A_1805 step %while3A_1806 iter_args(%while3A_2103 = %broadcast_in_dim3A_1795, %while3A_2104 = %broadcast_in_dim3A_1797) -> (vector<256x1xf32>, vector<256x1xi32>)  : i32 {
      %mul3A_2105 = arith.constant 1024 : i32
      %mul3A_2106 = arith.muli %while3A_2102, %mul3A_2105 : i32
      %multiple_of3A = tpu.assume_multiple %mul3A_2106, 1024 : i32
      %get3A_2107 = arith.constant 0 : index
      %get3A_2108 = arith.index_cast %multiple_of3A : i32 to index
      %get3A_2109 = vector.load %arg7[%get3A_2107, %get3A_2108] : memref<256x10240xf32, #tpu.memory_space<vmem>>, vector<256x1024xf32>
      %gt3A = vector.broadcast %while3A_1744#0 : vector<256x1xf32> to vector<256x1024xf32>
      %gt3A_2110 = arith.cmpf ogt, %get3A_2109, %gt3A : vector<256x1024xf32>
      %broadcast_in_dim3A_2111 = vector.broadcast %while3A_1798 : f32 to vector<256x1024xf32>
      %select_n3A_2112 = arith.select %gt3A_2110, %get3A_2109, %broadcast_in_dim3A_2111 : vector<256x1024xi1>, vector<256x1024xf32>
      %reduce_min3A = arith.constant dense<0x7F800000> : vector<256xf32>
      %reduce_min3A_2113 = vector.multi_reduction <minimumf>, %select_n3A_2112, %reduce_min3A [1] : vector<256x1024xf32> to vector<256xf32>
      %broadcast_in_dim3A_2114 = vector.shape_cast %reduce_min3A_2113 : vector<256xf32> to vector<256x1xf32>
      %lt3A_2115 = arith.cmpf olt, %broadcast_in_dim3A_2114, %while3A_2103 : vector<256x1xf32>
      %min3A = arith.minimumf %broadcast_in_dim3A_2114, %while3A_2103 : vector<256x1xf32>
      %broadcast_in_dim3A_2116 = vector.broadcast %while3A_2102 : i32 to vector<256x1xi32>
      %select_n3A_2117 = arith.select %lt3A_2115, %broadcast_in_dim3A_2116, %while3A_2104 : vector<256x1xi1>, vector<256x1xi32>
      scf.yield %min3A, %select_n3A_2117 : vector<256x1xf32>, vector<256x1xi32>
    }
    %while3A_1808 = arith.constant 1 : i32
    %while3A_1809:2 = scf.for %while3A_2102 = %while3A_1805 to %while3A_1801 step %while3A_1808 iter_args(%while3A_2103 = %while3A_1807#0, %while3A_2104 = %while3A_1807#1) -> (vector<256x1xf32>, vector<256x1xi32>)  : i32 {
      %mul3A_2105 = arith.constant 1024 : i32
      %mul3A_2106 = arith.muli %while3A_2102, %mul3A_2105 : i32
      %multiple_of3A = tpu.assume_multiple %mul3A_2106, 1024 : i32
      %get3A_2107 = arith.constant 0 : index
      %get3A_2108 = arith.index_cast %multiple_of3A : i32 to index
      %get3A_2109 = vector.load %arg7[%get3A_2107, %get3A_2108] : memref<256x10240xf32, #tpu.memory_space<vmem>>, vector<256x1024xf32>
      %gt3A = vector.broadcast %while3A_1744#0 : vector<256x1xf32> to vector<256x1024xf32>
      %gt3A_2110 = arith.cmpf ogt, %get3A_2109, %gt3A : vector<256x1024xf32>
      %broadcast_in_dim3A_2111 = vector.broadcast %while3A_1798 : f32 to vector<256x1024xf32>
      %select_n3A_2112 = arith.select %gt3A_2110, %get3A_2109, %broadcast_in_dim3A_2111 : vector<256x1024xi1>, vector<256x1024xf32>
      %reduce_min3A = arith.constant dense<0x7F800000> : vector<256xf32>
      %reduce_min3A_2113 = vector.multi_reduction <minimumf>, %select_n3A_2112, %reduce_min3A [1] : vector<256x1024xf32> to vector<256xf32>
      %broadcast_in_dim3A_2114 = vector.shape_cast %reduce_min3A_2113 : vector<256xf32> to vector<256x1xf32>
      %lt3A_2115 = arith.cmpf olt, %broadcast_in_dim3A_2114, %while3A_2103 : vector<256x1xf32>
      %min3A = arith.minimumf %broadcast_in_dim3A_2114, %while3A_2103 : vector<256x1xf32>
      %broadcast_in_dim3A_2116 = vector.broadcast %while3A_2102 : i32 to vector<256x1xi32>
      %select_n3A_2117 = arith.select %lt3A_2115, %broadcast_in_dim3A_2116, %while3A_2104 : vector<256x1xi1>, vector<256x1xi32>
      scf.yield %min3A, %select_n3A_2117 : vector<256x1xf32>, vector<256x1xi32>
    }
    %lt3A_1810 = arith.constant 3.40282347E+38 : f32
    %lt3A_1811 = vector.broadcast %lt3A_1810 : f32 to vector<256x1xf32>
    %lt3A_1812 = arith.cmpf olt, %while3A_1809#0, %lt3A_1811 : vector<256x1xf32>
    %bitcast_convert_type3A_1813 = tpu.bitcast %while3A_1809#0 : vector<256x1xf32> -> vector<256x1xi32>
    %mul3A_1814 = arith.constant 1024 : i32
    %mul3A_1815 = vector.broadcast %mul3A_1814 : i32 to vector<256x1xi32>
    %mul3A_1816 = arith.muli %while3A_1809#1, %mul3A_1815 : vector<256x1xi32>
    %add3A_1817 = vector.broadcast %get3A_1 : i32 to vector<256x1xi32>
    %add3A_1818 = arith.addi %add3A_1817, %mul3A_1816 : vector<256x1xi32>
    %and3A_1819 = arith.constant 1023 : i32
    %and3A_1820 = vector.broadcast %and3A_1819 : i32 to vector<256x1xi32>
    %and3A_1821 = arith.andi %bitcast_convert_type3A_1813, %and3A_1820 : vector<256x1xi32>
    %add3A_1822 = arith.addi %add3A_1818, %and3A_1821 : vector<256x1xi32>
    %and3A_1823 = arith.constant -1024 : i32
    %and3A_1824 = vector.broadcast %and3A_1823 : i32 to vector<256x1xi32>
    %and3A_1825 = arith.andi %bitcast_convert_type3A_1813, %and3A_1824 : vector<256x1xi32>
    %bitcast_convert_type3A_1826 = tpu.bitcast %and3A_1825 : vector<256x1xi32> -> vector<256x1xf32>
    %select_n3A_1827 = arith.select %lt3A_1812, %add3A_1822, %add3A_18 : vector<256x1xi1>, vector<256x1xi32>
    %swap3A_1828 = arith.constant 0 : index
    %swap3A_1829 = arith.constant 27 : index
    %swap3A_1830 = vector.load %arg4[%swap3A_1828, %swap3A_1829] : memref<256x32xi32, #tpu.memory_space<vmem>>, vector<256x1xi32>
    tpu.vector_store %arg4[%swap3A_1828, %swap3A_1829], %select_n3A_1827 {strides = array<i32>} : memref<256x32xi32, #tpu.memory_space<vmem>>, vector<256x1xi32>,
    %jit3A_1831 = arith.constant 0.000000e+00 : f32
    %broadcast_in_dim3A_1832 = vector.broadcast %jit3A_1831 : f32 to vector<256x1xf32>
    %select_n3A_1833 = arith.select %lt3A_1812, %bitcast_convert_type3A_1826, %broadcast_in_dim3A_1832 : vector<256x1xi1>, vector<256x1xf32>
    %swap3A_1834 = arith.constant 0 : index
    %swap3A_1835 = arith.constant 27 : index
    %swap3A_1836 = vector.load %arg5[%swap3A_1834, %swap3A_1835] : memref<256x32xf32, #tpu.memory_space<vmem>>, vector<256x1xf32>
    tpu.vector_store %arg5[%swap3A_1834, %swap3A_1835], %select_n3A_1833 {strides = array<i32>} : memref<256x32xf32, #tpu.memory_space<vmem>>, vector<256x1xf32>,
    %convert_element_type3A_1837 = arith.extui %lt3A_1812 : vector<256x1xi1> to vector<256x1xi32>
    %convert_element_type3A_1838 = arith.sitofp %convert_element_type3A_1837 : vector<256x1xi32> to vector<256x1xf32>
    %swap3A_1839 = arith.constant 0 : index
    %swap3A_1840 = arith.constant 27 : index
    %swap3A_1841 = vector.load %arg6[%swap3A_1839, %swap3A_1840] : memref<256x32xf32, #tpu.memory_space<vmem>>, vector<256x1xf32>
    tpu.vector_store %arg6[%swap3A_1839, %swap3A_1840], %convert_element_type3A_1838 {strides = array<i32>} : memref<256x32xf32, #tpu.memory_space<vmem>>, vector<256x1xf32>,
    %eq3A_1842 = arith.constant 3.40282347E+38 : f32
    %eq3A_1843 = vector.broadcast %eq3A_1842 : f32 to vector<256x1xf32>
    %eq3A_1844 = arith.cmpf oeq, %while3A_1809#0, %eq3A_1843 : vector<256x1xf32>
    %reduce_and3A_1845 = arith.constant 1.000000e+00 : f32
    %reduce_and3A_1846 = arith.constant 0.000000e+00 : f32
    %reduce_and3A_1847 = vector.broadcast %reduce_and3A_1845 : f32 to vector<256x1xf32>
    %reduce_and3A_1848 = vector.broadcast %reduce_and3A_1846 : f32 to vector<256x1xf32>
    %reduce_and3A_1849 = arith.select %eq3A_1844, %reduce_and3A_1847, %reduce_and3A_1848 : vector<256x1xi1>, vector<256x1xf32>
    %reduce_and3A_1850 = vector.shape_cast %reduce_and3A_1849 : vector<256x1xf32> to vector<1x256x1xf32>
    %reduce_and3A_1851 = arith.constant dense<0x7F800000> : vector<1xf32>
    %reduce_and3A_1852 = vector.multi_reduction <minimumf>, %reduce_and3A_1850, %reduce_and3A_1851 [1, 2] : vector<1x256x1xf32> to vector<1xf32>
    %reduce_and3A_1853 = vector.shape_cast %reduce_and3A_1852 : vector<1xf32> to vector<1x1x1xf32>
    %reduce_and3A_1854 = vector.extract %reduce_and3A_1853[0, 0, 0] : f32 from vector<1x1x1xf32>
    %reduce_and3A_1855 = arith.constant 0.000000e+00 : f32
    %reduce_and3A_1856 = arith.cmpf ogt, %reduce_and3A_1854, %reduce_and3A_1855 : f32
    %jit3A_1857 = arith.constant 0 : i32
    %select_n3A_1858 = arith.select %reduce_and3A_1856, %jit3A_1857, %get3A_4 : i32
    %broadcast_in_dim3A_1859 = arith.constant 3.40282347E+38 : f32
    %broadcast_in_dim3A_1860 = vector.broadcast %broadcast_in_dim3A_1859 : f32 to vector<256x1xf32>
    %broadcast_in_dim3A_1861 = arith.constant 0 : i32
    %broadcast_in_dim3A_1862 = vector.broadcast %broadcast_in_dim3A_1861 : i32 to vector<256x1xi32>
    %while3A_1863 = arith.constant 3.40282347E+38 : f32
    %while3A_1864 = arith.constant 0 : i32
    %while3A_1865 = arith.subi %select_n3A_1858, %while3A_1864 : i32
    %while3A_1866 = arith.addi %while3A_1864, %while3A_1865 : i32
    %while3A_1867 = arith.constant 1 : i32
    %while3A_1868 = arith.divsi %while3A_1865, %while3A_1867 : i32
    %while3A_1869 = arith.muli %while3A_1868, %while3A_1867 : i32
    %while3A_1870 = arith.addi %while3A_1864, %while3A_1869 : i32
    %while3A_1871 = arith.constant 1 : i32
    %while3A_1872:2 = scf.for %while3A_2102 = %while3A_1864 to %while3A_1870 step %while3A_1871 iter_args(%while3A_2103 = %broadcast_in_dim3A_1860, %while3A_2104 = %broadcast_in_dim3A_1862) -> (vector<256x1xf32>, vector<256x1xi32>)  : i32 {
      %mul3A_2105 = arith.constant 1024 : i32
      %mul3A_2106 = arith.muli %while3A_2102, %mul3A_2105 : i32
      %multiple_of3A = tpu.assume_multiple %mul3A_2106, 1024 : i32
      %get3A_2107 = arith.constant 0 : index
      %get3A_2108 = arith.index_cast %multiple_of3A : i32 to index
      %get3A_2109 = vector.load %arg7[%get3A_2107, %get3A_2108] : memref<256x10240xf32, #tpu.memory_space<vmem>>, vector<256x1024xf32>
      %gt3A = vector.broadcast %while3A_1809#0 : vector<256x1xf32> to vector<256x1024xf32>
      %gt3A_2110 = arith.cmpf ogt, %get3A_2109, %gt3A : vector<256x1024xf32>
      %broadcast_in_dim3A_2111 = vector.broadcast %while3A_1863 : f32 to vector<256x1024xf32>
      %select_n3A_2112 = arith.select %gt3A_2110, %get3A_2109, %broadcast_in_dim3A_2111 : vector<256x1024xi1>, vector<256x1024xf32>
      %reduce_min3A = arith.constant dense<0x7F800000> : vector<256xf32>
      %reduce_min3A_2113 = vector.multi_reduction <minimumf>, %select_n3A_2112, %reduce_min3A [1] : vector<256x1024xf32> to vector<256xf32>
      %broadcast_in_dim3A_2114 = vector.shape_cast %reduce_min3A_2113 : vector<256xf32> to vector<256x1xf32>
      %lt3A_2115 = arith.cmpf olt, %broadcast_in_dim3A_2114, %while3A_2103 : vector<256x1xf32>
      %min3A = arith.minimumf %broadcast_in_dim3A_2114, %while3A_2103 : vector<256x1xf32>
      %broadcast_in_dim3A_2116 = vector.broadcast %while3A_2102 : i32 to vector<256x1xi32>
      %select_n3A_2117 = arith.select %lt3A_2115, %broadcast_in_dim3A_2116, %while3A_2104 : vector<256x1xi1>, vector<256x1xi32>
      scf.yield %min3A, %select_n3A_2117 : vector<256x1xf32>, vector<256x1xi32>
    }
    %while3A_1873 = arith.constant 1 : i32
    %while3A_1874:2 = scf.for %while3A_2102 = %while3A_1870 to %while3A_1866 step %while3A_1873 iter_args(%while3A_2103 = %while3A_1872#0, %while3A_2104 = %while3A_1872#1) -> (vector<256x1xf32>, vector<256x1xi32>)  : i32 {
      %mul3A_2105 = arith.constant 1024 : i32
      %mul3A_2106 = arith.muli %while3A_2102, %mul3A_2105 : i32
      %multiple_of3A = tpu.assume_multiple %mul3A_2106, 1024 : i32
      %get3A_2107 = arith.constant 0 : index
      %get3A_2108 = arith.index_cast %multiple_of3A : i32 to index
      %get3A_2109 = vector.load %arg7[%get3A_2107, %get3A_2108] : memref<256x10240xf32, #tpu.memory_space<vmem>>, vector<256x1024xf32>
      %gt3A = vector.broadcast %while3A_1809#0 : vector<256x1xf32> to vector<256x1024xf32>
      %gt3A_2110 = arith.cmpf ogt, %get3A_2109, %gt3A : vector<256x1024xf32>
      %broadcast_in_dim3A_2111 = vector.broadcast %while3A_1863 : f32 to vector<256x1024xf32>
      %select_n3A_2112 = arith.select %gt3A_2110, %get3A_2109, %broadcast_in_dim3A_2111 : vector<256x1024xi1>, vector<256x1024xf32>
      %reduce_min3A = arith.constant dense<0x7F800000> : vector<256xf32>
      %reduce_min3A_2113 = vector.multi_reduction <minimumf>, %select_n3A_2112, %reduce_min3A [1] : vector<256x1024xf32> to vector<256xf32>
      %broadcast_in_dim3A_2114 = vector.shape_cast %reduce_min3A_2113 : vector<256xf32> to vector<256x1xf32>
      %lt3A_2115 = arith.cmpf olt, %broadcast_in_dim3A_2114, %while3A_2103 : vector<256x1xf32>
      %min3A = arith.minimumf %broadcast_in_dim3A_2114, %while3A_2103 : vector<256x1xf32>
      %broadcast_in_dim3A_2116 = vector.broadcast %while3A_2102 : i32 to vector<256x1xi32>
      %select_n3A_2117 = arith.select %lt3A_2115, %broadcast_in_dim3A_2116, %while3A_2104 : vector<256x1xi1>, vector<256x1xi32>
      scf.yield %min3A, %select_n3A_2117 : vector<256x1xf32>, vector<256x1xi32>
    }
    %lt3A_1875 = arith.constant 3.40282347E+38 : f32
    %lt3A_1876 = vector.broadcast %lt3A_1875 : f32 to vector<256x1xf32>
    %lt3A_1877 = arith.cmpf olt, %while3A_1874#0, %lt3A_1876 : vector<256x1xf32>
    %bitcast_convert_type3A_1878 = tpu.bitcast %while3A_1874#0 : vector<256x1xf32> -> vector<256x1xi32>
    %mul3A_1879 = arith.constant 1024 : i32
    %mul3A_1880 = vector.broadcast %mul3A_1879 : i32 to vector<256x1xi32>
    %mul3A_1881 = arith.muli %while3A_1874#1, %mul3A_1880 : vector<256x1xi32>
    %add3A_1882 = vector.broadcast %get3A_1 : i32 to vector<256x1xi32>
    %add3A_1883 = arith.addi %add3A_1882, %mul3A_1881 : vector<256x1xi32>
    %and3A_1884 = arith.constant 1023 : i32
    %and3A_1885 = vector.broadcast %and3A_1884 : i32 to vector<256x1xi32>
    %and3A_1886 = arith.andi %bitcast_convert_type3A_1878, %and3A_1885 : vector<256x1xi32>
    %add3A_1887 = arith.addi %add3A_1883, %and3A_1886 : vector<256x1xi32>
    %and3A_1888 = arith.constant -1024 : i32
    %and3A_1889 = vector.broadcast %and3A_1888 : i32 to vector<256x1xi32>
    %and3A_1890 = arith.andi %bitcast_convert_type3A_1878, %and3A_1889 : vector<256x1xi32>
    %bitcast_convert_type3A_1891 = tpu.bitcast %and3A_1890 : vector<256x1xi32> -> vector<256x1xf32>
    %select_n3A_1892 = arith.select %lt3A_1877, %add3A_1887, %add3A_18 : vector<256x1xi1>, vector<256x1xi32>
    %swap3A_1893 = arith.constant 0 : index
    %swap3A_1894 = arith.constant 28 : index
    %swap3A_1895 = vector.load %arg4[%swap3A_1893, %swap3A_1894] : memref<256x32xi32, #tpu.memory_space<vmem>>, vector<256x1xi32>
    tpu.vector_store %arg4[%swap3A_1893, %swap3A_1894], %select_n3A_1892 {strides = array<i32>} : memref<256x32xi32, #tpu.memory_space<vmem>>, vector<256x1xi32>,
    %jit3A_1896 = arith.constant 0.000000e+00 : f32
    %broadcast_in_dim3A_1897 = vector.broadcast %jit3A_1896 : f32 to vector<256x1xf32>
    %select_n3A_1898 = arith.select %lt3A_1877, %bitcast_convert_type3A_1891, %broadcast_in_dim3A_1897 : vector<256x1xi1>, vector<256x1xf32>
    %swap3A_1899 = arith.constant 0 : index
    %swap3A_1900 = arith.constant 28 : index
    %swap3A_1901 = vector.load %arg5[%swap3A_1899, %swap3A_1900] : memref<256x32xf32, #tpu.memory_space<vmem>>, vector<256x1xf32>
    tpu.vector_store %arg5[%swap3A_1899, %swap3A_1900], %select_n3A_1898 {strides = array<i32>} : memref<256x32xf32, #tpu.memory_space<vmem>>, vector<256x1xf32>,
    %convert_element_type3A_1902 = arith.extui %lt3A_1877 : vector<256x1xi1> to vector<256x1xi32>
    %convert_element_type3A_1903 = arith.sitofp %convert_element_type3A_1902 : vector<256x1xi32> to vector<256x1xf32>
    %swap3A_1904 = arith.constant 0 : index
    %swap3A_1905 = arith.constant 28 : index
    %swap3A_1906 = vector.load %arg6[%swap3A_1904, %swap3A_1905] : memref<256x32xf32, #tpu.memory_space<vmem>>, vector<256x1xf32>
    tpu.vector_store %arg6[%swap3A_1904, %swap3A_1905], %convert_element_type3A_1903 {strides = array<i32>} : memref<256x32xf32, #tpu.memory_space<vmem>>, vector<256x1xf32>,
    %eq3A_1907 = arith.constant 3.40282347E+38 : f32
    %eq3A_1908 = vector.broadcast %eq3A_1907 : f32 to vector<256x1xf32>
    %eq3A_1909 = arith.cmpf oeq, %while3A_1874#0, %eq3A_1908 : vector<256x1xf32>
    %reduce_and3A_1910 = arith.constant 1.000000e+00 : f32
    %reduce_and3A_1911 = arith.constant 0.000000e+00 : f32
    %reduce_and3A_1912 = vector.broadcast %reduce_and3A_1910 : f32 to vector<256x1xf32>
    %reduce_and3A_1913 = vector.broadcast %reduce_and3A_1911 : f32 to vector<256x1xf32>
    %reduce_and3A_1914 = arith.select %eq3A_1909, %reduce_and3A_1912, %reduce_and3A_1913 : vector<256x1xi1>, vector<256x1xf32>
    %reduce_and3A_1915 = vector.shape_cast %reduce_and3A_1914 : vector<256x1xf32> to vector<1x256x1xf32>
    %reduce_and3A_1916 = arith.constant dense<0x7F800000> : vector<1xf32>
    %reduce_and3A_1917 = vector.multi_reduction <minimumf>, %reduce_and3A_1915, %reduce_and3A_1916 [1, 2] : vector<1x256x1xf32> to vector<1xf32>
    %reduce_and3A_1918 = vector.shape_cast %reduce_and3A_1917 : vector<1xf32> to vector<1x1x1xf32>
    %reduce_and3A_1919 = vector.extract %reduce_and3A_1918[0, 0, 0] : f32 from vector<1x1x1xf32>
    %reduce_and3A_1920 = arith.constant 0.000000e+00 : f32
    %reduce_and3A_1921 = arith.cmpf ogt, %reduce_and3A_1919, %reduce_and3A_1920 : f32
    %jit3A_1922 = arith.constant 0 : i32
    %select_n3A_1923 = arith.select %reduce_and3A_1921, %jit3A_1922, %get3A_4 : i32
    %broadcast_in_dim3A_1924 = arith.constant 3.40282347E+38 : f32
    %broadcast_in_dim3A_1925 = vector.broadcast %broadcast_in_dim3A_1924 : f32 to vector<256x1xf32>
    %broadcast_in_dim3A_1926 = arith.constant 0 : i32
    %broadcast_in_dim3A_1927 = vector.broadcast %broadcast_in_dim3A_1926 : i32 to vector<256x1xi32>
    %while3A_1928 = arith.constant 3.40282347E+38 : f32
    %while3A_1929 = arith.constant 0 : i32
    %while3A_1930 = arith.subi %select_n3A_1923, %while3A_1929 : i32
    %while3A_1931 = arith.addi %while3A_1929, %while3A_1930 : i32
    %while3A_1932 = arith.constant 1 : i32
    %while3A_1933 = arith.divsi %while3A_1930, %while3A_1932 : i32
    %while3A_1934 = arith.muli %while3A_1933, %while3A_1932 : i32
    %while3A_1935 = arith.addi %while3A_1929, %while3A_1934 : i32
    %while3A_1936 = arith.constant 1 : i32
    %while3A_1937:2 = scf.for %while3A_2102 = %while3A_1929 to %while3A_1935 step %while3A_1936 iter_args(%while3A_2103 = %broadcast_in_dim3A_1925, %while3A_2104 = %broadcast_in_dim3A_1927) -> (vector<256x1xf32>, vector<256x1xi32>)  : i32 {
      %mul3A_2105 = arith.constant 1024 : i32
      %mul3A_2106 = arith.muli %while3A_2102, %mul3A_2105 : i32
      %multiple_of3A = tpu.assume_multiple %mul3A_2106, 1024 : i32
      %get3A_2107 = arith.constant 0 : index
      %get3A_2108 = arith.index_cast %multiple_of3A : i32 to index
      %get3A_2109 = vector.load %arg7[%get3A_2107, %get3A_2108] : memref<256x10240xf32, #tpu.memory_space<vmem>>, vector<256x1024xf32>
      %gt3A = vector.broadcast %while3A_1874#0 : vector<256x1xf32> to vector<256x1024xf32>
      %gt3A_2110 = arith.cmpf ogt, %get3A_2109, %gt3A : vector<256x1024xf32>
      %broadcast_in_dim3A_2111 = vector.broadcast %while3A_1928 : f32 to vector<256x1024xf32>
      %select_n3A_2112 = arith.select %gt3A_2110, %get3A_2109, %broadcast_in_dim3A_2111 : vector<256x1024xi1>, vector<256x1024xf32>
      %reduce_min3A = arith.constant dense<0x7F800000> : vector<256xf32>
      %reduce_min3A_2113 = vector.multi_reduction <minimumf>, %select_n3A_2112, %reduce_min3A [1] : vector<256x1024xf32> to vector<256xf32>
      %broadcast_in_dim3A_2114 = vector.shape_cast %reduce_min3A_2113 : vector<256xf32> to vector<256x1xf32>
      %lt3A_2115 = arith.cmpf olt, %broadcast_in_dim3A_2114, %while3A_2103 : vector<256x1xf32>
      %min3A = arith.minimumf %broadcast_in_dim3A_2114, %while3A_2103 : vector<256x1xf32>
      %broadcast_in_dim3A_2116 = vector.broadcast %while3A_2102 : i32 to vector<256x1xi32>
      %select_n3A_2117 = arith.select %lt3A_2115, %broadcast_in_dim3A_2116, %while3A_2104 : vector<256x1xi1>, vector<256x1xi32>
      scf.yield %min3A, %select_n3A_2117 : vector<256x1xf32>, vector<256x1xi32>
    }
    %while3A_1938 = arith.constant 1 : i32
    %while3A_1939:2 = scf.for %while3A_2102 = %while3A_1935 to %while3A_1931 step %while3A_1938 iter_args(%while3A_2103 = %while3A_1937#0, %while3A_2104 = %while3A_1937#1) -> (vector<256x1xf32>, vector<256x1xi32>)  : i32 {
      %mul3A_2105 = arith.constant 1024 : i32
      %mul3A_2106 = arith.muli %while3A_2102, %mul3A_2105 : i32
      %multiple_of3A = tpu.assume_multiple %mul3A_2106, 1024 : i32
      %get3A_2107 = arith.constant 0 : index
      %get3A_2108 = arith.index_cast %multiple_of3A : i32 to index
      %get3A_2109 = vector.load %arg7[%get3A_2107, %get3A_2108] : memref<256x10240xf32, #tpu.memory_space<vmem>>, vector<256x1024xf32>
      %gt3A = vector.broadcast %while3A_1874#0 : vector<256x1xf32> to vector<256x1024xf32>
      %gt3A_2110 = arith.cmpf ogt, %get3A_2109, %gt3A : vector<256x1024xf32>
      %broadcast_in_dim3A_2111 = vector.broadcast %while3A_1928 : f32 to vector<256x1024xf32>
      %select_n3A_2112 = arith.select %gt3A_2110, %get3A_2109, %broadcast_in_dim3A_2111 : vector<256x1024xi1>, vector<256x1024xf32>
      %reduce_min3A = arith.constant dense<0x7F800000> : vector<256xf32>
      %reduce_min3A_2113 = vector.multi_reduction <minimumf>, %select_n3A_2112, %reduce_min3A [1] : vector<256x1024xf32> to vector<256xf32>
      %broadcast_in_dim3A_2114 = vector.shape_cast %reduce_min3A_2113 : vector<256xf32> to vector<256x1xf32>
      %lt3A_2115 = arith.cmpf olt, %broadcast_in_dim3A_2114, %while3A_2103 : vector<256x1xf32>
      %min3A = arith.minimumf %broadcast_in_dim3A_2114, %while3A_2103 : vector<256x1xf32>
      %broadcast_in_dim3A_2116 = vector.broadcast %while3A_2102 : i32 to vector<256x1xi32>
      %select_n3A_2117 = arith.select %lt3A_2115, %broadcast_in_dim3A_2116, %while3A_2104 : vector<256x1xi1>, vector<256x1xi32>
      scf.yield %min3A, %select_n3A_2117 : vector<256x1xf32>, vector<256x1xi32>
    }
    %lt3A_1940 = arith.constant 3.40282347E+38 : f32
    %lt3A_1941 = vector.broadcast %lt3A_1940 : f32 to vector<256x1xf32>
    %lt3A_1942 = arith.cmpf olt, %while3A_1939#0, %lt3A_1941 : vector<256x1xf32>
    %bitcast_convert_type3A_1943 = tpu.bitcast %while3A_1939#0 : vector<256x1xf32> -> vector<256x1xi32>
    %mul3A_1944 = arith.constant 1024 : i32
    %mul3A_1945 = vector.broadcast %mul3A_1944 : i32 to vector<256x1xi32>
    %mul3A_1946 = arith.muli %while3A_1939#1, %mul3A_1945 : vector<256x1xi32>
    %add3A_1947 = vector.broadcast %get3A_1 : i32 to vector<256x1xi32>
    %add3A_1948 = arith.addi %add3A_1947, %mul3A_1946 : vector<256x1xi32>
    %and3A_1949 = arith.constant 1023 : i32
    %and3A_1950 = vector.broadcast %and3A_1949 : i32 to vector<256x1xi32>
    %and3A_1951 = arith.andi %bitcast_convert_type3A_1943, %and3A_1950 : vector<256x1xi32>
    %add3A_1952 = arith.addi %add3A_1948, %and3A_1951 : vector<256x1xi32>
    %and3A_1953 = arith.constant -1024 : i32
    %and3A_1954 = vector.broadcast %and3A_1953 : i32 to vector<256x1xi32>
    %and3A_1955 = arith.andi %bitcast_convert_type3A_1943, %and3A_1954 : vector<256x1xi32>
    %bitcast_convert_type3A_1956 = tpu.bitcast %and3A_1955 : vector<256x1xi32> -> vector<256x1xf32>
    %select_n3A_1957 = arith.select %lt3A_1942, %add3A_1952, %add3A_18 : vector<256x1xi1>, vector<256x1xi32>
    %swap3A_1958 = arith.constant 0 : index
    %swap3A_1959 = arith.constant 29 : index
    %swap3A_1960 = vector.load %arg4[%swap3A_1958, %swap3A_1959] : memref<256x32xi32, #tpu.memory_space<vmem>>, vector<256x1xi32>
    tpu.vector_store %arg4[%swap3A_1958, %swap3A_1959], %select_n3A_1957 {strides = array<i32>} : memref<256x32xi32, #tpu.memory_space<vmem>>, vector<256x1xi32>,
    %jit3A_1961 = arith.constant 0.000000e+00 : f32
    %broadcast_in_dim3A_1962 = vector.broadcast %jit3A_1961 : f32 to vector<256x1xf32>
    %select_n3A_1963 = arith.select %lt3A_1942, %bitcast_convert_type3A_1956, %broadcast_in_dim3A_1962 : vector<256x1xi1>, vector<256x1xf32>
    %swap3A_1964 = arith.constant 0 : index
    %swap3A_1965 = arith.constant 29 : index
    %swap3A_1966 = vector.load %arg5[%swap3A_1964, %swap3A_1965] : memref<256x32xf32, #tpu.memory_space<vmem>>, vector<256x1xf32>
    tpu.vector_store %arg5[%swap3A_1964, %swap3A_1965], %select_n3A_1963 {strides = array<i32>} : memref<256x32xf32, #tpu.memory_space<vmem>>, vector<256x1xf32>,
    %convert_element_type3A_1967 = arith.extui %lt3A_1942 : vector<256x1xi1> to vector<256x1xi32>
    %convert_element_type3A_1968 = arith.sitofp %convert_element_type3A_1967 : vector<256x1xi32> to vector<256x1xf32>
    %swap3A_1969 = arith.constant 0 : index
    %swap3A_1970 = arith.constant 29 : index
    %swap3A_1971 = vector.load %arg6[%swap3A_1969, %swap3A_1970] : memref<256x32xf32, #tpu.memory_space<vmem>>, vector<256x1xf32>
    tpu.vector_store %arg6[%swap3A_1969, %swap3A_1970], %convert_element_type3A_1968 {strides = array<i32>} : memref<256x32xf32, #tpu.memory_space<vmem>>, vector<256x1xf32>,
    %eq3A_1972 = arith.constant 3.40282347E+38 : f32
    %eq3A_1973 = vector.broadcast %eq3A_1972 : f32 to vector<256x1xf32>
    %eq3A_1974 = arith.cmpf oeq, %while3A_1939#0, %eq3A_1973 : vector<256x1xf32>
    %reduce_and3A_1975 = arith.constant 1.000000e+00 : f32
    %reduce_and3A_1976 = arith.constant 0.000000e+00 : f32
    %reduce_and3A_1977 = vector.broadcast %reduce_and3A_1975 : f32 to vector<256x1xf32>
    %reduce_and3A_1978 = vector.broadcast %reduce_and3A_1976 : f32 to vector<256x1xf32>
    %reduce_and3A_1979 = arith.select %eq3A_1974, %reduce_and3A_1977, %reduce_and3A_1978 : vector<256x1xi1>, vector<256x1xf32>
    %reduce_and3A_1980 = vector.shape_cast %reduce_and3A_1979 : vector<256x1xf32> to vector<1x256x1xf32>
    %reduce_and3A_1981 = arith.constant dense<0x7F800000> : vector<1xf32>
    %reduce_and3A_1982 = vector.multi_reduction <minimumf>, %reduce_and3A_1980, %reduce_and3A_1981 [1, 2] : vector<1x256x1xf32> to vector<1xf32>
    %reduce_and3A_1983 = vector.shape_cast %reduce_and3A_1982 : vector<1xf32> to vector<1x1x1xf32>
    %reduce_and3A_1984 = vector.extract %reduce_and3A_1983[0, 0, 0] : f32 from vector<1x1x1xf32>
    %reduce_and3A_1985 = arith.constant 0.000000e+00 : f32
    %reduce_and3A_1986 = arith.cmpf ogt, %reduce_and3A_1984, %reduce_and3A_1985 : f32
    %jit3A_1987 = arith.constant 0 : i32
    %select_n3A_1988 = arith.select %reduce_and3A_1986, %jit3A_1987, %get3A_4 : i32
    %broadcast_in_dim3A_1989 = arith.constant 3.40282347E+38 : f32
    %broadcast_in_dim3A_1990 = vector.broadcast %broadcast_in_dim3A_1989 : f32 to vector<256x1xf32>
    %broadcast_in_dim3A_1991 = arith.constant 0 : i32
    %broadcast_in_dim3A_1992 = vector.broadcast %broadcast_in_dim3A_1991 : i32 to vector<256x1xi32>
    %while3A_1993 = arith.constant 3.40282347E+38 : f32
    %while3A_1994 = arith.constant 0 : i32
    %while3A_1995 = arith.subi %select_n3A_1988, %while3A_1994 : i32
    %while3A_1996 = arith.addi %while3A_1994, %while3A_1995 : i32
    %while3A_1997 = arith.constant 1 : i32
    %while3A_1998 = arith.divsi %while3A_1995, %while3A_1997 : i32
    %while3A_1999 = arith.muli %while3A_1998, %while3A_1997 : i32
    %while3A_2000 = arith.addi %while3A_1994, %while3A_1999 : i32
    %while3A_2001 = arith.constant 1 : i32
    %while3A_2002:2 = scf.for %while3A_2102 = %while3A_1994 to %while3A_2000 step %while3A_2001 iter_args(%while3A_2103 = %broadcast_in_dim3A_1990, %while3A_2104 = %broadcast_in_dim3A_1992) -> (vector<256x1xf32>, vector<256x1xi32>)  : i32 {
      %mul3A_2105 = arith.constant 1024 : i32
      %mul3A_2106 = arith.muli %while3A_2102, %mul3A_2105 : i32
      %multiple_of3A = tpu.assume_multiple %mul3A_2106, 1024 : i32
      %get3A_2107 = arith.constant 0 : index
      %get3A_2108 = arith.index_cast %multiple_of3A : i32 to index
      %get3A_2109 = vector.load %arg7[%get3A_2107, %get3A_2108] : memref<256x10240xf32, #tpu.memory_space<vmem>>, vector<256x1024xf32>
      %gt3A = vector.broadcast %while3A_1939#0 : vector<256x1xf32> to vector<256x1024xf32>
      %gt3A_2110 = arith.cmpf ogt, %get3A_2109, %gt3A : vector<256x1024xf32>
      %broadcast_in_dim3A_2111 = vector.broadcast %while3A_1993 : f32 to vector<256x1024xf32>
      %select_n3A_2112 = arith.select %gt3A_2110, %get3A_2109, %broadcast_in_dim3A_2111 : vector<256x1024xi1>, vector<256x1024xf32>
      %reduce_min3A = arith.constant dense<0x7F800000> : vector<256xf32>
      %reduce_min3A_2113 = vector.multi_reduction <minimumf>, %select_n3A_2112, %reduce_min3A [1] : vector<256x1024xf32> to vector<256xf32>
      %broadcast_in_dim3A_2114 = vector.shape_cast %reduce_min3A_2113 : vector<256xf32> to vector<256x1xf32>
      %lt3A_2115 = arith.cmpf olt, %broadcast_in_dim3A_2114, %while3A_2103 : vector<256x1xf32>
      %min3A = arith.minimumf %broadcast_in_dim3A_2114, %while3A_2103 : vector<256x1xf32>
      %broadcast_in_dim3A_2116 = vector.broadcast %while3A_2102 : i32 to vector<256x1xi32>
      %select_n3A_2117 = arith.select %lt3A_2115, %broadcast_in_dim3A_2116, %while3A_2104 : vector<256x1xi1>, vector<256x1xi32>
      scf.yield %min3A, %select_n3A_2117 : vector<256x1xf32>, vector<256x1xi32>
    }
    %while3A_2003 = arith.constant 1 : i32
    %while3A_2004:2 = scf.for %while3A_2102 = %while3A_2000 to %while3A_1996 step %while3A_2003 iter_args(%while3A_2103 = %while3A_2002#0, %while3A_2104 = %while3A_2002#1) -> (vector<256x1xf32>, vector<256x1xi32>)  : i32 {
      %mul3A_2105 = arith.constant 1024 : i32
      %mul3A_2106 = arith.muli %while3A_2102, %mul3A_2105 : i32
      %multiple_of3A = tpu.assume_multiple %mul3A_2106, 1024 : i32
      %get3A_2107 = arith.constant 0 : index
      %get3A_2108 = arith.index_cast %multiple_of3A : i32 to index
      %get3A_2109 = vector.load %arg7[%get3A_2107, %get3A_2108] : memref<256x10240xf32, #tpu.memory_space<vmem>>, vector<256x1024xf32>
      %gt3A = vector.broadcast %while3A_1939#0 : vector<256x1xf32> to vector<256x1024xf32>
      %gt3A_2110 = arith.cmpf ogt, %get3A_2109, %gt3A : vector<256x1024xf32>
      %broadcast_in_dim3A_2111 = vector.broadcast %while3A_1993 : f32 to vector<256x1024xf32>
      %select_n3A_2112 = arith.select %gt3A_2110, %get3A_2109, %broadcast_in_dim3A_2111 : vector<256x1024xi1>, vector<256x1024xf32>
      %reduce_min3A = arith.constant dense<0x7F800000> : vector<256xf32>
      %reduce_min3A_2113 = vector.multi_reduction <minimumf>, %select_n3A_2112, %reduce_min3A [1] : vector<256x1024xf32> to vector<256xf32>
      %broadcast_in_dim3A_2114 = vector.shape_cast %reduce_min3A_2113 : vector<256xf32> to vector<256x1xf32>
      %lt3A_2115 = arith.cmpf olt, %broadcast_in_dim3A_2114, %while3A_2103 : vector<256x1xf32>
      %min3A = arith.minimumf %broadcast_in_dim3A_2114, %while3A_2103 : vector<256x1xf32>
      %broadcast_in_dim3A_2116 = vector.broadcast %while3A_2102 : i32 to vector<256x1xi32>
      %select_n3A_2117 = arith.select %lt3A_2115, %broadcast_in_dim3A_2116, %while3A_2104 : vector<256x1xi1>, vector<256x1xi32>
      scf.yield %min3A, %select_n3A_2117 : vector<256x1xf32>, vector<256x1xi32>
    }
    %lt3A_2005 = arith.constant 3.40282347E+38 : f32
    %lt3A_2006 = vector.broadcast %lt3A_2005 : f32 to vector<256x1xf32>
    %lt3A_2007 = arith.cmpf olt, %while3A_2004#0, %lt3A_2006 : vector<256x1xf32>
    %bitcast_convert_type3A_2008 = tpu.bitcast %while3A_2004#0 : vector<256x1xf32> -> vector<256x1xi32>
    %mul3A_2009 = arith.constant 1024 : i32
    %mul3A_2010 = vector.broadcast %mul3A_2009 : i32 to vector<256x1xi32>
    %mul3A_2011 = arith.muli %while3A_2004#1, %mul3A_2010 : vector<256x1xi32>
    %add3A_2012 = vector.broadcast %get3A_1 : i32 to vector<256x1xi32>
    %add3A_2013 = arith.addi %add3A_2012, %mul3A_2011 : vector<256x1xi32>
    %and3A_2014 = arith.constant 1023 : i32
    %and3A_2015 = vector.broadcast %and3A_2014 : i32 to vector<256x1xi32>
    %and3A_2016 = arith.andi %bitcast_convert_type3A_2008, %and3A_2015 : vector<256x1xi32>
    %add3A_2017 = arith.addi %add3A_2013, %and3A_2016 : vector<256x1xi32>
    %and3A_2018 = arith.constant -1024 : i32
    %and3A_2019 = vector.broadcast %and3A_2018 : i32 to vector<256x1xi32>
    %and3A_2020 = arith.andi %bitcast_convert_type3A_2008, %and3A_2019 : vector<256x1xi32>
    %bitcast_convert_type3A_2021 = tpu.bitcast %and3A_2020 : vector<256x1xi32> -> vector<256x1xf32>
    %select_n3A_2022 = arith.select %lt3A_2007, %add3A_2017, %add3A_18 : vector<256x1xi1>, vector<256x1xi32>
    %swap3A_2023 = arith.constant 0 : index
    %swap3A_2024 = arith.constant 30 : index
    %swap3A_2025 = vector.load %arg4[%swap3A_2023, %swap3A_2024] : memref<256x32xi32, #tpu.memory_space<vmem>>, vector<256x1xi32>
    tpu.vector_store %arg4[%swap3A_2023, %swap3A_2024], %select_n3A_2022 {strides = array<i32>} : memref<256x32xi32, #tpu.memory_space<vmem>>, vector<256x1xi32>,
    %jit3A_2026 = arith.constant 0.000000e+00 : f32
    %broadcast_in_dim3A_2027 = vector.broadcast %jit3A_2026 : f32 to vector<256x1xf32>
    %select_n3A_2028 = arith.select %lt3A_2007, %bitcast_convert_type3A_2021, %broadcast_in_dim3A_2027 : vector<256x1xi1>, vector<256x1xf32>
    %swap3A_2029 = arith.constant 0 : index
    %swap3A_2030 = arith.constant 30 : index
    %swap3A_2031 = vector.load %arg5[%swap3A_2029, %swap3A_2030] : memref<256x32xf32, #tpu.memory_space<vmem>>, vector<256x1xf32>
    tpu.vector_store %arg5[%swap3A_2029, %swap3A_2030], %select_n3A_2028 {strides = array<i32>} : memref<256x32xf32, #tpu.memory_space<vmem>>, vector<256x1xf32>,
    %convert_element_type3A_2032 = arith.extui %lt3A_2007 : vector<256x1xi1> to vector<256x1xi32>
    %convert_element_type3A_2033 = arith.sitofp %convert_element_type3A_2032 : vector<256x1xi32> to vector<256x1xf32>
    %swap3A_2034 = arith.constant 0 : index
    %swap3A_2035 = arith.constant 30 : index
    %swap3A_2036 = vector.load %arg6[%swap3A_2034, %swap3A_2035] : memref<256x32xf32, #tpu.memory_space<vmem>>, vector<256x1xf32>
    tpu.vector_store %arg6[%swap3A_2034, %swap3A_2035], %convert_element_type3A_2033 {strides = array<i32>} : memref<256x32xf32, #tpu.memory_space<vmem>>, vector<256x1xf32>,
    %eq3A_2037 = arith.constant 3.40282347E+38 : f32
    %eq3A_2038 = vector.broadcast %eq3A_2037 : f32 to vector<256x1xf32>
    %eq3A_2039 = arith.cmpf oeq, %while3A_2004#0, %eq3A_2038 : vector<256x1xf32>
    %reduce_and3A_2040 = arith.constant 1.000000e+00 : f32
    %reduce_and3A_2041 = arith.constant 0.000000e+00 : f32
    %reduce_and3A_2042 = vector.broadcast %reduce_and3A_2040 : f32 to vector<256x1xf32>
    %reduce_and3A_2043 = vector.broadcast %reduce_and3A_2041 : f32 to vector<256x1xf32>
    %reduce_and3A_2044 = arith.select %eq3A_2039, %reduce_and3A_2042, %reduce_and3A_2043 : vector<256x1xi1>, vector<256x1xf32>
    %reduce_and3A_2045 = vector.shape_cast %reduce_and3A_2044 : vector<256x1xf32> to vector<1x256x1xf32>
    %reduce_and3A_2046 = arith.constant dense<0x7F800000> : vector<1xf32>
    %reduce_and3A_2047 = vector.multi_reduction <minimumf>, %reduce_and3A_2045, %reduce_and3A_2046 [1, 2] : vector<1x256x1xf32> to vector<1xf32>
    %reduce_and3A_2048 = vector.shape_cast %reduce_and3A_2047 : vector<1xf32> to vector<1x1x1xf32>
    %reduce_and3A_2049 = vector.extract %reduce_and3A_2048[0, 0, 0] : f32 from vector<1x1x1xf32>
    %reduce_and3A_2050 = arith.constant 0.000000e+00 : f32
    %reduce_and3A_2051 = arith.cmpf ogt, %reduce_and3A_2049, %reduce_and3A_2050 : f32
    %jit3A_2052 = arith.constant 0 : i32
    %select_n3A_2053 = arith.select %reduce_and3A_2051, %jit3A_2052, %get3A_4 : i32
    %broadcast_in_dim3A_2054 = arith.constant 3.40282347E+38 : f32
    %broadcast_in_dim3A_2055 = vector.broadcast %broadcast_in_dim3A_2054 : f32 to vector<256x1xf32>
    %broadcast_in_dim3A_2056 = arith.constant 0 : i32
    %broadcast_in_dim3A_2057 = vector.broadcast %broadcast_in_dim3A_2056 : i32 to vector<256x1xi32>
    %while3A_2058 = arith.constant 3.40282347E+38 : f32
    %while3A_2059 = arith.constant 0 : i32
    %while3A_2060 = arith.subi %select_n3A_2053, %while3A_2059 : i32
    %while3A_2061 = arith.addi %while3A_2059, %while3A_2060 : i32
    %while3A_2062 = arith.constant 1 : i32
    %while3A_2063 = arith.divsi %while3A_2060, %while3A_2062 : i32
    %while3A_2064 = arith.muli %while3A_2063, %while3A_2062 : i32
    %while3A_2065 = arith.addi %while3A_2059, %while3A_2064 : i32
    %while3A_2066 = arith.constant 1 : i32
    %while3A_2067:2 = scf.for %while3A_2102 = %while3A_2059 to %while3A_2065 step %while3A_2066 iter_args(%while3A_2103 = %broadcast_in_dim3A_2055, %while3A_2104 = %broadcast_in_dim3A_2057) -> (vector<256x1xf32>, vector<256x1xi32>)  : i32 {
      %mul3A_2105 = arith.constant 1024 : i32
      %mul3A_2106 = arith.muli %while3A_2102, %mul3A_2105 : i32
      %multiple_of3A = tpu.assume_multiple %mul3A_2106, 1024 : i32
      %get3A_2107 = arith.constant 0 : index
      %get3A_2108 = arith.index_cast %multiple_of3A : i32 to index
      %get3A_2109 = vector.load %arg7[%get3A_2107, %get3A_2108] : memref<256x10240xf32, #tpu.memory_space<vmem>>, vector<256x1024xf32>
      %gt3A = vector.broadcast %while3A_2004#0 : vector<256x1xf32> to vector<256x1024xf32>
      %gt3A_2110 = arith.cmpf ogt, %get3A_2109, %gt3A : vector<256x1024xf32>
      %broadcast_in_dim3A_2111 = vector.broadcast %while3A_2058 : f32 to vector<256x1024xf32>
      %select_n3A_2112 = arith.select %gt3A_2110, %get3A_2109, %broadcast_in_dim3A_2111 : vector<256x1024xi1>, vector<256x1024xf32>
      %reduce_min3A = arith.constant dense<0x7F800000> : vector<256xf32>
      %reduce_min3A_2113 = vector.multi_reduction <minimumf>, %select_n3A_2112, %reduce_min3A [1] : vector<256x1024xf32> to vector<256xf32>
      %broadcast_in_dim3A_2114 = vector.shape_cast %reduce_min3A_2113 : vector<256xf32> to vector<256x1xf32>
      %lt3A_2115 = arith.cmpf olt, %broadcast_in_dim3A_2114, %while3A_2103 : vector<256x1xf32>
      %min3A = arith.minimumf %broadcast_in_dim3A_2114, %while3A_2103 : vector<256x1xf32>
      %broadcast_in_dim3A_2116 = vector.broadcast %while3A_2102 : i32 to vector<256x1xi32>
      %select_n3A_2117 = arith.select %lt3A_2115, %broadcast_in_dim3A_2116, %while3A_2104 : vector<256x1xi1>, vector<256x1xi32>
      scf.yield %min3A, %select_n3A_2117 : vector<256x1xf32>, vector<256x1xi32>
    }
    %while3A_2068 = arith.constant 1 : i32
    %while3A_2069:2 = scf.for %while3A_2102 = %while3A_2065 to %while3A_2061 step %while3A_2068 iter_args(%while3A_2103 = %while3A_2067#0, %while3A_2104 = %while3A_2067#1) -> (vector<256x1xf32>, vector<256x1xi32>)  : i32 {
      %mul3A_2105 = arith.constant 1024 : i32
      %mul3A_2106 = arith.muli %while3A_2102, %mul3A_2105 : i32
      %multiple_of3A = tpu.assume_multiple %mul3A_2106, 1024 : i32
      %get3A_2107 = arith.constant 0 : index
      %get3A_2108 = arith.index_cast %multiple_of3A : i32 to index
      %get3A_2109 = vector.load %arg7[%get3A_2107, %get3A_2108] : memref<256x10240xf32, #tpu.memory_space<vmem>>, vector<256x1024xf32>
      %gt3A = vector.broadcast %while3A_2004#0 : vector<256x1xf32> to vector<256x1024xf32>
      %gt3A_2110 = arith.cmpf ogt, %get3A_2109, %gt3A : vector<256x1024xf32>
      %broadcast_in_dim3A_2111 = vector.broadcast %while3A_2058 : f32 to vector<256x1024xf32>
      %select_n3A_2112 = arith.select %gt3A_2110, %get3A_2109, %broadcast_in_dim3A_2111 : vector<256x1024xi1>, vector<256x1024xf32>
      %reduce_min3A = arith.constant dense<0x7F800000> : vector<256xf32>
      %reduce_min3A_2113 = vector.multi_reduction <minimumf>, %select_n3A_2112, %reduce_min3A [1] : vector<256x1024xf32> to vector<256xf32>
      %broadcast_in_dim3A_2114 = vector.shape_cast %reduce_min3A_2113 : vector<256xf32> to vector<256x1xf32>
      %lt3A_2115 = arith.cmpf olt, %broadcast_in_dim3A_2114, %while3A_2103 : vector<256x1xf32>
      %min3A = arith.minimumf %broadcast_in_dim3A_2114, %while3A_2103 : vector<256x1xf32>
      %broadcast_in_dim3A_2116 = vector.broadcast %while3A_2102 : i32 to vector<256x1xi32>
      %select_n3A_2117 = arith.select %lt3A_2115, %broadcast_in_dim3A_2116, %while3A_2104 : vector<256x1xi1>, vector<256x1xi32>
      scf.yield %min3A, %select_n3A_2117 : vector<256x1xf32>, vector<256x1xi32>
    }
    %lt3A_2070 = arith.constant 3.40282347E+38 : f32
    %lt3A_2071 = vector.broadcast %lt3A_2070 : f32 to vector<256x1xf32>
    %lt3A_2072 = arith.cmpf olt, %while3A_2069#0, %lt3A_2071 : vector<256x1xf32>
    %bitcast_convert_type3A_2073 = tpu.bitcast %while3A_2069#0 : vector<256x1xf32> -> vector<256x1xi32>
    %mul3A_2074 = arith.constant 1024 : i32
    %mul3A_2075 = vector.broadcast %mul3A_2074 : i32 to vector<256x1xi32>
    %mul3A_2076 = arith.muli %while3A_2069#1, %mul3A_2075 : vector<256x1xi32>
    %add3A_2077 = vector.broadcast %get3A_1 : i32 to vector<256x1xi32>
    %add3A_2078 = arith.addi %add3A_2077, %mul3A_2076 : vector<256x1xi32>
    %and3A_2079 = arith.constant 1023 : i32
    %and3A_2080 = vector.broadcast %and3A_2079 : i32 to vector<256x1xi32>
    %and3A_2081 = arith.andi %bitcast_convert_type3A_2073, %and3A_2080 : vector<256x1xi32>
    %add3A_2082 = arith.addi %add3A_2078, %and3A_2081 : vector<256x1xi32>
    %and3A_2083 = arith.constant -1024 : i32
    %and3A_2084 = vector.broadcast %and3A_2083 : i32 to vector<256x1xi32>
    %and3A_2085 = arith.andi %bitcast_convert_type3A_2073, %and3A_2084 : vector<256x1xi32>
    %bitcast_convert_type3A_2086 = tpu.bitcast %and3A_2085 : vector<256x1xi32> -> vector<256x1xf32>
    %select_n3A_2087 = arith.select %lt3A_2072, %add3A_2082, %add3A_18 : vector<256x1xi1>, vector<256x1xi32>
    %swap3A_2088 = arith.constant 0 : index
    %swap3A_2089 = arith.constant 31 : index
    %swap3A_2090 = vector.load %arg4[%swap3A_2088, %swap3A_2089] : memref<256x32xi32, #tpu.memory_space<vmem>>, vector<256x1xi32>
    tpu.vector_store %arg4[%swap3A_2088, %swap3A_2089], %select_n3A_2087 {strides = array<i32>} : memref<256x32xi32, #tpu.memory_space<vmem>>, vector<256x1xi32>,
    %jit3A_2091 = arith.constant 0.000000e+00 : f32
    %broadcast_in_dim3A_2092 = vector.broadcast %jit3A_2091 : f32 to vector<256x1xf32>
    %select_n3A_2093 = arith.select %lt3A_2072, %bitcast_convert_type3A_2086, %broadcast_in_dim3A_2092 : vector<256x1xi1>, vector<256x1xf32>
    %swap3A_2094 = arith.constant 0 : index
    %swap3A_2095 = arith.constant 31 : index
    %swap3A_2096 = vector.load %arg5[%swap3A_2094, %swap3A_2095] : memref<256x32xf32, #tpu.memory_space<vmem>>, vector<256x1xf32>
    tpu.vector_store %arg5[%swap3A_2094, %swap3A_2095], %select_n3A_2093 {strides = array<i32>} : memref<256x32xf32, #tpu.memory_space<vmem>>, vector<256x1xf32>,
    %convert_element_type3A_2097 = arith.extui %lt3A_2072 : vector<256x1xi1> to vector<256x1xi32>
    %convert_element_type3A_2098 = arith.sitofp %convert_element_type3A_2097 : vector<256x1xi32> to vector<256x1xf32>
    %swap3A_2099 = arith.constant 0 : index
    %swap3A_2100 = arith.constant 31 : index
    %swap3A_2101 = vector.load %arg6[%swap3A_2099, %swap3A_2100] : memref<256x32xf32, #tpu.memory_space<vmem>>, vector<256x1xf32>
    tpu.vector_store %arg6[%swap3A_2099, %swap3A_2100], %convert_element_type3A_2098 {strides = array<i32>} : memref<256x32xf32, #tpu.memory_space<vmem>>, vector<256x1xf32>,
    return
  }
  func.func @transform_0(%arg0: i32) -> (i32, i32) {
    %c0_i32 = arith.constant 0 : i32
    %c0_i32_0 = arith.constant 0 : i32
    %c0_i32_1 = arith.constant 0 : i32
    return %c0_i32, %c0_i32_0 : i32, i32
  }
  func.func @transform_1(%arg0: i32) -> (i32, i32) {
    %c0_i32 = arith.constant 0 : i32
    %c0_i32_0 = arith.constant 0 : i32
    return %arg0, %c0_i32 : i32, i32
  }
  func.func @transform_2(%arg0: i32) -> (i32, i32) {
    %c0_i32 = arith.constant 0 : i32
    %c0_i32_0 = arith.constant 0 : i32
    %c0_i32_1 = arith.constant 0 : i32
    return %c0_i32, %c0_i32_0 : i32, i32
  }
  func.func @transform_3(%arg0: i32) -> (i32, i32) {
    %c0_i32 = arith.constant 0 : i32
    %c0_i32_0 = arith.constant 0 : i32
    return %arg0, %c0_i32 : i32, i32
  }
  func.func @transform_4(%arg0: i32) -> (i32, i32) {
    %c0_i32 = arith.constant 0 : i32
    %c0_i32_0 = arith.constant 0 : i32
    return %arg0, %c0_i32 : i32, i32
  }
  func.func @transform_5(%arg0: i32) -> (i32, i32) {
    %c0_i32 = arith.constant 0 : i32
    %c0_i32_0 = arith.constant 0 : i32
    return %arg0, %c0_i32 : i32, i32
  }
}

module attributes {stable_mosaic.version = 14 : i64} {
  func.func @_lin_body(%arg0: i32, %arg1: memref<512x128xf32, #tpu.memory_space<vmem>>, %arg2: memref<128x128xf32, #tpu.memory_space<vmem>>, %arg3: memref<1x128xf32, #tpu.memory_space<vmem>>, %arg4: memref<512x128xf32, #tpu.memory_space<vmem>>) attributes {dimension_semantics = [#tpu.dimension_semantics<arbitrary>], iteration_bounds = array<i64: 20>, scalar_prefetch = 0 : i64, scratch_operands = 0 : i64, tpu.core_type = #tpu.core_type<tc>, window_params = [{transform_indices = @transform_0, window_bounds = array<i64: 512, 128>}, {pipeline_mode = #tpu.pipeline_mode<synchronous>, transform_indices = @transform_1, window_bounds = array<i64: 128, 128>}, {pipeline_mode = #tpu.pipeline_mode<synchronous>, transform_indices = @transform_2, window_bounds = array<i64: 1, 128>}, {transform_indices = @transform_3, window_bounds = array<i64: 512, 128>}]} {
    %get3A = arith.constant 0 : index
    %get3A_0 = arith.constant 0 : index
    %get3A_1 = vector.load %arg1[%get3A, %get3A_0] : memref<512x128xf32, #tpu.memory_space<vmem>>, vector<512x128xf32>
    %get3A_2 = arith.constant 0 : index
    %get3A_3 = arith.constant 0 : index
    %get3A_4 = vector.load %arg2[%get3A_2, %get3A_3] : memref<128x128xf32, #tpu.memory_space<vmem>>, vector<128x128xf32>
    %dot_general3A = arith.constant dense<0.000000e+00> : vector<512x128xf32>
    %dot_general3A_5 = tpu.matmul %get3A_1, %get3A_4, %dot_general3A {dimension_numbers = #tpu.dot_dimension_numbers<[1], [0], [0], [1], [0, 0, 1, 1], [], []>, transpose_lhs_hint = false} : vector<512x128xf32>, vector<128x128xf32>, vector<512x128xf32> -> vector<512x128xf32>
    %get3A_6 = arith.constant 0 : index
    %get3A_7 = arith.constant 0 : index
    %get3A_8 = vector.load %arg3[%get3A_6, %get3A_7] : memref<1x128xf32, #tpu.memory_space<vmem>>, vector<1x128xf32>
    %add3A = vector.broadcast %get3A_8 : vector<1x128xf32> to vector<512x128xf32>
    %add3A_9 = arith.addf %dot_general3A_5, %add3A : vector<512x128xf32>
    %swap3A = arith.constant 0 : index
    %swap3A_10 = arith.constant 0 : index
    %swap3A_11 = vector.load %arg4[%swap3A, %swap3A_10] : memref<512x128xf32, #tpu.memory_space<vmem>>, vector<512x128xf32>
    tpu.vector_store %arg4[%swap3A, %swap3A_10], %add3A_9 {strides = array<i32>} : memref<512x128xf32, #tpu.memory_space<vmem>>, vector<512x128xf32>,
    return
  }
  func.func @transform_0(%arg0: i32) -> (i32, i32) {
    %c0_i32 = arith.constant 0 : i32
    %c0_i32_0 = arith.constant 0 : i32
    return %arg0, %c0_i32 : i32, i32
  }
  func.func @transform_1(%arg0: i32) -> (i32, i32) {
    %c0_i32 = arith.constant 0 : i32
    %c0_i32_0 = arith.constant 0 : i32
    %c0_i32_1 = arith.constant 0 : i32
    return %c0_i32, %c0_i32_0 : i32, i32
  }
  func.func @transform_2(%arg0: i32) -> (i32, i32) {
    %c0_i32 = arith.constant 0 : i32
    %c0_i32_0 = arith.constant 0 : i32
    %c0_i32_1 = arith.constant 0 : i32
    return %c0_i32, %c0_i32_0 : i32, i32
  }
  func.func @transform_3(%arg0: i32) -> (i32, i32) {
    %c0_i32 = arith.constant 0 : i32
    %c0_i32_0 = arith.constant 0 : i32
    return %arg0, %c0_i32 : i32, i32
  }
}

module attributes {stable_mosaic.version = 14 : i64} {
  func.func @_ab_body(%arg0: i32, %arg1: memref<512x128xf32, #tpu.memory_space<vmem>>, %arg2: memref<128x128xf32, #tpu.memory_space<vmem>>, %arg3: memref<128x128xf32, #tpu.memory_space<vmem>>, %arg4: memref<1x128xf32, #tpu.memory_space<vmem>>, %arg5: memref<512x128xf32, #tpu.memory_space<vmem>>, %arg6: memref<512x128xf32, #tpu.memory_space<vmem>>) attributes {dimension_semantics = [#tpu.dimension_semantics<arbitrary>], iteration_bounds = array<i64: 20>, scalar_prefetch = 0 : i64, scratch_operands = 0 : i64, tpu.core_type = #tpu.core_type<tc>, window_params = [{transform_indices = @transform_0, window_bounds = array<i64: 512, 128>}, {pipeline_mode = #tpu.pipeline_mode<synchronous>, transform_indices = @transform_1, window_bounds = array<i64: 128, 128>}, {pipeline_mode = #tpu.pipeline_mode<synchronous>, transform_indices = @transform_2, window_bounds = array<i64: 128, 128>}, {pipeline_mode = #tpu.pipeline_mode<synchronous>, transform_indices = @transform_3, window_bounds = array<i64: 1, 128>}, {transform_indices = @transform_4, window_bounds = array<i64: 512, 128>}, {transform_indices = @transform_5, window_bounds = array<i64: 512, 128>}]} {
    %get3A = arith.constant 0 : index
    %get3A_0 = arith.constant 0 : index
    %get3A_1 = vector.load %arg1[%get3A, %get3A_0] : memref<512x128xf32, #tpu.memory_space<vmem>>, vector<512x128xf32>
    %get3A_2 = arith.constant 0 : index
    %get3A_3 = arith.constant 0 : index
    %get3A_4 = vector.load %arg2[%get3A_2, %get3A_3] : memref<128x128xf32, #tpu.memory_space<vmem>>, vector<128x128xf32>
    %dot_general3A = arith.constant dense<0.000000e+00> : vector<512x128xf32>
    %dot_general3A_5 = tpu.matmul %get3A_1, %get3A_4, %dot_general3A {dimension_numbers = #tpu.dot_dimension_numbers<[1], [0], [0], [1], [0, 0, 1, 1], [], []>, transpose_lhs_hint = false} : vector<512x128xf32>, vector<128x128xf32>, vector<512x128xf32> -> vector<512x128xf32>
    %swap3A = arith.constant 0 : index
    %swap3A_6 = arith.constant 0 : index
    %swap3A_7 = vector.load %arg5[%swap3A, %swap3A_6] : memref<512x128xf32, #tpu.memory_space<vmem>>, vector<512x128xf32>
    tpu.vector_store %arg5[%swap3A, %swap3A_6], %dot_general3A_5 {strides = array<i32>} : memref<512x128xf32, #tpu.memory_space<vmem>>, vector<512x128xf32>,
    %get3A_8 = arith.constant 0 : index
    %get3A_9 = arith.constant 0 : index
    %get3A_10 = vector.load %arg3[%get3A_8, %get3A_9] : memref<128x128xf32, #tpu.memory_space<vmem>>, vector<128x128xf32>
    %dot_general3A_11 = arith.constant dense<0.000000e+00> : vector<512x128xf32>
    %dot_general3A_12 = tpu.matmul %get3A_1, %get3A_10, %dot_general3A_11 {dimension_numbers = #tpu.dot_dimension_numbers<[1], [0], [0], [1], [0, 0, 1, 1], [], []>, transpose_lhs_hint = false} : vector<512x128xf32>, vector<128x128xf32>, vector<512x128xf32> -> vector<512x128xf32>
    %get3A_13 = arith.constant 0 : index
    %get3A_14 = arith.constant 0 : index
    %get3A_15 = vector.load %arg4[%get3A_13, %get3A_14] : memref<1x128xf32, #tpu.memory_space<vmem>>, vector<1x128xf32>
    %add3A = vector.broadcast %get3A_15 : vector<1x128xf32> to vector<512x128xf32>
    %add3A_16 = arith.addf %dot_general3A_12, %add3A : vector<512x128xf32>
    %swap3A_17 = arith.constant 0 : index
    %swap3A_18 = arith.constant 0 : index
    %swap3A_19 = vector.load %arg6[%swap3A_17, %swap3A_18] : memref<512x128xf32, #tpu.memory_space<vmem>>, vector<512x128xf32>
    tpu.vector_store %arg6[%swap3A_17, %swap3A_18], %add3A_16 {strides = array<i32>} : memref<512x128xf32, #tpu.memory_space<vmem>>, vector<512x128xf32>,
    return
  }
  func.func @transform_0(%arg0: i32) -> (i32, i32) {
    %c0_i32 = arith.constant 0 : i32
    %c0_i32_0 = arith.constant 0 : i32
    return %arg0, %c0_i32 : i32, i32
  }
  func.func @transform_1(%arg0: i32) -> (i32, i32) {
    %c0_i32 = arith.constant 0 : i32
    %c0_i32_0 = arith.constant 0 : i32
    %c0_i32_1 = arith.constant 0 : i32
    return %c0_i32, %c0_i32_0 : i32, i32
  }
  func.func @transform_2(%arg0: i32) -> (i32, i32) {
    %c0_i32 = arith.constant 0 : i32
    %c0_i32_0 = arith.constant 0 : i32
    %c0_i32_1 = arith.constant 0 : i32
    return %c0_i32, %c0_i32_0 : i32, i32
  }
  func.func @transform_3(%arg0: i32) -> (i32, i32) {
    %c0_i32 = arith.constant 0 : i32
    %c0_i32_0 = arith.constant 0 : i32
    %c0_i32_1 = arith.constant 0 : i32
    return %c0_i32, %c0_i32_0 : i32, i32
  }
  func.func @transform_4(%arg0: i32) -> (i32, i32) {
    %c0_i32 = arith.constant 0 : i32
    %c0_i32_0 = arith.constant 0 : i32
    return %arg0, %c0_i32 : i32, i32
  }
  func.func @transform_5(%arg0: i32) -> (i32, i32) {
    %c0_i32 = arith.constant 0 : i32
    %c0_i32_0 = arith.constant 0 : i32
    return %arg0, %c0_i32 : i32, i32
  }
}

module attributes {stable_mosaic.version = 14 : i64} {
  func.func @_edge_body(%arg0: i32, %arg1: memref<32x256x128xf32, #tpu.memory_space<vmem>>, %arg2: memref<256x128xf32, #tpu.memory_space<vmem>>, %arg3: memref<256x128xf32, #tpu.memory_space<vmem>>, %arg4: memref<32x256xf32, #tpu.memory_space<vmem>>, %arg5: memref<32x256xf32, #tpu.memory_space<vmem>>, %arg6: memref<1x128xf32, #tpu.memory_space<vmem>>, %arg7: memref<128x128xf32, #tpu.memory_space<vmem>>, %arg8: memref<1x128xf32, #tpu.memory_space<vmem>>, %arg9: memref<128x128xf32, #tpu.memory_space<vmem>>, %arg10: memref<128x128xf32, #tpu.memory_space<vmem>>, %arg11: memref<1x128xf32, #tpu.memory_space<vmem>>, %arg12: memref<128x128xf32, #tpu.memory_space<vmem>>, %arg13: memref<1x128xf32, #tpu.memory_space<vmem>>, %arg14: memref<256x128xf32, #tpu.memory_space<vmem>>) attributes {dimension_semantics = [#tpu.dimension_semantics<arbitrary>], iteration_bounds = array<i64: 40>, scalar_prefetch = 0 : i64, scratch_operands = 0 : i64, tpu.core_type = #tpu.core_type<tc>, window_params = [{transform_indices = @transform_0, window_bounds = array<i64: 32, 256, 128>}, {transform_indices = @transform_1, window_bounds = array<i64: 256, 128>}, {transform_indices = @transform_2, window_bounds = array<i64: 256, 128>}, {transform_indices = @transform_3, window_bounds = array<i64: 32, 256>}, {transform_indices = @transform_4, window_bounds = array<i64: 32, 256>}, {pipeline_mode = #tpu.pipeline_mode<synchronous>, transform_indices = @transform_5, window_bounds = array<i64: 1, 128>}, {pipeline_mode = #tpu.pipeline_mode<synchronous>, transform_indices = @transform_6, window_bounds = array<i64: 128, 128>}, {pipeline_mode = #tpu.pipeline_mode<synchronous>, transform_indices = @transform_7, window_bounds = array<i64: 1, 128>}, {pipeline_mode = #tpu.pipeline_mode<synchronous>, transform_indices = @transform_8, window_bounds = array<i64: 128, 128>}, {pipeline_mode = #tpu.pipeline_mode<synchronous>, transform_indices = @transform_9, window_bounds = array<i64: 128, 128>}, {pipeline_mode = #tpu.pipeline_mode<synchronous>, transform_indices = @transform_10, window_bounds = array<i64: 1, 128>}, {pipeline_mode = #tpu.pipeline_mode<synchronous>, transform_indices = @transform_11, window_bounds = array<i64: 128, 128>}, {pipeline_mode = #tpu.pipeline_mode<synchronous>, transform_indices = @transform_12, window_bounds = array<i64: 1, 128>}, {transform_indices = @transform_13, window_bounds = array<i64: 256, 128>}]} {
    %get3A = arith.constant 0 : index
    %get3A_0 = arith.constant 0 : index
    %get3A_1 = vector.load %arg3[%get3A, %get3A_0] : memref<256x128xf32, #tpu.memory_space<vmem>>, vector<256x128xf32>
    %get3A_2 = arith.constant 0 : index
    %get3A_3 = arith.constant 0 : index
    %get3A_4 = vector.load %arg6[%get3A_2, %get3A_3] : memref<1x128xf32, #tpu.memory_space<vmem>>, vector<1x128xf32>
    %reshape3A = vector.shape_cast %get3A_4 : vector<1x128xf32> to vector<1x1x128xf32>
    %get3A_5 = arith.constant 0 : index
    %get3A_6 = arith.constant 0 : index
    %get3A_7 = arith.constant 0 : index
    %get3A_8 = vector.load %arg1[%get3A_5, %get3A_6, %get3A_7] : memref<32x256x128xf32, #tpu.memory_space<vmem>>, vector<32x256x128xf32>
    %broadcast_in_dim3A = vector.shape_cast %get3A_1 : vector<256x128xf32> to vector<1x256x128xf32>
    %add3A = vector.broadcast %broadcast_in_dim3A : vector<1x256x128xf32> to vector<32x256x128xf32>
    %add3A_9 = arith.addf %get3A_8, %add3A : vector<32x256x128xf32>
    %get3A_10 = arith.constant 0 : index
    %get3A_11 = arith.constant 0 : index
    %get3A_12 = vector.load %arg4[%get3A_10, %get3A_11] : memref<32x256xf32, #tpu.memory_space<vmem>>, vector<32x256xf32>
    %broadcast_in_dim3A_13 = vector.shape_cast %get3A_12 : vector<32x256xf32> to vector<32x256x1xf32>
    %mul3A = vector.broadcast %broadcast_in_dim3A_13 : vector<32x256x1xf32> to vector<32x256x128xf32>
    %mul3A_14 = vector.broadcast %reshape3A : vector<1x1x128xf32> to vector<32x256x128xf32>
    %mul3A_15 = arith.mulf %mul3A, %mul3A_14 : vector<32x256x128xf32>
    %add3A_16 = arith.addf %add3A_9, %mul3A_15 : vector<32x256x128xf32>
    %logistic3A = arith.negf %add3A_16 : vector<32x256x128xf32>
    %logistic3A_17 = math.exp %logistic3A : vector<32x256x128xf32>
    %logistic3A_18 = arith.constant 1.000000e+00 : f32
    %logistic3A_19 = vector.broadcast %logistic3A_18 : f32 to vector<32x256x128xf32>
    %logistic3A_20 = arith.addf %logistic3A_19, %logistic3A_17 : vector<32x256x128xf32>
    %logistic3A_21 = arith.divf %logistic3A_19, %logistic3A_20 : vector<32x256x128xf32>
    %mul3A_22 = arith.mulf %add3A_16, %logistic3A_21 : vector<32x256x128xf32>
    %reshape3A_23 = vector.shape_cast %mul3A_22 : vector<32x256x128xf32> to vector<8192x128xf32>
    %get3A_24 = arith.constant 0 : index
    %get3A_25 = arith.constant 0 : index
    %get3A_26 = vector.load %arg7[%get3A_24, %get3A_25] : memref<128x128xf32, #tpu.memory_space<vmem>>, vector<128x128xf32>
    %dot_general3A = arith.constant dense<0.000000e+00> : vector<8192x128xf32>
    %dot_general3A_27 = tpu.matmul %reshape3A_23, %get3A_26, %dot_general3A {dimension_numbers = #tpu.dot_dimension_numbers<[1], [0], [0], [1], [0, 0, 1, 1], [], []>, transpose_lhs_hint = false} : vector<8192x128xf32>, vector<128x128xf32>, vector<8192x128xf32> -> vector<8192x128xf32>
    %get3A_28 = arith.constant 0 : index
    %get3A_29 = arith.constant 0 : index
    %get3A_30 = vector.load %arg8[%get3A_28, %get3A_29] : memref<1x128xf32, #tpu.memory_space<vmem>>, vector<1x128xf32>
    %add3A_31 = vector.broadcast %get3A_30 : vector<1x128xf32> to vector<8192x128xf32>
    %add3A_32 = arith.addf %dot_general3A_27, %add3A_31 : vector<8192x128xf32>
    %logistic3A_33 = arith.negf %add3A_32 : vector<8192x128xf32>
    %logistic3A_34 = math.exp %logistic3A_33 : vector<8192x128xf32>
    %logistic3A_35 = arith.constant 1.000000e+00 : f32
    %logistic3A_36 = vector.broadcast %logistic3A_35 : f32 to vector<8192x128xf32>
    %logistic3A_37 = arith.addf %logistic3A_36, %logistic3A_34 : vector<8192x128xf32>
    %logistic3A_38 = arith.divf %logistic3A_36, %logistic3A_37 : vector<8192x128xf32>
    %mul3A_39 = arith.mulf %add3A_32, %logistic3A_38 : vector<8192x128xf32>
    %reshape3A_40 = vector.shape_cast %mul3A_39 : vector<8192x128xf32> to vector<32x256x128xf32>
    %get3A_41 = arith.constant 0 : index
    %get3A_42 = arith.constant 0 : index
    %get3A_43 = vector.load %arg5[%get3A_41, %get3A_42] : memref<32x256xf32, #tpu.memory_space<vmem>>, vector<32x256xf32>
    %broadcast_in_dim3A_44 = vector.shape_cast %get3A_43 : vector<32x256xf32> to vector<32x256x1xf32>
    %mul3A_45 = vector.broadcast %broadcast_in_dim3A_44 : vector<32x256x1xf32> to vector<32x256x128xf32>
    %mul3A_46 = arith.mulf %reshape3A_40, %mul3A_45 : vector<32x256x128xf32>
    %reduce_sum3A = arith.constant dense<0.000000e+00> : vector<256x128xf32>
    %reduce_sum3A_47 = vector.multi_reduction <add>, %mul3A_46, %reduce_sum3A [0] : vector<32x256x128xf32> to vector<256x128xf32>
    %get3A_48 = arith.constant 0 : index
    %get3A_49 = arith.constant 0 : index
    %get3A_50 = vector.load %arg2[%get3A_48, %get3A_49] : memref<256x128xf32, #tpu.memory_space<vmem>>, vector<256x128xf32>
    %get3A_51 = arith.constant 0 : index
    %get3A_52 = arith.constant 0 : index
    %get3A_53 = vector.load %arg9[%get3A_51, %get3A_52] : memref<128x128xf32, #tpu.memory_space<vmem>>, vector<128x128xf32>
    %dot_general3A_54 = arith.constant dense<0.000000e+00> : vector<256x128xf32>
    %dot_general3A_55 = tpu.matmul %get3A_50, %get3A_53, %dot_general3A_54 {dimension_numbers = #tpu.dot_dimension_numbers<[1], [0], [0], [1], [0, 0, 1, 1], [], []>, transpose_lhs_hint = false} : vector<256x128xf32>, vector<128x128xf32>, vector<256x128xf32> -> vector<256x128xf32>
    %get3A_56 = arith.constant 0 : index
    %get3A_57 = arith.constant 0 : index
    %get3A_58 = vector.load %arg10[%get3A_56, %get3A_57] : memref<128x128xf32, #tpu.memory_space<vmem>>, vector<128x128xf32>
    %dot_general3A_59 = arith.constant dense<0.000000e+00> : vector<256x128xf32>
    %dot_general3A_60 = tpu.matmul %reduce_sum3A_47, %get3A_58, %dot_general3A_59 {dimension_numbers = #tpu.dot_dimension_numbers<[1], [0], [0], [1], [0, 0, 1, 1], [], []>, transpose_lhs_hint = false} : vector<256x128xf32>, vector<128x128xf32>, vector<256x128xf32> -> vector<256x128xf32>
    %add3A_61 = arith.addf %dot_general3A_55, %dot_general3A_60 : vector<256x128xf32>
    %get3A_62 = arith.constant 0 : index
    %get3A_63 = arith.constant 0 : index
    %get3A_64 = vector.load %arg11[%get3A_62, %get3A_63] : memref<1x128xf32, #tpu.memory_space<vmem>>, vector<1x128xf32>
    %add3A_65 = vector.broadcast %get3A_64 : vector<1x128xf32> to vector<256x128xf32>
    %add3A_66 = arith.addf %add3A_61, %add3A_65 : vector<256x128xf32>
    %logistic3A_67 = arith.negf %add3A_66 : vector<256x128xf32>
    %logistic3A_68 = math.exp %logistic3A_67 : vector<256x128xf32>
    %logistic3A_69 = arith.constant 1.000000e+00 : f32
    %logistic3A_70 = vector.broadcast %logistic3A_69 : f32 to vector<256x128xf32>
    %logistic3A_71 = arith.addf %logistic3A_70, %logistic3A_68 : vector<256x128xf32>
    %logistic3A_72 = arith.divf %logistic3A_70, %logistic3A_71 : vector<256x128xf32>
    %mul3A_73 = arith.mulf %add3A_66, %logistic3A_72 : vector<256x128xf32>
    %get3A_74 = arith.constant 0 : index
    %get3A_75 = arith.constant 0 : index
    %get3A_76 = vector.load %arg12[%get3A_74, %get3A_75] : memref<128x128xf32, #tpu.memory_space<vmem>>, vector<128x128xf32>
    %dot_general3A_77 = arith.constant dense<0.000000e+00> : vector<256x128xf32>
    %dot_general3A_78 = tpu.matmul %mul3A_73, %get3A_76, %dot_general3A_77 {dimension_numbers = #tpu.dot_dimension_numbers<[1], [0], [0], [1], [0, 0, 1, 1], [], []>, transpose_lhs_hint = false} : vector<256x128xf32>, vector<128x128xf32>, vector<256x128xf32> -> vector<256x128xf32>
    %get3A_79 = arith.constant 0 : index
    %get3A_80 = arith.constant 0 : index
    %get3A_81 = vector.load %arg13[%get3A_79, %get3A_80] : memref<1x128xf32, #tpu.memory_space<vmem>>, vector<1x128xf32>
    %add3A_82 = vector.broadcast %get3A_81 : vector<1x128xf32> to vector<256x128xf32>
    %add3A_83 = arith.addf %dot_general3A_78, %add3A_82 : vector<256x128xf32>
    %add3A_84 = arith.addf %get3A_50, %add3A_83 : vector<256x128xf32>
    %swap3A = arith.constant 0 : index
    %swap3A_85 = arith.constant 0 : index
    %swap3A_86 = vector.load %arg14[%swap3A, %swap3A_85] : memref<256x128xf32, #tpu.memory_space<vmem>>, vector<256x128xf32>
    tpu.vector_store %arg14[%swap3A, %swap3A_85], %add3A_84 {strides = array<i32>} : memref<256x128xf32, #tpu.memory_space<vmem>>, vector<256x128xf32>,
    return
  }
  func.func @transform_0(%arg0: i32) -> (i32, i32, i32) {
    %c0_i32 = arith.constant 0 : i32
    %c0_i32_0 = arith.constant 0 : i32
    %c0_i32_1 = arith.constant 0 : i32
    return %c0_i32, %arg0, %c0_i32_0 : i32, i32, i32
  }
  func.func @transform_1(%arg0: i32) -> (i32, i32) {
    %c0_i32 = arith.constant 0 : i32
    %c0_i32_0 = arith.constant 0 : i32
    return %arg0, %c0_i32 : i32, i32
  }
  func.func @transform_2(%arg0: i32) -> (i32, i32) {
    %c0_i32 = arith.constant 0 : i32
    %c0_i32_0 = arith.constant 0 : i32
    return %arg0, %c0_i32 : i32, i32
  }
  func.func @transform_3(%arg0: i32) -> (i32, i32) {
    %c0_i32 = arith.constant 0 : i32
    %c0_i32_0 = arith.constant 0 : i32
    return %c0_i32, %arg0 : i32, i32
  }
  func.func @transform_4(%arg0: i32) -> (i32, i32) {
    %c0_i32 = arith.constant 0 : i32
    %c0_i32_0 = arith.constant 0 : i32
    return %c0_i32, %arg0 : i32, i32
  }
  func.func @transform_5(%arg0: i32) -> (i32, i32) {
    %c0_i32 = arith.constant 0 : i32
    %c0_i32_0 = arith.constant 0 : i32
    %c0_i32_1 = arith.constant 0 : i32
    return %c0_i32, %c0_i32_0 : i32, i32
  }
  func.func @transform_6(%arg0: i32) -> (i32, i32) {
    %c0_i32 = arith.constant 0 : i32
    %c0_i32_0 = arith.constant 0 : i32
    %c0_i32_1 = arith.constant 0 : i32
    return %c0_i32, %c0_i32_0 : i32, i32
  }
  func.func @transform_7(%arg0: i32) -> (i32, i32) {
    %c0_i32 = arith.constant 0 : i32
    %c0_i32_0 = arith.constant 0 : i32
    %c0_i32_1 = arith.constant 0 : i32
    return %c0_i32, %c0_i32_0 : i32, i32
  }
  func.func @transform_8(%arg0: i32) -> (i32, i32) {
    %c0_i32 = arith.constant 0 : i32
    %c0_i32_0 = arith.constant 0 : i32
    %c0_i32_1 = arith.constant 0 : i32
    return %c0_i32, %c0_i32_0 : i32, i32
  }
  func.func @transform_9(%arg0: i32) -> (i32, i32) {
    %c0_i32 = arith.constant 0 : i32
    %c0_i32_0 = arith.constant 0 : i32
    %c0_i32_1 = arith.constant 0 : i32
    return %c0_i32, %c0_i32_0 : i32, i32
  }
  func.func @transform_10(%arg0: i32) -> (i32, i32) {
    %c0_i32 = arith.constant 0 : i32
    %c0_i32_0 = arith.constant 0 : i32
    %c0_i32_1 = arith.constant 0 : i32
    return %c0_i32, %c0_i32_0 : i32, i32
  }
  func.func @transform_11(%arg0: i32) -> (i32, i32) {
    %c0_i32 = arith.constant 0 : i32
    %c0_i32_0 = arith.constant 0 : i32
    %c0_i32_1 = arith.constant 0 : i32
    return %c0_i32, %c0_i32_0 : i32, i32
  }
  func.func @transform_12(%arg0: i32) -> (i32, i32) {
    %c0_i32 = arith.constant 0 : i32
    %c0_i32_0 = arith.constant 0 : i32
    %c0_i32_1 = arith.constant 0 : i32
    return %c0_i32, %c0_i32_0 : i32, i32
  }
  func.func @transform_13(%arg0: i32) -> (i32, i32) {
    %c0_i32 = arith.constant 0 : i32
    %c0_i32_0 = arith.constant 0 : i32
    return %arg0, %c0_i32 : i32, i32
  }
}

module attributes {stable_mosaic.version = 14 : i64} {
  func.func @_head_body(%arg0: i32, %arg1: memref<256x128xf32, #tpu.memory_space<vmem>>, %arg2: memref<256x1xi32, #tpu.memory_space<vmem>>, %arg3: memref<128x128xf32, #tpu.memory_space<vmem>>, %arg4: memref<1x128xf32, #tpu.memory_space<vmem>>, %arg5: memref<128x64xf32, #tpu.memory_space<vmem>>, %arg6: memref<1x64xf32, #tpu.memory_space<vmem>>, %arg7: memref<64x1xf32, #tpu.memory_space<vmem>>, %arg8: memref<1x1xf32, #tpu.memory_space<vmem>>, %arg9: memref<1x16xf32, #tpu.memory_space<vmem>>) attributes {dimension_semantics = [#tpu.dimension_semantics<arbitrary>], iteration_bounds = array<i64: 40>, scalar_prefetch = 0 : i64, scratch_operands = 0 : i64, tpu.core_type = #tpu.core_type<tc>, window_params = [{transform_indices = @transform_0, window_bounds = array<i64: 256, 128>}, {transform_indices = @transform_1, window_bounds = array<i64: 256, 1>}, {pipeline_mode = #tpu.pipeline_mode<synchronous>, transform_indices = @transform_2, window_bounds = array<i64: 128, 128>}, {pipeline_mode = #tpu.pipeline_mode<synchronous>, transform_indices = @transform_3, window_bounds = array<i64: 1, 128>}, {pipeline_mode = #tpu.pipeline_mode<synchronous>, transform_indices = @transform_4, window_bounds = array<i64: 128, 64>}, {pipeline_mode = #tpu.pipeline_mode<synchronous>, transform_indices = @transform_5, window_bounds = array<i64: 1, 64>}, {pipeline_mode = #tpu.pipeline_mode<synchronous>, transform_indices = @transform_6, window_bounds = array<i64: 64, 1>}, {pipeline_mode = #tpu.pipeline_mode<synchronous>, transform_indices = @transform_7, window_bounds = array<i64: 1, 1>}, {pipeline_mode = #tpu.pipeline_mode<synchronous>, transform_indices = @transform_8, window_bounds = array<i64: 1, 16>}]} {
    %eq3A = arith.constant 0 : i32
    %eq3A_0 = arith.cmpi eq, %arg0, %eq3A : i32
    %convert_element_type3A = arith.extui %eq3A_0 : i1 to i32
    %cond3A = arith.constant 0 : i32
    %cond3A_1 = arith.cmpi ne, %convert_element_type3A, %cond3A : i32
    scf.if %cond3A_1 {
      %broadcast_in_dim3A_54 = arith.constant 0.000000e+00 : f32
      %broadcast_in_dim3A_55 = vector.broadcast %broadcast_in_dim3A_54 : f32 to vector<1x16xf32>
      %swap3A_56 = arith.constant 0 : index
      %swap3A_57 = arith.constant 0 : index
      %swap3A_58 = vector.load %arg9[%swap3A_56, %swap3A_57] : memref<1x16xf32, #tpu.memory_space<vmem>>, vector<1x16xf32>
      tpu.vector_store %arg9[%swap3A_56, %swap3A_57], %broadcast_in_dim3A_55 {strides = array<i32>} : memref<1x16xf32, #tpu.memory_space<vmem>>, vector<1x16xf32>,
    } else {
    }
    %get3A = arith.constant 0 : index
    %get3A_2 = arith.constant 0 : index
    %get3A_3 = vector.load %arg1[%get3A, %get3A_2] : memref<256x128xf32, #tpu.memory_space<vmem>>, vector<256x128xf32>
    %get3A_4 = arith.constant 0 : index
    %get3A_5 = arith.constant 0 : index
    %get3A_6 = vector.load %arg3[%get3A_4, %get3A_5] : memref<128x128xf32, #tpu.memory_space<vmem>>, vector<128x128xf32>
    %dot_general3A = arith.constant dense<0.000000e+00> : vector<256x128xf32>
    %dot_general3A_7 = tpu.matmul %get3A_3, %get3A_6, %dot_general3A {dimension_numbers = #tpu.dot_dimension_numbers<[1], [0], [0], [1], [0, 0, 1, 1], [], []>, transpose_lhs_hint = false} : vector<256x128xf32>, vector<128x128xf32>, vector<256x128xf32> -> vector<256x128xf32>
    %get3A_8 = arith.constant 0 : index
    %get3A_9 = arith.constant 0 : index
    %get3A_10 = vector.load %arg4[%get3A_8, %get3A_9] : memref<1x128xf32, #tpu.memory_space<vmem>>, vector<1x128xf32>
    %add3A = vector.broadcast %get3A_10 : vector<1x128xf32> to vector<256x128xf32>
    %add3A_11 = arith.addf %dot_general3A_7, %add3A : vector<256x128xf32>
    %get3A_12 = arith.constant 0 : index
    %get3A_13 = arith.constant 0 : index
    %get3A_14 = vector.load %arg5[%get3A_12, %get3A_13] : memref<128x64xf32, #tpu.memory_space<vmem>>, vector<128x64xf32>
    %dot_general3A_15 = arith.constant dense<0.000000e+00> : vector<256x64xf32>
    %dot_general3A_16 = tpu.matmul %add3A_11, %get3A_14, %dot_general3A_15 {dimension_numbers = #tpu.dot_dimension_numbers<[1], [0], [0], [1], [0, 0, 1, 1], [], []>, transpose_lhs_hint = false} : vector<256x128xf32>, vector<128x64xf32>, vector<256x64xf32> -> vector<256x64xf32>
    %get3A_17 = arith.constant 0 : index
    %get3A_18 = arith.constant 0 : index
    %get3A_19 = vector.load %arg6[%get3A_17, %get3A_18] : memref<1x64xf32, #tpu.memory_space<vmem>>, vector<1x64xf32>
    %add3A_20 = vector.broadcast %get3A_19 : vector<1x64xf32> to vector<256x64xf32>
    %add3A_21 = arith.addf %dot_general3A_16, %add3A_20 : vector<256x64xf32>
    %logistic3A = arith.negf %add3A_21 : vector<256x64xf32>
    %logistic3A_22 = math.exp %logistic3A : vector<256x64xf32>
    %logistic3A_23 = arith.constant 1.000000e+00 : f32
    %logistic3A_24 = vector.broadcast %logistic3A_23 : f32 to vector<256x64xf32>
    %logistic3A_25 = arith.addf %logistic3A_24, %logistic3A_22 : vector<256x64xf32>
    %logistic3A_26 = arith.divf %logistic3A_24, %logistic3A_25 : vector<256x64xf32>
    %mul3A = arith.mulf %add3A_21, %logistic3A_26 : vector<256x64xf32>
    %get3A_27 = arith.constant 0 : index
    %get3A_28 = arith.constant 0 : index
    %get3A_29 = vector.load %arg7[%get3A_27, %get3A_28] : memref<64x1xf32, #tpu.memory_space<vmem>>, vector<64x1xf32>
    %dot_general3A_30 = arith.constant dense<0.000000e+00> : vector<256x1xf32>
    %dot_general3A_31 = tpu.matmul %mul3A, %get3A_29, %dot_general3A_30 {dimension_numbers = #tpu.dot_dimension_numbers<[1], [0], [0], [1], [0, 0, 1, 1], [], []>, transpose_lhs_hint = false} : vector<256x64xf32>, vector<64x1xf32>, vector<256x1xf32> -> vector<256x1xf32>
    %get3A_32 = arith.constant 0 : index
    %get3A_33 = arith.constant 0 : index
    %get3A_34 = vector.load %arg8[%get3A_32, %get3A_33] : memref<1x1xf32, #tpu.memory_space<vmem>>, vector<1x1xf32>
    %add3A_35 = vector.broadcast %get3A_34 : vector<1x1xf32> to vector<256x1xf32>
    %add3A_36 = arith.addf %dot_general3A_31, %add3A_35 : vector<256x1xf32>
    %iota3A = tpu.iota {dimensions = array<i32: 1>} : vector<1x16xi32>
    %get3A_37 = arith.constant 0 : index
    %get3A_38 = arith.constant 0 : index
    %get3A_39 = vector.load %arg2[%get3A_37, %get3A_38] : memref<256x1xi32, #tpu.memory_space<vmem>>, vector<256x1xi32>
    %eq3A_40 = vector.broadcast %get3A_39 : vector<256x1xi32> to vector<256x16xi32>
    %eq3A_41 = vector.broadcast %iota3A : vector<1x16xi32> to vector<256x16xi32>
    %eq3A_42 = arith.cmpi eq, %eq3A_40, %eq3A_41 : vector<256x16xi32>
    %convert_element_type3A_43 = arith.extui %eq3A_42 : vector<256x16xi1> to vector<256x16xi32>
    %convert_element_type3A_44 = arith.sitofp %convert_element_type3A_43 : vector<256x16xi32> to vector<256x16xf32>
    %get3A_45 = arith.constant 0 : index
    %get3A_46 = arith.constant 0 : index
    %get3A_47 = vector.load %arg9[%get3A_45, %get3A_46] : memref<1x16xf32, #tpu.memory_space<vmem>>, vector<1x16xf32>
    %mul3A_48 = vector.broadcast %add3A_36 : vector<256x1xf32> to vector<256x16xf32>
    %mul3A_49 = arith.mulf %convert_element_type3A_44, %mul3A_48 : vector<256x16xf32>
    %reduce_sum3A = arith.constant dense<0.000000e+00> : vector<16xf32>
    %reduce_sum3A_50 = vector.multi_reduction <add>, %mul3A_49, %reduce_sum3A [0] : vector<256x16xf32> to vector<16xf32>
    %broadcast_in_dim3A = vector.shape_cast %reduce_sum3A_50 : vector<16xf32> to vector<1x16xf32>
    %add3A_51 = arith.addf %get3A_47, %broadcast_in_dim3A : vector<1x16xf32>
    %swap3A = arith.constant 0 : index
    %swap3A_52 = arith.constant 0 : index
    %swap3A_53 = vector.load %arg9[%swap3A, %swap3A_52] : memref<1x16xf32, #tpu.memory_space<vmem>>, vector<1x16xf32>
    tpu.vector_store %arg9[%swap3A, %swap3A_52], %add3A_51 {strides = array<i32>} : memref<1x16xf32, #tpu.memory_space<vmem>>, vector<1x16xf32>,
    return
  }
  func.func @transform_0(%arg0: i32) -> (i32, i32) {
    %c0_i32 = arith.constant 0 : i32
    %c0_i32_0 = arith.constant 0 : i32
    return %arg0, %c0_i32 : i32, i32
  }
  func.func @transform_1(%arg0: i32) -> (i32, i32) {
    %c0_i32 = arith.constant 0 : i32
    %c0_i32_0 = arith.constant 0 : i32
    return %arg0, %c0_i32 : i32, i32
  }
  func.func @transform_2(%arg0: i32) -> (i32, i32) {
    %c0_i32 = arith.constant 0 : i32
    %c0_i32_0 = arith.constant 0 : i32
    %c0_i32_1 = arith.constant 0 : i32
    return %c0_i32, %c0_i32_0 : i32, i32
  }
  func.func @transform_3(%arg0: i32) -> (i32, i32) {
    %c0_i32 = arith.constant 0 : i32
    %c0_i32_0 = arith.constant 0 : i32
    %c0_i32_1 = arith.constant 0 : i32
    return %c0_i32, %c0_i32_0 : i32, i32
  }
  func.func @transform_4(%arg0: i32) -> (i32, i32) {
    %c0_i32 = arith.constant 0 : i32
    %c0_i32_0 = arith.constant 0 : i32
    %c0_i32_1 = arith.constant 0 : i32
    return %c0_i32, %c0_i32_0 : i32, i32
  }
  func.func @transform_5(%arg0: i32) -> (i32, i32) {
    %c0_i32 = arith.constant 0 : i32
    %c0_i32_0 = arith.constant 0 : i32
    %c0_i32_1 = arith.constant 0 : i32
    return %c0_i32, %c0_i32_0 : i32, i32
  }
  func.func @transform_6(%arg0: i32) -> (i32, i32) {
    %c0_i32 = arith.constant 0 : i32
    %c0_i32_0 = arith.constant 0 : i32
    %c0_i32_1 = arith.constant 0 : i32
    return %c0_i32, %c0_i32_0 : i32, i32
  }
  func.func @transform_7(%arg0: i32) -> (i32, i32) {
    %c0_i32 = arith.constant 0 : i32
    %c0_i32_0 = arith.constant 0 : i32
    %c0_i32_1 = arith.constant 0 : i32
    return %c0_i32, %c0_i32_0 : i32, i32
  }
  func.func @transform_8(%arg0: i32) -> (i32, i32) {
    %c0_i32 = arith.constant 0 : i32
    %c0_i32_0 = arith.constant 0 : i32
    %c0_i32_1 = arith.constant 0 : i32
    return %c0_i32, %c0_i32_0 : i32, i32
  }
}

</mosaic_0001>

<sc_bundles>
// kernel: kernel.11.cloned.1.call-start
scs
__scs_entry_jumppad:
0x0: {  	(pc) =	sbr.rel $0x88, $3  }
0x1: {  	(tag) =	ssettag $0x0;
	lr =	simm.s32 $0x1  }
0x2: {  	[smem:$0x3F8E] =	sst lr;
	_ =	strace $0xD0000000  }
0x3: {  	_ = 	snop  }
0x4: {  	_ = 	snop  }
0x5: {  	_ = 	snop  }
0x6: {  	_ = 	snop  }
0x7: {  	_ = 	snop  }
__scs_overlays_trampoline_lowered:
0x8: {  	[smem:$0x3F9D] =	sst s0  }
0x9: {  	[smem:$0x3F9E] =	sst s1  }
0xa: {  	[smem:$0x3F9F] =	sst s2  }
0xb: {  	[smem:$0x3FA0] =	sst s3  }
0xc: {  	[smem:$0x3FA1] =	sst s4  }
0xd: {  	[smem:$0x3FA2] =	sst s5  }
0xe: {  	[smem:$0x3FA3] =	sst s6  }
0xf: {  	[smem:$0x3FA4] =	sst s7  }
0x10: {  	[smem:$0x3FA5] =	sst s8  }
0x11: {  	[smem:$0x3FA6] =	sst s9;
	s0 =	simm.s32 @!p0 $0x0  }
0x12: {  	s1 =	sld [smem:$0x3F8C];
	s0 =	simm.s32 @p0 $0x1  }
0x13: {  	[smem:$0x3FA7] =	sst s0;
	s0 =	simm.s32 @!p1 $0x0  }
0x14: {  	s2 =	sld [smem:$0x3F8B];
	s0 =	simm.s32 @p1 $0x1  }
0x15: {  	[smem:$0x3FA8] =	sst s0;
	s0 =	simm.s32 @!p2 $0x0  }
0x16: {  	s3 =	sld [smem:$0x3FDB];
	s0 =	simm.s32 @p2 $0x1  }
0x17: {  	s4 =	simm.s32 $0x1BF5;
	[smem:$0x3FAA] =	sst s0  }
0x18: {  	s0 =	sld [smem:$0x3F8D];
	_ =	swait.ge [sflag:s4], $0x0  }
0x19: {  	s7 =	sld [smem:$0x3F8E]  }
0x1a: {  	s8 =	sadd.s32 $0xFFFFE003, lr  }
0x1b: {  	s9 =	sadd.s32 $0xFFFFFEF7, lr;
	s5 =	simm.s32 $0xFFFFFFFF;
	p2 =	slt.u32 s8, $0xFFFFF086  }
0x1c: {  	p1 =	slt.u32 s9, $0xF7A;
	s5 =	simm.s32 @!p2 $0x0  }
0x1d: {  	s5 =	simm.s32 @p1 $0x1;
	p0 =	seq.s32 s7, s2  }
0x1e: {  	s7 =	smul.u32 @!p0 $0xF7A, s2;
	p2 =	seq.s32 @!p0 s5, $0x0  }
0x1f: {  	s9 =	smul.u32 $0xF7A, s1;
	s8 =	simm.s32 @!p0 $0x1BF5;
	p2 =	por !p2, p0  }
0x20: {  	[sflag:s8] =	ssyncset.s32 @!p0 $0xFFFFF086;
	s6 =	sadd.s32 @!p0 s3, s7;
	s7 =	simm.s32 @!p0 $0x108  }
0x21: {  	s3 =	sadd.s32 s3, s9;
	s6 =	sadd.s32 @!p0 $0x88, s6;
	s7 =	simm.s32 @p2 $0x1082  }
0x22: {  	[simem:s7], [sflag:s8] =	dma.local @!p0 [hbm:s6], $0xF7A  }
0x23: {  	s9 =	sor.u32 $0xD0000000, s2;
	s6 =	simm.s32 $0x108;
	_ =	swait.ge @!p0 [sflag:s8], $0x0  }
0x24: {  	s3 =	sadd.s32 $0x88, s3;
	s6 =	simm.s32 @!p1 $0x1082;
	[sflag:s4] =	ssyncset.s32 $0xFFFFF086  }
0x25: {  	[simem:s6], [sflag:s4] =	dma.local [hbm:s3], $0xF7A  }
0x26: {  	[smem:$0x3F8E] =	sst s1;
	(tag) =	ssettag s2;
	_ =	strace s9  }
0x27: {  	s1 =	sld [smem:$0x3F9E]  }
0x28: {  	s2 =	sld [smem:$0x3F9F]  }
0x29: {  	s4 =	sld [smem:$0x3FA1]  }
0x2a: {  	p0 =	seq.s32 s5, $0x0;
	s5 =	sld [smem:$0x3FA2]  }
0x2b: {  	s6 =	sld [smem:$0x3FA3]  }
0x2c: {  	s7 =	sld [smem:$0x3FA4]  }
0x2d: {  	s3 =	simm.s32 $0x108;
	s8 =	sld [smem:$0x3FA5]  }
0x2e: {  	s3 =	simm.s32 @!p0 $0x1082;
	s9 =	sld [smem:$0x3FA6]  }
0x2f: {  	lr =	sadd.s32 s0, s3;
	s0 =	sld [smem:$0x3F9D]  }
0x30: {  	s3 =	sld [smem:$0x3FA0]  }
0x31: {  	[smem:$0x3FA9] =	sst s10  }
0x32: {  	s10 =	sld [smem:$0x3FA7];
	_ =	sdelay $0x3  }
0x33: {  	p0 =	seq.s32 s10, $0x1;
	s10 =	sld [smem:$0x3FA9];
	_ =	sdelay $0x3  }
0x34: {  	[smem:$0x3FA9] =	sst s10  }
0x35: {  	s10 =	sld [smem:$0x3FA8];
	_ =	sdelay $0x3  }
0x36: {  	p1 =	seq.s32 s10, $0x1;
	s10 =	sld [smem:$0x3FA9];
	_ =	sdelay $0x3  }
0x37: {  	[smem:$0x3FA9] =	sst s10  }
0x38: {  	s10 =	sld [smem:$0x3FAA]  }
0x39: {  	_ = 	snop;
	(pc) =	sbr.ind lr, $3  }
0x3a: {  	_ = 	snop  }
0x3b: {  	_ = 	snop  }
0x3c: {  	p2 =	seq.s32 s10, $0x1;
	s10 =	sld [smem:$0x3FA9]  }
0x3d: {  	_ =	shalt  }
0x3e: {  	_ =	shalt  }
0x3f: {  	_ =	shalt  }
0x40: {  	_ =	shalt  }
0x41: {  	_ =	shalt  }
0x42: {  	_ =	shalt  }
0x43: {  	_ =	shalt  }
0x44: {  	_ =	shalt  }
0x45: {  	_ =	shalt  }
0x46: {  	_ =	shalt  }
0x47: {  	_ =	shalt  }
0x48: {  	_ =	shalt  }
0x49: {  	_ =	shalt  }
0x4a: {  	_ =	shalt  }
0x4b: {  	_ =	shalt  }
0x4c: {  	_ =	shalt  }
0x4d: {  	_ =	shalt  }
0x4e: {  	_ =	shalt  }
0x4f: {  	_ =	shalt  }
0x50: {  	_ =	shalt  }
0x51: {  	_ =	shalt  }
0x52: {  	_ =	shalt  }
0x53: {  	_ =	shalt  }
0x54: {  	_ =	shalt  }
0x55: {  	_ =	shalt  }
0x56: {  	_ =	shalt  }
0x57: {  	_ =	shalt  }
0x58: {  	_ =	shalt  }
0x59: {  	_ =	shalt  }
0x5a: {  	_ =	shalt  }
0x5b: {  	_ =	shalt  }
0x5c: {  	_ =	shalt  }
0x5d: {  	_ =	shalt  }
0x5e: {  	_ =	shalt  }
0x5f: {  	_ =	shalt  }
0x60: {  	_ =	shalt  }
0x61: {  	_ =	shalt  }
0x62: {  	_ =	shalt  }
0x63: {  	_ =	shalt  }
0x64: {  	_ =	shalt  }
0x65: {  	_ =	shalt  }
0x66: {  	_ =	shalt  }
0x67: {  	_ =	shalt  }
0x68: {  	_ =	shalt  }
0x69: {  	_ =	shalt  }
0x6a: {  	_ =	shalt  }
0x6b: {  	_ =	shalt  }
0x6c: {  	_ =	shalt  }
0x6d: {  	_ =	shalt  }
0x6e: {  	_ =	shalt  }
0x6f: {  	_ =	shalt  }
0x70: {  	_ =	shalt  }
0x71: {  	_ =	shalt  }
0x72: {  	_ =	shalt  }
0x73: {  	_ =	shalt  }
0x74: {  	_ =	shalt  }
0x75: {  	_ =	shalt  }
0x76: {  	_ =	shalt  }
0x77: {  	_ =	shalt  }
0x78: {  	_ =	shalt  }
0x79: {  	_ =	shalt  }
0x7a: {  	_ =	shalt  }
0x7b: {  	_ =	shalt  }
0x7c: {  	_ =	shalt  }
0x7d: {  	_ =	shalt  }
0x7e: {  	_ =	shalt  }
0x7f: {  	_ =	shalt  }
0x80: {  	_ =	shalt  }
0x81: {  	_ =	shalt  }
0x82: {  	_ =	shalt  }
0x83: {  	_ =	shalt  }
0x84: {  	_ =	shalt  }
0x85: {  	_ =	shalt  }
0x86: {  	_ =	shalt  }
0x87: {  	_ =	shalt  }
.Lfunc_end0:
.L_simem_size_0:
called_computation_lowered:
.L_overlay_start_0:
0x88: {  	s2 =	sld [smem:$0x3FD9]  }
0x89: {  	s3 =	sld [smem:$0x3FFE];
	_ =	sdelay $0x1  }
0x8a: {  	s1 =	srdreg.scid  }
0x8b: {  	s0 =	sand.u32 $0x1, s1  }
0x8c: {  	s16 =	sshll.u32 s0, $0xA;
	s2 =	sadd.s32 s3, s2  }
0x8d: {  	s2 =	sadd.s32 s2, s16  }
0x8e: {  	[smem:$0x3FB5] =	sst s2  }
0x8f: {  	_ = 	snop  }
0x90: {  	(tm) =	ssettm $0x1  }
0x91: {  	s17 =	sld [smem:$0x3FFB];
	_ =	sdelay $0x3  }
0x92: {  	_ =	strace s17  }
0x93: {  	s2 =	sld [smem:$0x3FFC];
	_ =	sdelay $0x3  }
0x94: {  	_ =	strace s2  }
0x95: {  	s2 =	sld [smem:$0x3FFD];
	_ =	sdelay $0x3  }
0x96: {  	_ =	strace s2  }
0x97: {  	_ =	strace $0x8FFFFFFF  }
0x98: {  	s18 =	sld [smem:$0x3FDB];
	_ =	sdelay $0x1  }
0x99: {  	s19 =	simm.s32 $_scs_section_size  }
0x9a: {  	s4 =	simm.s32 $_size__tile_overlayer_lowered;
	s5 =	simm.s32 $_tile_overlayer_lowered  }
0x9b: {  	s22 =	simm.s32 $0x1BFF;
	s21 =	sshll.u32 s5, $0x1;
	s2 =	sadd.s32 s19, s18  }
0x9c: {  	s6 =	simm.s32 $0x0;
	s20 =	sshll.u32 s4, $0x1;
	s4 =	sadd.s32 s21, s2  }
0x9d: {  	[timem:s6], [sflag:s22] =	dma.local [hbm:s4], s20  }
0x9e: {  	_ =	swait.ge [sflag:s22], s20  }
0x9f: {  	s3 =	ssub.s32 $0x0, s20;
	[sflag:s22] =	ssyncset.done $0x0  }
0xa0: {  	[sflag:s22] =	ssyncadd.s32 s3;
	_ =	sdelay $0x1  }
0xa1: {  	s23 =	simm.s32 $0x1B8B  }
0xa2: {  	_ =	swait.ge [sflag:s23], $0x1  }
0xa3: {  	[sflag:s23] =	ssyncset.done $0x0  }
0xa4: {  	s25 =	simm.s32 $0x1B8E;
	s24 =	sld [smem:$0x3FFE];
	[sflag:s23] =	ssyncadd.s32 $0xFFFFFFFF  }
0xa5: {  	s26 =	simm.s32 $execute0_lowered;
	[smem:$0x3FD2] =	sst s25  }
0xa6: {  	s4 =	sshll.u32 s26, $0x1;
	_ =	strace $0x80000046;
	[dreg:$0x1] =	wrdreg $0xFFFFFFFF  }
0xa7: {  	s28 =	simm.s32 $_size_execute0_lowered;
	s2 =	sadd.s32 s2, s4;
	[dreg:$0x0] =	wrdreg $0x0  }
0xa8: {  	s4 =	sshll.u32 s28, $0x1;
	[dreg:$0x2] =	wrdreg s2  }
0xa9: {  	[dreg:$0x3] =	wrdreg s4  }
0xaa: {  	[dreg:$0x4] =	wrdreg $0xC0  }
0xab: {  	_ =	task [dreg:s6], $0x5FFFF  }
0xac: {  	[dreg:$0x1] =	wrdreg $0xFFFFFFFF  }
0xad: {  	[dreg:$0x0] =	wrdreg $0x60  }
0xae: {  	[dreg:$0x2] =	wrdreg s24  }
0xaf: {  	[dreg:$0x3] =	wrdreg $0x9  }
0xb0: {  	_ =	task.clear_ibuf [dreg:s6], $0x4FFFF;
	_ =	strace $0x90000046  }
0xb1: {  	s29 =	simm.s32 $0x9;
	_ =	strace $0x80000048  }
0xb2: {  	_ =	swait.ge [sflag:s29], $0x1  }
0xb3: {  	[sflag:s29] =	ssyncadd.s32 $0xFFFFFFFF  }
0xb4: {  	_ =	strace $0x90000048  }
0xb5: {  	_ =	sfence  }
0xb6: {  	s30 =	sld [smem:$0x0];
	_ =	sdelay $0x2  }
0xb7: {  	s31 =	sshll.u32 s1, $0xD;
	s1 =	sshrl.u32 s1, $0x2  }
0xb8: {  	s3 =	sand.u32 $0x4000, s31;
	s1 =	sadd.s32 s1, s30  }
0xb9: {  	s0 =	sor.u32 s3, s0;
	s1 =	sshll.u32 s1, $0x11  }
0xba: {  	s0 =	sor.u32 s1, s0  }
0xbb: {  	s0 =	sadd.s32 $0x8F2B, s0  }
0xbc: {  	[sflag:s0] =	ssyncadd.remote.s32 $0x1  }
0xbd: {  	_ =	sfence.sel $0xFFFF  }
0xbe: {  	[dreg:$0x0] =	wrdreg $0xFFFFFFFF;
	(pc) =	sbr.abs _section_cstart, $3  }
0xbf: {  	[dreg:$0x1] =	wrdreg $0xFFFFFFFF  }
0xc0: {  	_ =	task.clear_ibuf [dreg:s6], $0x2FFFF;
	_ =	strace $0x9FFFFFFF  }
0xc1: {  	(tm) =	ssettm $0x7FFFFFFF  }
tec
execute0_lowered:
.L_overlay_start_1:
0x0: {  	(tag) =	ssettag $0x1  }
0x1: {  	s1 =	srdreg.scid  }
0x2: {  	s0 =	stileid.u32;
	s4 =	rddreg [dreg:$0x0];
	s2 =	simm.s32 $0x0  }
0x3: {  	s10 =	simm.s32 $0x6800;
	s11 =	simm.s32 $0xA800;
	s12 =	simm.s32 $0xE800  }
0x4: {  	s13 =	simm.s32 $0x1;
	s3 =	sand.u32 $0x1, s1;
	s1 =	rddreg [dreg:$0x1]  }
0x5: {  	s14 =	simm.s32 $0x0;
	s5 =	sshll.u32 s0, $0x1;
	[smem:$0x7FF] =	sst s2  }
0x6: {  	s6 =	smul.u32 $0x50000, s0;
	s5 =	sor.u32 s3, s5;
	_ =	strace $0x80000047  }
0x7: {  	s7 =	ssub.s32 $0x2, s3;
	s9 =	smul.u32 $0x28000, s3;
	s3 =	sadd.s32 $0x8E000, s4  }
0x8: {  	s5 =	smul.u32 $0x500, s5;
	s8 =	sshrl.u32 s7, $0x1;
	s6 =	sadd.s32 s6, s4  }
0x9: {  	s7 =	ssub.s32 s7, s8;
	s6 =	sadd.s32 s9, s6;
	s8 =	simm.s32 $0x80  }
0xa: {  	s9 =	simm.s32 $0x2800;
	s5 =	sadd.s32 s5, s4;
	s6 =	sadd.s32 $0xDF800, s6  }
0xb: {  	s4 =	sadd.s32 $0x5C000, s5;
	s5 =	smax.u32 s7, $0x1;
	s7 =	simm.s32 $0x2  }
.LBB2_1:
0xc: {  	[tilespmem:s2], [sflag:$0x2] =	stream.linear.gather [hbm4b:s4+s2], $0x2800, $0x38;
	[tilespmem:$0x12800] =	vst v63  }
0xd: {  	_ =	swait.ge [sflag:s7], $0x2800  }
0xe: {  	[sflag:s7] =	ssyncset.done $0x0  }
0xf: {  	s15 =	simm.s32 $0x0;
	[sflag:s7] =	ssyncadd.s32 $0xFFFFD800  }
0x10: {  	[tilespmem:s9], [sflag:$0x1] =	stream.indirect.gather [hbm4b:s3+s8], $0x80, s15, s8, $0xb8;
	[tilespmem:$0x12800] =	vst v63  }
0x11: {  	s25 =	simm.s32 $0x80  }
0x12: {  	[tilespmem:s10], [sflag:$0x1] =	stream.indirect.gather [hbm4b:s3+s8], $0x80, s25, s8, $0xb8;
	[tilespmem:$0x12800] =	vst v63  }
0x13: {  	s26 =	simm.s32 $0x100  }
0x14: {  	[tilespmem:s11], [sflag:$0x1] =	stream.indirect.gather [hbm4b:s3+s8], $0x80, s26, s8, $0xb8;
	[tilespmem:$0x12800] =	vst v63  }
0x15: {  	s28 =	simm.s32 $0x180  }
0x16: {  	[tilespmem:s12], [sflag:$0x1] =	stream.indirect.gather [hbm4b:s3+s8], $0x80, s28, s8, $0xb8;
	[tilespmem:$0x12800] =	vst v63  }
0x17: {  	_ =	swait.ge [sflag:s13], $0x4000  }
0x18: {  	[sflag:s13] =	ssyncset.done $0x0  }
0x19: {  	s29 =	sadd.s32 $0xFFFFE800, s6;
	[sflag:s13] =	ssyncadd.s32 $0xFFFFC000  }
0x1a: {  	[hbm4b:s29+s2] =	stream.linear.scatter [tilespmem:s9], [sflag:$0x2], $0x4000, $0x38;
	[tilespmem:$0x12800] =	vst v63  }
0x1b: {  	_ =	swait.ge [sflag:s7], $0x4000  }
0x1c: {  	[sflag:s7] =	ssyncset.done $0x0  }
0x1d: {  	[sflag:s7] =	ssyncadd.s32 $0xFFFFC000  }
0x1e: {  	_ =	swait.ge [sflag:s13], $0x4000  }
0x1f: {  	[sflag:s13] =	ssyncset.done $0x0  }
0x20: {  	s30 =	sadd.s32 $0xFFFFF000, s6;
	[sflag:s13] =	ssyncadd.s32 $0xFFFFC000  }
0x21: {  	[hbm4b:s30+s2] =	stream.linear.scatter [tilespmem:s10], [sflag:$0x2], $0x4000, $0x38;
	[tilespmem:$0x12800] =	vst v63  }
0x22: {  	_ =	swait.ge [sflag:s7], $0x4000  }
0x23: {  	[sflag:s7] =	ssyncset.done $0x0  }
0x24: {  	[sflag:s7] =	ssyncadd.s32 $0xFFFFC000  }
0x25: {  	_ =	swait.ge [sflag:s13], $0x4000  }
0x26: {  	[sflag:s13] =	ssyncset.done $0x0  }
0x27: {  	s31 =	sadd.s32 $0xFFFFF800, s6;
	[sflag:s13] =	ssyncadd.s32 $0xFFFFC000  }
0x28: {  	[hbm4b:s31+s2] =	stream.linear.scatter [tilespmem:s11], [sflag:$0x2], $0x4000, $0x38;
	[tilespmem:$0x12800] =	vst v63  }
0x29: {  	_ =	swait.ge [sflag:s7], $0x4000  }
0x2a: {  	[sflag:s7] =	ssyncset.done $0x0  }
0x2b: {  	[sflag:s7] =	ssyncadd.s32 $0xFFFFC000  }
0x2c: {  	_ =	swait.ge [sflag:s13], $0x4000  }
0x2d: {  	[sflag:s13] =	ssyncset.done $0x0  }
0x2e: {  	[sflag:s13] =	ssyncadd.s32 $0xFFFFC000  }
0x2f: {  	[hbm4b:s6+s2] =	stream.linear.scatter [tilespmem:s12], [sflag:$0x2], $0x4000, $0x38;
	[tilespmem:$0x12800] =	vst v63  }
0x30: {  	s16 =	simm.s32 $0x800;
	_ =	swait.ge [sflag:s7], $0x4000  }
0x31: {  	s18 =	simm.s32 $0x1000;
	s15 =	sadd.s32 $0x2000, s6;
	[sflag:s7] =	ssyncset.done $0x0  }
.LBB2_2:
0x32: {  	s19 =	sshra.s32 s16, $0x2  }
0x33: {  	[sflag:s7] =	ssyncadd.s32 $0xFFFFC000;
	s16 =	smov.u32 s18;
	s17 =	sadd.s32 $0x800, s18  }
0x34: {  	[tilespmem:s9], [sflag:$0x1] =	stream.indirect.gather [hbm4b:s3+s8], $0x80, s19, s8, $0xb8;
	[tilespmem:$0x12800] =	vst v63  }
0x35: {  	p0 =	sne.s32 s18, $0x9800;
	s18 =	sadd.s32 $0x80, s19  }
0x36: {  	[tilespmem:s10], [sflag:$0x1] =	stream.indirect.gather [hbm4b:s3+s8], $0x80, s18, s8, $0xb8;
	[tilespmem:$0x12800] =	vst v63  }
0x37: {  	s18 =	sadd.s32 $0x100, s19  }
0x38: {  	[tilespmem:s11], [sflag:$0x1] =	stream.indirect.gather [hbm4b:s3+s8], $0x80, s18, s8, $0xb8;
	[tilespmem:$0x12800] =	vst v63  }
0x39: {  	s18 =	sadd.s32 $0x180, s19  }
0x3a: {  	[tilespmem:s12], [sflag:$0x1] =	stream.indirect.gather [hbm4b:s3+s8], $0x80, s18, s8, $0xb8;
	[tilespmem:$0x12800] =	vst v63  }
0x3b: {  	_ =	swait.ge [sflag:s13], $0x4000  }
0x3c: {  	[sflag:s13] =	ssyncset.done $0x0  }
0x3d: {  	s18 =	sadd.s32 $0xFFFFE800, s15;
	[sflag:s13] =	ssyncadd.s32 $0xFFFFC000  }
0x3e: {  	[hbm4b:s18+s2] =	stream.linear.scatter [tilespmem:s9], [sflag:$0x2], $0x4000, $0x38;
	[tilespmem:$0x12800] =	vst v63  }
0x3f: {  	_ =	swait.ge [sflag:s7], $0x4000  }
0x40: {  	[sflag:s7] =	ssyncset.done $0x0  }
0x41: {  	[sflag:s7] =	ssyncadd.s32 $0xFFFFC000  }
0x42: {  	_ =	swait.ge [sflag:s13], $0x4000  }
0x43: {  	[sflag:s13] =	ssyncset.done $0x0  }
0x44: {  	s18 =	sadd.s32 $0xFFFFF000, s15;
	[sflag:s13] =	ssyncadd.s32 $0xFFFFC000  }
0x45: {  	[hbm4b:s18+s2] =	stream.linear.scatter [tilespmem:s10], [sflag:$0x2], $0x4000, $0x38;
	[tilespmem:$0x12800] =	vst v63  }
0x46: {  	_ =	swait.ge [sflag:s7], $0x4000  }
0x47: {  	[sflag:s7] =	ssyncset.done $0x0  }
0x48: {  	[sflag:s7] =	ssyncadd.s32 $0xFFFFC000  }
0x49: {  	_ =	swait.ge [sflag:s13], $0x4000  }
0x4a: {  	[sflag:s13] =	ssyncset.done $0x0  }
0x4b: {  	s18 =	sadd.s32 $0xFFFFF800, s15;
	[sflag:s13] =	ssyncadd.s32 $0xFFFFC000  }
0x4c: {  	[hbm4b:s18+s2] =	stream.linear.scatter [tilespmem:s11], [sflag:$0x2], $0x4000, $0x38;
	[tilespmem:$0x12800] =	vst v63  }
0x4d: {  	_ =	swait.ge [sflag:s7], $0x4000  }
0x4e: {  	[sflag:s7] =	ssyncset.done $0x0  }
0x4f: {  	[sflag:s7] =	ssyncadd.s32 $0xFFFFC000  }
0x50: {  	_ =	swait.ge [sflag:s13], $0x4000  }
.Ltmp0:
0x51: {  	[sflag:s13] =	ssyncset.done $0x0;
	(pc) =	sbr.rel @p0 .LBB2_2-.Ltmp0, $4  }
0x52: {  	[sflag:s13] =	ssyncadd.s32 $0xFFFFC000  }
0x53: {  	[hbm4b:s15+s2] =	stream.linear.scatter [tilespmem:s12], [sflag:$0x2], $0x4000, $0x38;
	[tilespmem:$0x12800] =	vst v63  }
0x54: {  	_ =	swait.ge [sflag:s7], $0x4000  }
0x55: {  	s18 =	smov.u32 s17;
	s15 =	sadd.s32 $0x2000, s15;
	[sflag:s7] =	ssyncset.done $0x0  }
0x56: {  	s16 =	sshra.s32 s16, $0x2;
	[sflag:s7] =	ssyncadd.s32 $0xFFFFC000  }
0x57: {  	[tilespmem:s9], [sflag:$0x1] =	stream.indirect.gather [hbm4b:s3+s8], $0x80, s16, s8, $0xb8;
	[tilespmem:$0x12800] =	vst v63  }
0x58: {  	s17 =	sadd.s32 $0x80, s16  }
0x59: {  	[tilespmem:s10], [sflag:$0x1] =	stream.indirect.gather [hbm4b:s3+s8], $0x80, s17, s8, $0xb8;
	[tilespmem:$0x12800] =	vst v63  }
0x5a: {  	s28 =	sadd.s32 $0x100, s16  }
0x5b: {  	[tilespmem:s11], [sflag:$0x1] =	stream.indirect.gather [hbm4b:s3+s8], $0x80, s28, s8, $0xb8;
	[tilespmem:$0x12800] =	vst v63  }
0x5c: {  	s16 =	sadd.s32 $0x180, s16  }
0x5d: {  	[tilespmem:s12], [sflag:$0x1] =	stream.indirect.gather [hbm4b:s3+s8], $0x80, s16, s8, $0xb8;
	[tilespmem:$0x12800] =	vst v63  }
0x5e: {  	_ =	swait.ge [sflag:s13], $0x4000  }
0x5f: {  	[sflag:s13] =	ssyncset.done $0x0  }
0x60: {  	s29 =	sadd.s32 $0xFFFFE800, s15;
	[sflag:s13] =	ssyncadd.s32 $0xFFFFC000  }
0x61: {  	[hbm4b:s29+s2] =	stream.linear.scatter [tilespmem:s9], [sflag:$0x2], $0x4000, $0x38;
	[tilespmem:$0x12800] =	vst v63  }
0x62: {  	_ =	swait.ge [sflag:s7], $0x4000  }
0x63: {  	[sflag:s7] =	ssyncset.done $0x0  }
0x64: {  	[sflag:s7] =	ssyncadd.s32 $0xFFFFC000  }
0x65: {  	_ =	swait.ge [sflag:s13], $0x4000  }
0x66: {  	[sflag:s13] =	ssyncset.done $0x0  }
0x67: {  	s30 =	sadd.s32 $0xFFFFF000, s15;
	[sflag:s13] =	ssyncadd.s32 $0xFFFFC000  }
0x68: {  	[hbm4b:s30+s2] =	stream.linear.scatter [tilespmem:s10], [sflag:$0x2], $0x4000, $0x38;
	[tilespmem:$0x12800] =	vst v63  }
0x69: {  	_ =	swait.ge [sflag:s7], $0x4000  }
0x6a: {  	[sflag:s7] =	ssyncset.done $0x0  }
0x6b: {  	[sflag:s7] =	ssyncadd.s32 $0xFFFFC000  }
0x6c: {  	_ =	swait.ge [sflag:s13], $0x4000  }
0x6d: {  	[sflag:s13] =	ssyncset.done $0x0  }
0x6e: {  	s31 =	sadd.s32 $0xFFFFF800, s15;
	[sflag:s13] =	ssyncadd.s32 $0xFFFFC000  }
0x6f: {  	[hbm4b:s31+s2] =	stream.linear.scatter [tilespmem:s11], [sflag:$0x2], $0x4000, $0x38;
	[tilespmem:$0x12800] =	vst v63  }
0x70: {  	_ =	swait.ge [sflag:s7], $0x4000  }
0x71: {  	[sflag:s7] =	ssyncset.done $0x0  }
0x72: {  	[sflag:s7] =	ssyncadd.s32 $0xFFFFC000  }
0x73: {  	s14 =	sadd.s32 $0x1, s14;
	_ =	swait.ge [sflag:s13], $0x4000  }
0x74: {  	p0 =	sne.s32 s14, s5;
	[sflag:s13] =	ssyncset.done $0x0  }
.Ltmp1:
0x75: {  	[sflag:s13] =	ssyncadd.s32 $0xFFFFC000;
	(pc) =	sbr.rel @p0 .LBB2_1-.Ltmp1, $4  }
0x76: {  	[hbm4b:s15+s2] =	stream.linear.scatter [tilespmem:s12], [sflag:$0x2], $0x4000, $0x38;
	[tilespmem:$0x12800] =	vst v63  }
0x77: {  	_ =	swait.ge [sflag:s7], $0x4000  }
0x78: {  	[sflag:s7] =	ssyncset.done $0x0  }
0x79: {  	[sflag:s7] =	ssyncadd.s32 $0xFFFFC000  }
0x7a: {  	_ =	sfence.sel $0x180000  }
0x7b: {  	[bflag:$0x0] =	sbarrier.arrive $0xFFFF  }
0x7c: {  	p0 =	sne.s32 s0, $0x0;
	_ =	strace $0x90000047  }
0x7d: {  	s0 =	sadd.s32 @!p0 $0x100000, s1;
	[bflag:$0x2] =	sbarrier.arrive $0xFFFF  }
0x7e: {  	[sflag:s0] =	ssyncadd.tile.s32 @!p0 $0x1;
	_ =	shalt  }
.Lfunc_end2:
_tile_overlayer_lowered:
.L_overlay_start_2:
0x7f: {  	(tag) =	ssettag $0x2  }
0x80: {  	s0 =	rddreg [dreg:$0x0];
	s2 =	stileid.u32  }
0x81: {  	s1 =	rddreg [dreg:$0x1];
	p0 =	sne.s32 s2, $0x0  }
0x82: {  	s3 =	rddreg [dreg:$0x2];
	[bflag:$0x3] =	sbarrier.arrive $0xFFFF;
	s2 =	simm.s32 @!p0 $0x1C02  }
0x83: {  	[timem:s3], [sflag:s2] =	dma.local @!p0 [hbm:s0], s1  }
0x84: {  	s0 =	simm.s32 @!p0 $0x2  }
0x85: {  	_ =	swait.ge @!p0 [sflag:s0], s1  }
0x86: {  	s1 =	ssub.s32 @!p0 $0x0, s1;
	[sflag:s0] =	ssyncset.done @!p0 $0x0  }
0x87: {  	[sflag:s0] =	ssyncadd.s32 @!p0 s1  }
0x88: {  	[bflag:$0x3] =	sbarrier.arrive $0xFFFF  }
0x89: {  	_ =	shalt  }

// kernel: kernel.14.cloned.1.call-start
scs
__scs_entry_jumppad:
0x0: {  	(pc) =	sbr.rel $0x88, $3  }
0x1: {  	(tag) =	ssettag $0x0;
	lr =	simm.s32 $0x1  }
0x2: {  	[smem:$0x3F8E] =	sst lr;
	_ =	strace $0xD0000000  }
0x3: {  	_ = 	snop  }
0x4: {  	_ = 	snop  }
0x5: {  	_ = 	snop  }
0x6: {  	_ = 	snop  }
0x7: {  	_ = 	snop  }
__scs_overlays_trampoline_lowered:
0x8: {  	[smem:$0x3F9D] =	sst s0  }
0x9: {  	[smem:$0x3F9E] =	sst s1  }
0xa: {  	[smem:$0x3F9F] =	sst s2  }
0xb: {  	[smem:$0x3FA0] =	sst s3  }
0xc: {  	[smem:$0x3FA1] =	sst s4  }
0xd: {  	[smem:$0x3FA2] =	sst s5  }
0xe: {  	[smem:$0x3FA3] =	sst s6  }
0xf: {  	[smem:$0x3FA4] =	sst s7  }
0x10: {  	[smem:$0x3FA5] =	sst s8  }
0x11: {  	[smem:$0x3FA6] =	sst s9;
	s0 =	simm.s32 @!p0 $0x0  }
0x12: {  	s1 =	sld [smem:$0x3F8C];
	s0 =	simm.s32 @p0 $0x1  }
0x13: {  	[smem:$0x3FA7] =	sst s0;
	s0 =	simm.s32 @!p1 $0x0  }
0x14: {  	s2 =	sld [smem:$0x3F8B];
	s0 =	simm.s32 @p1 $0x1  }
0x15: {  	[smem:$0x3FA8] =	sst s0;
	s0 =	simm.s32 @!p2 $0x0  }
0x16: {  	s3 =	sld [smem:$0x3FDB];
	s0 =	simm.s32 @p2 $0x1  }
0x17: {  	s4 =	simm.s32 $0x1BF5;
	[smem:$0x3FAA] =	sst s0  }
0x18: {  	s0 =	sld [smem:$0x3F8D];
	_ =	swait.ge [sflag:s4], $0x0  }
0x19: {  	s7 =	sld [smem:$0x3F8E]  }
0x1a: {  	s8 =	sadd.s32 $0xFFFFE003, lr  }
0x1b: {  	s9 =	sadd.s32 $0xFFFFFEF7, lr;
	s5 =	simm.s32 $0xFFFFFFFF;
	p2 =	slt.u32 s8, $0xFFFFF086  }
0x1c: {  	p1 =	slt.u32 s9, $0xF7A;
	s5 =	simm.s32 @!p2 $0x0  }
0x1d: {  	s5 =	simm.s32 @p1 $0x1;
	p0 =	seq.s32 s7, s2  }
0x1e: {  	s7 =	smul.u32 @!p0 $0xF7A, s2;
	p2 =	seq.s32 @!p0 s5, $0x0  }
0x1f: {  	s9 =	smul.u32 $0xF7A, s1;
	s8 =	simm.s32 @!p0 $0x1BF5;
	p2 =	por !p2, p0  }
0x20: {  	[sflag:s8] =	ssyncset.s32 @!p0 $0xFFFFF086;
	s6 =	sadd.s32 @!p0 s3, s7;
	s7 =	simm.s32 @!p0 $0x108  }
0x21: {  	s3 =	sadd.s32 s3, s9;
	s6 =	sadd.s32 @!p0 $0x88, s6;
	s7 =	simm.s32 @p2 $0x1082  }
0x22: {  	[simem:s7], [sflag:s8] =	dma.local @!p0 [hbm:s6], $0xF7A  }
0x23: {  	s9 =	sor.u32 $0xD0000000, s2;
	s6 =	simm.s32 $0x108;
	_ =	swait.ge @!p0 [sflag:s8], $0x0  }
0x24: {  	s3 =	sadd.s32 $0x88, s3;
	s6 =	simm.s32 @!p1 $0x1082;
	[sflag:s4] =	ssyncset.s32 $0xFFFFF086  }
0x25: {  	[simem:s6], [sflag:s4] =	dma.local [hbm:s3], $0xF7A  }
0x26: {  	[smem:$0x3F8E] =	sst s1;
	(tag) =	ssettag s2;
	_ =	strace s9  }
0x27: {  	s1 =	sld [smem:$0x3F9E]  }
0x28: {  	s2 =	sld [smem:$0x3F9F]  }
0x29: {  	s4 =	sld [smem:$0x3FA1]  }
0x2a: {  	p0 =	seq.s32 s5, $0x0;
	s5 =	sld [smem:$0x3FA2]  }
0x2b: {  	s6 =	sld [smem:$0x3FA3]  }
0x2c: {  	s7 =	sld [smem:$0x3FA4]  }
0x2d: {  	s3 =	simm.s32 $0x108;
	s8 =	sld [smem:$0x3FA5]  }
0x2e: {  	s3 =	simm.s32 @!p0 $0x1082;
	s9 =	sld [smem:$0x3FA6]  }
0x2f: {  	lr =	sadd.s32 s0, s3;
	s0 =	sld [smem:$0x3F9D]  }
0x30: {  	s3 =	sld [smem:$0x3FA0]  }
0x31: {  	[smem:$0x3FA9] =	sst s10  }
0x32: {  	s10 =	sld [smem:$0x3FA7];
	_ =	sdelay $0x3  }
0x33: {  	p0 =	seq.s32 s10, $0x1;
	s10 =	sld [smem:$0x3FA9];
	_ =	sdelay $0x3  }
0x34: {  	[smem:$0x3FA9] =	sst s10  }
0x35: {  	s10 =	sld [smem:$0x3FA8];
	_ =	sdelay $0x3  }
0x36: {  	p1 =	seq.s32 s10, $0x1;
	s10 =	sld [smem:$0x3FA9];
	_ =	sdelay $0x3  }
0x37: {  	[smem:$0x3FA9] =	sst s10  }
0x38: {  	s10 =	sld [smem:$0x3FAA]  }
0x39: {  	_ = 	snop;
	(pc) =	sbr.ind lr, $3  }
0x3a: {  	_ = 	snop  }
0x3b: {  	_ = 	snop  }
0x3c: {  	p2 =	seq.s32 s10, $0x1;
	s10 =	sld [smem:$0x3FA9]  }
0x3d: {  	_ =	shalt  }
0x3e: {  	_ =	shalt  }
0x3f: {  	_ =	shalt  }
0x40: {  	_ =	shalt  }
0x41: {  	_ =	shalt  }
0x42: {  	_ =	shalt  }
0x43: {  	_ =	shalt  }
0x44: {  	_ =	shalt  }
0x45: {  	_ =	shalt  }
0x46: {  	_ =	shalt  }
0x47: {  	_ =	shalt  }
0x48: {  	_ =	shalt  }
0x49: {  	_ =	shalt  }
0x4a: {  	_ =	shalt  }
0x4b: {  	_ =	shalt  }
0x4c: {  	_ =	shalt  }
0x4d: {  	_ =	shalt  }
0x4e: {  	_ =	shalt  }
0x4f: {  	_ =	shalt  }
0x50: {  	_ =	shalt  }
0x51: {  	_ =	shalt  }
0x52: {  	_ =	shalt  }
0x53: {  	_ =	shalt  }
0x54: {  	_ =	shalt  }
0x55: {  	_ =	shalt  }
0x56: {  	_ =	shalt  }
0x57: {  	_ =	shalt  }
0x58: {  	_ =	shalt  }
0x59: {  	_ =	shalt  }
0x5a: {  	_ =	shalt  }
0x5b: {  	_ =	shalt  }
0x5c: {  	_ =	shalt  }
0x5d: {  	_ =	shalt  }
0x5e: {  	_ =	shalt  }
0x5f: {  	_ =	shalt  }
0x60: {  	_ =	shalt  }
0x61: {  	_ =	shalt  }
0x62: {  	_ =	shalt  }
0x63: {  	_ =	shalt  }
0x64: {  	_ =	shalt  }
0x65: {  	_ =	shalt  }
0x66: {  	_ =	shalt  }
0x67: {  	_ =	shalt  }
0x68: {  	_ =	shalt  }
0x69: {  	_ =	shalt  }
0x6a: {  	_ =	shalt  }
0x6b: {  	_ =	shalt  }
0x6c: {  	_ =	shalt  }
0x6d: {  	_ =	shalt  }
0x6e: {  	_ =	shalt  }
0x6f: {  	_ =	shalt  }
0x70: {  	_ =	shalt  }
0x71: {  	_ =	shalt  }
0x72: {  	_ =	shalt  }
0x73: {  	_ =	shalt  }
0x74: {  	_ =	shalt  }
0x75: {  	_ =	shalt  }
0x76: {  	_ =	shalt  }
0x77: {  	_ =	shalt  }
0x78: {  	_ =	shalt  }
0x79: {  	_ =	shalt  }
0x7a: {  	_ =	shalt  }
0x7b: {  	_ =	shalt  }
0x7c: {  	_ =	shalt  }
0x7d: {  	_ =	shalt  }
0x7e: {  	_ =	shalt  }
0x7f: {  	_ =	shalt  }
0x80: {  	_ =	shalt  }
0x81: {  	_ =	shalt  }
0x82: {  	_ =	shalt  }
0x83: {  	_ =	shalt  }
0x84: {  	_ =	shalt  }
0x85: {  	_ =	shalt  }
0x86: {  	_ =	shalt  }
0x87: {  	_ =	shalt  }
.Lfunc_end0:
.L_simem_size_0:
called_computation.1_lowered:
.L_overlay_start_0:
0x88: {  	s2 =	sld [smem:$0x3FD9]  }
0x89: {  	s3 =	sld [smem:$0x3FFE];
	_ =	sdelay $0x1  }
0x8a: {  	s1 =	srdreg.scid  }
0x8b: {  	s0 =	sand.u32 $0x1, s1  }
0x8c: {  	s16 =	sshll.u32 s0, $0xA;
	s2 =	sadd.s32 s3, s2  }
0x8d: {  	s2 =	sadd.s32 s2, s16  }
0x8e: {  	[smem:$0x3FB5] =	sst s2  }
0x8f: {  	_ = 	snop  }
0x90: {  	(tm) =	ssettm $0x1  }
0x91: {  	s17 =	sld [smem:$0x3FFB];
	_ =	sdelay $0x3  }
0x92: {  	_ =	strace s17  }
0x93: {  	s2 =	sld [smem:$0x3FFC];
	_ =	sdelay $0x3  }
0x94: {  	_ =	strace s2  }
0x95: {  	s2 =	sld [smem:$0x3FFD];
	_ =	sdelay $0x3  }
0x96: {  	_ =	strace s2  }
0x97: {  	_ =	strace $0x8FFFFFFF  }
0x98: {  	s18 =	sld [smem:$0x3FDB];
	_ =	sdelay $0x1  }
0x99: {  	s19 =	simm.s32 $_scs_section_size  }
0x9a: {  	s4 =	simm.s32 $_size__tile_overlayer_lowered;
	s5 =	simm.s32 $_tile_overlayer_lowered  }
0x9b: {  	s22 =	simm.s32 $0x1BFF;
	s21 =	sshll.u32 s5, $0x1;
	s2 =	sadd.s32 s19, s18  }
0x9c: {  	s6 =	simm.s32 $0x0;
	s20 =	sshll.u32 s4, $0x1;
	s4 =	sadd.s32 s21, s2  }
0x9d: {  	[timem:s6], [sflag:s22] =	dma.local [hbm:s4], s20  }
0x9e: {  	_ =	swait.ge [sflag:s22], s20  }
0x9f: {  	s3 =	ssub.s32 $0x0, s20;
	[sflag:s22] =	ssyncset.done $0x0  }
0xa0: {  	[sflag:s22] =	ssyncadd.s32 s3;
	_ =	sdelay $0x1  }
0xa1: {  	s23 =	simm.s32 $0x1B8B  }
0xa2: {  	_ =	swait.ge [sflag:s23], $0x1  }
0xa3: {  	[sflag:s23] =	ssyncset.done $0x0  }
0xa4: {  	s25 =	simm.s32 $0x1B8E;
	s24 =	sld [smem:$0x3FFE];
	[sflag:s23] =	ssyncadd.s32 $0xFFFFFFFF  }
0xa5: {  	s26 =	simm.s32 $execute0_lowered;
	[smem:$0x3FD2] =	sst s25  }
0xa6: {  	s4 =	sshll.u32 s26, $0x1;
	_ =	strace $0x80000049;
	[dreg:$0x1] =	wrdreg $0xFFFFFFFF  }
0xa7: {  	s28 =	simm.s32 $_size_execute0_lowered;
	s2 =	sadd.s32 s2, s4;
	[dreg:$0x0] =	wrdreg $0x0  }
0xa8: {  	s4 =	sshll.u32 s28, $0x1;
	[dreg:$0x2] =	wrdreg s2  }
0xa9: {  	[dreg:$0x3] =	wrdreg s4  }
0xaa: {  	[dreg:$0x4] =	wrdreg $0xC0  }
0xab: {  	_ =	task [dreg:s6], $0x5FFFF  }
0xac: {  	[dreg:$0x1] =	wrdreg $0xFFFFFFFF  }
0xad: {  	[dreg:$0x0] =	wrdreg $0x60  }
0xae: {  	[dreg:$0x2] =	wrdreg s24  }
0xaf: {  	[dreg:$0x3] =	wrdreg $0x9  }
0xb0: {  	_ =	task.clear_ibuf [dreg:s6], $0x4FFFF;
	_ =	strace $0x90000049  }
0xb1: {  	s29 =	simm.s32 $0x9;
	_ =	strace $0x8000004B  }
0xb2: {  	_ =	swait.ge [sflag:s29], $0x1  }
0xb3: {  	[sflag:s29] =	ssyncadd.s32 $0xFFFFFFFF  }
0xb4: {  	_ =	strace $0x9000004B  }
0xb5: {  	_ =	sfence  }
0xb6: {  	s30 =	sld [smem:$0x0];
	_ =	sdelay $0x2  }
0xb7: {  	s31 =	sshll.u32 s1, $0xD;
	s1 =	sshrl.u32 s1, $0x2  }
0xb8: {  	s3 =	sand.u32 $0x4000, s31;
	s1 =	sadd.s32 s1, s30  }
0xb9: {  	s0 =	sor.u32 s3, s0;
	s1 =	sshll.u32 s1, $0x11  }
0xba: {  	s0 =	sor.u32 s1, s0  }
0xbb: {  	s0 =	sadd.s32 $0x8F2B, s0  }
0xbc: {  	[sflag:s0] =	ssyncadd.remote.s32 $0x1  }
0xbd: {  	_ =	sfence.sel $0xFFFF  }
0xbe: {  	[dreg:$0x0] =	wrdreg $0xFFFFFFFF;
	(pc) =	sbr.abs _section_cstart, $3  }
0xbf: {  	[dreg:$0x1] =	wrdreg $0xFFFFFFFF  }
0xc0: {  	_ =	task.clear_ibuf [dreg:s6], $0x2FFFF;
	_ =	strace $0x9FFFFFFF  }
0xc1: {  	(tm) =	ssettm $0x7FFFFFFF  }
tec
execute0_lowered:
.L_overlay_start_1:
0x0: {  	(tag) =	ssettag $0x1  }
0x1: {  	s1 =	srdreg.scid  }
0x2: {  	s0 =	stileid.u32;
	s4 =	rddreg [dreg:$0x0];
	s2 =	simm.s32 $0x0  }
0x3: {  	s10 =	simm.s32 $0x6800;
	s11 =	simm.s32 $0xA800;
	s12 =	simm.s32 $0xE800  }
0x4: {  	s13 =	simm.s32 $0x1;
	s3 =	sand.u32 $0x1, s1;
	s1 =	rddreg [dreg:$0x1]  }
0x5: {  	s14 =	simm.s32 $0x0;
	s5 =	sshll.u32 s0, $0x1;
	[smem:$0x7FF] =	sst s2  }
0x6: {  	s6 =	smul.u32 $0x50000, s0;
	s5 =	sor.u32 s3, s5;
	_ =	strace $0x8000004A  }
0x7: {  	s7 =	ssub.s32 $0x2, s3;
	s9 =	smul.u32 $0x28000, s3;
	s3 =	sadd.s32 $0x66000, s4  }
0x8: {  	s5 =	smul.u32 $0x500, s5;
	s8 =	sshrl.u32 s7, $0x1;
	s6 =	sadd.s32 s6, s4  }
0x9: {  	s7 =	ssub.s32 s7, s8;
	s6 =	sadd.s32 s9, s6;
	s8 =	simm.s32 $0x80  }
0xa: {  	s9 =	simm.s32 $0x2800;
	s5 =	sadd.s32 s5, s4;
	s6 =	sadd.s32 $0xB7800, s6  }
0xb: {  	s4 =	sadd.s32 $0x5C000, s5;
	s5 =	smax.u32 s7, $0x1;
	s7 =	simm.s32 $0x2  }
.LBB2_1:
0xc: {  	[tilespmem:s2], [sflag:$0x2] =	stream.linear.gather [hbm4b:s4+s2], $0x2800, $0x38;
	[tilespmem:$0x12800] =	vst v63  }
0xd: {  	_ =	swait.ge [sflag:s7], $0x2800  }
0xe: {  	[sflag:s7] =	ssyncset.done $0x0  }
0xf: {  	s15 =	simm.s32 $0x0;
	[sflag:s7] =	ssyncadd.s32 $0xFFFFD800  }
0x10: {  	[tilespmem:s9], [sflag:$0x1] =	stream.indirect.gather [hbm4b:s3+s8], $0x80, s15, s8, $0xb8;
	[tilespmem:$0x12800] =	vst v63  }
0x11: {  	s25 =	simm.s32 $0x80  }
0x12: {  	[tilespmem:s10], [sflag:$0x1] =	stream.indirect.gather [hbm4b:s3+s8], $0x80, s25, s8, $0xb8;
	[tilespmem:$0x12800] =	vst v63  }
0x13: {  	s26 =	simm.s32 $0x100  }
0x14: {  	[tilespmem:s11], [sflag:$0x1] =	stream.indirect.gather [hbm4b:s3+s8], $0x80, s26, s8, $0xb8;
	[tilespmem:$0x12800] =	vst v63  }
0x15: {  	s28 =	simm.s32 $0x180  }
0x16: {  	[tilespmem:s12], [sflag:$0x1] =	stream.indirect.gather [hbm4b:s3+s8], $0x80, s28, s8, $0xb8;
	[tilespmem:$0x12800] =	vst v63  }
0x17: {  	_ =	swait.ge [sflag:s13], $0x4000  }
0x18: {  	[sflag:s13] =	ssyncset.done $0x0  }
0x19: {  	s29 =	sadd.s32 $0xFFFFE800, s6;
	[sflag:s13] =	ssyncadd.s32 $0xFFFFC000  }
0x1a: {  	[hbm4b:s29+s2] =	stream.linear.scatter [tilespmem:s9], [sflag:$0x2], $0x4000, $0x38;
	[tilespmem:$0x12800] =	vst v63  }
0x1b: {  	_ =	swait.ge [sflag:s7], $0x4000  }
0x1c: {  	[sflag:s7] =	ssyncset.done $0x0  }
0x1d: {  	[sflag:s7] =	ssyncadd.s32 $0xFFFFC000  }
0x1e: {  	_ =	swait.ge [sflag:s13], $0x4000  }
0x1f: {  	[sflag:s13] =	ssyncset.done $0x0  }
0x20: {  	s30 =	sadd.s32 $0xFFFFF000, s6;
	[sflag:s13] =	ssyncadd.s32 $0xFFFFC000  }
0x21: {  	[hbm4b:s30+s2] =	stream.linear.scatter [tilespmem:s10], [sflag:$0x2], $0x4000, $0x38;
	[tilespmem:$0x12800] =	vst v63  }
0x22: {  	_ =	swait.ge [sflag:s7], $0x4000  }
0x23: {  	[sflag:s7] =	ssyncset.done $0x0  }
0x24: {  	[sflag:s7] =	ssyncadd.s32 $0xFFFFC000  }
0x25: {  	_ =	swait.ge [sflag:s13], $0x4000  }
0x26: {  	[sflag:s13] =	ssyncset.done $0x0  }
0x27: {  	s31 =	sadd.s32 $0xFFFFF800, s6;
	[sflag:s13] =	ssyncadd.s32 $0xFFFFC000  }
0x28: {  	[hbm4b:s31+s2] =	stream.linear.scatter [tilespmem:s11], [sflag:$0x2], $0x4000, $0x38;
	[tilespmem:$0x12800] =	vst v63  }
0x29: {  	_ =	swait.ge [sflag:s7], $0x4000  }
0x2a: {  	[sflag:s7] =	ssyncset.done $0x0  }
0x2b: {  	[sflag:s7] =	ssyncadd.s32 $0xFFFFC000  }
0x2c: {  	_ =	swait.ge [sflag:s13], $0x4000  }
0x2d: {  	[sflag:s13] =	ssyncset.done $0x0  }
0x2e: {  	[sflag:s13] =	ssyncadd.s32 $0xFFFFC000  }
0x2f: {  	[hbm4b:s6+s2] =	stream.linear.scatter [tilespmem:s12], [sflag:$0x2], $0x4000, $0x38;
	[tilespmem:$0x12800] =	vst v63  }
0x30: {  	s16 =	simm.s32 $0x800;
	_ =	swait.ge [sflag:s7], $0x4000  }
0x31: {  	s18 =	simm.s32 $0x1000;
	s15 =	sadd.s32 $0x2000, s6;
	[sflag:s7] =	ssyncset.done $0x0  }
.LBB2_2:
0x32: {  	s19 =	sshra.s32 s16, $0x2  }
0x33: {  	[sflag:s7] =	ssyncadd.s32 $0xFFFFC000;
	s16 =	smov.u32 s18;
	s17 =	sadd.s32 $0x800, s18  }
0x34: {  	[tilespmem:s9], [sflag:$0x1] =	stream.indirect.gather [hbm4b:s3+s8], $0x80, s19, s8, $0xb8;
	[tilespmem:$0x12800] =	vst v63  }
0x35: {  	p0 =	sne.s32 s18, $0x9800;
	s18 =	sadd.s32 $0x80, s19  }
0x36: {  	[tilespmem:s10], [sflag:$0x1] =	stream.indirect.gather [hbm4b:s3+s8], $0x80, s18, s8, $0xb8;
	[tilespmem:$0x12800] =	vst v63  }
0x37: {  	s18 =	sadd.s32 $0x100, s19  }
0x38: {  	[tilespmem:s11], [sflag:$0x1] =	stream.indirect.gather [hbm4b:s3+s8], $0x80, s18, s8, $0xb8;
	[tilespmem:$0x12800] =	vst v63  }
0x39: {  	s18 =	sadd.s32 $0x180, s19  }
0x3a: {  	[tilespmem:s12], [sflag:$0x1] =	stream.indirect.gather [hbm4b:s3+s8], $0x80, s18, s8, $0xb8;
	[tilespmem:$0x12800] =	vst v63  }
0x3b: {  	_ =	swait.ge [sflag:s13], $0x4000  }
0x3c: {  	[sflag:s13] =	ssyncset.done $0x0  }
0x3d: {  	s18 =	sadd.s32 $0xFFFFE800, s15;
	[sflag:s13] =	ssyncadd.s32 $0xFFFFC000  }
0x3e: {  	[hbm4b:s18+s2] =	stream.linear.scatter [tilespmem:s9], [sflag:$0x2], $0x4000, $0x38;
	[tilespmem:$0x12800] =	vst v63  }
0x3f: {  	_ =	swait.ge [sflag:s7], $0x4000  }
0x40: {  	[sflag:s7] =	ssyncset.done $0x0  }
0x41: {  	[sflag:s7] =	ssyncadd.s32 $0xFFFFC000  }
0x42: {  	_ =	swait.ge [sflag:s13], $0x4000  }
0x43: {  	[sflag:s13] =	ssyncset.done $0x0  }
0x44: {  	s18 =	sadd.s32 $0xFFFFF000, s15;
	[sflag:s13] =	ssyncadd.s32 $0xFFFFC000  }
0x45: {  	[hbm4b:s18+s2] =	stream.linear.scatter [tilespmem:s10], [sflag:$0x2], $0x4000, $0x38;
	[tilespmem:$0x12800] =	vst v63  }
0x46: {  	_ =	swait.ge [sflag:s7], $0x4000  }
0x47: {  	[sflag:s7] =	ssyncset.done $0x0  }
0x48: {  	[sflag:s7] =	ssyncadd.s32 $0xFFFFC000  }
0x49: {  	_ =	swait.ge [sflag:s13], $0x4000  }
0x4a: {  	[sflag:s13] =	ssyncset.done $0x0  }
0x4b: {  	s18 =	sadd.s32 $0xFFFFF800, s15;
	[sflag:s13] =	ssyncadd.s32 $0xFFFFC000  }
0x4c: {  	[hbm4b:s18+s2] =	stream.linear.scatter [tilespmem:s11], [sflag:$0x2], $0x4000, $0x38;
	[tilespmem:$0x12800] =	vst v63  }
0x4d: {  	_ =	swait.ge [sflag:s7], $0x4000  }
0x4e: {  	[sflag:s7] =	ssyncset.done $0x0  }
0x4f: {  	[sflag:s7] =	ssyncadd.s32 $0xFFFFC000  }
0x50: {  	_ =	swait.ge [sflag:s13], $0x4000  }
.Ltmp0:
0x51: {  	[sflag:s13] =	ssyncset.done $0x0;
	(pc) =	sbr.rel @p0 .LBB2_2-.Ltmp0, $4  }
0x52: {  	[sflag:s13] =	ssyncadd.s32 $0xFFFFC000  }
0x53: {  	[hbm4b:s15+s2] =	stream.linear.scatter [tilespmem:s12], [sflag:$0x2], $0x4000, $0x38;
	[tilespmem:$0x12800] =	vst v63  }
0x54: {  	_ =	swait.ge [sflag:s7], $0x4000  }
0x55: {  	s18 =	smov.u32 s17;
	s15 =	sadd.s32 $0x2000, s15;
	[sflag:s7] =	ssyncset.done $0x0  }
0x56: {  	s16 =	sshra.s32 s16, $0x2;
	[sflag:s7] =	ssyncadd.s32 $0xFFFFC000  }
0x57: {  	[tilespmem:s9], [sflag:$0x1] =	stream.indirect.gather [hbm4b:s3+s8], $0x80, s16, s8, $0xb8;
	[tilespmem:$0x12800] =	vst v63  }
0x58: {  	s17 =	sadd.s32 $0x80, s16  }
0x59: {  	[tilespmem:s10], [sflag:$0x1] =	stream.indirect.gather [hbm4b:s3+s8], $0x80, s17, s8, $0xb8;
	[tilespmem:$0x12800] =	vst v63  }
0x5a: {  	s28 =	sadd.s32 $0x100, s16  }
0x5b: {  	[tilespmem:s11], [sflag:$0x1] =	stream.indirect.gather [hbm4b:s3+s8], $0x80, s28, s8, $0xb8;
	[tilespmem:$0x12800] =	vst v63  }
0x5c: {  	s16 =	sadd.s32 $0x180, s16  }
0x5d: {  	[tilespmem:s12], [sflag:$0x1] =	stream.indirect.gather [hbm4b:s3+s8], $0x80, s16, s8, $0xb8;
	[tilespmem:$0x12800] =	vst v63  }
0x5e: {  	_ =	swait.ge [sflag:s13], $0x4000  }
0x5f: {  	[sflag:s13] =	ssyncset.done $0x0  }
0x60: {  	s29 =	sadd.s32 $0xFFFFE800, s15;
	[sflag:s13] =	ssyncadd.s32 $0xFFFFC000  }
0x61: {  	[hbm4b:s29+s2] =	stream.linear.scatter [tilespmem:s9], [sflag:$0x2], $0x4000, $0x38;
	[tilespmem:$0x12800] =	vst v63  }
0x62: {  	_ =	swait.ge [sflag:s7], $0x4000  }
0x63: {  	[sflag:s7] =	ssyncset.done $0x0  }
0x64: {  	[sflag:s7] =	ssyncadd.s32 $0xFFFFC000  }
0x65: {  	_ =	swait.ge [sflag:s13], $0x4000  }
0x66: {  	[sflag:s13] =	ssyncset.done $0x0  }
0x67: {  	s30 =	sadd.s32 $0xFFFFF000, s15;
	[sflag:s13] =	ssyncadd.s32 $0xFFFFC000  }
0x68: {  	[hbm4b:s30+s2] =	stream.linear.scatter [tilespmem:s10], [sflag:$0x2], $0x4000, $0x38;
	[tilespmem:$0x12800] =	vst v63  }
0x69: {  	_ =	swait.ge [sflag:s7], $0x4000  }
0x6a: {  	[sflag:s7] =	ssyncset.done $0x0  }
0x6b: {  	[sflag:s7] =	ssyncadd.s32 $0xFFFFC000  }
0x6c: {  	_ =	swait.ge [sflag:s13], $0x4000  }
0x6d: {  	[sflag:s13] =	ssyncset.done $0x0  }
0x6e: {  	s31 =	sadd.s32 $0xFFFFF800, s15;
	[sflag:s13] =	ssyncadd.s32 $0xFFFFC000  }
0x6f: {  	[hbm4b:s31+s2] =	stream.linear.scatter [tilespmem:s11], [sflag:$0x2], $0x4000, $0x38;
	[tilespmem:$0x12800] =	vst v63  }
0x70: {  	_ =	swait.ge [sflag:s7], $0x4000  }
0x71: {  	[sflag:s7] =	ssyncset.done $0x0  }
0x72: {  	[sflag:s7] =	ssyncadd.s32 $0xFFFFC000  }
0x73: {  	s14 =	sadd.s32 $0x1, s14;
	_ =	swait.ge [sflag:s13], $0x4000  }
0x74: {  	p0 =	sne.s32 s14, s5;
	[sflag:s13] =	ssyncset.done $0x0  }
.Ltmp1:
0x75: {  	[sflag:s13] =	ssyncadd.s32 $0xFFFFC000;
	(pc) =	sbr.rel @p0 .LBB2_1-.Ltmp1, $4  }
0x76: {  	[hbm4b:s15+s2] =	stream.linear.scatter [tilespmem:s12], [sflag:$0x2], $0x4000, $0x38;
	[tilespmem:$0x12800] =	vst v63  }
0x77: {  	_ =	swait.ge [sflag:s7], $0x4000  }
0x78: {  	[sflag:s7] =	ssyncset.done $0x0  }
0x79: {  	[sflag:s7] =	ssyncadd.s32 $0xFFFFC000  }
0x7a: {  	_ =	sfence.sel $0x180000  }
0x7b: {  	[bflag:$0x0] =	sbarrier.arrive $0xFFFF  }
0x7c: {  	p0 =	sne.s32 s0, $0x0;
	_ =	strace $0x9000004A  }
0x7d: {  	s0 =	sadd.s32 @!p0 $0x100000, s1;
	[bflag:$0x2] =	sbarrier.arrive $0xFFFF  }
0x7e: {  	[sflag:s0] =	ssyncadd.tile.s32 @!p0 $0x1;
	_ =	shalt  }
.Lfunc_end2:
_tile_overlayer_lowered:
.L_overlay_start_2:
0x7f: {  	(tag) =	ssettag $0x2  }
0x80: {  	s0 =	rddreg [dreg:$0x0];
	s2 =	stileid.u32  }
0x81: {  	s1 =	rddreg [dreg:$0x1];
	p0 =	sne.s32 s2, $0x0  }
0x82: {  	s3 =	rddreg [dreg:$0x2];
	[bflag:$0x3] =	sbarrier.arrive $0xFFFF;
	s2 =	simm.s32 @!p0 $0x1C02  }
0x83: {  	[timem:s3], [sflag:s2] =	dma.local @!p0 [hbm:s0], s1  }
0x84: {  	s0 =	simm.s32 @!p0 $0x2  }
0x85: {  	_ =	swait.ge @!p0 [sflag:s0], s1  }
0x86: {  	s1 =	ssub.s32 @!p0 $0x0, s1;
	[sflag:s0] =	ssyncset.done @!p0 $0x0  }
0x87: {  	[sflag:s0] =	ssyncadd.s32 @!p0 s1  }
0x88: {  	[bflag:$0x3] =	sbarrier.arrive $0xFFFF  }
0x89: {  	_ =	shalt  }

</sc_bundles>
